<compile_context>
chip_gen: v7x
topology: tpu7x:2x2x1
jax: 0.10.2.dev20260603
libtpu: 0.0.44.dev20260713+nightly
codegen_flags: <defaults>
</compile_context>

<pallas_src>
import functools

import jax
import jax.numpy as jnp
from jax import lax
from jax.experimental import pallas as pl
from jax.experimental.pallas import tpu as pltpu
from jax.experimental.pallas import tpu_sc as plsc

_RATIO = 0.25
_RADIUS = 0.2
_K = 32


def _fps_body(S, xyz_ref, o_ref, oi_ref):
    x = xyz_ref[0]
    y = xyz_ref[1]
    z = xyz_ref[2]
    B, N = x.shape
    iota = lax.broadcasted_iota(jnp.int32, (B, N), 1)
    iota_g = lax.broadcasted_iota(jnp.int32, (B, 128), 1)
    boff = lax.broadcasted_iota(jnp.int32, (B, 1), 0) * N

    def body(i, st):
        dists, far, gx, gy, gz, gi = st
        sel = iota == far
        cx = jnp.sum(jnp.where(sel, x, 0.0), axis=1, keepdims=True)
        cy = jnp.sum(jnp.where(sel, y, 0.0), axis=1, keepdims=True)
        cz = jnp.sum(jnp.where(sel, z, 0.0), axis=1, keepdims=True)
        g_sel = iota_g == (i & 127)
        gx = jnp.where(g_sel, cx, gx)
        gy = jnp.where(g_sel, cy, gy)
        gz = jnp.where(g_sel, cz, gz)
        gi = jnp.where(g_sel, far + boff, gi)

        @pl.when((i & 127) == 127)
        def _flush():
            base = pl.multiple_of(i - 127, 128)
            o_ref[0, :, pl.ds(base, 128)] = gx
            o_ref[1, :, pl.ds(base, 128)] = gy
            o_ref[2, :, pl.ds(base, 128)] = gz
            oi_ref[:, pl.ds(base, 128)] = gi

        dx = x - cx
        dy = y - cy
        dz = z - cz
        d = (dx * dx + dy * dy) + dz * dz
        dists = jnp.minimum(dists, d)
        m = jnp.max(dists, axis=1, keepdims=True)
        far2 = jnp.min(jnp.where(dists == m, iota, N), axis=1, keepdims=True)
        return dists, far2, gx, gy, gz, gi

    zg = jnp.zeros((B, 128), jnp.float32)
    init = (jnp.full((B, N), 1e10, jnp.float32), jnp.zeros((B, 1), jnp.int32),
            zg, zg, zg, jnp.zeros((B, 128), jnp.int32))
    lax.fori_loop(0, S, body, init)


def _mlp_body(x_ref, w1_ref, b1_ref, w2_ref, b2_ref, w3_ref, b3_ref, o_ref):
    x = x_ref[...]
    h = jnp.maximum(jnp.dot(x, w1_ref[...], preferred_element_type=jnp.float32)
                    + b1_ref[...], 0.0)
    h = jnp.maximum(jnp.dot(h, w2_ref[...], preferred_element_type=jnp.float32)
                    + b2_ref[...], 0.0)
    h = jnp.maximum(jnp.dot(h, w3_ref[...], preferred_element_type=jnp.float32)
                    + b3_ref[...], 0.0)
    o_ref[...] = h


def _sc_group_body(N, S, B, xyzf, newxf, pfg, ft, out,
                   xv, yv, zv, cxs, cys, czs, pfv, slots, rows, slots2, rows2,
                   outblk, sem, sem2):
    nw = 32
    sper = S * B // nw
    wid = lax.axis_index("s") * 2 + lax.axis_index("c")
    b = wid // 4
    s0 = pl.multiple_of(b * S + (wid % 4) * sper, sper)

    pltpu.sync_copy(xyzf.at[pl.ds(pl.multiple_of(b * N, N), N)], xv)
    pltpu.sync_copy(xyzf.at[pl.ds(pl.multiple_of((B + b) * N, N), N)], yv)
    pltpu.sync_copy(xyzf.at[pl.ds(pl.multiple_of((2 * B + b) * N, N), N)], zv)
    pltpu.sync_copy(newxf.at[pl.ds(s0, sper)], cxs)
    pltpu.sync_copy(newxf.at[pl.ds(B * S + s0, sper)], cys)
    pltpu.sync_copy(newxf.at[pl.ds(2 * B * S + s0, sper)], czs)
    pltpu.sync_copy(pfg.at[pl.ds(s0, sper)], pfv)

    lane = lax.iota(jnp.int32, 16)
    r2 = jnp.float32(_RADIUS ** 2)
    bn = b * N
    nch = N // 16

    def scan_into(i, sl):
        iv = jnp.full((16,), i, jnp.int32)
        cx = plsc.load_gather(cxs, [iv])
        cy = plsc.load_gather(cys, [iv])
        cz = plsc.load_gather(czs, [iv])
        pf16 = plsc.load_gather(pfv, [iv])
        sl[pl.ds(0, 16)] = pf16
        sl[pl.ds(16, 16)] = pf16

        def scan_body(c4, cntv):
            for u in range(4):
                ch = c4 * 4 + u
                off = pl.multiple_of(ch * 16, 16)
                px = xv[pl.ds(off, 16)]
                py = yv[pl.ds(off, 16)]
                pz = zv[pl.ds(off, 16)]
                dx = px - cx
                dy = py - cy
                dz = pz - cz
                d2 = (dx * dx + dy * dy) + dz * dz
                m = d2 <= r2
                within = plsc.cumsum(jnp.where(m, 1, 0).astype(jnp.int32))
                pos = within + cntv - 1
                act = m & (pos < _K)
                vals = lane + (ch * 16 + bn)
                plsc.store_scatter(sl, [pos], vals, mask=act)
                cntv = cntv + plsc.all_reduce_population_count(m)
            return cntv

        lax.fori_loop(0, nch // 4, scan_body, jnp.zeros((16,), jnp.int32))

    def max_out(i, rw):
        for g in range(8):
            a = rw[0, pl.ds(g * 16, 16)]
            for r in range(1, _K):
                a = jnp.maximum(a, rw[r, pl.ds(g * 16, 16)])
            outblk[pl.ds(pl.multiple_of(i * 128 + g * 16, 16), 16)] = a

    def pair_body(j, carry):
        i0 = pl.multiple_of(j * 2, 2)
        i1 = i0 + 1
        scan_into(i0, slots)
        da = pltpu.async_copy(ft.at[slots], rows, sem)
        scan_into(i1, slots2)
        db = pltpu.async_copy(ft.at[slots2], rows2, sem2)
        da.wait()
        max_out(i0, rows)
        db.wait()
        max_out(i1, rows2)
        return carry

    lax.fori_loop(0, sper // 2, pair_body, jnp.int32(0))
    pltpu.sync_copy(outblk, out.at[pl.ds(s0 * 128, sper * 128)])


def kernel(xyz, features, W1, b1, W2, b2, W3, b3):
    B, N, _ = xyz.shape
    D = features.shape[-1]
    S = int(N * _RATIO)
    BN = B * N

    xyz_c = jnp.transpose(xyz, (2, 0, 1))
    new_xyz_c, fps_gidx = pl.pallas_call(
        functools.partial(_fps_body, S),
        out_shape=(jax.ShapeDtypeStruct((3, B, S), jnp.float32),
                   jax.ShapeDtypeStruct((B, S), jnp.int32)),
    )(xyz_c)

    feat2 = features.reshape(BN, D)
    rb = 4096
    ft = pl.pallas_call(
        _mlp_body,
        grid=(BN // rb,),
        in_specs=[
            pl.BlockSpec((rb, D), lambda i: (i, 0)),
            pl.BlockSpec((D, 64), lambda i: (0, 0)),
            pl.BlockSpec((1, 64), lambda i: (0, 0)),
            pl.BlockSpec((64, 64), lambda i: (0, 0)),
            pl.BlockSpec((1, 64), lambda i: (0, 0)),
            pl.BlockSpec((64, 128), lambda i: (0, 0)),
            pl.BlockSpec((1, 128), lambda i: (0, 0)),
        ],
        out_specs=pl.BlockSpec((rb, 128), lambda i: (i, 0)),
        out_shape=jax.ShapeDtypeStruct((BN, 128), jnp.float32),
    )(feat2, W1.T, b1.reshape(1, 64), W2.T, b2.reshape(1, 64),
      W3.T, b3.reshape(1, 128))

    new_xyz_out = jnp.transpose(new_xyz_c, (1, 0, 2))

    sper = S * B // 32
    sc_group = functools.partial(
        pl.kernel,
        out_type=jax.ShapeDtypeStruct((B * S * 128,), jnp.float32),
        mesh=plsc.VectorSubcoreMesh(core_axis_name="c", subcore_axis_name="s"),
        compiler_params=pltpu.CompilerParams(needs_layout_passes=False),
        scratch_types=[
            pltpu.VMEM((N,), jnp.float32),
            pltpu.VMEM((N,), jnp.float32),
            pltpu.VMEM((N,), jnp.float32),
            pltpu.VMEM((sper,), jnp.float32),
            pltpu.VMEM((sper,), jnp.float32),
            pltpu.VMEM((sper,), jnp.float32),
            pltpu.VMEM((sper,), jnp.int32),
            pltpu.VMEM((_K,), jnp.int32),
            pltpu.VMEM((_K, 128), jnp.float32),
            pltpu.VMEM((_K,), jnp.int32),
            pltpu.VMEM((_K, 128), jnp.float32),
            pltpu.VMEM((sper * 128,), jnp.float32),
            pltpu.SemaphoreType.DMA,
            pltpu.SemaphoreType.DMA,
        ],
    )(functools.partial(_sc_group_body, N, S, B))
    flat = sc_group(xyz_c.reshape(3 * B * N), new_xyz_c.reshape(3 * B * S),
                    fps_gidx.reshape(B * S), ft)
    new_points = jnp.transpose(flat.reshape(B, S, 128), (0, 2, 1))

    return (new_xyz_out, new_points)

# --- scband reference (transcript-rebuilt; emitter-appended) ---
"""Pipeline reference for scband-point-net-set-abstraction-31980326486607 (READ-ONLY COPY).

The authoritative reference and input builder live on the scoring server;
editing this copy changes nothing except your own understanding.
"""

import jax, jax.numpy as jnp
import numpy as np

RATIO = 0.25
RADIUS = 0.2
NSAMPLE = 32


def setup_inputs(seed: int = 0):
    key = jax.random.key(seed)
    k1, k2, k3, k4, k5 = jax.random.split(key, 5)
    B, N, D = 8, 4096, 64
    xyz = jax.random.uniform(k1, (B, N, 3), dtype=jnp.float32)
    features = jax.random.normal(k2, (B, N, D), dtype=jnp.float32)
    W1 = jax.random.normal(k3, (64, 64), dtype=jnp.float32) * (1.0 / np.sqrt(64))
    b1 = jnp.zeros((64,), jnp.float32)
    W2 = jax.random.normal(k4, (64, 64), dtype=jnp.float32) * (1.0 / np.sqrt(64))
    b2 = jnp.zeros((64,), jnp.float32)
    W3 = jax.random.normal(k5, (128, 64), dtype=jnp.float32) * (1.0 / np.sqrt(64))
    b3 = jnp.zeros((128,), jnp.float32)
    return {"xyz": xyz, "features": features, "W1": W1, "b1": b1,
            "W2": W2, "b2": b2, "W3": W3, "b3": b3}


def farthest_point_sample(xyz, S):
    B, N, _ = xyz.shape

    def body(i, state):
        dists, idxs, farthest = state
        idxs = idxs.at[:, i].set(farthest)
        centroid = xyz[jnp.arange(B), farthest]
        d = jnp.sum((xyz - centroid[:, None, :]) ** 2, axis=-1)
        dists = jnp.minimum(dists, d)
        farthest = jnp.argmax(dists, axis=-1).astype(jnp.int32)
        return (dists, idxs, farthest)

    state = (jnp.full((B, N), 1e10, jnp.float32),
             jnp.zeros((B, S), jnp.int32),
             jnp.zeros((B,), jnp.int32))
    _, idxs, _ = jax.lax.fori_loop(0, S, body, state)
    return idxs


def query_ball_point(radius, nsample, xyz, new_xyz):
    B, N, _ = xyz.shape
    S = new_xyz.shape[1]
    sqrdists = jnp.sum((new_xyz[:, :, None, :] - xyz[:, None, :, :]) ** 2, axis=-1)
    group_idx = jnp.broadcast_to(jnp.arange(N, dtype=jnp.int32), (B, S, N))
    group_idx = jnp.where(sqrdists > radius ** 2, N, group_idx)
    group_idx = jnp.sort(group_idx, axis=-1)[:, :, :nsample]
    group_first = jnp.broadcast_to(group_idx[:, :, :1], group_idx.shape)
    group_idx = jnp.where(group_idx == N, group_first, group_idx)
    return group_idx


def index_points(points, idx):
    B = points.shape[0]
    batch = jnp.arange(B).reshape((B,) + (1,) * (idx.ndim - 1))
    return points[batch, idx]


def reference(xyz, features, W1, b1, W2, b2, W3, b3):
    B, N, _ = xyz.shape
    S = int(N * RATIO)
    fps_idx = farthest_point_sample(xyz, S)
    new_xyz = index_points(xyz, fps_idx)                      # [B, S, 3]
    group_idx = query_ball_point(RADIUS, NSAMPLE, xyz, new_xyz)
    new_points = index_points(features, group_idx)            # [B, S, K, D]
    new_points = jnp.transpose(new_points, (0, 3, 2, 1))      # [B, D, K, S]
    h = jax.nn.relu(jnp.einsum('od,bdks->boks', W1, new_points) + b1[None, :, None, None])
    h = jax.nn.relu(jnp.einsum('od,bdks->boks', W2, h) + b2[None, :, None, None])
    h = jax.nn.relu(jnp.einsum('od,bdks->boks', W3, h) + b3[None, :, None, None])
    new_points_out = jnp.max(h, axis=2)                       # [B, 128, S]
    new_xyz_out = jnp.transpose(new_xyz, (0, 2, 1))           # [B, 3, S]
    return (new_xyz_out, new_points_out)

if __name__ == "__main__":
    import jax
    _d = setup_inputs()
    print(jax.jit(kernel)(*tuple(_d.values())))

</pallas_src>

<mosaic_0001>
#map = affine_map<(d0, d1) -> (0)>
#map1 = affine_map<(d0, d1) -> (0, 0)>
module attributes {stable_mosaic.version = 14 : i64} {
  func.func @_sc_group_body(%arg0: i32, %arg1: i32, %arg2: memref<98304xf32, #tpu.memory_space<hbm>>, %arg3: memref<24576xf32, #tpu.memory_space<hbm>>, %arg4: memref<8192xi32, #tpu.memory_space<hbm>>, %arg5: memref<32768x128xf32, #tpu.memory_space<hbm>>, %arg6: memref<1048576xf32, #tpu.memory_space<hbm>>, %arg7: memref<4096xf32, #tpu.memory_space<vmem>>, %arg8: memref<4096xf32, #tpu.memory_space<vmem>>, %arg9: memref<4096xf32, #tpu.memory_space<vmem>>, %arg10: memref<256xf32, #tpu.memory_space<vmem>>, %arg11: memref<256xf32, #tpu.memory_space<vmem>>, %arg12: memref<256xf32, #tpu.memory_space<vmem>>, %arg13: memref<256xi32, #tpu.memory_space<vmem>>, %arg14: memref<32xi32, #tpu.memory_space<vmem>>, %arg15: memref<32x128xf32, #tpu.memory_space<vmem>>, %arg16: memref<32xi32, #tpu.memory_space<vmem>>, %arg17: memref<32x128xf32, #tpu.memory_space<vmem>>, %arg18: memref<32768xf32, #tpu.memory_space<vmem>>, %arg19: memref<!tpu.dma_semaphore, #tpu.memory_space<semaphore_mem>>, %arg20: memref<!tpu.dma_semaphore, #tpu.memory_space<semaphore_mem>>) attributes {dimension_semantics = [#tpu.dimension_semantics<core_parallel>, #tpu.dimension_semantics<subcore_parallel>], iteration_bounds = array<i64: 2, 16>, scalar_prefetch = 0 : i64, scratch_operands = 14 : i64, tpu.core_type = #tpu.core_type<sc_vector_subcore>, window_params = [{transform_indices = #map}, {transform_indices = #map}, {transform_indices = #map}, {transform_indices = #map1}, {transform_indices = #map}]} {
    %mul3A = arith.constant 2 : i32
    %mul3A_0 = arith.muli %arg1, %mul3A : i32
    %add3A = arith.addi %mul3A_0, %arg0 : i32
    %jit3A = arith.constant 4 : i32
    %div3A = arith.divsi %add3A, %jit3A : i32
    %sign3A = arith.constant 0 : i32
    %sign3A_1 = arith.cmpi sgt, %add3A, %sign3A : i32
    %sign3A_2 = arith.extui %sign3A_1 : i1 to i32
    %sign3A_3 = arith.constant 0 : i32
    %sign3A_4 = arith.cmpi slt, %add3A, %sign3A_3 : i32
    %sign3A_5 = arith.extui %sign3A_4 : i1 to i32
    %sign3A_6 = arith.subi %sign3A_2, %sign3A_5 : i32
    %sign3A_7 = arith.constant 0 : i32
    %sign3A_8 = arith.cmpi sgt, %jit3A, %sign3A_7 : i32
    %sign3A_9 = arith.extui %sign3A_8 : i1 to i32
    %sign3A_10 = arith.constant 0 : i32
    %sign3A_11 = arith.cmpi slt, %jit3A, %sign3A_10 : i32
    %sign3A_12 = arith.extui %sign3A_11 : i1 to i32
    %sign3A_13 = arith.subi %sign3A_9, %sign3A_12 : i32
    %ne3A = arith.cmpi ne, %sign3A_6, %sign3A_13 : i32
    %rem3A = arith.remsi %add3A, %jit3A : i32
    %ne3A_14 = arith.constant 0 : i32
    %ne3A_15 = arith.cmpi ne, %rem3A, %ne3A_14 : i32
    %and3A = arith.andi %ne3A, %ne3A_15 : i1
    %sub3A = arith.constant 1 : i32
    %sub3A_16 = arith.subi %div3A, %sub3A : i32
    %select_n3A = arith.select %and3A, %sub3A_16, %div3A : i32
    %mul3A_17 = arith.constant 1024 : i32
    %mul3A_18 = arith.muli %select_n3A, %mul3A_17 : i32
    %jit3A_19 = arith.constant 4 : i32
    %eq3A = arith.constant 0 : i32
    %eq3A_20 = arith.cmpi eq, %jit3A_19, %eq3A : i32
    %jit3A_21 = arith.constant 1 : i32
    %select_n3A_22 = arith.select %eq3A_20, %jit3A_21, %jit3A_19 : i32
    %rem3A_23 = arith.remsi %add3A, %select_n3A_22 : i32
    %ne3A_24 = arith.constant 0 : i32
    %ne3A_25 = arith.cmpi ne, %rem3A_23, %ne3A_24 : i32
    %lt3A = arith.constant 0 : i32
    %lt3A_26 = arith.cmpi slt, %rem3A_23, %lt3A : i32
    %lt3A_27 = arith.constant 0 : i32
    %lt3A_28 = arith.cmpi slt, %select_n3A_22, %lt3A_27 : i32
    %ne3A_29 = arith.xori %lt3A_26, %lt3A_28 : i1
    %and3A_30 = arith.andi %ne3A_29, %ne3A_25 : i1
    %add3A_31 = arith.addi %rem3A_23, %select_n3A_22 : i32
    %select_n3A_32 = arith.select %and3A_30, %add3A_31, %rem3A_23 : i32
    %mul3A_33 = arith.constant 256 : i32
    %mul3A_34 = arith.muli %select_n3A_32, %mul3A_33 : i32
    %add3A_35 = arith.addi %mul3A_18, %mul3A_34 : i32
    %multiple_of3A = tpu.assume_multiple %add3A_35, 256 : i32
    %mul3A_36 = arith.constant 4096 : i32
    %mul3A_37 = arith.muli %select_n3A, %mul3A_36 : i32
    %multiple_of3A_38 = tpu.assume_multiple %mul3A_37, 4096 : i32
    "tpu.region"() ({
      %run_scoped3A = tpu.sem_alloc : memref<!tpu.dma_semaphore, #tpu.memory_space<semaphore_mem>>
      %dma_start3A = tpu.memref_slice %arg2[%multiple_of3A_38] : memref<98304xf32, #tpu.memory_space<hbm>> -> memref<4096xf32, #tpu.memory_space<hbm>>
      %dma_start3A_63 = tpu.memref_slice %arg2[%multiple_of3A_38] : memref<98304xf32, #tpu.memory_space<hbm>> -> memref<4096xf32, #tpu.memory_space<hbm>>
      tpu.enqueue_dma source(%dma_start3A_63 : memref<4096xf32, #tpu.memory_space<hbm>>) target(%arg7 : memref<4096xf32, #tpu.memory_space<vmem>>) target_semaphore(%run_scoped3A : memref<!tpu.dma_semaphore, #tpu.memory_space<semaphore_mem>>)
      %dma_wait3A = tpu.memref_slice %arg2[%multiple_of3A_38] : memref<98304xf32, #tpu.memory_space<hbm>> -> memref<4096xf32, #tpu.memory_space<hbm>>
      %dma_wait3A_64 = tpu.memref_slice %arg2[%multiple_of3A_38] : memref<98304xf32, #tpu.memory_space<hbm>> -> memref<4096xf32, #tpu.memory_space<hbm>>
      tpu.wait_dma2 semaphore(%run_scoped3A : memref<!tpu.dma_semaphore, #tpu.memory_space<semaphore_mem>>) src(%dma_wait3A_64 : memref<4096xf32, #tpu.memory_space<hbm>>) dst(%arg7 : memref<4096xf32, #tpu.memory_space<vmem>>)
      tpu.yield
    }) : () -> ()
    %add3A_39 = arith.constant 8 : i32
    %add3A_40 = arith.addi %add3A_39, %select_n3A : i32
    %mul3A_41 = arith.constant 4096 : i32
    %mul3A_42 = arith.muli %add3A_40, %mul3A_41 : i32
    %multiple_of3A_43 = tpu.assume_multiple %mul3A_42, 4096 : i32
    "tpu.region"() ({
      %run_scoped3A = tpu.sem_alloc : memref<!tpu.dma_semaphore, #tpu.memory_space<semaphore_mem>>
      %dma_start3A = tpu.memref_slice %arg2[%multiple_of3A_43] : memref<98304xf32, #tpu.memory_space<hbm>> -> memref<4096xf32, #tpu.memory_space<hbm>>
      %dma_start3A_63 = tpu.memref_slice %arg2[%multiple_of3A_43] : memref<98304xf32, #tpu.memory_space<hbm>> -> memref<4096xf32, #tpu.memory_space<hbm>>
      tpu.enqueue_dma source(%dma_start3A_63 : memref<4096xf32, #tpu.memory_space<hbm>>) target(%arg8 : memref<4096xf32, #tpu.memory_space<vmem>>) target_semaphore(%run_scoped3A : memref<!tpu.dma_semaphore, #tpu.memory_space<semaphore_mem>>)
      %dma_wait3A = tpu.memref_slice %arg2[%multiple_of3A_43] : memref<98304xf32, #tpu.memory_space<hbm>> -> memref<4096xf32, #tpu.memory_space<hbm>>
      %dma_wait3A_64 = tpu.memref_slice %arg2[%multiple_of3A_43] : memref<98304xf32, #tpu.memory_space<hbm>> -> memref<4096xf32, #tpu.memory_space<hbm>>
      tpu.wait_dma2 semaphore(%run_scoped3A : memref<!tpu.dma_semaphore, #tpu.memory_space<semaphore_mem>>) src(%dma_wait3A_64 : memref<4096xf32, #tpu.memory_space<hbm>>) dst(%arg8 : memref<4096xf32, #tpu.memory_space<vmem>>)
      tpu.yield
    }) : () -> ()
    %add3A_44 = arith.constant 16 : i32
    %add3A_45 = arith.addi %add3A_44, %select_n3A : i32
    %mul3A_46 = arith.constant 4096 : i32
    %mul3A_47 = arith.muli %add3A_45, %mul3A_46 : i32
    %multiple_of3A_48 = tpu.assume_multiple %mul3A_47, 4096 : i32
    "tpu.region"() ({
      %run_scoped3A = tpu.sem_alloc : memref<!tpu.dma_semaphore, #tpu.memory_space<semaphore_mem>>
      %dma_start3A = tpu.memref_slice %arg2[%multiple_of3A_48] : memref<98304xf32, #tpu.memory_space<hbm>> -> memref<4096xf32, #tpu.memory_space<hbm>>
      %dma_start3A_63 = tpu.memref_slice %arg2[%multiple_of3A_48] : memref<98304xf32, #tpu.memory_space<hbm>> -> memref<4096xf32, #tpu.memory_space<hbm>>
      tpu.enqueue_dma source(%dma_start3A_63 : memref<4096xf32, #tpu.memory_space<hbm>>) target(%arg9 : memref<4096xf32, #tpu.memory_space<vmem>>) target_semaphore(%run_scoped3A : memref<!tpu.dma_semaphore, #tpu.memory_space<semaphore_mem>>)
      %dma_wait3A = tpu.memref_slice %arg2[%multiple_of3A_48] : memref<98304xf32, #tpu.memory_space<hbm>> -> memref<4096xf32, #tpu.memory_space<hbm>>
      %dma_wait3A_64 = tpu.memref_slice %arg2[%multiple_of3A_48] : memref<98304xf32, #tpu.memory_space<hbm>> -> memref<4096xf32, #tpu.memory_space<hbm>>
      tpu.wait_dma2 semaphore(%run_scoped3A : memref<!tpu.dma_semaphore, #tpu.memory_space<semaphore_mem>>) src(%dma_wait3A_64 : memref<4096xf32, #tpu.memory_space<hbm>>) dst(%arg9 : memref<4096xf32, #tpu.memory_space<vmem>>)
      tpu.yield
    }) : () -> ()
    "tpu.region"() ({
      %run_scoped3A = tpu.sem_alloc : memref<!tpu.dma_semaphore, #tpu.memory_space<semaphore_mem>>
      %dma_start3A = tpu.memref_slice %arg3[%multiple_of3A] : memref<24576xf32, #tpu.memory_space<hbm>> -> memref<256xf32, #tpu.memory_space<hbm>>
      %dma_start3A_63 = tpu.memref_slice %arg3[%multiple_of3A] : memref<24576xf32, #tpu.memory_space<hbm>> -> memref<256xf32, #tpu.memory_space<hbm>>
      tpu.enqueue_dma source(%dma_start3A_63 : memref<256xf32, #tpu.memory_space<hbm>>) target(%arg10 : memref<256xf32, #tpu.memory_space<vmem>>) target_semaphore(%run_scoped3A : memref<!tpu.dma_semaphore, #tpu.memory_space<semaphore_mem>>)
      %dma_wait3A = tpu.memref_slice %arg3[%multiple_of3A] : memref<24576xf32, #tpu.memory_space<hbm>> -> memref<256xf32, #tpu.memory_space<hbm>>
      %dma_wait3A_64 = tpu.memref_slice %arg3[%multiple_of3A] : memref<24576xf32, #tpu.memory_space<hbm>> -> memref<256xf32, #tpu.memory_space<hbm>>
      tpu.wait_dma2 semaphore(%run_scoped3A : memref<!tpu.dma_semaphore, #tpu.memory_space<semaphore_mem>>) src(%dma_wait3A_64 : memref<256xf32, #tpu.memory_space<hbm>>) dst(%arg10 : memref<256xf32, #tpu.memory_space<vmem>>)
      tpu.yield
    }) : () -> ()
    %add3A_49 = arith.constant 8192 : i32
    %add3A_50 = arith.addi %add3A_49, %multiple_of3A : i32
    "tpu.region"() ({
      %run_scoped3A = tpu.sem_alloc : memref<!tpu.dma_semaphore, #tpu.memory_space<semaphore_mem>>
      %dma_start3A = tpu.memref_slice %arg3[%add3A_50] : memref<24576xf32, #tpu.memory_space<hbm>> -> memref<256xf32, #tpu.memory_space<hbm>>
      %dma_start3A_63 = tpu.memref_slice %arg3[%add3A_50] : memref<24576xf32, #tpu.memory_space<hbm>> -> memref<256xf32, #tpu.memory_space<hbm>>
      tpu.enqueue_dma source(%dma_start3A_63 : memref<256xf32, #tpu.memory_space<hbm>>) target(%arg11 : memref<256xf32, #tpu.memory_space<vmem>>) target_semaphore(%run_scoped3A : memref<!tpu.dma_semaphore, #tpu.memory_space<semaphore_mem>>)
      %dma_wait3A = tpu.memref_slice %arg3[%add3A_50] : memref<24576xf32, #tpu.memory_space<hbm>> -> memref<256xf32, #tpu.memory_space<hbm>>
      %dma_wait3A_64 = tpu.memref_slice %arg3[%add3A_50] : memref<24576xf32, #tpu.memory_space<hbm>> -> memref<256xf32, #tpu.memory_space<hbm>>
      tpu.wait_dma2 semaphore(%run_scoped3A : memref<!tpu.dma_semaphore, #tpu.memory_space<semaphore_mem>>) src(%dma_wait3A_64 : memref<256xf32, #tpu.memory_space<hbm>>) dst(%arg11 : memref<256xf32, #tpu.memory_space<vmem>>)
      tpu.yield
    }) : () -> ()
    %add3A_51 = arith.constant 16384 : i32
    %add3A_52 = arith.addi %add3A_51, %multiple_of3A : i32
    "tpu.region"() ({
      %run_scoped3A = tpu.sem_alloc : memref<!tpu.dma_semaphore, #tpu.memory_space<semaphore_mem>>
      %dma_start3A = tpu.memref_slice %arg3[%add3A_52] : memref<24576xf32, #tpu.memory_space<hbm>> -> memref<256xf32, #tpu.memory_space<hbm>>
      %dma_start3A_63 = tpu.memref_slice %arg3[%add3A_52] : memref<24576xf32, #tpu.memory_space<hbm>> -> memref<256xf32, #tpu.memory_space<hbm>>
      tpu.enqueue_dma source(%dma_start3A_63 : memref<256xf32, #tpu.memory_space<hbm>>) target(%arg12 : memref<256xf32, #tpu.memory_space<vmem>>) target_semaphore(%run_scoped3A : memref<!tpu.dma_semaphore, #tpu.memory_space<semaphore_mem>>)
      %dma_wait3A = tpu.memref_slice %arg3[%add3A_52] : memref<24576xf32, #tpu.memory_space<hbm>> -> memref<256xf32, #tpu.memory_space<hbm>>
      %dma_wait3A_64 = tpu.memref_slice %arg3[%add3A_52] : memref<24576xf32, #tpu.memory_space<hbm>> -> memref<256xf32, #tpu.memory_space<hbm>>
      tpu.wait_dma2 semaphore(%run_scoped3A : memref<!tpu.dma_semaphore, #tpu.memory_space<semaphore_mem>>) src(%dma_wait3A_64 : memref<256xf32, #tpu.memory_space<hbm>>) dst(%arg12 : memref<256xf32, #tpu.memory_space<vmem>>)
      tpu.yield
    }) : () -> ()
    "tpu.region"() ({
      %run_scoped3A = tpu.sem_alloc : memref<!tpu.dma_semaphore, #tpu.memory_space<semaphore_mem>>
      %dma_start3A = tpu.memref_slice %arg4[%multiple_of3A] : memref<8192xi32, #tpu.memory_space<hbm>> -> memref<256xi32, #tpu.memory_space<hbm>>
      %dma_start3A_63 = tpu.memref_slice %arg4[%multiple_of3A] : memref<8192xi32, #tpu.memory_space<hbm>> -> memref<256xi32, #tpu.memory_space<hbm>>
      tpu.enqueue_dma source(%dma_start3A_63 : memref<256xi32, #tpu.memory_space<hbm>>) target(%arg13 : memref<256xi32, #tpu.memory_space<vmem>>) target_semaphore(%run_scoped3A : memref<!tpu.dma_semaphore, #tpu.memory_space<semaphore_mem>>)
      %dma_wait3A = tpu.memref_slice %arg4[%multiple_of3A] : memref<8192xi32, #tpu.memory_space<hbm>> -> memref<256xi32, #tpu.memory_space<hbm>>
      %dma_wait3A_64 = tpu.memref_slice %arg4[%multiple_of3A] : memref<8192xi32, #tpu.memory_space<hbm>> -> memref<256xi32, #tpu.memory_space<hbm>>
      tpu.wait_dma2 semaphore(%run_scoped3A : memref<!tpu.dma_semaphore, #tpu.memory_space<semaphore_mem>>) src(%dma_wait3A_64 : memref<256xi32, #tpu.memory_space<hbm>>) dst(%arg13 : memref<256xi32, #tpu.memory_space<vmem>>)
      tpu.yield
    }) : () -> ()
    %iota3A = tpu.iota {dimensions = array<i32: 0>} : vector<16xi32>
    %mul3A_53 = arith.constant 4096 : i32
    %mul3A_54 = arith.muli %select_n3A, %mul3A_53 : i32
    %scan3A = arith.constant 0 : i32
    %scan3A_55 = arith.constant 4.000000e-02 : f32
    %scan3A_56 = arith.constant 0 : i32
    %scan3A_57 = arith.constant 128 : i32
    %scan3A_58 = arith.addi %scan3A_56, %scan3A_57 : i32
    %scan3A_59 = arith.constant 1 : i32
    scf.for %scan3A_63 = %scan3A_56 to %scan3A_58 step %scan3A_59  : i32 {
      %mul3A_64 = arith.constant 2 : i32
      %mul3A_65 = arith.muli %scan3A_63, %mul3A_64 : i32
      %multiple_of3A_66 = tpu.assume_multiple %mul3A_65, 2 : i32
      %add3A_67 = arith.constant 1 : i32
      %add3A_68 = arith.addi %multiple_of3A_66, %add3A_67 : i32
      %broadcast_in_dim3A = vector.broadcast %multiple_of3A_66 : i32 to vector<16xi32>
      %gather3A = tpu.vector_load_idx %arg10[%broadcast_in_dim3A] : memref<256xf32, #tpu.memory_space<vmem>>[vector<16xi32>], vector<16xf32>,
      %gather3A_69 = tpu.vector_load_idx %arg11[%broadcast_in_dim3A] : memref<256xf32, #tpu.memory_space<vmem>>[vector<16xi32>], vector<16xf32>,
      %gather3A_70 = tpu.vector_load_idx %arg12[%broadcast_in_dim3A] : memref<256xf32, #tpu.memory_space<vmem>>[vector<16xi32>], vector<16xf32>,
      %gather3A_71 = tpu.vector_load_idx %arg13[%broadcast_in_dim3A] : memref<256xi32, #tpu.memory_space<vmem>>[vector<16xi32>], vector<16xi32>,
      %swap3A = arith.constant 0 : index
      %swap3A_72 = tpu.vector_load %arg14[%swap3A] {strides = array<i32>} : memref<32xi32, #tpu.memory_space<vmem>>, vector<16xi32>,
      tpu.vector_store %arg14[%swap3A], %gather3A_71 {strides = array<i32>} : memref<32xi32, #tpu.memory_space<vmem>>, vector<16xi32>,
      %swap3A_73 = arith.constant 16 : index
      %swap3A_74 = tpu.vector_load %arg14[%swap3A_73] {strides = array<i32>} : memref<32xi32, #tpu.memory_space<vmem>>, vector<16xi32>,
      tpu.vector_store %arg14[%swap3A_73], %gather3A_71 {strides = array<i32>} : memref<32xi32, #tpu.memory_space<vmem>>, vector<16xi32>,
      %broadcast_in_dim3A_75 = arith.constant 0 : i32
      %broadcast_in_dim3A_76 = vector.broadcast %broadcast_in_dim3A_75 : i32 to vector<16xi32>
      %scan3A_77 = arith.constant 0 : i32
      %scan3A_78 = arith.constant 64 : i32
      %scan3A_79 = arith.addi %scan3A_77, %scan3A_78 : i32
      %scan3A_80 = arith.constant 1 : i32
      %scan3A_81 = scf.for %scan3A_2764 = %scan3A_77 to %scan3A_79 step %scan3A_80 iter_args(%scan3A_2765 = %broadcast_in_dim3A_76) -> (vector<16xi32>)  : i32 {
        %mul3A_2766 = arith.constant 4 : i32
        %mul3A_2767 = arith.muli %scan3A_2764, %mul3A_2766 : i32
        %add3A_2768 = arith.constant 0 : i32
        %add3A_2769 = arith.addi %mul3A_2767, %add3A_2768 : i32
        %mul3A_2770 = arith.constant 16 : i32
        %mul3A_2771 = arith.muli %add3A_2769, %mul3A_2770 : i32
        %multiple_of3A_2772 = tpu.assume_multiple %mul3A_2771, 16 : i32
        %get3A_2773 = arith.index_cast %multiple_of3A_2772 : i32 to index
        %get3A_2774 = tpu.vector_load %arg7[%get3A_2773] {strides = array<i32>} : memref<4096xf32, #tpu.memory_space<vmem>>, vector<16xf32>,
        %get3A_2775 = arith.index_cast %multiple_of3A_2772 : i32 to index
        %get3A_2776 = tpu.vector_load %arg8[%get3A_2775] {strides = array<i32>} : memref<4096xf32, #tpu.memory_space<vmem>>, vector<16xf32>,
        %get3A_2777 = arith.index_cast %multiple_of3A_2772 : i32 to index
        %get3A_2778 = tpu.vector_load %arg9[%get3A_2777] {strides = array<i32>} : memref<4096xf32, #tpu.memory_space<vmem>>, vector<16xf32>,
        %sub3A_2779 = arith.subf %get3A_2774, %gather3A : vector<16xf32>
        %sub3A_2780 = arith.subf %get3A_2776, %gather3A_69 : vector<16xf32>
        %sub3A_2781 = arith.subf %get3A_2778, %gather3A_70 : vector<16xf32>
        %mul3A_2782 = arith.mulf %sub3A_2779, %sub3A_2779 : vector<16xf32>
        %mul3A_2783 = arith.mulf %sub3A_2780, %sub3A_2780 : vector<16xf32>
        %add3A_2784 = arith.addf %mul3A_2782, %mul3A_2783 : vector<16xf32>
        %mul3A_2785 = arith.mulf %sub3A_2781, %sub3A_2781 : vector<16xf32>
        %add3A_2786 = arith.addf %add3A_2784, %mul3A_2785 : vector<16xf32>
        %le3A = vector.broadcast %scan3A_55 : f32 to vector<16xf32>
        %le3A_2787 = arith.cmpf ole, %add3A_2786, %le3A : vector<16xf32>
        %jit3A_2788 = arith.constant 1 : i32
        %jit3A_2789 = arith.constant 0 : i32
        %broadcast_in_dim3A_2790 = vector.broadcast %jit3A_2788 : i32 to vector<16xi32>
        %broadcast_in_dim3A_2791 = vector.broadcast %jit3A_2789 : i32 to vector<16xi32>
        %select_n3A_2792 = arith.select %le3A_2787, %broadcast_in_dim3A_2790, %broadcast_in_dim3A_2791 : vector<16xi1>, vector<16xi32>
        %broadcast_in_dim3A_2793 = arith.constant true
        %broadcast_in_dim3A_2794 = vector.broadcast %broadcast_in_dim3A_2793 : i1 to vector<16xi1>
        %masked_cumsum3A = tpu.scan <sum>, %select_n3A_2792 masked %broadcast_in_dim3A_2794 : vector<16xi32>, vector<16xi1> -> vector<16xi32>
        %add3A_2795 = arith.addi %masked_cumsum3A, %scan3A_2765 : vector<16xi32>
        %sub3A_2796 = arith.constant 1 : i32
        %sub3A_2797 = vector.broadcast %sub3A_2796 : i32 to vector<16xi32>
        %sub3A_2798 = arith.subi %add3A_2795, %sub3A_2797 : vector<16xi32>
        %lt3A_2799 = arith.constant 32 : i32
        %lt3A_2800 = vector.broadcast %lt3A_2799 : i32 to vector<16xi32>
        %lt3A_2801 = arith.cmpi slt, %sub3A_2798, %lt3A_2800 : vector<16xi32>
        %and3A_2802 = arith.andi %le3A_2787, %lt3A_2801 : vector<16xi1>
        %mul3A_2803 = arith.constant 16 : i32
        %mul3A_2804 = arith.muli %add3A_2769, %mul3A_2803 : i32
        %add3A_2805 = arith.addi %mul3A_2804, %mul3A_54 : i32
        %add3A_2806 = vector.broadcast %add3A_2805 : i32 to vector<16xi32>
        %add3A_2807 = arith.addi %iota3A, %add3A_2806 : vector<16xi32>
        tpu.vector_store_idx %arg14[%sub3A_2798], %add3A_2807 masked %and3A_2802 : memref<32xi32, #tpu.memory_space<vmem>>[vector<16xi32>], vector<16xi32>, vector<16xi1>
        %all_reduce_population_count3A = tpu.all_reduce %le3A_2787 {dim = 0 : i64, kind = #tpu.reduction_kind<sum>} : vector<16xi1> -> vector<16xi32>
        %add3A_2808 = arith.addi %scan3A_2765, %all_reduce_population_count3A : vector<16xi32>
        %mul3A_2809 = arith.constant 4 : i32
        %mul3A_2810 = arith.muli %scan3A_2764, %mul3A_2809 : i32
        %add3A_2811 = arith.constant 1 : i32
        %add3A_2812 = arith.addi %mul3A_2810, %add3A_2811 : i32
        %mul3A_2813 = arith.constant 16 : i32
        %mul3A_2814 = arith.muli %add3A_2812, %mul3A_2813 : i32
        %multiple_of3A_2815 = tpu.assume_multiple %mul3A_2814, 16 : i32
        %get3A_2816 = arith.index_cast %multiple_of3A_2815 : i32 to index
        %get3A_2817 = tpu.vector_load %arg7[%get3A_2816] {strides = array<i32>} : memref<4096xf32, #tpu.memory_space<vmem>>, vector<16xf32>,
        %get3A_2818 = arith.index_cast %multiple_of3A_2815 : i32 to index
        %get3A_2819 = tpu.vector_load %arg8[%get3A_2818] {strides = array<i32>} : memref<4096xf32, #tpu.memory_space<vmem>>, vector<16xf32>,
        %get3A_2820 = arith.index_cast %multiple_of3A_2815 : i32 to index
        %get3A_2821 = tpu.vector_load %arg9[%get3A_2820] {strides = array<i32>} : memref<4096xf32, #tpu.memory_space<vmem>>, vector<16xf32>,
        %sub3A_2822 = arith.subf %get3A_2817, %gather3A : vector<16xf32>
        %sub3A_2823 = arith.subf %get3A_2819, %gather3A_69 : vector<16xf32>
        %sub3A_2824 = arith.subf %get3A_2821, %gather3A_70 : vector<16xf32>
        %mul3A_2825 = arith.mulf %sub3A_2822, %sub3A_2822 : vector<16xf32>
        %mul3A_2826 = arith.mulf %sub3A_2823, %sub3A_2823 : vector<16xf32>
        %add3A_2827 = arith.addf %mul3A_2825, %mul3A_2826 : vector<16xf32>
        %mul3A_2828 = arith.mulf %sub3A_2824, %sub3A_2824 : vector<16xf32>
        %add3A_2829 = arith.addf %add3A_2827, %mul3A_2828 : vector<16xf32>
        %le3A_2830 = vector.broadcast %scan3A_55 : f32 to vector<16xf32>
        %le3A_2831 = arith.cmpf ole, %add3A_2829, %le3A_2830 : vector<16xf32>
        %jit3A_2832 = arith.constant 1 : i32
        %jit3A_2833 = arith.constant 0 : i32
        %broadcast_in_dim3A_2834 = vector.broadcast %jit3A_2832 : i32 to vector<16xi32>
        %broadcast_in_dim3A_2835 = vector.broadcast %jit3A_2833 : i32 to vector<16xi32>
        %select_n3A_2836 = arith.select %le3A_2831, %broadcast_in_dim3A_2834, %broadcast_in_dim3A_2835 : vector<16xi1>, vector<16xi32>
        %broadcast_in_dim3A_2837 = arith.constant true
        %broadcast_in_dim3A_2838 = vector.broadcast %broadcast_in_dim3A_2837 : i1 to vector<16xi1>
        %masked_cumsum3A_2839 = tpu.scan <sum>, %select_n3A_2836 masked %broadcast_in_dim3A_2838 : vector<16xi32>, vector<16xi1> -> vector<16xi32>
        %add3A_2840 = arith.addi %masked_cumsum3A_2839, %add3A_2808 : vector<16xi32>
        %sub3A_2841 = arith.constant 1 : i32
        %sub3A_2842 = vector.broadcast %sub3A_2841 : i32 to vector<16xi32>
        %sub3A_2843 = arith.subi %add3A_2840, %sub3A_2842 : vector<16xi32>
        %lt3A_2844 = arith.constant 32 : i32
        %lt3A_2845 = vector.broadcast %lt3A_2844 : i32 to vector<16xi32>
        %lt3A_2846 = arith.cmpi slt, %sub3A_2843, %lt3A_2845 : vector<16xi32>
        %and3A_2847 = arith.andi %le3A_2831, %lt3A_2846 : vector<16xi1>
        %mul3A_2848 = arith.constant 16 : i32
        %mul3A_2849 = arith.muli %add3A_2812, %mul3A_2848 : i32
        %add3A_2850 = arith.addi %mul3A_2849, %mul3A_54 : i32
        %add3A_2851 = vector.broadcast %add3A_2850 : i32 to vector<16xi32>
        %add3A_2852 = arith.addi %iota3A, %add3A_2851 : vector<16xi32>
        tpu.vector_store_idx %arg14[%sub3A_2843], %add3A_2852 masked %and3A_2847 : memref<32xi32, #tpu.memory_space<vmem>>[vector<16xi32>], vector<16xi32>, vector<16xi1>
        %all_reduce_population_count3A_2853 = tpu.all_reduce %le3A_2831 {dim = 0 : i64, kind = #tpu.reduction_kind<sum>} : vector<16xi1> -> vector<16xi32>
        %add3A_2854 = arith.addi %add3A_2808, %all_reduce_population_count3A_2853 : vector<16xi32>
        %mul3A_2855 = arith.constant 4 : i32
        %mul3A_2856 = arith.muli %scan3A_2764, %mul3A_2855 : i32
        %add3A_2857 = arith.constant 2 : i32
        %add3A_2858 = arith.addi %mul3A_2856, %add3A_2857 : i32
        %mul3A_2859 = arith.constant 16 : i32
        %mul3A_2860 = arith.muli %add3A_2858, %mul3A_2859 : i32
        %multiple_of3A_2861 = tpu.assume_multiple %mul3A_2860, 16 : i32
        %get3A_2862 = arith.index_cast %multiple_of3A_2861 : i32 to index
        %get3A_2863 = tpu.vector_load %arg7[%get3A_2862] {strides = array<i32>} : memref<4096xf32, #tpu.memory_space<vmem>>, vector<16xf32>,
        %get3A_2864 = arith.index_cast %multiple_of3A_2861 : i32 to index
        %get3A_2865 = tpu.vector_load %arg8[%get3A_2864] {strides = array<i32>} : memref<4096xf32, #tpu.memory_space<vmem>>, vector<16xf32>,
        %get3A_2866 = arith.index_cast %multiple_of3A_2861 : i32 to index
        %get3A_2867 = tpu.vector_load %arg9[%get3A_2866] {strides = array<i32>} : memref<4096xf32, #tpu.memory_space<vmem>>, vector<16xf32>,
        %sub3A_2868 = arith.subf %get3A_2863, %gather3A : vector<16xf32>
        %sub3A_2869 = arith.subf %get3A_2865, %gather3A_69 : vector<16xf32>
        %sub3A_2870 = arith.subf %get3A_2867, %gather3A_70 : vector<16xf32>
        %mul3A_2871 = arith.mulf %sub3A_2868, %sub3A_2868 : vector<16xf32>
        %mul3A_2872 = arith.mulf %sub3A_2869, %sub3A_2869 : vector<16xf32>
        %add3A_2873 = arith.addf %mul3A_2871, %mul3A_2872 : vector<16xf32>
        %mul3A_2874 = arith.mulf %sub3A_2870, %sub3A_2870 : vector<16xf32>
        %add3A_2875 = arith.addf %add3A_2873, %mul3A_2874 : vector<16xf32>
        %le3A_2876 = vector.broadcast %scan3A_55 : f32 to vector<16xf32>
        %le3A_2877 = arith.cmpf ole, %add3A_2875, %le3A_2876 : vector<16xf32>
        %jit3A_2878 = arith.constant 1 : i32
        %jit3A_2879 = arith.constant 0 : i32
        %broadcast_in_dim3A_2880 = vector.broadcast %jit3A_2878 : i32 to vector<16xi32>
        %broadcast_in_dim3A_2881 = vector.broadcast %jit3A_2879 : i32 to vector<16xi32>
        %select_n3A_2882 = arith.select %le3A_2877, %broadcast_in_dim3A_2880, %broadcast_in_dim3A_2881 : vector<16xi1>, vector<16xi32>
        %broadcast_in_dim3A_2883 = arith.constant true
        %broadcast_in_dim3A_2884 = vector.broadcast %broadcast_in_dim3A_2883 : i1 to vector<16xi1>
        %masked_cumsum3A_2885 = tpu.scan <sum>, %select_n3A_2882 masked %broadcast_in_dim3A_2884 : vector<16xi32>, vector<16xi1> -> vector<16xi32>
        %add3A_2886 = arith.addi %masked_cumsum3A_2885, %add3A_2854 : vector<16xi32>
        %sub3A_2887 = arith.constant 1 : i32
        %sub3A_2888 = vector.broadcast %sub3A_2887 : i32 to vector<16xi32>
        %sub3A_2889 = arith.subi %add3A_2886, %sub3A_2888 : vector<16xi32>
        %lt3A_2890 = arith.constant 32 : i32
        %lt3A_2891 = vector.broadcast %lt3A_2890 : i32 to vector<16xi32>
        %lt3A_2892 = arith.cmpi slt, %sub3A_2889, %lt3A_2891 : vector<16xi32>
        %and3A_2893 = arith.andi %le3A_2877, %lt3A_2892 : vector<16xi1>
        %mul3A_2894 = arith.constant 16 : i32
        %mul3A_2895 = arith.muli %add3A_2858, %mul3A_2894 : i32
        %add3A_2896 = arith.addi %mul3A_2895, %mul3A_54 : i32
        %add3A_2897 = vector.broadcast %add3A_2896 : i32 to vector<16xi32>
        %add3A_2898 = arith.addi %iota3A, %add3A_2897 : vector<16xi32>
        tpu.vector_store_idx %arg14[%sub3A_2889], %add3A_2898 masked %and3A_2893 : memref<32xi32, #tpu.memory_space<vmem>>[vector<16xi32>], vector<16xi32>, vector<16xi1>
        %all_reduce_population_count3A_2899 = tpu.all_reduce %le3A_2877 {dim = 0 : i64, kind = #tpu.reduction_kind<sum>} : vector<16xi1> -> vector<16xi32>
        %add3A_2900 = arith.addi %add3A_2854, %all_reduce_population_count3A_2899 : vector<16xi32>
        %mul3A_2901 = arith.constant 4 : i32
        %mul3A_2902 = arith.muli %scan3A_2764, %mul3A_2901 : i32
        %add3A_2903 = arith.constant 3 : i32
        %add3A_2904 = arith.addi %mul3A_2902, %add3A_2903 : i32
        %mul3A_2905 = arith.constant 16 : i32
        %mul3A_2906 = arith.muli %add3A_2904, %mul3A_2905 : i32
        %multiple_of3A_2907 = tpu.assume_multiple %mul3A_2906, 16 : i32
        %get3A_2908 = arith.index_cast %multiple_of3A_2907 : i32 to index
        %get3A_2909 = tpu.vector_load %arg7[%get3A_2908] {strides = array<i32>} : memref<4096xf32, #tpu.memory_space<vmem>>, vector<16xf32>,
        %get3A_2910 = arith.index_cast %multiple_of3A_2907 : i32 to index
        %get3A_2911 = tpu.vector_load %arg8[%get3A_2910] {strides = array<i32>} : memref<4096xf32, #tpu.memory_space<vmem>>, vector<16xf32>,
        %get3A_2912 = arith.index_cast %multiple_of3A_2907 : i32 to index
        %get3A_2913 = tpu.vector_load %arg9[%get3A_2912] {strides = array<i32>} : memref<4096xf32, #tpu.memory_space<vmem>>, vector<16xf32>,
        %sub3A_2914 = arith.subf %get3A_2909, %gather3A : vector<16xf32>
        %sub3A_2915 = arith.subf %get3A_2911, %gather3A_69 : vector<16xf32>
        %sub3A_2916 = arith.subf %get3A_2913, %gather3A_70 : vector<16xf32>
        %mul3A_2917 = arith.mulf %sub3A_2914, %sub3A_2914 : vector<16xf32>
        %mul3A_2918 = arith.mulf %sub3A_2915, %sub3A_2915 : vector<16xf32>
        %add3A_2919 = arith.addf %mul3A_2917, %mul3A_2918 : vector<16xf32>
        %mul3A_2920 = arith.mulf %sub3A_2916, %sub3A_2916 : vector<16xf32>
        %add3A_2921 = arith.addf %add3A_2919, %mul3A_2920 : vector<16xf32>
        %le3A_2922 = vector.broadcast %scan3A_55 : f32 to vector<16xf32>
        %le3A_2923 = arith.cmpf ole, %add3A_2921, %le3A_2922 : vector<16xf32>
        %jit3A_2924 = arith.constant 1 : i32
        %jit3A_2925 = arith.constant 0 : i32
        %broadcast_in_dim3A_2926 = vector.broadcast %jit3A_2924 : i32 to vector<16xi32>
        %broadcast_in_dim3A_2927 = vector.broadcast %jit3A_2925 : i32 to vector<16xi32>
        %select_n3A_2928 = arith.select %le3A_2923, %broadcast_in_dim3A_2926, %broadcast_in_dim3A_2927 : vector<16xi1>, vector<16xi32>
        %broadcast_in_dim3A_2929 = arith.constant true
        %broadcast_in_dim3A_2930 = vector.broadcast %broadcast_in_dim3A_2929 : i1 to vector<16xi1>
        %masked_cumsum3A_2931 = tpu.scan <sum>, %select_n3A_2928 masked %broadcast_in_dim3A_2930 : vector<16xi32>, vector<16xi1> -> vector<16xi32>
        %add3A_2932 = arith.addi %masked_cumsum3A_2931, %add3A_2900 : vector<16xi32>
        %sub3A_2933 = arith.constant 1 : i32
        %sub3A_2934 = vector.broadcast %sub3A_2933 : i32 to vector<16xi32>
        %sub3A_2935 = arith.subi %add3A_2932, %sub3A_2934 : vector<16xi32>
        %lt3A_2936 = arith.constant 32 : i32
        %lt3A_2937 = vector.broadcast %lt3A_2936 : i32 to vector<16xi32>
        %lt3A_2938 = arith.cmpi slt, %sub3A_2935, %lt3A_2937 : vector<16xi32>
        %and3A_2939 = arith.andi %le3A_2923, %lt3A_2938 : vector<16xi1>
        %mul3A_2940 = arith.constant 16 : i32
        %mul3A_2941 = arith.muli %add3A_2904, %mul3A_2940 : i32
        %add3A_2942 = arith.addi %mul3A_2941, %mul3A_54 : i32
        %add3A_2943 = vector.broadcast %add3A_2942 : i32 to vector<16xi32>
        %add3A_2944 = arith.addi %iota3A, %add3A_2943 : vector<16xi32>
        tpu.vector_store_idx %arg14[%sub3A_2935], %add3A_2944 masked %and3A_2939 : memref<32xi32, #tpu.memory_space<vmem>>[vector<16xi32>], vector<16xi32>, vector<16xi1>
        %all_reduce_population_count3A_2945 = tpu.all_reduce %le3A_2923 {dim = 0 : i64, kind = #tpu.reduction_kind<sum>} : vector<16xi1> -> vector<16xi32>
        %add3A_2946 = arith.addi %add3A_2900, %all_reduce_population_count3A_2945 : vector<16xi32>
        scf.yield %add3A_2946 : vector<16xi32>
      }
      %scan3A_82 = arith.constant 64 : i32
      %dma_start3A = arith.constant 0 : i32
      %dma_start3A_83 = arith.constant 0 : i32
      %dma_start3A_84 = tpu.memref_slice %arg5[%dma_start3A, %dma_start3A_83] : memref<32768x128xf32, #tpu.memory_space<hbm>> -> memref<32768x128xf32, #tpu.memory_space<hbm>>
      tpu.enqueue_indirect_dma source(%dma_start3A_84 : memref<32768x128xf32, #tpu.memory_space<hbm>>) target(%arg15 : memref<32x128xf32, #tpu.memory_space<vmem>>) offsets(%arg14 : memref<32xi32, #tpu.memory_space<vmem>>) semaphore(%arg19 : memref<!tpu.dma_semaphore, #tpu.memory_space<semaphore_mem>>)
      %broadcast_in_dim3A_85 = vector.broadcast %add3A_68 : i32 to vector<16xi32>
      %gather3A_86 = tpu.vector_load_idx %arg10[%broadcast_in_dim3A_85] : memref<256xf32, #tpu.memory_space<vmem>>[vector<16xi32>], vector<16xf32>,
      %gather3A_87 = tpu.vector_load_idx %arg11[%broadcast_in_dim3A_85] : memref<256xf32, #tpu.memory_space<vmem>>[vector<16xi32>], vector<16xf32>,
      %gather3A_88 = tpu.vector_load_idx %arg12[%broadcast_in_dim3A_85] : memref<256xf32, #tpu.memory_space<vmem>>[vector<16xi32>], vector<16xf32>,
      %gather3A_89 = tpu.vector_load_idx %arg13[%broadcast_in_dim3A_85] : memref<256xi32, #tpu.memory_space<vmem>>[vector<16xi32>], vector<16xi32>,
      %swap3A_90 = arith.constant 0 : index
      %swap3A_91 = tpu.vector_load %arg16[%swap3A_90] {strides = array<i32>} : memref<32xi32, #tpu.memory_space<vmem>>, vector<16xi32>,
      tpu.vector_store %arg16[%swap3A_90], %gather3A_89 {strides = array<i32>} : memref<32xi32, #tpu.memory_space<vmem>>, vector<16xi32>,
      %swap3A_92 = arith.constant 16 : index
      %swap3A_93 = tpu.vector_load %arg16[%swap3A_92] {strides = array<i32>} : memref<32xi32, #tpu.memory_space<vmem>>, vector<16xi32>,
      tpu.vector_store %arg16[%swap3A_92], %gather3A_89 {strides = array<i32>} : memref<32xi32, #tpu.memory_space<vmem>>, vector<16xi32>,
      %broadcast_in_dim3A_94 = arith.constant 0 : i32
      %broadcast_in_dim3A_95 = vector.broadcast %broadcast_in_dim3A_94 : i32 to vector<16xi32>
      %scan3A_96 = arith.constant 0 : i32
      %scan3A_97 = arith.constant 64 : i32
      %scan3A_98 = arith.addi %scan3A_96, %scan3A_97 : i32
      %scan3A_99 = arith.constant 1 : i32
      %scan3A_100 = scf.for %scan3A_2764 = %scan3A_96 to %scan3A_98 step %scan3A_99 iter_args(%scan3A_2765 = %broadcast_in_dim3A_95) -> (vector<16xi32>)  : i32 {
        %mul3A_2766 = arith.constant 4 : i32
        %mul3A_2767 = arith.muli %scan3A_2764, %mul3A_2766 : i32
        %add3A_2768 = arith.constant 0 : i32
        %add3A_2769 = arith.addi %mul3A_2767, %add3A_2768 : i32
        %mul3A_2770 = arith.constant 16 : i32
        %mul3A_2771 = arith.muli %add3A_2769, %mul3A_2770 : i32
        %multiple_of3A_2772 = tpu.assume_multiple %mul3A_2771, 16 : i32
        %get3A_2773 = arith.index_cast %multiple_of3A_2772 : i32 to index
        %get3A_2774 = tpu.vector_load %arg7[%get3A_2773] {strides = array<i32>} : memref<4096xf32, #tpu.memory_space<vmem>>, vector<16xf32>,
        %get3A_2775 = arith.index_cast %multiple_of3A_2772 : i32 to index
        %get3A_2776 = tpu.vector_load %arg8[%get3A_2775] {strides = array<i32>} : memref<4096xf32, #tpu.memory_space<vmem>>, vector<16xf32>,
        %get3A_2777 = arith.index_cast %multiple_of3A_2772 : i32 to index
        %get3A_2778 = tpu.vector_load %arg9[%get3A_2777] {strides = array<i32>} : memref<4096xf32, #tpu.memory_space<vmem>>, vector<16xf32>,
        %sub3A_2779 = arith.subf %get3A_2774, %gather3A_86 : vector<16xf32>
        %sub3A_2780 = arith.subf %get3A_2776, %gather3A_87 : vector<16xf32>
        %sub3A_2781 = arith.subf %get3A_2778, %gather3A_88 : vector<16xf32>
        %mul3A_2782 = arith.mulf %sub3A_2779, %sub3A_2779 : vector<16xf32>
        %mul3A_2783 = arith.mulf %sub3A_2780, %sub3A_2780 : vector<16xf32>
        %add3A_2784 = arith.addf %mul3A_2782, %mul3A_2783 : vector<16xf32>
        %mul3A_2785 = arith.mulf %sub3A_2781, %sub3A_2781 : vector<16xf32>
        %add3A_2786 = arith.addf %add3A_2784, %mul3A_2785 : vector<16xf32>
        %le3A = vector.broadcast %scan3A_55 : f32 to vector<16xf32>
        %le3A_2787 = arith.cmpf ole, %add3A_2786, %le3A : vector<16xf32>
        %jit3A_2788 = arith.constant 1 : i32
        %jit3A_2789 = arith.constant 0 : i32
        %broadcast_in_dim3A_2790 = vector.broadcast %jit3A_2788 : i32 to vector<16xi32>
        %broadcast_in_dim3A_2791 = vector.broadcast %jit3A_2789 : i32 to vector<16xi32>
        %select_n3A_2792 = arith.select %le3A_2787, %broadcast_in_dim3A_2790, %broadcast_in_dim3A_2791 : vector<16xi1>, vector<16xi32>
        %broadcast_in_dim3A_2793 = arith.constant true
        %broadcast_in_dim3A_2794 = vector.broadcast %broadcast_in_dim3A_2793 : i1 to vector<16xi1>
        %masked_cumsum3A = tpu.scan <sum>, %select_n3A_2792 masked %broadcast_in_dim3A_2794 : vector<16xi32>, vector<16xi1> -> vector<16xi32>
        %add3A_2795 = arith.addi %masked_cumsum3A, %scan3A_2765 : vector<16xi32>
        %sub3A_2796 = arith.constant 1 : i32
        %sub3A_2797 = vector.broadcast %sub3A_2796 : i32 to vector<16xi32>
        %sub3A_2798 = arith.subi %add3A_2795, %sub3A_2797 : vector<16xi32>
        %lt3A_2799 = arith.constant 32 : i32
        %lt3A_2800 = vector.broadcast %lt3A_2799 : i32 to vector<16xi32>
        %lt3A_2801 = arith.cmpi slt, %sub3A_2798, %lt3A_2800 : vector<16xi32>
        %and3A_2802 = arith.andi %le3A_2787, %lt3A_2801 : vector<16xi1>
        %mul3A_2803 = arith.constant 16 : i32
        %mul3A_2804 = arith.muli %add3A_2769, %mul3A_2803 : i32
        %add3A_2805 = arith.addi %mul3A_2804, %mul3A_54 : i32
        %add3A_2806 = vector.broadcast %add3A_2805 : i32 to vector<16xi32>
        %add3A_2807 = arith.addi %iota3A, %add3A_2806 : vector<16xi32>
        tpu.vector_store_idx %arg16[%sub3A_2798], %add3A_2807 masked %and3A_2802 : memref<32xi32, #tpu.memory_space<vmem>>[vector<16xi32>], vector<16xi32>, vector<16xi1>
        %all_reduce_population_count3A = tpu.all_reduce %le3A_2787 {dim = 0 : i64, kind = #tpu.reduction_kind<sum>} : vector<16xi1> -> vector<16xi32>
        %add3A_2808 = arith.addi %scan3A_2765, %all_reduce_population_count3A : vector<16xi32>
        %mul3A_2809 = arith.constant 4 : i32
        %mul3A_2810 = arith.muli %scan3A_2764, %mul3A_2809 : i32
        %add3A_2811 = arith.constant 1 : i32
        %add3A_2812 = arith.addi %mul3A_2810, %add3A_2811 : i32
        %mul3A_2813 = arith.constant 16 : i32
        %mul3A_2814 = arith.muli %add3A_2812, %mul3A_2813 : i32
        %multiple_of3A_2815 = tpu.assume_multiple %mul3A_2814, 16 : i32
        %get3A_2816 = arith.index_cast %multiple_of3A_2815 : i32 to index
        %get3A_2817 = tpu.vector_load %arg7[%get3A_2816] {strides = array<i32>} : memref<4096xf32, #tpu.memory_space<vmem>>, vector<16xf32>,
        %get3A_2818 = arith.index_cast %multiple_of3A_2815 : i32 to index
        %get3A_2819 = tpu.vector_load %arg8[%get3A_2818] {strides = array<i32>} : memref<4096xf32, #tpu.memory_space<vmem>>, vector<16xf32>,
        %get3A_2820 = arith.index_cast %multiple_of3A_2815 : i32 to index
        %get3A_2821 = tpu.vector_load %arg9[%get3A_2820] {strides = array<i32>} : memref<4096xf32, #tpu.memory_space<vmem>>, vector<16xf32>,
        %sub3A_2822 = arith.subf %get3A_2817, %gather3A_86 : vector<16xf32>
        %sub3A_2823 = arith.subf %get3A_2819, %gather3A_87 : vector<16xf32>
        %sub3A_2824 = arith.subf %get3A_2821, %gather3A_88 : vector<16xf32>
        %mul3A_2825 = arith.mulf %sub3A_2822, %sub3A_2822 : vector<16xf32>
        %mul3A_2826 = arith.mulf %sub3A_2823, %sub3A_2823 : vector<16xf32>
        %add3A_2827 = arith.addf %mul3A_2825, %mul3A_2826 : vector<16xf32>
        %mul3A_2828 = arith.mulf %sub3A_2824, %sub3A_2824 : vector<16xf32>
        %add3A_2829 = arith.addf %add3A_2827, %mul3A_2828 : vector<16xf32>
        %le3A_2830 = vector.broadcast %scan3A_55 : f32 to vector<16xf32>
        %le3A_2831 = arith.cmpf ole, %add3A_2829, %le3A_2830 : vector<16xf32>
        %jit3A_2832 = arith.constant 1 : i32
        %jit3A_2833 = arith.constant 0 : i32
        %broadcast_in_dim3A_2834 = vector.broadcast %jit3A_2832 : i32 to vector<16xi32>
        %broadcast_in_dim3A_2835 = vector.broadcast %jit3A_2833 : i32 to vector<16xi32>
        %select_n3A_2836 = arith.select %le3A_2831, %broadcast_in_dim3A_2834, %broadcast_in_dim3A_2835 : vector<16xi1>, vector<16xi32>
        %broadcast_in_dim3A_2837 = arith.constant true
        %broadcast_in_dim3A_2838 = vector.broadcast %broadcast_in_dim3A_2837 : i1 to vector<16xi1>
        %masked_cumsum3A_2839 = tpu.scan <sum>, %select_n3A_2836 masked %broadcast_in_dim3A_2838 : vector<16xi32>, vector<16xi1> -> vector<16xi32>
        %add3A_2840 = arith.addi %masked_cumsum3A_2839, %add3A_2808 : vector<16xi32>
        %sub3A_2841 = arith.constant 1 : i32
        %sub3A_2842 = vector.broadcast %sub3A_2841 : i32 to vector<16xi32>
        %sub3A_2843 = arith.subi %add3A_2840, %sub3A_2842 : vector<16xi32>
        %lt3A_2844 = arith.constant 32 : i32
        %lt3A_2845 = vector.broadcast %lt3A_2844 : i32 to vector<16xi32>
        %lt3A_2846 = arith.cmpi slt, %sub3A_2843, %lt3A_2845 : vector<16xi32>
        %and3A_2847 = arith.andi %le3A_2831, %lt3A_2846 : vector<16xi1>
        %mul3A_2848 = arith.constant 16 : i32
        %mul3A_2849 = arith.muli %add3A_2812, %mul3A_2848 : i32
        %add3A_2850 = arith.addi %mul3A_2849, %mul3A_54 : i32
        %add3A_2851 = vector.broadcast %add3A_2850 : i32 to vector<16xi32>
        %add3A_2852 = arith.addi %iota3A, %add3A_2851 : vector<16xi32>
        tpu.vector_store_idx %arg16[%sub3A_2843], %add3A_2852 masked %and3A_2847 : memref<32xi32, #tpu.memory_space<vmem>>[vector<16xi32>], vector<16xi32>, vector<16xi1>
        %all_reduce_population_count3A_2853 = tpu.all_reduce %le3A_2831 {dim = 0 : i64, kind = #tpu.reduction_kind<sum>} : vector<16xi1> -> vector<16xi32>
        %add3A_2854 = arith.addi %add3A_2808, %all_reduce_population_count3A_2853 : vector<16xi32>
        %mul3A_2855 = arith.constant 4 : i32
        %mul3A_2856 = arith.muli %scan3A_2764, %mul3A_2855 : i32
        %add3A_2857 = arith.constant 2 : i32
        %add3A_2858 = arith.addi %mul3A_2856, %add3A_2857 : i32
        %mul3A_2859 = arith.constant 16 : i32
        %mul3A_2860 = arith.muli %add3A_2858, %mul3A_2859 : i32
        %multiple_of3A_2861 = tpu.assume_multiple %mul3A_2860, 16 : i32
        %get3A_2862 = arith.index_cast %multiple_of3A_2861 : i32 to index
        %get3A_2863 = tpu.vector_load %arg7[%get3A_2862] {strides = array<i32>} : memref<4096xf32, #tpu.memory_space<vmem>>, vector<16xf32>,
        %get3A_2864 = arith.index_cast %multiple_of3A_2861 : i32 to index
        %get3A_2865 = tpu.vector_load %arg8[%get3A_2864] {strides = array<i32>} : memref<4096xf32, #tpu.memory_space<vmem>>, vector<16xf32>,
        %get3A_2866 = arith.index_cast %multiple_of3A_2861 : i32 to index
        %get3A_2867 = tpu.vector_load %arg9[%get3A_2866] {strides = array<i32>} : memref<4096xf32, #tpu.memory_space<vmem>>, vector<16xf32>,
        %sub3A_2868 = arith.subf %get3A_2863, %gather3A_86 : vector<16xf32>
        %sub3A_2869 = arith.subf %get3A_2865, %gather3A_87 : vector<16xf32>
        %sub3A_2870 = arith.subf %get3A_2867, %gather3A_88 : vector<16xf32>
        %mul3A_2871 = arith.mulf %sub3A_2868, %sub3A_2868 : vector<16xf32>
        %mul3A_2872 = arith.mulf %sub3A_2869, %sub3A_2869 : vector<16xf32>
        %add3A_2873 = arith.addf %mul3A_2871, %mul3A_2872 : vector<16xf32>
        %mul3A_2874 = arith.mulf %sub3A_2870, %sub3A_2870 : vector<16xf32>
        %add3A_2875 = arith.addf %add3A_2873, %mul3A_2874 : vector<16xf32>
        %le3A_2876 = vector.broadcast %scan3A_55 : f32 to vector<16xf32>
        %le3A_2877 = arith.cmpf ole, %add3A_2875, %le3A_2876 : vector<16xf32>
        %jit3A_2878 = arith.constant 1 : i32
        %jit3A_2879 = arith.constant 0 : i32
        %broadcast_in_dim3A_2880 = vector.broadcast %jit3A_2878 : i32 to vector<16xi32>
        %broadcast_in_dim3A_2881 = vector.broadcast %jit3A_2879 : i32 to vector<16xi32>
        %select_n3A_2882 = arith.select %le3A_2877, %broadcast_in_dim3A_2880, %broadcast_in_dim3A_2881 : vector<16xi1>, vector<16xi32>
        %broadcast_in_dim3A_2883 = arith.constant true
        %broadcast_in_dim3A_2884 = vector.broadcast %broadcast_in_dim3A_2883 : i1 to vector<16xi1>
        %masked_cumsum3A_2885 = tpu.scan <sum>, %select_n3A_2882 masked %broadcast_in_dim3A_2884 : vector<16xi32>, vector<16xi1> -> vector<16xi32>
        %add3A_2886 = arith.addi %masked_cumsum3A_2885, %add3A_2854 : vector<16xi32>
        %sub3A_2887 = arith.constant 1 : i32
        %sub3A_2888 = vector.broadcast %sub3A_2887 : i32 to vector<16xi32>
        %sub3A_2889 = arith.subi %add3A_2886, %sub3A_2888 : vector<16xi32>
        %lt3A_2890 = arith.constant 32 : i32
        %lt3A_2891 = vector.broadcast %lt3A_2890 : i32 to vector<16xi32>
        %lt3A_2892 = arith.cmpi slt, %sub3A_2889, %lt3A_2891 : vector<16xi32>
        %and3A_2893 = arith.andi %le3A_2877, %lt3A_2892 : vector<16xi1>
        %mul3A_2894 = arith.constant 16 : i32
        %mul3A_2895 = arith.muli %add3A_2858, %mul3A_2894 : i32
        %add3A_2896 = arith.addi %mul3A_2895, %mul3A_54 : i32
        %add3A_2897 = vector.broadcast %add3A_2896 : i32 to vector<16xi32>
        %add3A_2898 = arith.addi %iota3A, %add3A_2897 : vector<16xi32>
        tpu.vector_store_idx %arg16[%sub3A_2889], %add3A_2898 masked %and3A_2893 : memref<32xi32, #tpu.memory_space<vmem>>[vector<16xi32>], vector<16xi32>, vector<16xi1>
        %all_reduce_population_count3A_2899 = tpu.all_reduce %le3A_2877 {dim = 0 : i64, kind = #tpu.reduction_kind<sum>} : vector<16xi1> -> vector<16xi32>
        %add3A_2900 = arith.addi %add3A_2854, %all_reduce_population_count3A_2899 : vector<16xi32>
        %mul3A_2901 = arith.constant 4 : i32
        %mul3A_2902 = arith.muli %scan3A_2764, %mul3A_2901 : i32
        %add3A_2903 = arith.constant 3 : i32
        %add3A_2904 = arith.addi %mul3A_2902, %add3A_2903 : i32
        %mul3A_2905 = arith.constant 16 : i32
        %mul3A_2906 = arith.muli %add3A_2904, %mul3A_2905 : i32
        %multiple_of3A_2907 = tpu.assume_multiple %mul3A_2906, 16 : i32
        %get3A_2908 = arith.index_cast %multiple_of3A_2907 : i32 to index
        %get3A_2909 = tpu.vector_load %arg7[%get3A_2908] {strides = array<i32>} : memref<4096xf32, #tpu.memory_space<vmem>>, vector<16xf32>,
        %get3A_2910 = arith.index_cast %multiple_of3A_2907 : i32 to index
        %get3A_2911 = tpu.vector_load %arg8[%get3A_2910] {strides = array<i32>} : memref<4096xf32, #tpu.memory_space<vmem>>, vector<16xf32>,
        %get3A_2912 = arith.index_cast %multiple_of3A_2907 : i32 to index
        %get3A_2913 = tpu.vector_load %arg9[%get3A_2912] {strides = array<i32>} : memref<4096xf32, #tpu.memory_space<vmem>>, vector<16xf32>,
        %sub3A_2914 = arith.subf %get3A_2909, %gather3A_86 : vector<16xf32>
        %sub3A_2915 = arith.subf %get3A_2911, %gather3A_87 : vector<16xf32>
        %sub3A_2916 = arith.subf %get3A_2913, %gather3A_88 : vector<16xf32>
        %mul3A_2917 = arith.mulf %sub3A_2914, %sub3A_2914 : vector<16xf32>
        %mul3A_2918 = arith.mulf %sub3A_2915, %sub3A_2915 : vector<16xf32>
        %add3A_2919 = arith.addf %mul3A_2917, %mul3A_2918 : vector<16xf32>
        %mul3A_2920 = arith.mulf %sub3A_2916, %sub3A_2916 : vector<16xf32>
        %add3A_2921 = arith.addf %add3A_2919, %mul3A_2920 : vector<16xf32>
        %le3A_2922 = vector.broadcast %scan3A_55 : f32 to vector<16xf32>
        %le3A_2923 = arith.cmpf ole, %add3A_2921, %le3A_2922 : vector<16xf32>
        %jit3A_2924 = arith.constant 1 : i32
        %jit3A_2925 = arith.constant 0 : i32
        %broadcast_in_dim3A_2926 = vector.broadcast %jit3A_2924 : i32 to vector<16xi32>
        %broadcast_in_dim3A_2927 = vector.broadcast %jit3A_2925 : i32 to vector<16xi32>
        %select_n3A_2928 = arith.select %le3A_2923, %broadcast_in_dim3A_2926, %broadcast_in_dim3A_2927 : vector<16xi1>, vector<16xi32>
        %broadcast_in_dim3A_2929 = arith.constant true
        %broadcast_in_dim3A_2930 = vector.broadcast %broadcast_in_dim3A_2929 : i1 to vector<16xi1>
        %masked_cumsum3A_2931 = tpu.scan <sum>, %select_n3A_2928 masked %broadcast_in_dim3A_2930 : vector<16xi32>, vector<16xi1> -> vector<16xi32>
        %add3A_2932 = arith.addi %masked_cumsum3A_2931, %add3A_2900 : vector<16xi32>
        %sub3A_2933 = arith.constant 1 : i32
        %sub3A_2934 = vector.broadcast %sub3A_2933 : i32 to vector<16xi32>
        %sub3A_2935 = arith.subi %add3A_2932, %sub3A_2934 : vector<16xi32>
        %lt3A_2936 = arith.constant 32 : i32
        %lt3A_2937 = vector.broadcast %lt3A_2936 : i32 to vector<16xi32>
        %lt3A_2938 = arith.cmpi slt, %sub3A_2935, %lt3A_2937 : vector<16xi32>
        %and3A_2939 = arith.andi %le3A_2923, %lt3A_2938 : vector<16xi1>
        %mul3A_2940 = arith.constant 16 : i32
        %mul3A_2941 = arith.muli %add3A_2904, %mul3A_2940 : i32
        %add3A_2942 = arith.addi %mul3A_2941, %mul3A_54 : i32
        %add3A_2943 = vector.broadcast %add3A_2942 : i32 to vector<16xi32>
        %add3A_2944 = arith.addi %iota3A, %add3A_2943 : vector<16xi32>
        tpu.vector_store_idx %arg16[%sub3A_2935], %add3A_2944 masked %and3A_2939 : memref<32xi32, #tpu.memory_space<vmem>>[vector<16xi32>], vector<16xi32>, vector<16xi1>
        %all_reduce_population_count3A_2945 = tpu.all_reduce %le3A_2923 {dim = 0 : i64, kind = #tpu.reduction_kind<sum>} : vector<16xi1> -> vector<16xi32>
        %add3A_2946 = arith.addi %add3A_2900, %all_reduce_population_count3A_2945 : vector<16xi32>
        scf.yield %add3A_2946 : vector<16xi32>
      }
      %scan3A_101 = arith.constant 64 : i32
      %dma_start3A_102 = arith.constant 0 : i32
      %dma_start3A_103 = arith.constant 0 : i32
      %dma_start3A_104 = tpu.memref_slice %arg5[%dma_start3A_102, %dma_start3A_103] : memref<32768x128xf32, #tpu.memory_space<hbm>> -> memref<32768x128xf32, #tpu.memory_space<hbm>>
      tpu.enqueue_indirect_dma source(%dma_start3A_104 : memref<32768x128xf32, #tpu.memory_space<hbm>>) target(%arg17 : memref<32x128xf32, #tpu.memory_space<vmem>>) offsets(%arg16 : memref<32xi32, #tpu.memory_space<vmem>>) semaphore(%arg20 : memref<!tpu.dma_semaphore, #tpu.memory_space<semaphore_mem>>)
      %dma_wait3A = arith.constant 0 : i32
      %dma_wait3A_105 = arith.constant 0 : i32
      %dma_wait3A_106 = tpu.memref_slice %arg5[%dma_wait3A, %dma_wait3A_105] : memref<32768x128xf32, #tpu.memory_space<hbm>> -> memref<32768x128xf32, #tpu.memory_space<hbm>>
      tpu.wait_indirect_dma semaphore(%arg19 : memref<!tpu.dma_semaphore, #tpu.memory_space<semaphore_mem>>) src(%dma_wait3A_106 : memref<32768x128xf32, #tpu.memory_space<hbm>>) dst(%arg15 : memref<32x128xf32, #tpu.memory_space<vmem>>)
      %get3A = arith.constant 0 : i32
      %get3A_107 = arith.index_cast %get3A : i32 to index
      %get3A_108 = arith.constant 0 : index
      %get3A_109 = tpu.vector_load %arg15[%get3A_107, %get3A_108] {strides = array<i32>} : memref<32x128xf32, #tpu.memory_space<vmem>>, vector<16xf32>,
      %get3A_110 = arith.constant 1 : i32
      %get3A_111 = arith.index_cast %get3A_110 : i32 to index
      %get3A_112 = arith.constant 0 : index
      %get3A_113 = tpu.vector_load %arg15[%get3A_111, %get3A_112] {strides = array<i32>} : memref<32x128xf32, #tpu.memory_space<vmem>>, vector<16xf32>,
      %max3A = arith.maximumf %get3A_109, %get3A_113 : vector<16xf32>
      %get3A_114 = arith.constant 2 : i32
      %get3A_115 = arith.index_cast %get3A_114 : i32 to index
      %get3A_116 = arith.constant 0 : index
      %get3A_117 = tpu.vector_load %arg15[%get3A_115, %get3A_116] {strides = array<i32>} : memref<32x128xf32, #tpu.memory_space<vmem>>, vector<16xf32>,
      %max3A_118 = arith.maximumf %max3A, %get3A_117 : vector<16xf32>
      %get3A_119 = arith.constant 3 : i32
      %get3A_120 = arith.index_cast %get3A_119 : i32 to index
      %get3A_121 = arith.constant 0 : index
      %get3A_122 = tpu.vector_load %arg15[%get3A_120, %get3A_121] {strides = array<i32>} : memref<32x128xf32, #tpu.memory_space<vmem>>, vector<16xf32>,
      %max3A_123 = arith.maximumf %max3A_118, %get3A_122 : vector<16xf32>
      %get3A_124 = arith.constant 4 : i32
      %get3A_125 = arith.index_cast %get3A_124 : i32 to index
      %get3A_126 = arith.constant 0 : index
      %get3A_127 = tpu.vector_load %arg15[%get3A_125, %get3A_126] {strides = array<i32>} : memref<32x128xf32, #tpu.memory_space<vmem>>, vector<16xf32>,
      %max3A_128 = arith.maximumf %max3A_123, %get3A_127 : vector<16xf32>
      %get3A_129 = arith.constant 5 : i32
      %get3A_130 = arith.index_cast %get3A_129 : i32 to index
      %get3A_131 = arith.constant 0 : index
      %get3A_132 = tpu.vector_load %arg15[%get3A_130, %get3A_131] {strides = array<i32>} : memref<32x128xf32, #tpu.memory_space<vmem>>, vector<16xf32>,
      %max3A_133 = arith.maximumf %max3A_128, %get3A_132 : vector<16xf32>
      %get3A_134 = arith.constant 6 : i32
      %get3A_135 = arith.index_cast %get3A_134 : i32 to index
      %get3A_136 = arith.constant 0 : index
      %get3A_137 = tpu.vector_load %arg15[%get3A_135, %get3A_136] {strides = array<i32>} : memref<32x128xf32, #tpu.memory_space<vmem>>, vector<16xf32>,
      %max3A_138 = arith.maximumf %max3A_133, %get3A_137 : vector<16xf32>
      %get3A_139 = arith.constant 7 : i32
      %get3A_140 = arith.index_cast %get3A_139 : i32 to index
      %get3A_141 = arith.constant 0 : index
      %get3A_142 = tpu.vector_load %arg15[%get3A_140, %get3A_141] {strides = array<i32>} : memref<32x128xf32, #tpu.memory_space<vmem>>, vector<16xf32>,
      %max3A_143 = arith.maximumf %max3A_138, %get3A_142 : vector<16xf32>
      %get3A_144 = arith.constant 8 : i32
      %get3A_145 = arith.index_cast %get3A_144 : i32 to index
      %get3A_146 = arith.constant 0 : index
      %get3A_147 = tpu.vector_load %arg15[%get3A_145, %get3A_146] {strides = array<i32>} : memref<32x128xf32, #tpu.memory_space<vmem>>, vector<16xf32>,
      %max3A_148 = arith.maximumf %max3A_143, %get3A_147 : vector<16xf32>
      %get3A_149 = arith.constant 9 : i32
      %get3A_150 = arith.index_cast %get3A_149 : i32 to index
      %get3A_151 = arith.constant 0 : index
      %get3A_152 = tpu.vector_load %arg15[%get3A_150, %get3A_151] {strides = array<i32>} : memref<32x128xf32, #tpu.memory_space<vmem>>, vector<16xf32>,
      %max3A_153 = arith.maximumf %max3A_148, %get3A_152 : vector<16xf32>
      %get3A_154 = arith.constant 10 : i32
      %get3A_155 = arith.index_cast %get3A_154 : i32 to index
      %get3A_156 = arith.constant 0 : index
      %get3A_157 = tpu.vector_load %arg15[%get3A_155, %get3A_156] {strides = array<i32>} : memref<32x128xf32, #tpu.memory_space<vmem>>, vector<16xf32>,
      %max3A_158 = arith.maximumf %max3A_153, %get3A_157 : vector<16xf32>
      %get3A_159 = arith.constant 11 : i32
      %get3A_160 = arith.index_cast %get3A_159 : i32 to index
      %get3A_161 = arith.constant 0 : index
      %get3A_162 = tpu.vector_load %arg15[%get3A_160, %get3A_161] {strides = array<i32>} : memref<32x128xf32, #tpu.memory_space<vmem>>, vector<16xf32>,
      %max3A_163 = arith.maximumf %max3A_158, %get3A_162 : vector<16xf32>
      %get3A_164 = arith.constant 12 : i32
      %get3A_165 = arith.index_cast %get3A_164 : i32 to index
      %get3A_166 = arith.constant 0 : index
      %get3A_167 = tpu.vector_load %arg15[%get3A_165, %get3A_166] {strides = array<i32>} : memref<32x128xf32, #tpu.memory_space<vmem>>, vector<16xf32>,
      %max3A_168 = arith.maximumf %max3A_163, %get3A_167 : vector<16xf32>
      %get3A_169 = arith.constant 13 : i32
      %get3A_170 = arith.index_cast %get3A_169 : i32 to index
      %get3A_171 = arith.constant 0 : index
      %get3A_172 = tpu.vector_load %arg15[%get3A_170, %get3A_171] {strides = array<i32>} : memref<32x128xf32, #tpu.memory_space<vmem>>, vector<16xf32>,
      %max3A_173 = arith.maximumf %max3A_168, %get3A_172 : vector<16xf32>
      %get3A_174 = arith.constant 14 : i32
      %get3A_175 = arith.index_cast %get3A_174 : i32 to index
      %get3A_176 = arith.constant 0 : index
      %get3A_177 = tpu.vector_load %arg15[%get3A_175, %get3A_176] {strides = array<i32>} : memref<32x128xf32, #tpu.memory_space<vmem>>, vector<16xf32>,
      %max3A_178 = arith.maximumf %max3A_173, %get3A_177 : vector<16xf32>
      %get3A_179 = arith.constant 15 : i32
      %get3A_180 = arith.index_cast %get3A_179 : i32 to index
      %get3A_181 = arith.constant 0 : index
      %get3A_182 = tpu.vector_load %arg15[%get3A_180, %get3A_181] {strides = array<i32>} : memref<32x128xf32, #tpu.memory_space<vmem>>, vector<16xf32>,
      %max3A_183 = arith.maximumf %max3A_178, %get3A_182 : vector<16xf32>
      %get3A_184 = arith.constant 16 : i32
      %get3A_185 = arith.index_cast %get3A_184 : i32 to index
      %get3A_186 = arith.constant 0 : index
      %get3A_187 = tpu.vector_load %arg15[%get3A_185, %get3A_186] {strides = array<i32>} : memref<32x128xf32, #tpu.memory_space<vmem>>, vector<16xf32>,
      %max3A_188 = arith.maximumf %max3A_183, %get3A_187 : vector<16xf32>
      %get3A_189 = arith.constant 17 : i32
      %get3A_190 = arith.index_cast %get3A_189 : i32 to index
      %get3A_191 = arith.constant 0 : index
      %get3A_192 = tpu.vector_load %arg15[%get3A_190, %get3A_191] {strides = array<i32>} : memref<32x128xf32, #tpu.memory_space<vmem>>, vector<16xf32>,
      %max3A_193 = arith.maximumf %max3A_188, %get3A_192 : vector<16xf32>
      %get3A_194 = arith.constant 18 : i32
      %get3A_195 = arith.index_cast %get3A_194 : i32 to index
      %get3A_196 = arith.constant 0 : index
      %get3A_197 = tpu.vector_load %arg15[%get3A_195, %get3A_196] {strides = array<i32>} : memref<32x128xf32, #tpu.memory_space<vmem>>, vector<16xf32>,
      %max3A_198 = arith.maximumf %max3A_193, %get3A_197 : vector<16xf32>
      %get3A_199 = arith.constant 19 : i32
      %get3A_200 = arith.index_cast %get3A_199 : i32 to index
      %get3A_201 = arith.constant 0 : index
      %get3A_202 = tpu.vector_load %arg15[%get3A_200, %get3A_201] {strides = array<i32>} : memref<32x128xf32, #tpu.memory_space<vmem>>, vector<16xf32>,
      %max3A_203 = arith.maximumf %max3A_198, %get3A_202 : vector<16xf32>
      %get3A_204 = arith.constant 20 : i32
      %get3A_205 = arith.index_cast %get3A_204 : i32 to index
      %get3A_206 = arith.constant 0 : index
      %get3A_207 = tpu.vector_load %arg15[%get3A_205, %get3A_206] {strides = array<i32>} : memref<32x128xf32, #tpu.memory_space<vmem>>, vector<16xf32>,
      %max3A_208 = arith.maximumf %max3A_203, %get3A_207 : vector<16xf32>
      %get3A_209 = arith.constant 21 : i32
      %get3A_210 = arith.index_cast %get3A_209 : i32 to index
      %get3A_211 = arith.constant 0 : index
      %get3A_212 = tpu.vector_load %arg15[%get3A_210, %get3A_211] {strides = array<i32>} : memref<32x128xf32, #tpu.memory_space<vmem>>, vector<16xf32>,
      %max3A_213 = arith.maximumf %max3A_208, %get3A_212 : vector<16xf32>
      %get3A_214 = arith.constant 22 : i32
      %get3A_215 = arith.index_cast %get3A_214 : i32 to index
      %get3A_216 = arith.constant 0 : index
      %get3A_217 = tpu.vector_load %arg15[%get3A_215, %get3A_216] {strides = array<i32>} : memref<32x128xf32, #tpu.memory_space<vmem>>, vector<16xf32>,
      %max3A_218 = arith.maximumf %max3A_213, %get3A_217 : vector<16xf32>
      %get3A_219 = arith.constant 23 : i32
      %get3A_220 = arith.index_cast %get3A_219 : i32 to index
      %get3A_221 = arith.constant 0 : index
      %get3A_222 = tpu.vector_load %arg15[%get3A_220, %get3A_221] {strides = array<i32>} : memref<32x128xf32, #tpu.memory_space<vmem>>, vector<16xf32>,
      %max3A_223 = arith.maximumf %max3A_218, %get3A_222 : vector<16xf32>
      %get3A_224 = arith.constant 24 : i32
      %get3A_225 = arith.index_cast %get3A_224 : i32 to index
      %get3A_226 = arith.constant 0 : index
      %get3A_227 = tpu.vector_load %arg15[%get3A_225, %get3A_226] {strides = array<i32>} : memref<32x128xf32, #tpu.memory_space<vmem>>, vector<16xf32>,
      %max3A_228 = arith.maximumf %max3A_223, %get3A_227 : vector<16xf32>
      %get3A_229 = arith.constant 25 : i32
      %get3A_230 = arith.index_cast %get3A_229 : i32 to index
      %get3A_231 = arith.constant 0 : index
      %get3A_232 = tpu.vector_load %arg15[%get3A_230, %get3A_231] {strides = array<i32>} : memref<32x128xf32, #tpu.memory_space<vmem>>, vector<16xf32>,
      %max3A_233 = arith.maximumf %max3A_228, %get3A_232 : vector<16xf32>
      %get3A_234 = arith.constant 26 : i32
      %get3A_235 = arith.index_cast %get3A_234 : i32 to index
      %get3A_236 = arith.constant 0 : index
      %get3A_237 = tpu.vector_load %arg15[%get3A_235, %get3A_236] {strides = array<i32>} : memref<32x128xf32, #tpu.memory_space<vmem>>, vector<16xf32>,
      %max3A_238 = arith.maximumf %max3A_233, %get3A_237 : vector<16xf32>
      %get3A_239 = arith.constant 27 : i32
      %get3A_240 = arith.index_cast %get3A_239 : i32 to index
      %get3A_241 = arith.constant 0 : index
      %get3A_242 = tpu.vector_load %arg15[%get3A_240, %get3A_241] {strides = array<i32>} : memref<32x128xf32, #tpu.memory_space<vmem>>, vector<16xf32>,
      %max3A_243 = arith.maximumf %max3A_238, %get3A_242 : vector<16xf32>
      %get3A_244 = arith.constant 28 : i32
      %get3A_245 = arith.index_cast %get3A_244 : i32 to index
      %get3A_246 = arith.constant 0 : index
      %get3A_247 = tpu.vector_load %arg15[%get3A_245, %get3A_246] {strides = array<i32>} : memref<32x128xf32, #tpu.memory_space<vmem>>, vector<16xf32>,
      %max3A_248 = arith.maximumf %max3A_243, %get3A_247 : vector<16xf32>
      %get3A_249 = arith.constant 29 : i32
      %get3A_250 = arith.index_cast %get3A_249 : i32 to index
      %get3A_251 = arith.constant 0 : index
      %get3A_252 = tpu.vector_load %arg15[%get3A_250, %get3A_251] {strides = array<i32>} : memref<32x128xf32, #tpu.memory_space<vmem>>, vector<16xf32>,
      %max3A_253 = arith.maximumf %max3A_248, %get3A_252 : vector<16xf32>
      %get3A_254 = arith.constant 30 : i32
      %get3A_255 = arith.index_cast %get3A_254 : i32 to index
      %get3A_256 = arith.constant 0 : index
      %get3A_257 = tpu.vector_load %arg15[%get3A_255, %get3A_256] {strides = array<i32>} : memref<32x128xf32, #tpu.memory_space<vmem>>, vector<16xf32>,
      %max3A_258 = arith.maximumf %max3A_253, %get3A_257 : vector<16xf32>
      %get3A_259 = arith.constant 31 : i32
      %get3A_260 = arith.index_cast %get3A_259 : i32 to index
      %get3A_261 = arith.constant 0 : index
      %get3A_262 = tpu.vector_load %arg15[%get3A_260, %get3A_261] {strides = array<i32>} : memref<32x128xf32, #tpu.memory_space<vmem>>, vector<16xf32>,
      %max3A_263 = arith.maximumf %max3A_258, %get3A_262 : vector<16xf32>
      %mul3A_264 = arith.constant 128 : i32
      %mul3A_265 = arith.muli %multiple_of3A_66, %mul3A_264 : i32
      %add3A_266 = arith.constant 0 : i32
      %add3A_267 = arith.addi %mul3A_265, %add3A_266 : i32
      %multiple_of3A_268 = tpu.assume_multiple %add3A_267, 16 : i32
      %swap3A_269 = arith.index_cast %multiple_of3A_268 : i32 to index
      %swap3A_270 = tpu.vector_load %arg18[%swap3A_269] {strides = array<i32>} : memref<32768xf32, #tpu.memory_space<vmem>>, vector<16xf32>,
      tpu.vector_store %arg18[%swap3A_269], %max3A_263 {strides = array<i32>} : memref<32768xf32, #tpu.memory_space<vmem>>, vector<16xf32>,
      %get3A_271 = arith.constant 0 : i32
      %get3A_272 = arith.index_cast %get3A_271 : i32 to index
      %get3A_273 = arith.constant 16 : index
      %get3A_274 = tpu.vector_load %arg15[%get3A_272, %get3A_273] {strides = array<i32>} : memref<32x128xf32, #tpu.memory_space<vmem>>, vector<16xf32>,
      %get3A_275 = arith.constant 1 : i32
      %get3A_276 = arith.index_cast %get3A_275 : i32 to index
      %get3A_277 = arith.constant 16 : index
      %get3A_278 = tpu.vector_load %arg15[%get3A_276, %get3A_277] {strides = array<i32>} : memref<32x128xf32, #tpu.memory_space<vmem>>, vector<16xf32>,
      %max3A_279 = arith.maximumf %get3A_274, %get3A_278 : vector<16xf32>
      %get3A_280 = arith.constant 2 : i32
      %get3A_281 = arith.index_cast %get3A_280 : i32 to index
      %get3A_282 = arith.constant 16 : index
      %get3A_283 = tpu.vector_load %arg15[%get3A_281, %get3A_282] {strides = array<i32>} : memref<32x128xf32, #tpu.memory_space<vmem>>, vector<16xf32>,
      %max3A_284 = arith.maximumf %max3A_279, %get3A_283 : vector<16xf32>
      %get3A_285 = arith.constant 3 : i32
      %get3A_286 = arith.index_cast %get3A_285 : i32 to index
      %get3A_287 = arith.constant 16 : index
      %get3A_288 = tpu.vector_load %arg15[%get3A_286, %get3A_287] {strides = array<i32>} : memref<32x128xf32, #tpu.memory_space<vmem>>, vector<16xf32>,
      %max3A_289 = arith.maximumf %max3A_284, %get3A_288 : vector<16xf32>
      %get3A_290 = arith.constant 4 : i32
      %get3A_291 = arith.index_cast %get3A_290 : i32 to index
      %get3A_292 = arith.constant 16 : index
      %get3A_293 = tpu.vector_load %arg15[%get3A_291, %get3A_292] {strides = array<i32>} : memref<32x128xf32, #tpu.memory_space<vmem>>, vector<16xf32>,
      %max3A_294 = arith.maximumf %max3A_289, %get3A_293 : vector<16xf32>
      %get3A_295 = arith.constant 5 : i32
      %get3A_296 = arith.index_cast %get3A_295 : i32 to index
      %get3A_297 = arith.constant 16 : index
      %get3A_298 = tpu.vector_load %arg15[%get3A_296, %get3A_297] {strides = array<i32>} : memref<32x128xf32, #tpu.memory_space<vmem>>, vector<16xf32>,
      %max3A_299 = arith.maximumf %max3A_294, %get3A_298 : vector<16xf32>
      %get3A_300 = arith.constant 6 : i32
      %get3A_301 = arith.index_cast %get3A_300 : i32 to index
      %get3A_302 = arith.constant 16 : index
      %get3A_303 = tpu.vector_load %arg15[%get3A_301, %get3A_302] {strides = array<i32>} : memref<32x128xf32, #tpu.memory_space<vmem>>, vector<16xf32>,
      %max3A_304 = arith.maximumf %max3A_299, %get3A_303 : vector<16xf32>
      %get3A_305 = arith.constant 7 : i32
      %get3A_306 = arith.index_cast %get3A_305 : i32 to index
      %get3A_307 = arith.constant 16 : index
      %get3A_308 = tpu.vector_load %arg15[%get3A_306, %get3A_307] {strides = array<i32>} : memref<32x128xf32, #tpu.memory_space<vmem>>, vector<16xf32>,
      %max3A_309 = arith.maximumf %max3A_304, %get3A_308 : vector<16xf32>
      %get3A_310 = arith.constant 8 : i32
      %get3A_311 = arith.index_cast %get3A_310 : i32 to index
      %get3A_312 = arith.constant 16 : index
      %get3A_313 = tpu.vector_load %arg15[%get3A_311, %get3A_312] {strides = array<i32>} : memref<32x128xf32, #tpu.memory_space<vmem>>, vector<16xf32>,
      %max3A_314 = arith.maximumf %max3A_309, %get3A_313 : vector<16xf32>
      %get3A_315 = arith.constant 9 : i32
      %get3A_316 = arith.index_cast %get3A_315 : i32 to index
      %get3A_317 = arith.constant 16 : index
      %get3A_318 = tpu.vector_load %arg15[%get3A_316, %get3A_317] {strides = array<i32>} : memref<32x128xf32, #tpu.memory_space<vmem>>, vector<16xf32>,
      %max3A_319 = arith.maximumf %max3A_314, %get3A_318 : vector<16xf32>
      %get3A_320 = arith.constant 10 : i32
      %get3A_321 = arith.index_cast %get3A_320 : i32 to index
      %get3A_322 = arith.constant 16 : index
      %get3A_323 = tpu.vector_load %arg15[%get3A_321, %get3A_322] {strides = array<i32>} : memref<32x128xf32, #tpu.memory_space<vmem>>, vector<16xf32>,
      %max3A_324 = arith.maximumf %max3A_319, %get3A_323 : vector<16xf32>
      %get3A_325 = arith.constant 11 : i32
      %get3A_326 = arith.index_cast %get3A_325 : i32 to index
      %get3A_327 = arith.constant 16 : index
      %get3A_328 = tpu.vector_load %arg15[%get3A_326, %get3A_327] {strides = array<i32>} : memref<32x128xf32, #tpu.memory_space<vmem>>, vector<16xf32>,
      %max3A_329 = arith.maximumf %max3A_324, %get3A_328 : vector<16xf32>
      %get3A_330 = arith.constant 12 : i32
      %get3A_331 = arith.index_cast %get3A_330 : i32 to index
      %get3A_332 = arith.constant 16 : index
      %get3A_333 = tpu.vector_load %arg15[%get3A_331, %get3A_332] {strides = array<i32>} : memref<32x128xf32, #tpu.memory_space<vmem>>, vector<16xf32>,
      %max3A_334 = arith.maximumf %max3A_329, %get3A_333 : vector<16xf32>
      %get3A_335 = arith.constant 13 : i32
      %get3A_336 = arith.index_cast %get3A_335 : i32 to index
      %get3A_337 = arith.constant 16 : index
      %get3A_338 = tpu.vector_load %arg15[%get3A_336, %get3A_337] {strides = array<i32>} : memref<32x128xf32, #tpu.memory_space<vmem>>, vector<16xf32>,
      %max3A_339 = arith.maximumf %max3A_334, %get3A_338 : vector<16xf32>
      %get3A_340 = arith.constant 14 : i32
      %get3A_341 = arith.index_cast %get3A_340 : i32 to index
      %get3A_342 = arith.constant 16 : index
      %get3A_343 = tpu.vector_load %arg15[%get3A_341, %get3A_342] {strides = array<i32>} : memref<32x128xf32, #tpu.memory_space<vmem>>, vector<16xf32>,
      %max3A_344 = arith.maximumf %max3A_339, %get3A_343 : vector<16xf32>
      %get3A_345 = arith.constant 15 : i32
      %get3A_346 = arith.index_cast %get3A_345 : i32 to index
      %get3A_347 = arith.constant 16 : index
      %get3A_348 = tpu.vector_load %arg15[%get3A_346, %get3A_347] {strides = array<i32>} : memref<32x128xf32, #tpu.memory_space<vmem>>, vector<16xf32>,
      %max3A_349 = arith.maximumf %max3A_344, %get3A_348 : vector<16xf32>
      %get3A_350 = arith.constant 16 : i32
      %get3A_351 = arith.index_cast %get3A_350 : i32 to index
      %get3A_352 = arith.constant 16 : index
      %get3A_353 = tpu.vector_load %arg15[%get3A_351, %get3A_352] {strides = array<i32>} : memref<32x128xf32, #tpu.memory_space<vmem>>, vector<16xf32>,
      %max3A_354 = arith.maximumf %max3A_349, %get3A_353 : vector<16xf32>
      %get3A_355 = arith.constant 17 : i32
      %get3A_356 = arith.index_cast %get3A_355 : i32 to index
      %get3A_357 = arith.constant 16 : index
      %get3A_358 = tpu.vector_load %arg15[%get3A_356, %get3A_357] {strides = array<i32>} : memref<32x128xf32, #tpu.memory_space<vmem>>, vector<16xf32>,
      %max3A_359 = arith.maximumf %max3A_354, %get3A_358 : vector<16xf32>
      %get3A_360 = arith.constant 18 : i32
      %get3A_361 = arith.index_cast %get3A_360 : i32 to index
      %get3A_362 = arith.constant 16 : index
      %get3A_363 = tpu.vector_load %arg15[%get3A_361, %get3A_362] {strides = array<i32>} : memref<32x128xf32, #tpu.memory_space<vmem>>, vector<16xf32>,
      %max3A_364 = arith.maximumf %max3A_359, %get3A_363 : vector<16xf32>
      %get3A_365 = arith.constant 19 : i32
      %get3A_366 = arith.index_cast %get3A_365 : i32 to index
      %get3A_367 = arith.constant 16 : index
      %get3A_368 = tpu.vector_load %arg15[%get3A_366, %get3A_367] {strides = array<i32>} : memref<32x128xf32, #tpu.memory_space<vmem>>, vector<16xf32>,
      %max3A_369 = arith.maximumf %max3A_364, %get3A_368 : vector<16xf32>
      %get3A_370 = arith.constant 20 : i32
      %get3A_371 = arith.index_cast %get3A_370 : i32 to index
      %get3A_372 = arith.constant 16 : index
      %get3A_373 = tpu.vector_load %arg15[%get3A_371, %get3A_372] {strides = array<i32>} : memref<32x128xf32, #tpu.memory_space<vmem>>, vector<16xf32>,
      %max3A_374 = arith.maximumf %max3A_369, %get3A_373 : vector<16xf32>
      %get3A_375 = arith.constant 21 : i32
      %get3A_376 = arith.index_cast %get3A_375 : i32 to index
      %get3A_377 = arith.constant 16 : index
      %get3A_378 = tpu.vector_load %arg15[%get3A_376, %get3A_377] {strides = array<i32>} : memref<32x128xf32, #tpu.memory_space<vmem>>, vector<16xf32>,
      %max3A_379 = arith.maximumf %max3A_374, %get3A_378 : vector<16xf32>
      %get3A_380 = arith.constant 22 : i32
      %get3A_381 = arith.index_cast %get3A_380 : i32 to index
      %get3A_382 = arith.constant 16 : index
      %get3A_383 = tpu.vector_load %arg15[%get3A_381, %get3A_382] {strides = array<i32>} : memref<32x128xf32, #tpu.memory_space<vmem>>, vector<16xf32>,
      %max3A_384 = arith.maximumf %max3A_379, %get3A_383 : vector<16xf32>
      %get3A_385 = arith.constant 23 : i32
      %get3A_386 = arith.index_cast %get3A_385 : i32 to index
      %get3A_387 = arith.constant 16 : index
      %get3A_388 = tpu.vector_load %arg15[%get3A_386, %get3A_387] {strides = array<i32>} : memref<32x128xf32, #tpu.memory_space<vmem>>, vector<16xf32>,
      %max3A_389 = arith.maximumf %max3A_384, %get3A_388 : vector<16xf32>
      %get3A_390 = arith.constant 24 : i32
      %get3A_391 = arith.index_cast %get3A_390 : i32 to index
      %get3A_392 = arith.constant 16 : index
      %get3A_393 = tpu.vector_load %arg15[%get3A_391, %get3A_392] {strides = array<i32>} : memref<32x128xf32, #tpu.memory_space<vmem>>, vector<16xf32>,
      %max3A_394 = arith.maximumf %max3A_389, %get3A_393 : vector<16xf32>
      %get3A_395 = arith.constant 25 : i32
      %get3A_396 = arith.index_cast %get3A_395 : i32 to index
      %get3A_397 = arith.constant 16 : index
      %get3A_398 = tpu.vector_load %arg15[%get3A_396, %get3A_397] {strides = array<i32>} : memref<32x128xf32, #tpu.memory_space<vmem>>, vector<16xf32>,
      %max3A_399 = arith.maximumf %max3A_394, %get3A_398 : vector<16xf32>
      %get3A_400 = arith.constant 26 : i32
      %get3A_401 = arith.index_cast %get3A_400 : i32 to index
      %get3A_402 = arith.constant 16 : index
      %get3A_403 = tpu.vector_load %arg15[%get3A_401, %get3A_402] {strides = array<i32>} : memref<32x128xf32, #tpu.memory_space<vmem>>, vector<16xf32>,
      %max3A_404 = arith.maximumf %max3A_399, %get3A_403 : vector<16xf32>
      %get3A_405 = arith.constant 27 : i32
      %get3A_406 = arith.index_cast %get3A_405 : i32 to index
      %get3A_407 = arith.constant 16 : index
      %get3A_408 = tpu.vector_load %arg15[%get3A_406, %get3A_407] {strides = array<i32>} : memref<32x128xf32, #tpu.memory_space<vmem>>, vector<16xf32>,
      %max3A_409 = arith.maximumf %max3A_404, %get3A_408 : vector<16xf32>
      %get3A_410 = arith.constant 28 : i32
      %get3A_411 = arith.index_cast %get3A_410 : i32 to index
      %get3A_412 = arith.constant 16 : index
      %get3A_413 = tpu.vector_load %arg15[%get3A_411, %get3A_412] {strides = array<i32>} : memref<32x128xf32, #tpu.memory_space<vmem>>, vector<16xf32>,
      %max3A_414 = arith.maximumf %max3A_409, %get3A_413 : vector<16xf32>
      %get3A_415 = arith.constant 29 : i32
      %get3A_416 = arith.index_cast %get3A_415 : i32 to index
      %get3A_417 = arith.constant 16 : index
      %get3A_418 = tpu.vector_load %arg15[%get3A_416, %get3A_417] {strides = array<i32>} : memref<32x128xf32, #tpu.memory_space<vmem>>, vector<16xf32>,
      %max3A_419 = arith.maximumf %max3A_414, %get3A_418 : vector<16xf32>
      %get3A_420 = arith.constant 30 : i32
      %get3A_421 = arith.index_cast %get3A_420 : i32 to index
      %get3A_422 = arith.constant 16 : index
      %get3A_423 = tpu.vector_load %arg15[%get3A_421, %get3A_422] {strides = array<i32>} : memref<32x128xf32, #tpu.memory_space<vmem>>, vector<16xf32>,
      %max3A_424 = arith.maximumf %max3A_419, %get3A_423 : vector<16xf32>
      %get3A_425 = arith.constant 31 : i32
      %get3A_426 = arith.index_cast %get3A_425 : i32 to index
      %get3A_427 = arith.constant 16 : index
      %get3A_428 = tpu.vector_load %arg15[%get3A_426, %get3A_427] {strides = array<i32>} : memref<32x128xf32, #tpu.memory_space<vmem>>, vector<16xf32>,
      %max3A_429 = arith.maximumf %max3A_424, %get3A_428 : vector<16xf32>
      %mul3A_430 = arith.constant 128 : i32
      %mul3A_431 = arith.muli %multiple_of3A_66, %mul3A_430 : i32
      %add3A_432 = arith.constant 16 : i32
      %add3A_433 = arith.addi %mul3A_431, %add3A_432 : i32
      %multiple_of3A_434 = tpu.assume_multiple %add3A_433, 16 : i32
      %swap3A_435 = arith.index_cast %multiple_of3A_434 : i32 to index
      %swap3A_436 = tpu.vector_load %arg18[%swap3A_435] {strides = array<i32>} : memref<32768xf32, #tpu.memory_space<vmem>>, vector<16xf32>,
      tpu.vector_store %arg18[%swap3A_435], %max3A_429 {strides = array<i32>} : memref<32768xf32, #tpu.memory_space<vmem>>, vector<16xf32>,
      %get3A_437 = arith.constant 0 : i32
      %get3A_438 = arith.index_cast %get3A_437 : i32 to index
      %get3A_439 = arith.constant 32 : index
      %get3A_440 = tpu.vector_load %arg15[%get3A_438, %get3A_439] {strides = array<i32>} : memref<32x128xf32, #tpu.memory_space<vmem>>, vector<16xf32>,
      %get3A_441 = arith.constant 1 : i32
      %get3A_442 = arith.index_cast %get3A_441 : i32 to index
      %get3A_443 = arith.constant 32 : index
      %get3A_444 = tpu.vector_load %arg15[%get3A_442, %get3A_443] {strides = array<i32>} : memref<32x128xf32, #tpu.memory_space<vmem>>, vector<16xf32>,
      %max3A_445 = arith.maximumf %get3A_440, %get3A_444 : vector<16xf32>
      %get3A_446 = arith.constant 2 : i32
      %get3A_447 = arith.index_cast %get3A_446 : i32 to index
      %get3A_448 = arith.constant 32 : index
      %get3A_449 = tpu.vector_load %arg15[%get3A_447, %get3A_448] {strides = array<i32>} : memref<32x128xf32, #tpu.memory_space<vmem>>, vector<16xf32>,
      %max3A_450 = arith.maximumf %max3A_445, %get3A_449 : vector<16xf32>
      %get3A_451 = arith.constant 3 : i32
      %get3A_452 = arith.index_cast %get3A_451 : i32 to index
      %get3A_453 = arith.constant 32 : index
      %get3A_454 = tpu.vector_load %arg15[%get3A_452, %get3A_453] {strides = array<i32>} : memref<32x128xf32, #tpu.memory_space<vmem>>, vector<16xf32>,
      %max3A_455 = arith.maximumf %max3A_450, %get3A_454 : vector<16xf32>
      %get3A_456 = arith.constant 4 : i32
      %get3A_457 = arith.index_cast %get3A_456 : i32 to index
      %get3A_458 = arith.constant 32 : index
      %get3A_459 = tpu.vector_load %arg15[%get3A_457, %get3A_458] {strides = array<i32>} : memref<32x128xf32, #tpu.memory_space<vmem>>, vector<16xf32>,
      %max3A_460 = arith.maximumf %max3A_455, %get3A_459 : vector<16xf32>
      %get3A_461 = arith.constant 5 : i32
      %get3A_462 = arith.index_cast %get3A_461 : i32 to index
      %get3A_463 = arith.constant 32 : index
      %get3A_464 = tpu.vector_load %arg15[%get3A_462, %get3A_463] {strides = array<i32>} : memref<32x128xf32, #tpu.memory_space<vmem>>, vector<16xf32>,
      %max3A_465 = arith.maximumf %max3A_460, %get3A_464 : vector<16xf32>
      %get3A_466 = arith.constant 6 : i32
      %get3A_467 = arith.index_cast %get3A_466 : i32 to index
      %get3A_468 = arith.constant 32 : index
      %get3A_469 = tpu.vector_load %arg15[%get3A_467, %get3A_468] {strides = array<i32>} : memref<32x128xf32, #tpu.memory_space<vmem>>, vector<16xf32>,
      %max3A_470 = arith.maximumf %max3A_465, %get3A_469 : vector<16xf32>
      %get3A_471 = arith.constant 7 : i32
      %get3A_472 = arith.index_cast %get3A_471 : i32 to index
      %get3A_473 = arith.constant 32 : index
      %get3A_474 = tpu.vector_load %arg15[%get3A_472, %get3A_473] {strides = array<i32>} : memref<32x128xf32, #tpu.memory_space<vmem>>, vector<16xf32>,
      %max3A_475 = arith.maximumf %max3A_470, %get3A_474 : vector<16xf32>
      %get3A_476 = arith.constant 8 : i32
      %get3A_477 = arith.index_cast %get3A_476 : i32 to index
      %get3A_478 = arith.constant 32 : index
      %get3A_479 = tpu.vector_load %arg15[%get3A_477, %get3A_478] {strides = array<i32>} : memref<32x128xf32, #tpu.memory_space<vmem>>, vector<16xf32>,
      %max3A_480 = arith.maximumf %max3A_475, %get3A_479 : vector<16xf32>
      %get3A_481 = arith.constant 9 : i32
      %get3A_482 = arith.index_cast %get3A_481 : i32 to index
      %get3A_483 = arith.constant 32 : index
      %get3A_484 = tpu.vector_load %arg15[%get3A_482, %get3A_483] {strides = array<i32>} : memref<32x128xf32, #tpu.memory_space<vmem>>, vector<16xf32>,
      %max3A_485 = arith.maximumf %max3A_480, %get3A_484 : vector<16xf32>
      %get3A_486 = arith.constant 10 : i32
      %get3A_487 = arith.index_cast %get3A_486 : i32 to index
      %get3A_488 = arith.constant 32 : index
      %get3A_489 = tpu.vector_load %arg15[%get3A_487, %get3A_488] {strides = array<i32>} : memref<32x128xf32, #tpu.memory_space<vmem>>, vector<16xf32>,
      %max3A_490 = arith.maximumf %max3A_485, %get3A_489 : vector<16xf32>
      %get3A_491 = arith.constant 11 : i32
      %get3A_492 = arith.index_cast %get3A_491 : i32 to index
      %get3A_493 = arith.constant 32 : index
      %get3A_494 = tpu.vector_load %arg15[%get3A_492, %get3A_493] {strides = array<i32>} : memref<32x128xf32, #tpu.memory_space<vmem>>, vector<16xf32>,
      %max3A_495 = arith.maximumf %max3A_490, %get3A_494 : vector<16xf32>
      %get3A_496 = arith.constant 12 : i32
      %get3A_497 = arith.index_cast %get3A_496 : i32 to index
      %get3A_498 = arith.constant 32 : index
      %get3A_499 = tpu.vector_load %arg15[%get3A_497, %get3A_498] {strides = array<i32>} : memref<32x128xf32, #tpu.memory_space<vmem>>, vector<16xf32>,
      %max3A_500 = arith.maximumf %max3A_495, %get3A_499 : vector<16xf32>
      %get3A_501 = arith.constant 13 : i32
      %get3A_502 = arith.index_cast %get3A_501 : i32 to index
      %get3A_503 = arith.constant 32 : index
      %get3A_504 = tpu.vector_load %arg15[%get3A_502, %get3A_503] {strides = array<i32>} : memref<32x128xf32, #tpu.memory_space<vmem>>, vector<16xf32>,
      %max3A_505 = arith.maximumf %max3A_500, %get3A_504 : vector<16xf32>
      %get3A_506 = arith.constant 14 : i32
      %get3A_507 = arith.index_cast %get3A_506 : i32 to index
      %get3A_508 = arith.constant 32 : index
      %get3A_509 = tpu.vector_load %arg15[%get3A_507, %get3A_508] {strides = array<i32>} : memref<32x128xf32, #tpu.memory_space<vmem>>, vector<16xf32>,
      %max3A_510 = arith.maximumf %max3A_505, %get3A_509 : vector<16xf32>
      %get3A_511 = arith.constant 15 : i32
      %get3A_512 = arith.index_cast %get3A_511 : i32 to index
      %get3A_513 = arith.constant 32 : index
      %get3A_514 = tpu.vector_load %arg15[%get3A_512, %get3A_513] {strides = array<i32>} : memref<32x128xf32, #tpu.memory_space<vmem>>, vector<16xf32>,
      %max3A_515 = arith.maximumf %max3A_510, %get3A_514 : vector<16xf32>
      %get3A_516 = arith.constant 16 : i32
      %get3A_517 = arith.index_cast %get3A_516 : i32 to index
      %get3A_518 = arith.constant 32 : index
      %get3A_519 = tpu.vector_load %arg15[%get3A_517, %get3A_518] {strides = array<i32>} : memref<32x128xf32, #tpu.memory_space<vmem>>, vector<16xf32>,
      %max3A_520 = arith.maximumf %max3A_515, %get3A_519 : vector<16xf32>
      %get3A_521 = arith.constant 17 : i32
      %get3A_522 = arith.index_cast %get3A_521 : i32 to index
      %get3A_523 = arith.constant 32 : index
      %get3A_524 = tpu.vector_load %arg15[%get3A_522, %get3A_523] {strides = array<i32>} : memref<32x128xf32, #tpu.memory_space<vmem>>, vector<16xf32>,
      %max3A_525 = arith.maximumf %max3A_520, %get3A_524 : vector<16xf32>
      %get3A_526 = arith.constant 18 : i32
      %get3A_527 = arith.index_cast %get3A_526 : i32 to index
      %get3A_528 = arith.constant 32 : index
      %get3A_529 = tpu.vector_load %arg15[%get3A_527, %get3A_528] {strides = array<i32>} : memref<32x128xf32, #tpu.memory_space<vmem>>, vector<16xf32>,
      %max3A_530 = arith.maximumf %max3A_525, %get3A_529 : vector<16xf32>
      %get3A_531 = arith.constant 19 : i32
      %get3A_532 = arith.index_cast %get3A_531 : i32 to index
      %get3A_533 = arith.constant 32 : index
      %get3A_534 = tpu.vector_load %arg15[%get3A_532, %get3A_533] {strides = array<i32>} : memref<32x128xf32, #tpu.memory_space<vmem>>, vector<16xf32>,
      %max3A_535 = arith.maximumf %max3A_530, %get3A_534 : vector<16xf32>
      %get3A_536 = arith.constant 20 : i32
      %get3A_537 = arith.index_cast %get3A_536 : i32 to index
      %get3A_538 = arith.constant 32 : index
      %get3A_539 = tpu.vector_load %arg15[%get3A_537, %get3A_538] {strides = array<i32>} : memref<32x128xf32, #tpu.memory_space<vmem>>, vector<16xf32>,
      %max3A_540 = arith.maximumf %max3A_535, %get3A_539 : vector<16xf32>
      %get3A_541 = arith.constant 21 : i32
      %get3A_542 = arith.index_cast %get3A_541 : i32 to index
      %get3A_543 = arith.constant 32 : index
      %get3A_544 = tpu.vector_load %arg15[%get3A_542, %get3A_543] {strides = array<i32>} : memref<32x128xf32, #tpu.memory_space<vmem>>, vector<16xf32>,
      %max3A_545 = arith.maximumf %max3A_540, %get3A_544 : vector<16xf32>
      %get3A_546 = arith.constant 22 : i32
      %get3A_547 = arith.index_cast %get3A_546 : i32 to index
      %get3A_548 = arith.constant 32 : index
      %get3A_549 = tpu.vector_load %arg15[%get3A_547, %get3A_548] {strides = array<i32>} : memref<32x128xf32, #tpu.memory_space<vmem>>, vector<16xf32>,
      %max3A_550 = arith.maximumf %max3A_545, %get3A_549 : vector<16xf32>
      %get3A_551 = arith.constant 23 : i32
      %get3A_552 = arith.index_cast %get3A_551 : i32 to index
      %get3A_553 = arith.constant 32 : index
      %get3A_554 = tpu.vector_load %arg15[%get3A_552, %get3A_553] {strides = array<i32>} : memref<32x128xf32, #tpu.memory_space<vmem>>, vector<16xf32>,
      %max3A_555 = arith.maximumf %max3A_550, %get3A_554 : vector<16xf32>
      %get3A_556 = arith.constant 24 : i32
      %get3A_557 = arith.index_cast %get3A_556 : i32 to index
      %get3A_558 = arith.constant 32 : index
      %get3A_559 = tpu.vector_load %arg15[%get3A_557, %get3A_558] {strides = array<i32>} : memref<32x128xf32, #tpu.memory_space<vmem>>, vector<16xf32>,
      %max3A_560 = arith.maximumf %max3A_555, %get3A_559 : vector<16xf32>
      %get3A_561 = arith.constant 25 : i32
      %get3A_562 = arith.index_cast %get3A_561 : i32 to index
      %get3A_563 = arith.constant 32 : index
      %get3A_564 = tpu.vector_load %arg15[%get3A_562, %get3A_563] {strides = array<i32>} : memref<32x128xf32, #tpu.memory_space<vmem>>, vector<16xf32>,
      %max3A_565 = arith.maximumf %max3A_560, %get3A_564 : vector<16xf32>
      %get3A_566 = arith.constant 26 : i32
      %get3A_567 = arith.index_cast %get3A_566 : i32 to index
      %get3A_568 = arith.constant 32 : index
      %get3A_569 = tpu.vector_load %arg15[%get3A_567, %get3A_568] {strides = array<i32>} : memref<32x128xf32, #tpu.memory_space<vmem>>, vector<16xf32>,
      %max3A_570 = arith.maximumf %max3A_565, %get3A_569 : vector<16xf32>
      %get3A_571 = arith.constant 27 : i32
      %get3A_572 = arith.index_cast %get3A_571 : i32 to index
      %get3A_573 = arith.constant 32 : index
      %get3A_574 = tpu.vector_load %arg15[%get3A_572, %get3A_573] {strides = array<i32>} : memref<32x128xf32, #tpu.memory_space<vmem>>, vector<16xf32>,
      %max3A_575 = arith.maximumf %max3A_570, %get3A_574 : vector<16xf32>
      %get3A_576 = arith.constant 28 : i32
      %get3A_577 = arith.index_cast %get3A_576 : i32 to index
      %get3A_578 = arith.constant 32 : index
      %get3A_579 = tpu.vector_load %arg15[%get3A_577, %get3A_578] {strides = array<i32>} : memref<32x128xf32, #tpu.memory_space<vmem>>, vector<16xf32>,
      %max3A_580 = arith.maximumf %max3A_575, %get3A_579 : vector<16xf32>
      %get3A_581 = arith.constant 29 : i32
      %get3A_582 = arith.index_cast %get3A_581 : i32 to index
      %get3A_583 = arith.constant 32 : index
      %get3A_584 = tpu.vector_load %arg15[%get3A_582, %get3A_583] {strides = array<i32>} : memref<32x128xf32, #tpu.memory_space<vmem>>, vector<16xf32>,
      %max3A_585 = arith.maximumf %max3A_580, %get3A_584 : vector<16xf32>
      %get3A_586 = arith.constant 30 : i32
      %get3A_587 = arith.index_cast %get3A_586 : i32 to index
      %get3A_588 = arith.constant 32 : index
      %get3A_589 = tpu.vector_load %arg15[%get3A_587, %get3A_588] {strides = array<i32>} : memref<32x128xf32, #tpu.memory_space<vmem>>, vector<16xf32>,
      %max3A_590 = arith.maximumf %max3A_585, %get3A_589 : vector<16xf32>
      %get3A_591 = arith.constant 31 : i32
      %get3A_592 = arith.index_cast %get3A_591 : i32 to index
      %get3A_593 = arith.constant 32 : index
      %get3A_594 = tpu.vector_load %arg15[%get3A_592, %get3A_593] {strides = array<i32>} : memref<32x128xf32, #tpu.memory_space<vmem>>, vector<16xf32>,
      %max3A_595 = arith.maximumf %max3A_590, %get3A_594 : vector<16xf32>
      %mul3A_596 = arith.constant 128 : i32
      %mul3A_597 = arith.muli %multiple_of3A_66, %mul3A_596 : i32
      %add3A_598 = arith.constant 32 : i32
      %add3A_599 = arith.addi %mul3A_597, %add3A_598 : i32
      %multiple_of3A_600 = tpu.assume_multiple %add3A_599, 16 : i32
      %swap3A_601 = arith.index_cast %multiple_of3A_600 : i32 to index
      %swap3A_602 = tpu.vector_load %arg18[%swap3A_601] {strides = array<i32>} : memref<32768xf32, #tpu.memory_space<vmem>>, vector<16xf32>,
      tpu.vector_store %arg18[%swap3A_601], %max3A_595 {strides = array<i32>} : memref<32768xf32, #tpu.memory_space<vmem>>, vector<16xf32>,
      %get3A_603 = arith.constant 0 : i32
      %get3A_604 = arith.index_cast %get3A_603 : i32 to index
      %get3A_605 = arith.constant 48 : index
      %get3A_606 = tpu.vector_load %arg15[%get3A_604, %get3A_605] {strides = array<i32>} : memref<32x128xf32, #tpu.memory_space<vmem>>, vector<16xf32>,
      %get3A_607 = arith.constant 1 : i32
      %get3A_608 = arith.index_cast %get3A_607 : i32 to index
      %get3A_609 = arith.constant 48 : index
      %get3A_610 = tpu.vector_load %arg15[%get3A_608, %get3A_609] {strides = array<i32>} : memref<32x128xf32, #tpu.memory_space<vmem>>, vector<16xf32>,
      %max3A_611 = arith.maximumf %get3A_606, %get3A_610 : vector<16xf32>
      %get3A_612 = arith.constant 2 : i32
      %get3A_613 = arith.index_cast %get3A_612 : i32 to index
      %get3A_614 = arith.constant 48 : index
      %get3A_615 = tpu.vector_load %arg15[%get3A_613, %get3A_614] {strides = array<i32>} : memref<32x128xf32, #tpu.memory_space<vmem>>, vector<16xf32>,
      %max3A_616 = arith.maximumf %max3A_611, %get3A_615 : vector<16xf32>
      %get3A_617 = arith.constant 3 : i32
      %get3A_618 = arith.index_cast %get3A_617 : i32 to index
      %get3A_619 = arith.constant 48 : index
      %get3A_620 = tpu.vector_load %arg15[%get3A_618, %get3A_619] {strides = array<i32>} : memref<32x128xf32, #tpu.memory_space<vmem>>, vector<16xf32>,
      %max3A_621 = arith.maximumf %max3A_616, %get3A_620 : vector<16xf32>
      %get3A_622 = arith.constant 4 : i32
      %get3A_623 = arith.index_cast %get3A_622 : i32 to index
      %get3A_624 = arith.constant 48 : index
      %get3A_625 = tpu.vector_load %arg15[%get3A_623, %get3A_624] {strides = array<i32>} : memref<32x128xf32, #tpu.memory_space<vmem>>, vector<16xf32>,
      %max3A_626 = arith.maximumf %max3A_621, %get3A_625 : vector<16xf32>
      %get3A_627 = arith.constant 5 : i32
      %get3A_628 = arith.index_cast %get3A_627 : i32 to index
      %get3A_629 = arith.constant 48 : index
      %get3A_630 = tpu.vector_load %arg15[%get3A_628, %get3A_629] {strides = array<i32>} : memref<32x128xf32, #tpu.memory_space<vmem>>, vector<16xf32>,
      %max3A_631 = arith.maximumf %max3A_626, %get3A_630 : vector<16xf32>
      %get3A_632 = arith.constant 6 : i32
      %get3A_633 = arith.index_cast %get3A_632 : i32 to index
      %get3A_634 = arith.constant 48 : index
      %get3A_635 = tpu.vector_load %arg15[%get3A_633, %get3A_634] {strides = array<i32>} : memref<32x128xf32, #tpu.memory_space<vmem>>, vector<16xf32>,
      %max3A_636 = arith.maximumf %max3A_631, %get3A_635 : vector<16xf32>
      %get3A_637 = arith.constant 7 : i32
      %get3A_638 = arith.index_cast %get3A_637 : i32 to index
      %get3A_639 = arith.constant 48 : index
      %get3A_640 = tpu.vector_load %arg15[%get3A_638, %get3A_639] {strides = array<i32>} : memref<32x128xf32, #tpu.memory_space<vmem>>, vector<16xf32>,
      %max3A_641 = arith.maximumf %max3A_636, %get3A_640 : vector<16xf32>
      %get3A_642 = arith.constant 8 : i32
      %get3A_643 = arith.index_cast %get3A_642 : i32 to index
      %get3A_644 = arith.constant 48 : index
      %get3A_645 = tpu.vector_load %arg15[%get3A_643, %get3A_644] {strides = array<i32>} : memref<32x128xf32, #tpu.memory_space<vmem>>, vector<16xf32>,
      %max3A_646 = arith.maximumf %max3A_641, %get3A_645 : vector<16xf32>
      %get3A_647 = arith.constant 9 : i32
      %get3A_648 = arith.index_cast %get3A_647 : i32 to index
      %get3A_649 = arith.constant 48 : index
      %get3A_650 = tpu.vector_load %arg15[%get3A_648, %get3A_649] {strides = array<i32>} : memref<32x128xf32, #tpu.memory_space<vmem>>, vector<16xf32>,
      %max3A_651 = arith.maximumf %max3A_646, %get3A_650 : vector<16xf32>
      %get3A_652 = arith.constant 10 : i32
      %get3A_653 = arith.index_cast %get3A_652 : i32 to index
      %get3A_654 = arith.constant 48 : index
      %get3A_655 = tpu.vector_load %arg15[%get3A_653, %get3A_654] {strides = array<i32>} : memref<32x128xf32, #tpu.memory_space<vmem>>, vector<16xf32>,
      %max3A_656 = arith.maximumf %max3A_651, %get3A_655 : vector<16xf32>
      %get3A_657 = arith.constant 11 : i32
      %get3A_658 = arith.index_cast %get3A_657 : i32 to index
      %get3A_659 = arith.constant 48 : index
      %get3A_660 = tpu.vector_load %arg15[%get3A_658, %get3A_659] {strides = array<i32>} : memref<32x128xf32, #tpu.memory_space<vmem>>, vector<16xf32>,
      %max3A_661 = arith.maximumf %max3A_656, %get3A_660 : vector<16xf32>
      %get3A_662 = arith.constant 12 : i32
      %get3A_663 = arith.index_cast %get3A_662 : i32 to index
      %get3A_664 = arith.constant 48 : index
      %get3A_665 = tpu.vector_load %arg15[%get3A_663, %get3A_664] {strides = array<i32>} : memref<32x128xf32, #tpu.memory_space<vmem>>, vector<16xf32>,
      %max3A_666 = arith.maximumf %max3A_661, %get3A_665 : vector<16xf32>
      %get3A_667 = arith.constant 13 : i32
      %get3A_668 = arith.index_cast %get3A_667 : i32 to index
      %get3A_669 = arith.constant 48 : index
      %get3A_670 = tpu.vector_load %arg15[%get3A_668, %get3A_669] {strides = array<i32>} : memref<32x128xf32, #tpu.memory_space<vmem>>, vector<16xf32>,
      %max3A_671 = arith.maximumf %max3A_666, %get3A_670 : vector<16xf32>
      %get3A_672 = arith.constant 14 : i32
      %get3A_673 = arith.index_cast %get3A_672 : i32 to index
      %get3A_674 = arith.constant 48 : index
      %get3A_675 = tpu.vector_load %arg15[%get3A_673, %get3A_674] {strides = array<i32>} : memref<32x128xf32, #tpu.memory_space<vmem>>, vector<16xf32>,
      %max3A_676 = arith.maximumf %max3A_671, %get3A_675 : vector<16xf32>
      %get3A_677 = arith.constant 15 : i32
      %get3A_678 = arith.index_cast %get3A_677 : i32 to index
      %get3A_679 = arith.constant 48 : index
      %get3A_680 = tpu.vector_load %arg15[%get3A_678, %get3A_679] {strides = array<i32>} : memref<32x128xf32, #tpu.memory_space<vmem>>, vector<16xf32>,
      %max3A_681 = arith.maximumf %max3A_676, %get3A_680 : vector<16xf32>
      %get3A_682 = arith.constant 16 : i32
      %get3A_683 = arith.index_cast %get3A_682 : i32 to index
      %get3A_684 = arith.constant 48 : index
      %get3A_685 = tpu.vector_load %arg15[%get3A_683, %get3A_684] {strides = array<i32>} : memref<32x128xf32, #tpu.memory_space<vmem>>, vector<16xf32>,
      %max3A_686 = arith.maximumf %max3A_681, %get3A_685 : vector<16xf32>
      %get3A_687 = arith.constant 17 : i32
      %get3A_688 = arith.index_cast %get3A_687 : i32 to index
      %get3A_689 = arith.constant 48 : index
      %get3A_690 = tpu.vector_load %arg15[%get3A_688, %get3A_689] {strides = array<i32>} : memref<32x128xf32, #tpu.memory_space<vmem>>, vector<16xf32>,
      %max3A_691 = arith.maximumf %max3A_686, %get3A_690 : vector<16xf32>
      %get3A_692 = arith.constant 18 : i32
      %get3A_693 = arith.index_cast %get3A_692 : i32 to index
      %get3A_694 = arith.constant 48 : index
      %get3A_695 = tpu.vector_load %arg15[%get3A_693, %get3A_694] {strides = array<i32>} : memref<32x128xf32, #tpu.memory_space<vmem>>, vector<16xf32>,
      %max3A_696 = arith.maximumf %max3A_691, %get3A_695 : vector<16xf32>
      %get3A_697 = arith.constant 19 : i32
      %get3A_698 = arith.index_cast %get3A_697 : i32 to index
      %get3A_699 = arith.constant 48 : index
      %get3A_700 = tpu.vector_load %arg15[%get3A_698, %get3A_699] {strides = array<i32>} : memref<32x128xf32, #tpu.memory_space<vmem>>, vector<16xf32>,
      %max3A_701 = arith.maximumf %max3A_696, %get3A_700 : vector<16xf32>
      %get3A_702 = arith.constant 20 : i32
      %get3A_703 = arith.index_cast %get3A_702 : i32 to index
      %get3A_704 = arith.constant 48 : index
      %get3A_705 = tpu.vector_load %arg15[%get3A_703, %get3A_704] {strides = array<i32>} : memref<32x128xf32, #tpu.memory_space<vmem>>, vector<16xf32>,
      %max3A_706 = arith.maximumf %max3A_701, %get3A_705 : vector<16xf32>
      %get3A_707 = arith.constant 21 : i32
      %get3A_708 = arith.index_cast %get3A_707 : i32 to index
      %get3A_709 = arith.constant 48 : index
      %get3A_710 = tpu.vector_load %arg15[%get3A_708, %get3A_709] {strides = array<i32>} : memref<32x128xf32, #tpu.memory_space<vmem>>, vector<16xf32>,
      %max3A_711 = arith.maximumf %max3A_706, %get3A_710 : vector<16xf32>
      %get3A_712 = arith.constant 22 : i32
      %get3A_713 = arith.index_cast %get3A_712 : i32 to index
      %get3A_714 = arith.constant 48 : index
      %get3A_715 = tpu.vector_load %arg15[%get3A_713, %get3A_714] {strides = array<i32>} : memref<32x128xf32, #tpu.memory_space<vmem>>, vector<16xf32>,
      %max3A_716 = arith.maximumf %max3A_711, %get3A_715 : vector<16xf32>
      %get3A_717 = arith.constant 23 : i32
      %get3A_718 = arith.index_cast %get3A_717 : i32 to index
      %get3A_719 = arith.constant 48 : index
      %get3A_720 = tpu.vector_load %arg15[%get3A_718, %get3A_719] {strides = array<i32>} : memref<32x128xf32, #tpu.memory_space<vmem>>, vector<16xf32>,
      %max3A_721 = arith.maximumf %max3A_716, %get3A_720 : vector<16xf32>
      %get3A_722 = arith.constant 24 : i32
      %get3A_723 = arith.index_cast %get3A_722 : i32 to index
      %get3A_724 = arith.constant 48 : index
      %get3A_725 = tpu.vector_load %arg15[%get3A_723, %get3A_724] {strides = array<i32>} : memref<32x128xf32, #tpu.memory_space<vmem>>, vector<16xf32>,
      %max3A_726 = arith.maximumf %max3A_721, %get3A_725 : vector<16xf32>
      %get3A_727 = arith.constant 25 : i32
      %get3A_728 = arith.index_cast %get3A_727 : i32 to index
      %get3A_729 = arith.constant 48 : index
      %get3A_730 = tpu.vector_load %arg15[%get3A_728, %get3A_729] {strides = array<i32>} : memref<32x128xf32, #tpu.memory_space<vmem>>, vector<16xf32>,
      %max3A_731 = arith.maximumf %max3A_726, %get3A_730 : vector<16xf32>
      %get3A_732 = arith.constant 26 : i32
      %get3A_733 = arith.index_cast %get3A_732 : i32 to index
      %get3A_734 = arith.constant 48 : index
      %get3A_735 = tpu.vector_load %arg15[%get3A_733, %get3A_734] {strides = array<i32>} : memref<32x128xf32, #tpu.memory_space<vmem>>, vector<16xf32>,
      %max3A_736 = arith.maximumf %max3A_731, %get3A_735 : vector<16xf32>
      %get3A_737 = arith.constant 27 : i32
      %get3A_738 = arith.index_cast %get3A_737 : i32 to index
      %get3A_739 = arith.constant 48 : index
      %get3A_740 = tpu.vector_load %arg15[%get3A_738, %get3A_739] {strides = array<i32>} : memref<32x128xf32, #tpu.memory_space<vmem>>, vector<16xf32>,
      %max3A_741 = arith.maximumf %max3A_736, %get3A_740 : vector<16xf32>
      %get3A_742 = arith.constant 28 : i32
      %get3A_743 = arith.index_cast %get3A_742 : i32 to index
      %get3A_744 = arith.constant 48 : index
      %get3A_745 = tpu.vector_load %arg15[%get3A_743, %get3A_744] {strides = array<i32>} : memref<32x128xf32, #tpu.memory_space<vmem>>, vector<16xf32>,
      %max3A_746 = arith.maximumf %max3A_741, %get3A_745 : vector<16xf32>
      %get3A_747 = arith.constant 29 : i32
      %get3A_748 = arith.index_cast %get3A_747 : i32 to index
      %get3A_749 = arith.constant 48 : index
      %get3A_750 = tpu.vector_load %arg15[%get3A_748, %get3A_749] {strides = array<i32>} : memref<32x128xf32, #tpu.memory_space<vmem>>, vector<16xf32>,
      %max3A_751 = arith.maximumf %max3A_746, %get3A_750 : vector<16xf32>
      %get3A_752 = arith.constant 30 : i32
      %get3A_753 = arith.index_cast %get3A_752 : i32 to index
      %get3A_754 = arith.constant 48 : index
      %get3A_755 = tpu.vector_load %arg15[%get3A_753, %get3A_754] {strides = array<i32>} : memref<32x128xf32, #tpu.memory_space<vmem>>, vector<16xf32>,
      %max3A_756 = arith.maximumf %max3A_751, %get3A_755 : vector<16xf32>
      %get3A_757 = arith.constant 31 : i32
      %get3A_758 = arith.index_cast %get3A_757 : i32 to index
      %get3A_759 = arith.constant 48 : index
      %get3A_760 = tpu.vector_load %arg15[%get3A_758, %get3A_759] {strides = array<i32>} : memref<32x128xf32, #tpu.memory_space<vmem>>, vector<16xf32>,
      %max3A_761 = arith.maximumf %max3A_756, %get3A_760 : vector<16xf32>
      %mul3A_762 = arith.constant 128 : i32
      %mul3A_763 = arith.muli %multiple_of3A_66, %mul3A_762 : i32
      %add3A_764 = arith.constant 48 : i32
      %add3A_765 = arith.addi %mul3A_763, %add3A_764 : i32
      %multiple_of3A_766 = tpu.assume_multiple %add3A_765, 16 : i32
      %swap3A_767 = arith.index_cast %multiple_of3A_766 : i32 to index
      %swap3A_768 = tpu.vector_load %arg18[%swap3A_767] {strides = array<i32>} : memref<32768xf32, #tpu.memory_space<vmem>>, vector<16xf32>,
      tpu.vector_store %arg18[%swap3A_767], %max3A_761 {strides = array<i32>} : memref<32768xf32, #tpu.memory_space<vmem>>, vector<16xf32>,
      %get3A_769 = arith.constant 0 : i32
      %get3A_770 = arith.index_cast %get3A_769 : i32 to index
      %get3A_771 = arith.constant 64 : index
      %get3A_772 = tpu.vector_load %arg15[%get3A_770, %get3A_771] {strides = array<i32>} : memref<32x128xf32, #tpu.memory_space<vmem>>, vector<16xf32>,
      %get3A_773 = arith.constant 1 : i32
      %get3A_774 = arith.index_cast %get3A_773 : i32 to index
      %get3A_775 = arith.constant 64 : index
      %get3A_776 = tpu.vector_load %arg15[%get3A_774, %get3A_775] {strides = array<i32>} : memref<32x128xf32, #tpu.memory_space<vmem>>, vector<16xf32>,
      %max3A_777 = arith.maximumf %get3A_772, %get3A_776 : vector<16xf32>
      %get3A_778 = arith.constant 2 : i32
      %get3A_779 = arith.index_cast %get3A_778 : i32 to index
      %get3A_780 = arith.constant 64 : index
      %get3A_781 = tpu.vector_load %arg15[%get3A_779, %get3A_780] {strides = array<i32>} : memref<32x128xf32, #tpu.memory_space<vmem>>, vector<16xf32>,
      %max3A_782 = arith.maximumf %max3A_777, %get3A_781 : vector<16xf32>
      %get3A_783 = arith.constant 3 : i32
      %get3A_784 = arith.index_cast %get3A_783 : i32 to index
      %get3A_785 = arith.constant 64 : index
      %get3A_786 = tpu.vector_load %arg15[%get3A_784, %get3A_785] {strides = array<i32>} : memref<32x128xf32, #tpu.memory_space<vmem>>, vector<16xf32>,
      %max3A_787 = arith.maximumf %max3A_782, %get3A_786 : vector<16xf32>
      %get3A_788 = arith.constant 4 : i32
      %get3A_789 = arith.index_cast %get3A_788 : i32 to index
      %get3A_790 = arith.constant 64 : index
      %get3A_791 = tpu.vector_load %arg15[%get3A_789, %get3A_790] {strides = array<i32>} : memref<32x128xf32, #tpu.memory_space<vmem>>, vector<16xf32>,
      %max3A_792 = arith.maximumf %max3A_787, %get3A_791 : vector<16xf32>
      %get3A_793 = arith.constant 5 : i32
      %get3A_794 = arith.index_cast %get3A_793 : i32 to index
      %get3A_795 = arith.constant 64 : index
      %get3A_796 = tpu.vector_load %arg15[%get3A_794, %get3A_795] {strides = array<i32>} : memref<32x128xf32, #tpu.memory_space<vmem>>, vector<16xf32>,
      %max3A_797 = arith.maximumf %max3A_792, %get3A_796 : vector<16xf32>
      %get3A_798 = arith.constant 6 : i32
      %get3A_799 = arith.index_cast %get3A_798 : i32 to index
      %get3A_800 = arith.constant 64 : index
      %get3A_801 = tpu.vector_load %arg15[%get3A_799, %get3A_800] {strides = array<i32>} : memref<32x128xf32, #tpu.memory_space<vmem>>, vector<16xf32>,
      %max3A_802 = arith.maximumf %max3A_797, %get3A_801 : vector<16xf32>
      %get3A_803 = arith.constant 7 : i32
      %get3A_804 = arith.index_cast %get3A_803 : i32 to index
      %get3A_805 = arith.constant 64 : index
      %get3A_806 = tpu.vector_load %arg15[%get3A_804, %get3A_805] {strides = array<i32>} : memref<32x128xf32, #tpu.memory_space<vmem>>, vector<16xf32>,
      %max3A_807 = arith.maximumf %max3A_802, %get3A_806 : vector<16xf32>
      %get3A_808 = arith.constant 8 : i32
      %get3A_809 = arith.index_cast %get3A_808 : i32 to index
      %get3A_810 = arith.constant 64 : index
      %get3A_811 = tpu.vector_load %arg15[%get3A_809, %get3A_810] {strides = array<i32>} : memref<32x128xf32, #tpu.memory_space<vmem>>, vector<16xf32>,
      %max3A_812 = arith.maximumf %max3A_807, %get3A_811 : vector<16xf32>
      %get3A_813 = arith.constant 9 : i32
      %get3A_814 = arith.index_cast %get3A_813 : i32 to index
      %get3A_815 = arith.constant 64 : index
      %get3A_816 = tpu.vector_load %arg15[%get3A_814, %get3A_815] {strides = array<i32>} : memref<32x128xf32, #tpu.memory_space<vmem>>, vector<16xf32>,
      %max3A_817 = arith.maximumf %max3A_812, %get3A_816 : vector<16xf32>
      %get3A_818 = arith.constant 10 : i32
      %get3A_819 = arith.index_cast %get3A_818 : i32 to index
      %get3A_820 = arith.constant 64 : index
      %get3A_821 = tpu.vector_load %arg15[%get3A_819, %get3A_820] {strides = array<i32>} : memref<32x128xf32, #tpu.memory_space<vmem>>, vector<16xf32>,
      %max3A_822 = arith.maximumf %max3A_817, %get3A_821 : vector<16xf32>
      %get3A_823 = arith.constant 11 : i32
      %get3A_824 = arith.index_cast %get3A_823 : i32 to index
      %get3A_825 = arith.constant 64 : index
      %get3A_826 = tpu.vector_load %arg15[%get3A_824, %get3A_825] {strides = array<i32>} : memref<32x128xf32, #tpu.memory_space<vmem>>, vector<16xf32>,
      %max3A_827 = arith.maximumf %max3A_822, %get3A_826 : vector<16xf32>
      %get3A_828 = arith.constant 12 : i32
      %get3A_829 = arith.index_cast %get3A_828 : i32 to index
      %get3A_830 = arith.constant 64 : index
      %get3A_831 = tpu.vector_load %arg15[%get3A_829, %get3A_830] {strides = array<i32>} : memref<32x128xf32, #tpu.memory_space<vmem>>, vector<16xf32>,
      %max3A_832 = arith.maximumf %max3A_827, %get3A_831 : vector<16xf32>
      %get3A_833 = arith.constant 13 : i32
      %get3A_834 = arith.index_cast %get3A_833 : i32 to index
      %get3A_835 = arith.constant 64 : index
      %get3A_836 = tpu.vector_load %arg15[%get3A_834, %get3A_835] {strides = array<i32>} : memref<32x128xf32, #tpu.memory_space<vmem>>, vector<16xf32>,
      %max3A_837 = arith.maximumf %max3A_832, %get3A_836 : vector<16xf32>
      %get3A_838 = arith.constant 14 : i32
      %get3A_839 = arith.index_cast %get3A_838 : i32 to index
      %get3A_840 = arith.constant 64 : index
      %get3A_841 = tpu.vector_load %arg15[%get3A_839, %get3A_840] {strides = array<i32>} : memref<32x128xf32, #tpu.memory_space<vmem>>, vector<16xf32>,
      %max3A_842 = arith.maximumf %max3A_837, %get3A_841 : vector<16xf32>
      %get3A_843 = arith.constant 15 : i32
      %get3A_844 = arith.index_cast %get3A_843 : i32 to index
      %get3A_845 = arith.constant 64 : index
      %get3A_846 = tpu.vector_load %arg15[%get3A_844, %get3A_845] {strides = array<i32>} : memref<32x128xf32, #tpu.memory_space<vmem>>, vector<16xf32>,
      %max3A_847 = arith.maximumf %max3A_842, %get3A_846 : vector<16xf32>
      %get3A_848 = arith.constant 16 : i32
      %get3A_849 = arith.index_cast %get3A_848 : i32 to index
      %get3A_850 = arith.constant 64 : index
      %get3A_851 = tpu.vector_load %arg15[%get3A_849, %get3A_850] {strides = array<i32>} : memref<32x128xf32, #tpu.memory_space<vmem>>, vector<16xf32>,
      %max3A_852 = arith.maximumf %max3A_847, %get3A_851 : vector<16xf32>
      %get3A_853 = arith.constant 17 : i32
      %get3A_854 = arith.index_cast %get3A_853 : i32 to index
      %get3A_855 = arith.constant 64 : index
      %get3A_856 = tpu.vector_load %arg15[%get3A_854, %get3A_855] {strides = array<i32>} : memref<32x128xf32, #tpu.memory_space<vmem>>, vector<16xf32>,
      %max3A_857 = arith.maximumf %max3A_852, %get3A_856 : vector<16xf32>
      %get3A_858 = arith.constant 18 : i32
      %get3A_859 = arith.index_cast %get3A_858 : i32 to index
      %get3A_860 = arith.constant 64 : index
      %get3A_861 = tpu.vector_load %arg15[%get3A_859, %get3A_860] {strides = array<i32>} : memref<32x128xf32, #tpu.memory_space<vmem>>, vector<16xf32>,
      %max3A_862 = arith.maximumf %max3A_857, %get3A_861 : vector<16xf32>
      %get3A_863 = arith.constant 19 : i32
      %get3A_864 = arith.index_cast %get3A_863 : i32 to index
      %get3A_865 = arith.constant 64 : index
      %get3A_866 = tpu.vector_load %arg15[%get3A_864, %get3A_865] {strides = array<i32>} : memref<32x128xf32, #tpu.memory_space<vmem>>, vector<16xf32>,
      %max3A_867 = arith.maximumf %max3A_862, %get3A_866 : vector<16xf32>
      %get3A_868 = arith.constant 20 : i32
      %get3A_869 = arith.index_cast %get3A_868 : i32 to index
      %get3A_870 = arith.constant 64 : index
      %get3A_871 = tpu.vector_load %arg15[%get3A_869, %get3A_870] {strides = array<i32>} : memref<32x128xf32, #tpu.memory_space<vmem>>, vector<16xf32>,
      %max3A_872 = arith.maximumf %max3A_867, %get3A_871 : vector<16xf32>
      %get3A_873 = arith.constant 21 : i32
      %get3A_874 = arith.index_cast %get3A_873 : i32 to index
      %get3A_875 = arith.constant 64 : index
      %get3A_876 = tpu.vector_load %arg15[%get3A_874, %get3A_875] {strides = array<i32>} : memref<32x128xf32, #tpu.memory_space<vmem>>, vector<16xf32>,
      %max3A_877 = arith.maximumf %max3A_872, %get3A_876 : vector<16xf32>
      %get3A_878 = arith.constant 22 : i32
      %get3A_879 = arith.index_cast %get3A_878 : i32 to index
      %get3A_880 = arith.constant 64 : index
      %get3A_881 = tpu.vector_load %arg15[%get3A_879, %get3A_880] {strides = array<i32>} : memref<32x128xf32, #tpu.memory_space<vmem>>, vector<16xf32>,
      %max3A_882 = arith.maximumf %max3A_877, %get3A_881 : vector<16xf32>
      %get3A_883 = arith.constant 23 : i32
      %get3A_884 = arith.index_cast %get3A_883 : i32 to index
      %get3A_885 = arith.constant 64 : index
      %get3A_886 = tpu.vector_load %arg15[%get3A_884, %get3A_885] {strides = array<i32>} : memref<32x128xf32, #tpu.memory_space<vmem>>, vector<16xf32>,
      %max3A_887 = arith.maximumf %max3A_882, %get3A_886 : vector<16xf32>
      %get3A_888 = arith.constant 24 : i32
      %get3A_889 = arith.index_cast %get3A_888 : i32 to index
      %get3A_890 = arith.constant 64 : index
      %get3A_891 = tpu.vector_load %arg15[%get3A_889, %get3A_890] {strides = array<i32>} : memref<32x128xf32, #tpu.memory_space<vmem>>, vector<16xf32>,
      %max3A_892 = arith.maximumf %max3A_887, %get3A_891 : vector<16xf32>
      %get3A_893 = arith.constant 25 : i32
      %get3A_894 = arith.index_cast %get3A_893 : i32 to index
      %get3A_895 = arith.constant 64 : index
      %get3A_896 = tpu.vector_load %arg15[%get3A_894, %get3A_895] {strides = array<i32>} : memref<32x128xf32, #tpu.memory_space<vmem>>, vector<16xf32>,
      %max3A_897 = arith.maximumf %max3A_892, %get3A_896 : vector<16xf32>
      %get3A_898 = arith.constant 26 : i32
      %get3A_899 = arith.index_cast %get3A_898 : i32 to index
      %get3A_900 = arith.constant 64 : index
      %get3A_901 = tpu.vector_load %arg15[%get3A_899, %get3A_900] {strides = array<i32>} : memref<32x128xf32, #tpu.memory_space<vmem>>, vector<16xf32>,
      %max3A_902 = arith.maximumf %max3A_897, %get3A_901 : vector<16xf32>
      %get3A_903 = arith.constant 27 : i32
      %get3A_904 = arith.index_cast %get3A_903 : i32 to index
      %get3A_905 = arith.constant 64 : index
      %get3A_906 = tpu.vector_load %arg15[%get3A_904, %get3A_905] {strides = array<i32>} : memref<32x128xf32, #tpu.memory_space<vmem>>, vector<16xf32>,
      %max3A_907 = arith.maximumf %max3A_902, %get3A_906 : vector<16xf32>
      %get3A_908 = arith.constant 28 : i32
      %get3A_909 = arith.index_cast %get3A_908 : i32 to index
      %get3A_910 = arith.constant 64 : index
      %get3A_911 = tpu.vector_load %arg15[%get3A_909, %get3A_910] {strides = array<i32>} : memref<32x128xf32, #tpu.memory_space<vmem>>, vector<16xf32>,
      %max3A_912 = arith.maximumf %max3A_907, %get3A_911 : vector<16xf32>
      %get3A_913 = arith.constant 29 : i32
      %get3A_914 = arith.index_cast %get3A_913 : i32 to index
      %get3A_915 = arith.constant 64 : index
      %get3A_916 = tpu.vector_load %arg15[%get3A_914, %get3A_915] {strides = array<i32>} : memref<32x128xf32, #tpu.memory_space<vmem>>, vector<16xf32>,
      %max3A_917 = arith.maximumf %max3A_912, %get3A_916 : vector<16xf32>
      %get3A_918 = arith.constant 30 : i32
      %get3A_919 = arith.index_cast %get3A_918 : i32 to index
      %get3A_920 = arith.constant 64 : index
      %get3A_921 = tpu.vector_load %arg15[%get3A_919, %get3A_920] {strides = array<i32>} : memref<32x128xf32, #tpu.memory_space<vmem>>, vector<16xf32>,
      %max3A_922 = arith.maximumf %max3A_917, %get3A_921 : vector<16xf32>
      %get3A_923 = arith.constant 31 : i32
      %get3A_924 = arith.index_cast %get3A_923 : i32 to index
      %get3A_925 = arith.constant 64 : index
      %get3A_926 = tpu.vector_load %arg15[%get3A_924, %get3A_925] {strides = array<i32>} : memref<32x128xf32, #tpu.memory_space<vmem>>, vector<16xf32>,
      %max3A_927 = arith.maximumf %max3A_922, %get3A_926 : vector<16xf32>
      %mul3A_928 = arith.constant 128 : i32
      %mul3A_929 = arith.muli %multiple_of3A_66, %mul3A_928 : i32
      %add3A_930 = arith.constant 64 : i32
      %add3A_931 = arith.addi %mul3A_929, %add3A_930 : i32
      %multiple_of3A_932 = tpu.assume_multiple %add3A_931, 16 : i32
      %swap3A_933 = arith.index_cast %multiple_of3A_932 : i32 to index
      %swap3A_934 = tpu.vector_load %arg18[%swap3A_933] {strides = array<i32>} : memref<32768xf32, #tpu.memory_space<vmem>>, vector<16xf32>,
      tpu.vector_store %arg18[%swap3A_933], %max3A_927 {strides = array<i32>} : memref<32768xf32, #tpu.memory_space<vmem>>, vector<16xf32>,
      %get3A_935 = arith.constant 0 : i32
      %get3A_936 = arith.index_cast %get3A_935 : i32 to index
      %get3A_937 = arith.constant 80 : index
      %get3A_938 = tpu.vector_load %arg15[%get3A_936, %get3A_937] {strides = array<i32>} : memref<32x128xf32, #tpu.memory_space<vmem>>, vector<16xf32>,
      %get3A_939 = arith.constant 1 : i32
      %get3A_940 = arith.index_cast %get3A_939 : i32 to index
      %get3A_941 = arith.constant 80 : index
      %get3A_942 = tpu.vector_load %arg15[%get3A_940, %get3A_941] {strides = array<i32>} : memref<32x128xf32, #tpu.memory_space<vmem>>, vector<16xf32>,
      %max3A_943 = arith.maximumf %get3A_938, %get3A_942 : vector<16xf32>
      %get3A_944 = arith.constant 2 : i32
      %get3A_945 = arith.index_cast %get3A_944 : i32 to index
      %get3A_946 = arith.constant 80 : index
      %get3A_947 = tpu.vector_load %arg15[%get3A_945, %get3A_946] {strides = array<i32>} : memref<32x128xf32, #tpu.memory_space<vmem>>, vector<16xf32>,
      %max3A_948 = arith.maximumf %max3A_943, %get3A_947 : vector<16xf32>
      %get3A_949 = arith.constant 3 : i32
      %get3A_950 = arith.index_cast %get3A_949 : i32 to index
      %get3A_951 = arith.constant 80 : index
      %get3A_952 = tpu.vector_load %arg15[%get3A_950, %get3A_951] {strides = array<i32>} : memref<32x128xf32, #tpu.memory_space<vmem>>, vector<16xf32>,
      %max3A_953 = arith.maximumf %max3A_948, %get3A_952 : vector<16xf32>
      %get3A_954 = arith.constant 4 : i32
      %get3A_955 = arith.index_cast %get3A_954 : i32 to index
      %get3A_956 = arith.constant 80 : index
      %get3A_957 = tpu.vector_load %arg15[%get3A_955, %get3A_956] {strides = array<i32>} : memref<32x128xf32, #tpu.memory_space<vmem>>, vector<16xf32>,
      %max3A_958 = arith.maximumf %max3A_953, %get3A_957 : vector<16xf32>
      %get3A_959 = arith.constant 5 : i32
      %get3A_960 = arith.index_cast %get3A_959 : i32 to index
      %get3A_961 = arith.constant 80 : index
      %get3A_962 = tpu.vector_load %arg15[%get3A_960, %get3A_961] {strides = array<i32>} : memref<32x128xf32, #tpu.memory_space<vmem>>, vector<16xf32>,
      %max3A_963 = arith.maximumf %max3A_958, %get3A_962 : vector<16xf32>
      %get3A_964 = arith.constant 6 : i32
      %get3A_965 = arith.index_cast %get3A_964 : i32 to index
      %get3A_966 = arith.constant 80 : index
      %get3A_967 = tpu.vector_load %arg15[%get3A_965, %get3A_966] {strides = array<i32>} : memref<32x128xf32, #tpu.memory_space<vmem>>, vector<16xf32>,
      %max3A_968 = arith.maximumf %max3A_963, %get3A_967 : vector<16xf32>
      %get3A_969 = arith.constant 7 : i32
      %get3A_970 = arith.index_cast %get3A_969 : i32 to index
      %get3A_971 = arith.constant 80 : index
      %get3A_972 = tpu.vector_load %arg15[%get3A_970, %get3A_971] {strides = array<i32>} : memref<32x128xf32, #tpu.memory_space<vmem>>, vector<16xf32>,
      %max3A_973 = arith.maximumf %max3A_968, %get3A_972 : vector<16xf32>
      %get3A_974 = arith.constant 8 : i32
      %get3A_975 = arith.index_cast %get3A_974 : i32 to index
      %get3A_976 = arith.constant 80 : index
      %get3A_977 = tpu.vector_load %arg15[%get3A_975, %get3A_976] {strides = array<i32>} : memref<32x128xf32, #tpu.memory_space<vmem>>, vector<16xf32>,
      %max3A_978 = arith.maximumf %max3A_973, %get3A_977 : vector<16xf32>
      %get3A_979 = arith.constant 9 : i32
      %get3A_980 = arith.index_cast %get3A_979 : i32 to index
      %get3A_981 = arith.constant 80 : index
      %get3A_982 = tpu.vector_load %arg15[%get3A_980, %get3A_981] {strides = array<i32>} : memref<32x128xf32, #tpu.memory_space<vmem>>, vector<16xf32>,
      %max3A_983 = arith.maximumf %max3A_978, %get3A_982 : vector<16xf32>
      %get3A_984 = arith.constant 10 : i32
      %get3A_985 = arith.index_cast %get3A_984 : i32 to index
      %get3A_986 = arith.constant 80 : index
      %get3A_987 = tpu.vector_load %arg15[%get3A_985, %get3A_986] {strides = array<i32>} : memref<32x128xf32, #tpu.memory_space<vmem>>, vector<16xf32>,
      %max3A_988 = arith.maximumf %max3A_983, %get3A_987 : vector<16xf32>
      %get3A_989 = arith.constant 11 : i32
      %get3A_990 = arith.index_cast %get3A_989 : i32 to index
      %get3A_991 = arith.constant 80 : index
      %get3A_992 = tpu.vector_load %arg15[%get3A_990, %get3A_991] {strides = array<i32>} : memref<32x128xf32, #tpu.memory_space<vmem>>, vector<16xf32>,
      %max3A_993 = arith.maximumf %max3A_988, %get3A_992 : vector<16xf32>
      %get3A_994 = arith.constant 12 : i32
      %get3A_995 = arith.index_cast %get3A_994 : i32 to index
      %get3A_996 = arith.constant 80 : index
      %get3A_997 = tpu.vector_load %arg15[%get3A_995, %get3A_996] {strides = array<i32>} : memref<32x128xf32, #tpu.memory_space<vmem>>, vector<16xf32>,
      %max3A_998 = arith.maximumf %max3A_993, %get3A_997 : vector<16xf32>
      %get3A_999 = arith.constant 13 : i32
      %get3A_1000 = arith.index_cast %get3A_999 : i32 to index
      %get3A_1001 = arith.constant 80 : index
      %get3A_1002 = tpu.vector_load %arg15[%get3A_1000, %get3A_1001] {strides = array<i32>} : memref<32x128xf32, #tpu.memory_space<vmem>>, vector<16xf32>,
      %max3A_1003 = arith.maximumf %max3A_998, %get3A_1002 : vector<16xf32>
      %get3A_1004 = arith.constant 14 : i32
      %get3A_1005 = arith.index_cast %get3A_1004 : i32 to index
      %get3A_1006 = arith.constant 80 : index
      %get3A_1007 = tpu.vector_load %arg15[%get3A_1005, %get3A_1006] {strides = array<i32>} : memref<32x128xf32, #tpu.memory_space<vmem>>, vector<16xf32>,
      %max3A_1008 = arith.maximumf %max3A_1003, %get3A_1007 : vector<16xf32>
      %get3A_1009 = arith.constant 15 : i32
      %get3A_1010 = arith.index_cast %get3A_1009 : i32 to index
      %get3A_1011 = arith.constant 80 : index
      %get3A_1012 = tpu.vector_load %arg15[%get3A_1010, %get3A_1011] {strides = array<i32>} : memref<32x128xf32, #tpu.memory_space<vmem>>, vector<16xf32>,
      %max3A_1013 = arith.maximumf %max3A_1008, %get3A_1012 : vector<16xf32>
      %get3A_1014 = arith.constant 16 : i32
      %get3A_1015 = arith.index_cast %get3A_1014 : i32 to index
      %get3A_1016 = arith.constant 80 : index
      %get3A_1017 = tpu.vector_load %arg15[%get3A_1015, %get3A_1016] {strides = array<i32>} : memref<32x128xf32, #tpu.memory_space<vmem>>, vector<16xf32>,
      %max3A_1018 = arith.maximumf %max3A_1013, %get3A_1017 : vector<16xf32>
      %get3A_1019 = arith.constant 17 : i32
      %get3A_1020 = arith.index_cast %get3A_1019 : i32 to index
      %get3A_1021 = arith.constant 80 : index
      %get3A_1022 = tpu.vector_load %arg15[%get3A_1020, %get3A_1021] {strides = array<i32>} : memref<32x128xf32, #tpu.memory_space<vmem>>, vector<16xf32>,
      %max3A_1023 = arith.maximumf %max3A_1018, %get3A_1022 : vector<16xf32>
      %get3A_1024 = arith.constant 18 : i32
      %get3A_1025 = arith.index_cast %get3A_1024 : i32 to index
      %get3A_1026 = arith.constant 80 : index
      %get3A_1027 = tpu.vector_load %arg15[%get3A_1025, %get3A_1026] {strides = array<i32>} : memref<32x128xf32, #tpu.memory_space<vmem>>, vector<16xf32>,
      %max3A_1028 = arith.maximumf %max3A_1023, %get3A_1027 : vector<16xf32>
      %get3A_1029 = arith.constant 19 : i32
      %get3A_1030 = arith.index_cast %get3A_1029 : i32 to index
      %get3A_1031 = arith.constant 80 : index
      %get3A_1032 = tpu.vector_load %arg15[%get3A_1030, %get3A_1031] {strides = array<i32>} : memref<32x128xf32, #tpu.memory_space<vmem>>, vector<16xf32>,
      %max3A_1033 = arith.maximumf %max3A_1028, %get3A_1032 : vector<16xf32>
      %get3A_1034 = arith.constant 20 : i32
      %get3A_1035 = arith.index_cast %get3A_1034 : i32 to index
      %get3A_1036 = arith.constant 80 : index
      %get3A_1037 = tpu.vector_load %arg15[%get3A_1035, %get3A_1036] {strides = array<i32>} : memref<32x128xf32, #tpu.memory_space<vmem>>, vector<16xf32>,
      %max3A_1038 = arith.maximumf %max3A_1033, %get3A_1037 : vector<16xf32>
      %get3A_1039 = arith.constant 21 : i32
      %get3A_1040 = arith.index_cast %get3A_1039 : i32 to index
      %get3A_1041 = arith.constant 80 : index
      %get3A_1042 = tpu.vector_load %arg15[%get3A_1040, %get3A_1041] {strides = array<i32>} : memref<32x128xf32, #tpu.memory_space<vmem>>, vector<16xf32>,
      %max3A_1043 = arith.maximumf %max3A_1038, %get3A_1042 : vector<16xf32>
      %get3A_1044 = arith.constant 22 : i32
      %get3A_1045 = arith.index_cast %get3A_1044 : i32 to index
      %get3A_1046 = arith.constant 80 : index
      %get3A_1047 = tpu.vector_load %arg15[%get3A_1045, %get3A_1046] {strides = array<i32>} : memref<32x128xf32, #tpu.memory_space<vmem>>, vector<16xf32>,
      %max3A_1048 = arith.maximumf %max3A_1043, %get3A_1047 : vector<16xf32>
      %get3A_1049 = arith.constant 23 : i32
      %get3A_1050 = arith.index_cast %get3A_1049 : i32 to index
      %get3A_1051 = arith.constant 80 : index
      %get3A_1052 = tpu.vector_load %arg15[%get3A_1050, %get3A_1051] {strides = array<i32>} : memref<32x128xf32, #tpu.memory_space<vmem>>, vector<16xf32>,
      %max3A_1053 = arith.maximumf %max3A_1048, %get3A_1052 : vector<16xf32>
      %get3A_1054 = arith.constant 24 : i32
      %get3A_1055 = arith.index_cast %get3A_1054 : i32 to index
      %get3A_1056 = arith.constant 80 : index
      %get3A_1057 = tpu.vector_load %arg15[%get3A_1055, %get3A_1056] {strides = array<i32>} : memref<32x128xf32, #tpu.memory_space<vmem>>, vector<16xf32>,
      %max3A_1058 = arith.maximumf %max3A_1053, %get3A_1057 : vector<16xf32>
      %get3A_1059 = arith.constant 25 : i32
      %get3A_1060 = arith.index_cast %get3A_1059 : i32 to index
      %get3A_1061 = arith.constant 80 : index
      %get3A_1062 = tpu.vector_load %arg15[%get3A_1060, %get3A_1061] {strides = array<i32>} : memref<32x128xf32, #tpu.memory_space<vmem>>, vector<16xf32>,
      %max3A_1063 = arith.maximumf %max3A_1058, %get3A_1062 : vector<16xf32>
      %get3A_1064 = arith.constant 26 : i32
      %get3A_1065 = arith.index_cast %get3A_1064 : i32 to index
      %get3A_1066 = arith.constant 80 : index
      %get3A_1067 = tpu.vector_load %arg15[%get3A_1065, %get3A_1066] {strides = array<i32>} : memref<32x128xf32, #tpu.memory_space<vmem>>, vector<16xf32>,
      %max3A_1068 = arith.maximumf %max3A_1063, %get3A_1067 : vector<16xf32>
      %get3A_1069 = arith.constant 27 : i32
      %get3A_1070 = arith.index_cast %get3A_1069 : i32 to index
      %get3A_1071 = arith.constant 80 : index
      %get3A_1072 = tpu.vector_load %arg15[%get3A_1070, %get3A_1071] {strides = array<i32>} : memref<32x128xf32, #tpu.memory_space<vmem>>, vector<16xf32>,
      %max3A_1073 = arith.maximumf %max3A_1068, %get3A_1072 : vector<16xf32>
      %get3A_1074 = arith.constant 28 : i32
      %get3A_1075 = arith.index_cast %get3A_1074 : i32 to index
      %get3A_1076 = arith.constant 80 : index
      %get3A_1077 = tpu.vector_load %arg15[%get3A_1075, %get3A_1076] {strides = array<i32>} : memref<32x128xf32, #tpu.memory_space<vmem>>, vector<16xf32>,
      %max3A_1078 = arith.maximumf %max3A_1073, %get3A_1077 : vector<16xf32>
      %get3A_1079 = arith.constant 29 : i32
      %get3A_1080 = arith.index_cast %get3A_1079 : i32 to index
      %get3A_1081 = arith.constant 80 : index
      %get3A_1082 = tpu.vector_load %arg15[%get3A_1080, %get3A_1081] {strides = array<i32>} : memref<32x128xf32, #tpu.memory_space<vmem>>, vector<16xf32>,
      %max3A_1083 = arith.maximumf %max3A_1078, %get3A_1082 : vector<16xf32>
      %get3A_1084 = arith.constant 30 : i32
      %get3A_1085 = arith.index_cast %get3A_1084 : i32 to index
      %get3A_1086 = arith.constant 80 : index
      %get3A_1087 = tpu.vector_load %arg15[%get3A_1085, %get3A_1086] {strides = array<i32>} : memref<32x128xf32, #tpu.memory_space<vmem>>, vector<16xf32>,
      %max3A_1088 = arith.maximumf %max3A_1083, %get3A_1087 : vector<16xf32>
      %get3A_1089 = arith.constant 31 : i32
      %get3A_1090 = arith.index_cast %get3A_1089 : i32 to index
      %get3A_1091 = arith.constant 80 : index
      %get3A_1092 = tpu.vector_load %arg15[%get3A_1090, %get3A_1091] {strides = array<i32>} : memref<32x128xf32, #tpu.memory_space<vmem>>, vector<16xf32>,
      %max3A_1093 = arith.maximumf %max3A_1088, %get3A_1092 : vector<16xf32>
      %mul3A_1094 = arith.constant 128 : i32
      %mul3A_1095 = arith.muli %multiple_of3A_66, %mul3A_1094 : i32
      %add3A_1096 = arith.constant 80 : i32
      %add3A_1097 = arith.addi %mul3A_1095, %add3A_1096 : i32
      %multiple_of3A_1098 = tpu.assume_multiple %add3A_1097, 16 : i32
      %swap3A_1099 = arith.index_cast %multiple_of3A_1098 : i32 to index
      %swap3A_1100 = tpu.vector_load %arg18[%swap3A_1099] {strides = array<i32>} : memref<32768xf32, #tpu.memory_space<vmem>>, vector<16xf32>,
      tpu.vector_store %arg18[%swap3A_1099], %max3A_1093 {strides = array<i32>} : memref<32768xf32, #tpu.memory_space<vmem>>, vector<16xf32>,
      %get3A_1101 = arith.constant 0 : i32
      %get3A_1102 = arith.index_cast %get3A_1101 : i32 to index
      %get3A_1103 = arith.constant 96 : index
      %get3A_1104 = tpu.vector_load %arg15[%get3A_1102, %get3A_1103] {strides = array<i32>} : memref<32x128xf32, #tpu.memory_space<vmem>>, vector<16xf32>,
      %get3A_1105 = arith.constant 1 : i32
      %get3A_1106 = arith.index_cast %get3A_1105 : i32 to index
      %get3A_1107 = arith.constant 96 : index
      %get3A_1108 = tpu.vector_load %arg15[%get3A_1106, %get3A_1107] {strides = array<i32>} : memref<32x128xf32, #tpu.memory_space<vmem>>, vector<16xf32>,
      %max3A_1109 = arith.maximumf %get3A_1104, %get3A_1108 : vector<16xf32>
      %get3A_1110 = arith.constant 2 : i32
      %get3A_1111 = arith.index_cast %get3A_1110 : i32 to index
      %get3A_1112 = arith.constant 96 : index
      %get3A_1113 = tpu.vector_load %arg15[%get3A_1111, %get3A_1112] {strides = array<i32>} : memref<32x128xf32, #tpu.memory_space<vmem>>, vector<16xf32>,
      %max3A_1114 = arith.maximumf %max3A_1109, %get3A_1113 : vector<16xf32>
      %get3A_1115 = arith.constant 3 : i32
      %get3A_1116 = arith.index_cast %get3A_1115 : i32 to index
      %get3A_1117 = arith.constant 96 : index
      %get3A_1118 = tpu.vector_load %arg15[%get3A_1116, %get3A_1117] {strides = array<i32>} : memref<32x128xf32, #tpu.memory_space<vmem>>, vector<16xf32>,
      %max3A_1119 = arith.maximumf %max3A_1114, %get3A_1118 : vector<16xf32>
      %get3A_1120 = arith.constant 4 : i32
      %get3A_1121 = arith.index_cast %get3A_1120 : i32 to index
      %get3A_1122 = arith.constant 96 : index
      %get3A_1123 = tpu.vector_load %arg15[%get3A_1121, %get3A_1122] {strides = array<i32>} : memref<32x128xf32, #tpu.memory_space<vmem>>, vector<16xf32>,
      %max3A_1124 = arith.maximumf %max3A_1119, %get3A_1123 : vector<16xf32>
      %get3A_1125 = arith.constant 5 : i32
      %get3A_1126 = arith.index_cast %get3A_1125 : i32 to index
      %get3A_1127 = arith.constant 96 : index
      %get3A_1128 = tpu.vector_load %arg15[%get3A_1126, %get3A_1127] {strides = array<i32>} : memref<32x128xf32, #tpu.memory_space<vmem>>, vector<16xf32>,
      %max3A_1129 = arith.maximumf %max3A_1124, %get3A_1128 : vector<16xf32>
      %get3A_1130 = arith.constant 6 : i32
      %get3A_1131 = arith.index_cast %get3A_1130 : i32 to index
      %get3A_1132 = arith.constant 96 : index
      %get3A_1133 = tpu.vector_load %arg15[%get3A_1131, %get3A_1132] {strides = array<i32>} : memref<32x128xf32, #tpu.memory_space<vmem>>, vector<16xf32>,
      %max3A_1134 = arith.maximumf %max3A_1129, %get3A_1133 : vector<16xf32>
      %get3A_1135 = arith.constant 7 : i32
      %get3A_1136 = arith.index_cast %get3A_1135 : i32 to index
      %get3A_1137 = arith.constant 96 : index
      %get3A_1138 = tpu.vector_load %arg15[%get3A_1136, %get3A_1137] {strides = array<i32>} : memref<32x128xf32, #tpu.memory_space<vmem>>, vector<16xf32>,
      %max3A_1139 = arith.maximumf %max3A_1134, %get3A_1138 : vector<16xf32>
      %get3A_1140 = arith.constant 8 : i32
      %get3A_1141 = arith.index_cast %get3A_1140 : i32 to index
      %get3A_1142 = arith.constant 96 : index
      %get3A_1143 = tpu.vector_load %arg15[%get3A_1141, %get3A_1142] {strides = array<i32>} : memref<32x128xf32, #tpu.memory_space<vmem>>, vector<16xf32>,
      %max3A_1144 = arith.maximumf %max3A_1139, %get3A_1143 : vector<16xf32>
      %get3A_1145 = arith.constant 9 : i32
      %get3A_1146 = arith.index_cast %get3A_1145 : i32 to index
      %get3A_1147 = arith.constant 96 : index
      %get3A_1148 = tpu.vector_load %arg15[%get3A_1146, %get3A_1147] {strides = array<i32>} : memref<32x128xf32, #tpu.memory_space<vmem>>, vector<16xf32>,
      %max3A_1149 = arith.maximumf %max3A_1144, %get3A_1148 : vector<16xf32>
      %get3A_1150 = arith.constant 10 : i32
      %get3A_1151 = arith.index_cast %get3A_1150 : i32 to index
      %get3A_1152 = arith.constant 96 : index
      %get3A_1153 = tpu.vector_load %arg15[%get3A_1151, %get3A_1152] {strides = array<i32>} : memref<32x128xf32, #tpu.memory_space<vmem>>, vector<16xf32>,
      %max3A_1154 = arith.maximumf %max3A_1149, %get3A_1153 : vector<16xf32>
      %get3A_1155 = arith.constant 11 : i32
      %get3A_1156 = arith.index_cast %get3A_1155 : i32 to index
      %get3A_1157 = arith.constant 96 : index
      %get3A_1158 = tpu.vector_load %arg15[%get3A_1156, %get3A_1157] {strides = array<i32>} : memref<32x128xf32, #tpu.memory_space<vmem>>, vector<16xf32>,
      %max3A_1159 = arith.maximumf %max3A_1154, %get3A_1158 : vector<16xf32>
      %get3A_1160 = arith.constant 12 : i32
      %get3A_1161 = arith.index_cast %get3A_1160 : i32 to index
      %get3A_1162 = arith.constant 96 : index
      %get3A_1163 = tpu.vector_load %arg15[%get3A_1161, %get3A_1162] {strides = array<i32>} : memref<32x128xf32, #tpu.memory_space<vmem>>, vector<16xf32>,
      %max3A_1164 = arith.maximumf %max3A_1159, %get3A_1163 : vector<16xf32>
      %get3A_1165 = arith.constant 13 : i32
      %get3A_1166 = arith.index_cast %get3A_1165 : i32 to index
      %get3A_1167 = arith.constant 96 : index
      %get3A_1168 = tpu.vector_load %arg15[%get3A_1166, %get3A_1167] {strides = array<i32>} : memref<32x128xf32, #tpu.memory_space<vmem>>, vector<16xf32>,
      %max3A_1169 = arith.maximumf %max3A_1164, %get3A_1168 : vector<16xf32>
      %get3A_1170 = arith.constant 14 : i32
      %get3A_1171 = arith.index_cast %get3A_1170 : i32 to index
      %get3A_1172 = arith.constant 96 : index
      %get3A_1173 = tpu.vector_load %arg15[%get3A_1171, %get3A_1172] {strides = array<i32>} : memref<32x128xf32, #tpu.memory_space<vmem>>, vector<16xf32>,
      %max3A_1174 = arith.maximumf %max3A_1169, %get3A_1173 : vector<16xf32>
      %get3A_1175 = arith.constant 15 : i32
      %get3A_1176 = arith.index_cast %get3A_1175 : i32 to index
      %get3A_1177 = arith.constant 96 : index
      %get3A_1178 = tpu.vector_load %arg15[%get3A_1176, %get3A_1177] {strides = array<i32>} : memref<32x128xf32, #tpu.memory_space<vmem>>, vector<16xf32>,
      %max3A_1179 = arith.maximumf %max3A_1174, %get3A_1178 : vector<16xf32>
      %get3A_1180 = arith.constant 16 : i32
      %get3A_1181 = arith.index_cast %get3A_1180 : i32 to index
      %get3A_1182 = arith.constant 96 : index
      %get3A_1183 = tpu.vector_load %arg15[%get3A_1181, %get3A_1182] {strides = array<i32>} : memref<32x128xf32, #tpu.memory_space<vmem>>, vector<16xf32>,
      %max3A_1184 = arith.maximumf %max3A_1179, %get3A_1183 : vector<16xf32>
      %get3A_1185 = arith.constant 17 : i32
      %get3A_1186 = arith.index_cast %get3A_1185 : i32 to index
      %get3A_1187 = arith.constant 96 : index
      %get3A_1188 = tpu.vector_load %arg15[%get3A_1186, %get3A_1187] {strides = array<i32>} : memref<32x128xf32, #tpu.memory_space<vmem>>, vector<16xf32>,
      %max3A_1189 = arith.maximumf %max3A_1184, %get3A_1188 : vector<16xf32>
      %get3A_1190 = arith.constant 18 : i32
      %get3A_1191 = arith.index_cast %get3A_1190 : i32 to index
      %get3A_1192 = arith.constant 96 : index
      %get3A_1193 = tpu.vector_load %arg15[%get3A_1191, %get3A_1192] {strides = array<i32>} : memref<32x128xf32, #tpu.memory_space<vmem>>, vector<16xf32>,
      %max3A_1194 = arith.maximumf %max3A_1189, %get3A_1193 : vector<16xf32>
      %get3A_1195 = arith.constant 19 : i32
      %get3A_1196 = arith.index_cast %get3A_1195 : i32 to index
      %get3A_1197 = arith.constant 96 : index
      %get3A_1198 = tpu.vector_load %arg15[%get3A_1196, %get3A_1197] {strides = array<i32>} : memref<32x128xf32, #tpu.memory_space<vmem>>, vector<16xf32>,
      %max3A_1199 = arith.maximumf %max3A_1194, %get3A_1198 : vector<16xf32>
      %get3A_1200 = arith.constant 20 : i32
      %get3A_1201 = arith.index_cast %get3A_1200 : i32 to index
      %get3A_1202 = arith.constant 96 : index
      %get3A_1203 = tpu.vector_load %arg15[%get3A_1201, %get3A_1202] {strides = array<i32>} : memref<32x128xf32, #tpu.memory_space<vmem>>, vector<16xf32>,
      %max3A_1204 = arith.maximumf %max3A_1199, %get3A_1203 : vector<16xf32>
      %get3A_1205 = arith.constant 21 : i32
      %get3A_1206 = arith.index_cast %get3A_1205 : i32 to index
      %get3A_1207 = arith.constant 96 : index
      %get3A_1208 = tpu.vector_load %arg15[%get3A_1206, %get3A_1207] {strides = array<i32>} : memref<32x128xf32, #tpu.memory_space<vmem>>, vector<16xf32>,
      %max3A_1209 = arith.maximumf %max3A_1204, %get3A_1208 : vector<16xf32>
      %get3A_1210 = arith.constant 22 : i32
      %get3A_1211 = arith.index_cast %get3A_1210 : i32 to index
      %get3A_1212 = arith.constant 96 : index
      %get3A_1213 = tpu.vector_load %arg15[%get3A_1211, %get3A_1212] {strides = array<i32>} : memref<32x128xf32, #tpu.memory_space<vmem>>, vector<16xf32>,
      %max3A_1214 = arith.maximumf %max3A_1209, %get3A_1213 : vector<16xf32>
      %get3A_1215 = arith.constant 23 : i32
      %get3A_1216 = arith.index_cast %get3A_1215 : i32 to index
      %get3A_1217 = arith.constant 96 : index
      %get3A_1218 = tpu.vector_load %arg15[%get3A_1216, %get3A_1217] {strides = array<i32>} : memref<32x128xf32, #tpu.memory_space<vmem>>, vector<16xf32>,
      %max3A_1219 = arith.maximumf %max3A_1214, %get3A_1218 : vector<16xf32>
      %get3A_1220 = arith.constant 24 : i32
      %get3A_1221 = arith.index_cast %get3A_1220 : i32 to index
      %get3A_1222 = arith.constant 96 : index
      %get3A_1223 = tpu.vector_load %arg15[%get3A_1221, %get3A_1222] {strides = array<i32>} : memref<32x128xf32, #tpu.memory_space<vmem>>, vector<16xf32>,
      %max3A_1224 = arith.maximumf %max3A_1219, %get3A_1223 : vector<16xf32>
      %get3A_1225 = arith.constant 25 : i32
      %get3A_1226 = arith.index_cast %get3A_1225 : i32 to index
      %get3A_1227 = arith.constant 96 : index
      %get3A_1228 = tpu.vector_load %arg15[%get3A_1226, %get3A_1227] {strides = array<i32>} : memref<32x128xf32, #tpu.memory_space<vmem>>, vector<16xf32>,
      %max3A_1229 = arith.maximumf %max3A_1224, %get3A_1228 : vector<16xf32>
      %get3A_1230 = arith.constant 26 : i32
      %get3A_1231 = arith.index_cast %get3A_1230 : i32 to index
      %get3A_1232 = arith.constant 96 : index
      %get3A_1233 = tpu.vector_load %arg15[%get3A_1231, %get3A_1232] {strides = array<i32>} : memref<32x128xf32, #tpu.memory_space<vmem>>, vector<16xf32>,
      %max3A_1234 = arith.maximumf %max3A_1229, %get3A_1233 : vector<16xf32>
      %get3A_1235 = arith.constant 27 : i32
      %get3A_1236 = arith.index_cast %get3A_1235 : i32 to index
      %get3A_1237 = arith.constant 96 : index
      %get3A_1238 = tpu.vector_load %arg15[%get3A_1236, %get3A_1237] {strides = array<i32>} : memref<32x128xf32, #tpu.memory_space<vmem>>, vector<16xf32>,
      %max3A_1239 = arith.maximumf %max3A_1234, %get3A_1238 : vector<16xf32>
      %get3A_1240 = arith.constant 28 : i32
      %get3A_1241 = arith.index_cast %get3A_1240 : i32 to index
      %get3A_1242 = arith.constant 96 : index
      %get3A_1243 = tpu.vector_load %arg15[%get3A_1241, %get3A_1242] {strides = array<i32>} : memref<32x128xf32, #tpu.memory_space<vmem>>, vector<16xf32>,
      %max3A_1244 = arith.maximumf %max3A_1239, %get3A_1243 : vector<16xf32>
      %get3A_1245 = arith.constant 29 : i32
      %get3A_1246 = arith.index_cast %get3A_1245 : i32 to index
      %get3A_1247 = arith.constant 96 : index
      %get3A_1248 = tpu.vector_load %arg15[%get3A_1246, %get3A_1247] {strides = array<i32>} : memref<32x128xf32, #tpu.memory_space<vmem>>, vector<16xf32>,
      %max3A_1249 = arith.maximumf %max3A_1244, %get3A_1248 : vector<16xf32>
      %get3A_1250 = arith.constant 30 : i32
      %get3A_1251 = arith.index_cast %get3A_1250 : i32 to index
      %get3A_1252 = arith.constant 96 : index
      %get3A_1253 = tpu.vector_load %arg15[%get3A_1251, %get3A_1252] {strides = array<i32>} : memref<32x128xf32, #tpu.memory_space<vmem>>, vector<16xf32>,
      %max3A_1254 = arith.maximumf %max3A_1249, %get3A_1253 : vector<16xf32>
      %get3A_1255 = arith.constant 31 : i32
      %get3A_1256 = arith.index_cast %get3A_1255 : i32 to index
      %get3A_1257 = arith.constant 96 : index
      %get3A_1258 = tpu.vector_load %arg15[%get3A_1256, %get3A_1257] {strides = array<i32>} : memref<32x128xf32, #tpu.memory_space<vmem>>, vector<16xf32>,
      %max3A_1259 = arith.maximumf %max3A_1254, %get3A_1258 : vector<16xf32>
      %mul3A_1260 = arith.constant 128 : i32
      %mul3A_1261 = arith.muli %multiple_of3A_66, %mul3A_1260 : i32
      %add3A_1262 = arith.constant 96 : i32
      %add3A_1263 = arith.addi %mul3A_1261, %add3A_1262 : i32
      %multiple_of3A_1264 = tpu.assume_multiple %add3A_1263, 16 : i32
      %swap3A_1265 = arith.index_cast %multiple_of3A_1264 : i32 to index
      %swap3A_1266 = tpu.vector_load %arg18[%swap3A_1265] {strides = array<i32>} : memref<32768xf32, #tpu.memory_space<vmem>>, vector<16xf32>,
      tpu.vector_store %arg18[%swap3A_1265], %max3A_1259 {strides = array<i32>} : memref<32768xf32, #tpu.memory_space<vmem>>, vector<16xf32>,
      %get3A_1267 = arith.constant 0 : i32
      %get3A_1268 = arith.index_cast %get3A_1267 : i32 to index
      %get3A_1269 = arith.constant 112 : index
      %get3A_1270 = tpu.vector_load %arg15[%get3A_1268, %get3A_1269] {strides = array<i32>} : memref<32x128xf32, #tpu.memory_space<vmem>>, vector<16xf32>,
      %get3A_1271 = arith.constant 1 : i32
      %get3A_1272 = arith.index_cast %get3A_1271 : i32 to index
      %get3A_1273 = arith.constant 112 : index
      %get3A_1274 = tpu.vector_load %arg15[%get3A_1272, %get3A_1273] {strides = array<i32>} : memref<32x128xf32, #tpu.memory_space<vmem>>, vector<16xf32>,
      %max3A_1275 = arith.maximumf %get3A_1270, %get3A_1274 : vector<16xf32>
      %get3A_1276 = arith.constant 2 : i32
      %get3A_1277 = arith.index_cast %get3A_1276 : i32 to index
      %get3A_1278 = arith.constant 112 : index
      %get3A_1279 = tpu.vector_load %arg15[%get3A_1277, %get3A_1278] {strides = array<i32>} : memref<32x128xf32, #tpu.memory_space<vmem>>, vector<16xf32>,
      %max3A_1280 = arith.maximumf %max3A_1275, %get3A_1279 : vector<16xf32>
      %get3A_1281 = arith.constant 3 : i32
      %get3A_1282 = arith.index_cast %get3A_1281 : i32 to index
      %get3A_1283 = arith.constant 112 : index
      %get3A_1284 = tpu.vector_load %arg15[%get3A_1282, %get3A_1283] {strides = array<i32>} : memref<32x128xf32, #tpu.memory_space<vmem>>, vector<16xf32>,
      %max3A_1285 = arith.maximumf %max3A_1280, %get3A_1284 : vector<16xf32>
      %get3A_1286 = arith.constant 4 : i32
      %get3A_1287 = arith.index_cast %get3A_1286 : i32 to index
      %get3A_1288 = arith.constant 112 : index
      %get3A_1289 = tpu.vector_load %arg15[%get3A_1287, %get3A_1288] {strides = array<i32>} : memref<32x128xf32, #tpu.memory_space<vmem>>, vector<16xf32>,
      %max3A_1290 = arith.maximumf %max3A_1285, %get3A_1289 : vector<16xf32>
      %get3A_1291 = arith.constant 5 : i32
      %get3A_1292 = arith.index_cast %get3A_1291 : i32 to index
      %get3A_1293 = arith.constant 112 : index
      %get3A_1294 = tpu.vector_load %arg15[%get3A_1292, %get3A_1293] {strides = array<i32>} : memref<32x128xf32, #tpu.memory_space<vmem>>, vector<16xf32>,
      %max3A_1295 = arith.maximumf %max3A_1290, %get3A_1294 : vector<16xf32>
      %get3A_1296 = arith.constant 6 : i32
      %get3A_1297 = arith.index_cast %get3A_1296 : i32 to index
      %get3A_1298 = arith.constant 112 : index
      %get3A_1299 = tpu.vector_load %arg15[%get3A_1297, %get3A_1298] {strides = array<i32>} : memref<32x128xf32, #tpu.memory_space<vmem>>, vector<16xf32>,
      %max3A_1300 = arith.maximumf %max3A_1295, %get3A_1299 : vector<16xf32>
      %get3A_1301 = arith.constant 7 : i32
      %get3A_1302 = arith.index_cast %get3A_1301 : i32 to index
      %get3A_1303 = arith.constant 112 : index
      %get3A_1304 = tpu.vector_load %arg15[%get3A_1302, %get3A_1303] {strides = array<i32>} : memref<32x128xf32, #tpu.memory_space<vmem>>, vector<16xf32>,
      %max3A_1305 = arith.maximumf %max3A_1300, %get3A_1304 : vector<16xf32>
      %get3A_1306 = arith.constant 8 : i32
      %get3A_1307 = arith.index_cast %get3A_1306 : i32 to index
      %get3A_1308 = arith.constant 112 : index
      %get3A_1309 = tpu.vector_load %arg15[%get3A_1307, %get3A_1308] {strides = array<i32>} : memref<32x128xf32, #tpu.memory_space<vmem>>, vector<16xf32>,
      %max3A_1310 = arith.maximumf %max3A_1305, %get3A_1309 : vector<16xf32>
      %get3A_1311 = arith.constant 9 : i32
      %get3A_1312 = arith.index_cast %get3A_1311 : i32 to index
      %get3A_1313 = arith.constant 112 : index
      %get3A_1314 = tpu.vector_load %arg15[%get3A_1312, %get3A_1313] {strides = array<i32>} : memref<32x128xf32, #tpu.memory_space<vmem>>, vector<16xf32>,
      %max3A_1315 = arith.maximumf %max3A_1310, %get3A_1314 : vector<16xf32>
      %get3A_1316 = arith.constant 10 : i32
      %get3A_1317 = arith.index_cast %get3A_1316 : i32 to index
      %get3A_1318 = arith.constant 112 : index
      %get3A_1319 = tpu.vector_load %arg15[%get3A_1317, %get3A_1318] {strides = array<i32>} : memref<32x128xf32, #tpu.memory_space<vmem>>, vector<16xf32>,
      %max3A_1320 = arith.maximumf %max3A_1315, %get3A_1319 : vector<16xf32>
      %get3A_1321 = arith.constant 11 : i32
      %get3A_1322 = arith.index_cast %get3A_1321 : i32 to index
      %get3A_1323 = arith.constant 112 : index
      %get3A_1324 = tpu.vector_load %arg15[%get3A_1322, %get3A_1323] {strides = array<i32>} : memref<32x128xf32, #tpu.memory_space<vmem>>, vector<16xf32>,
      %max3A_1325 = arith.maximumf %max3A_1320, %get3A_1324 : vector<16xf32>
      %get3A_1326 = arith.constant 12 : i32
      %get3A_1327 = arith.index_cast %get3A_1326 : i32 to index
      %get3A_1328 = arith.constant 112 : index
      %get3A_1329 = tpu.vector_load %arg15[%get3A_1327, %get3A_1328] {strides = array<i32>} : memref<32x128xf32, #tpu.memory_space<vmem>>, vector<16xf32>,
      %max3A_1330 = arith.maximumf %max3A_1325, %get3A_1329 : vector<16xf32>
      %get3A_1331 = arith.constant 13 : i32
      %get3A_1332 = arith.index_cast %get3A_1331 : i32 to index
      %get3A_1333 = arith.constant 112 : index
      %get3A_1334 = tpu.vector_load %arg15[%get3A_1332, %get3A_1333] {strides = array<i32>} : memref<32x128xf32, #tpu.memory_space<vmem>>, vector<16xf32>,
      %max3A_1335 = arith.maximumf %max3A_1330, %get3A_1334 : vector<16xf32>
      %get3A_1336 = arith.constant 14 : i32
      %get3A_1337 = arith.index_cast %get3A_1336 : i32 to index
      %get3A_1338 = arith.constant 112 : index
      %get3A_1339 = tpu.vector_load %arg15[%get3A_1337, %get3A_1338] {strides = array<i32>} : memref<32x128xf32, #tpu.memory_space<vmem>>, vector<16xf32>,
      %max3A_1340 = arith.maximumf %max3A_1335, %get3A_1339 : vector<16xf32>
      %get3A_1341 = arith.constant 15 : i32
      %get3A_1342 = arith.index_cast %get3A_1341 : i32 to index
      %get3A_1343 = arith.constant 112 : index
      %get3A_1344 = tpu.vector_load %arg15[%get3A_1342, %get3A_1343] {strides = array<i32>} : memref<32x128xf32, #tpu.memory_space<vmem>>, vector<16xf32>,
      %max3A_1345 = arith.maximumf %max3A_1340, %get3A_1344 : vector<16xf32>
      %get3A_1346 = arith.constant 16 : i32
      %get3A_1347 = arith.index_cast %get3A_1346 : i32 to index
      %get3A_1348 = arith.constant 112 : index
      %get3A_1349 = tpu.vector_load %arg15[%get3A_1347, %get3A_1348] {strides = array<i32>} : memref<32x128xf32, #tpu.memory_space<vmem>>, vector<16xf32>,
      %max3A_1350 = arith.maximumf %max3A_1345, %get3A_1349 : vector<16xf32>
      %get3A_1351 = arith.constant 17 : i32
      %get3A_1352 = arith.index_cast %get3A_1351 : i32 to index
      %get3A_1353 = arith.constant 112 : index
      %get3A_1354 = tpu.vector_load %arg15[%get3A_1352, %get3A_1353] {strides = array<i32>} : memref<32x128xf32, #tpu.memory_space<vmem>>, vector<16xf32>,
      %max3A_1355 = arith.maximumf %max3A_1350, %get3A_1354 : vector<16xf32>
      %get3A_1356 = arith.constant 18 : i32
      %get3A_1357 = arith.index_cast %get3A_1356 : i32 to index
      %get3A_1358 = arith.constant 112 : index
      %get3A_1359 = tpu.vector_load %arg15[%get3A_1357, %get3A_1358] {strides = array<i32>} : memref<32x128xf32, #tpu.memory_space<vmem>>, vector<16xf32>,
      %max3A_1360 = arith.maximumf %max3A_1355, %get3A_1359 : vector<16xf32>
      %get3A_1361 = arith.constant 19 : i32
      %get3A_1362 = arith.index_cast %get3A_1361 : i32 to index
      %get3A_1363 = arith.constant 112 : index
      %get3A_1364 = tpu.vector_load %arg15[%get3A_1362, %get3A_1363] {strides = array<i32>} : memref<32x128xf32, #tpu.memory_space<vmem>>, vector<16xf32>,
      %max3A_1365 = arith.maximumf %max3A_1360, %get3A_1364 : vector<16xf32>
      %get3A_1366 = arith.constant 20 : i32
      %get3A_1367 = arith.index_cast %get3A_1366 : i32 to index
      %get3A_1368 = arith.constant 112 : index
      %get3A_1369 = tpu.vector_load %arg15[%get3A_1367, %get3A_1368] {strides = array<i32>} : memref<32x128xf32, #tpu.memory_space<vmem>>, vector<16xf32>,
      %max3A_1370 = arith.maximumf %max3A_1365, %get3A_1369 : vector<16xf32>
      %get3A_1371 = arith.constant 21 : i32
      %get3A_1372 = arith.index_cast %get3A_1371 : i32 to index
      %get3A_1373 = arith.constant 112 : index
      %get3A_1374 = tpu.vector_load %arg15[%get3A_1372, %get3A_1373] {strides = array<i32>} : memref<32x128xf32, #tpu.memory_space<vmem>>, vector<16xf32>,
      %max3A_1375 = arith.maximumf %max3A_1370, %get3A_1374 : vector<16xf32>
      %get3A_1376 = arith.constant 22 : i32
      %get3A_1377 = arith.index_cast %get3A_1376 : i32 to index
      %get3A_1378 = arith.constant 112 : index
      %get3A_1379 = tpu.vector_load %arg15[%get3A_1377, %get3A_1378] {strides = array<i32>} : memref<32x128xf32, #tpu.memory_space<vmem>>, vector<16xf32>,
      %max3A_1380 = arith.maximumf %max3A_1375, %get3A_1379 : vector<16xf32>
      %get3A_1381 = arith.constant 23 : i32
      %get3A_1382 = arith.index_cast %get3A_1381 : i32 to index
      %get3A_1383 = arith.constant 112 : index
      %get3A_1384 = tpu.vector_load %arg15[%get3A_1382, %get3A_1383] {strides = array<i32>} : memref<32x128xf32, #tpu.memory_space<vmem>>, vector<16xf32>,
      %max3A_1385 = arith.maximumf %max3A_1380, %get3A_1384 : vector<16xf32>
      %get3A_1386 = arith.constant 24 : i32
      %get3A_1387 = arith.index_cast %get3A_1386 : i32 to index
      %get3A_1388 = arith.constant 112 : index
      %get3A_1389 = tpu.vector_load %arg15[%get3A_1387, %get3A_1388] {strides = array<i32>} : memref<32x128xf32, #tpu.memory_space<vmem>>, vector<16xf32>,
      %max3A_1390 = arith.maximumf %max3A_1385, %get3A_1389 : vector<16xf32>
      %get3A_1391 = arith.constant 25 : i32
      %get3A_1392 = arith.index_cast %get3A_1391 : i32 to index
      %get3A_1393 = arith.constant 112 : index
      %get3A_1394 = tpu.vector_load %arg15[%get3A_1392, %get3A_1393] {strides = array<i32>} : memref<32x128xf32, #tpu.memory_space<vmem>>, vector<16xf32>,
      %max3A_1395 = arith.maximumf %max3A_1390, %get3A_1394 : vector<16xf32>
      %get3A_1396 = arith.constant 26 : i32
      %get3A_1397 = arith.index_cast %get3A_1396 : i32 to index
      %get3A_1398 = arith.constant 112 : index
      %get3A_1399 = tpu.vector_load %arg15[%get3A_1397, %get3A_1398] {strides = array<i32>} : memref<32x128xf32, #tpu.memory_space<vmem>>, vector<16xf32>,
      %max3A_1400 = arith.maximumf %max3A_1395, %get3A_1399 : vector<16xf32>
      %get3A_1401 = arith.constant 27 : i32
      %get3A_1402 = arith.index_cast %get3A_1401 : i32 to index
      %get3A_1403 = arith.constant 112 : index
      %get3A_1404 = tpu.vector_load %arg15[%get3A_1402, %get3A_1403] {strides = array<i32>} : memref<32x128xf32, #tpu.memory_space<vmem>>, vector<16xf32>,
      %max3A_1405 = arith.maximumf %max3A_1400, %get3A_1404 : vector<16xf32>
      %get3A_1406 = arith.constant 28 : i32
      %get3A_1407 = arith.index_cast %get3A_1406 : i32 to index
      %get3A_1408 = arith.constant 112 : index
      %get3A_1409 = tpu.vector_load %arg15[%get3A_1407, %get3A_1408] {strides = array<i32>} : memref<32x128xf32, #tpu.memory_space<vmem>>, vector<16xf32>,
      %max3A_1410 = arith.maximumf %max3A_1405, %get3A_1409 : vector<16xf32>
      %get3A_1411 = arith.constant 29 : i32
      %get3A_1412 = arith.index_cast %get3A_1411 : i32 to index
      %get3A_1413 = arith.constant 112 : index
      %get3A_1414 = tpu.vector_load %arg15[%get3A_1412, %get3A_1413] {strides = array<i32>} : memref<32x128xf32, #tpu.memory_space<vmem>>, vector<16xf32>,
      %max3A_1415 = arith.maximumf %max3A_1410, %get3A_1414 : vector<16xf32>
      %get3A_1416 = arith.constant 30 : i32
      %get3A_1417 = arith.index_cast %get3A_1416 : i32 to index
      %get3A_1418 = arith.constant 112 : index
      %get3A_1419 = tpu.vector_load %arg15[%get3A_1417, %get3A_1418] {strides = array<i32>} : memref<32x128xf32, #tpu.memory_space<vmem>>, vector<16xf32>,
      %max3A_1420 = arith.maximumf %max3A_1415, %get3A_1419 : vector<16xf32>
      %get3A_1421 = arith.constant 31 : i32
      %get3A_1422 = arith.index_cast %get3A_1421 : i32 to index
      %get3A_1423 = arith.constant 112 : index
      %get3A_1424 = tpu.vector_load %arg15[%get3A_1422, %get3A_1423] {strides = array<i32>} : memref<32x128xf32, #tpu.memory_space<vmem>>, vector<16xf32>,
      %max3A_1425 = arith.maximumf %max3A_1420, %get3A_1424 : vector<16xf32>
      %mul3A_1426 = arith.constant 128 : i32
      %mul3A_1427 = arith.muli %multiple_of3A_66, %mul3A_1426 : i32
      %add3A_1428 = arith.constant 112 : i32
      %add3A_1429 = arith.addi %mul3A_1427, %add3A_1428 : i32
      %multiple_of3A_1430 = tpu.assume_multiple %add3A_1429, 16 : i32
      %swap3A_1431 = arith.index_cast %multiple_of3A_1430 : i32 to index
      %swap3A_1432 = tpu.vector_load %arg18[%swap3A_1431] {strides = array<i32>} : memref<32768xf32, #tpu.memory_space<vmem>>, vector<16xf32>,
      tpu.vector_store %arg18[%swap3A_1431], %max3A_1425 {strides = array<i32>} : memref<32768xf32, #tpu.memory_space<vmem>>, vector<16xf32>,
      %dma_wait3A_1433 = arith.constant 0 : i32
      %dma_wait3A_1434 = arith.constant 0 : i32
      %dma_wait3A_1435 = tpu.memref_slice %arg5[%dma_wait3A_1433, %dma_wait3A_1434] : memref<32768x128xf32, #tpu.memory_space<hbm>> -> memref<32768x128xf32, #tpu.memory_space<hbm>>
      tpu.wait_indirect_dma semaphore(%arg20 : memref<!tpu.dma_semaphore, #tpu.memory_space<semaphore_mem>>) src(%dma_wait3A_1435 : memref<32768x128xf32, #tpu.memory_space<hbm>>) dst(%arg17 : memref<32x128xf32, #tpu.memory_space<vmem>>)
      %get3A_1436 = arith.constant 0 : i32
      %get3A_1437 = arith.index_cast %get3A_1436 : i32 to index
      %get3A_1438 = arith.constant 0 : index
      %get3A_1439 = tpu.vector_load %arg17[%get3A_1437, %get3A_1438] {strides = array<i32>} : memref<32x128xf32, #tpu.memory_space<vmem>>, vector<16xf32>,
      %get3A_1440 = arith.constant 1 : i32
      %get3A_1441 = arith.index_cast %get3A_1440 : i32 to index
      %get3A_1442 = arith.constant 0 : index
      %get3A_1443 = tpu.vector_load %arg17[%get3A_1441, %get3A_1442] {strides = array<i32>} : memref<32x128xf32, #tpu.memory_space<vmem>>, vector<16xf32>,
      %max3A_1444 = arith.maximumf %get3A_1439, %get3A_1443 : vector<16xf32>
      %get3A_1445 = arith.constant 2 : i32
      %get3A_1446 = arith.index_cast %get3A_1445 : i32 to index
      %get3A_1447 = arith.constant 0 : index
      %get3A_1448 = tpu.vector_load %arg17[%get3A_1446, %get3A_1447] {strides = array<i32>} : memref<32x128xf32, #tpu.memory_space<vmem>>, vector<16xf32>,
      %max3A_1449 = arith.maximumf %max3A_1444, %get3A_1448 : vector<16xf32>
      %get3A_1450 = arith.constant 3 : i32
      %get3A_1451 = arith.index_cast %get3A_1450 : i32 to index
      %get3A_1452 = arith.constant 0 : index
      %get3A_1453 = tpu.vector_load %arg17[%get3A_1451, %get3A_1452] {strides = array<i32>} : memref<32x128xf32, #tpu.memory_space<vmem>>, vector<16xf32>,
      %max3A_1454 = arith.maximumf %max3A_1449, %get3A_1453 : vector<16xf32>
      %get3A_1455 = arith.constant 4 : i32
      %get3A_1456 = arith.index_cast %get3A_1455 : i32 to index
      %get3A_1457 = arith.constant 0 : index
      %get3A_1458 = tpu.vector_load %arg17[%get3A_1456, %get3A_1457] {strides = array<i32>} : memref<32x128xf32, #tpu.memory_space<vmem>>, vector<16xf32>,
      %max3A_1459 = arith.maximumf %max3A_1454, %get3A_1458 : vector<16xf32>
      %get3A_1460 = arith.constant 5 : i32
      %get3A_1461 = arith.index_cast %get3A_1460 : i32 to index
      %get3A_1462 = arith.constant 0 : index
      %get3A_1463 = tpu.vector_load %arg17[%get3A_1461, %get3A_1462] {strides = array<i32>} : memref<32x128xf32, #tpu.memory_space<vmem>>, vector<16xf32>,
      %max3A_1464 = arith.maximumf %max3A_1459, %get3A_1463 : vector<16xf32>
      %get3A_1465 = arith.constant 6 : i32
      %get3A_1466 = arith.index_cast %get3A_1465 : i32 to index
      %get3A_1467 = arith.constant 0 : index
      %get3A_1468 = tpu.vector_load %arg17[%get3A_1466, %get3A_1467] {strides = array<i32>} : memref<32x128xf32, #tpu.memory_space<vmem>>, vector<16xf32>,
      %max3A_1469 = arith.maximumf %max3A_1464, %get3A_1468 : vector<16xf32>
      %get3A_1470 = arith.constant 7 : i32
      %get3A_1471 = arith.index_cast %get3A_1470 : i32 to index
      %get3A_1472 = arith.constant 0 : index
      %get3A_1473 = tpu.vector_load %arg17[%get3A_1471, %get3A_1472] {strides = array<i32>} : memref<32x128xf32, #tpu.memory_space<vmem>>, vector<16xf32>,
      %max3A_1474 = arith.maximumf %max3A_1469, %get3A_1473 : vector<16xf32>
      %get3A_1475 = arith.constant 8 : i32
      %get3A_1476 = arith.index_cast %get3A_1475 : i32 to index
      %get3A_1477 = arith.constant 0 : index
      %get3A_1478 = tpu.vector_load %arg17[%get3A_1476, %get3A_1477] {strides = array<i32>} : memref<32x128xf32, #tpu.memory_space<vmem>>, vector<16xf32>,
      %max3A_1479 = arith.maximumf %max3A_1474, %get3A_1478 : vector<16xf32>
      %get3A_1480 = arith.constant 9 : i32
      %get3A_1481 = arith.index_cast %get3A_1480 : i32 to index
      %get3A_1482 = arith.constant 0 : index
      %get3A_1483 = tpu.vector_load %arg17[%get3A_1481, %get3A_1482] {strides = array<i32>} : memref<32x128xf32, #tpu.memory_space<vmem>>, vector<16xf32>,
      %max3A_1484 = arith.maximumf %max3A_1479, %get3A_1483 : vector<16xf32>
      %get3A_1485 = arith.constant 10 : i32
      %get3A_1486 = arith.index_cast %get3A_1485 : i32 to index
      %get3A_1487 = arith.constant 0 : index
      %get3A_1488 = tpu.vector_load %arg17[%get3A_1486, %get3A_1487] {strides = array<i32>} : memref<32x128xf32, #tpu.memory_space<vmem>>, vector<16xf32>,
      %max3A_1489 = arith.maximumf %max3A_1484, %get3A_1488 : vector<16xf32>
      %get3A_1490 = arith.constant 11 : i32
      %get3A_1491 = arith.index_cast %get3A_1490 : i32 to index
      %get3A_1492 = arith.constant 0 : index
      %get3A_1493 = tpu.vector_load %arg17[%get3A_1491, %get3A_1492] {strides = array<i32>} : memref<32x128xf32, #tpu.memory_space<vmem>>, vector<16xf32>,
      %max3A_1494 = arith.maximumf %max3A_1489, %get3A_1493 : vector<16xf32>
      %get3A_1495 = arith.constant 12 : i32
      %get3A_1496 = arith.index_cast %get3A_1495 : i32 to index
      %get3A_1497 = arith.constant 0 : index
      %get3A_1498 = tpu.vector_load %arg17[%get3A_1496, %get3A_1497] {strides = array<i32>} : memref<32x128xf32, #tpu.memory_space<vmem>>, vector<16xf32>,
      %max3A_1499 = arith.maximumf %max3A_1494, %get3A_1498 : vector<16xf32>
      %get3A_1500 = arith.constant 13 : i32
      %get3A_1501 = arith.index_cast %get3A_1500 : i32 to index
      %get3A_1502 = arith.constant 0 : index
      %get3A_1503 = tpu.vector_load %arg17[%get3A_1501, %get3A_1502] {strides = array<i32>} : memref<32x128xf32, #tpu.memory_space<vmem>>, vector<16xf32>,
      %max3A_1504 = arith.maximumf %max3A_1499, %get3A_1503 : vector<16xf32>
      %get3A_1505 = arith.constant 14 : i32
      %get3A_1506 = arith.index_cast %get3A_1505 : i32 to index
      %get3A_1507 = arith.constant 0 : index
      %get3A_1508 = tpu.vector_load %arg17[%get3A_1506, %get3A_1507] {strides = array<i32>} : memref<32x128xf32, #tpu.memory_space<vmem>>, vector<16xf32>,
      %max3A_1509 = arith.maximumf %max3A_1504, %get3A_1508 : vector<16xf32>
      %get3A_1510 = arith.constant 15 : i32
      %get3A_1511 = arith.index_cast %get3A_1510 : i32 to index
      %get3A_1512 = arith.constant 0 : index
      %get3A_1513 = tpu.vector_load %arg17[%get3A_1511, %get3A_1512] {strides = array<i32>} : memref<32x128xf32, #tpu.memory_space<vmem>>, vector<16xf32>,
      %max3A_1514 = arith.maximumf %max3A_1509, %get3A_1513 : vector<16xf32>
      %get3A_1515 = arith.constant 16 : i32
      %get3A_1516 = arith.index_cast %get3A_1515 : i32 to index
      %get3A_1517 = arith.constant 0 : index
      %get3A_1518 = tpu.vector_load %arg17[%get3A_1516, %get3A_1517] {strides = array<i32>} : memref<32x128xf32, #tpu.memory_space<vmem>>, vector<16xf32>,
      %max3A_1519 = arith.maximumf %max3A_1514, %get3A_1518 : vector<16xf32>
      %get3A_1520 = arith.constant 17 : i32
      %get3A_1521 = arith.index_cast %get3A_1520 : i32 to index
      %get3A_1522 = arith.constant 0 : index
      %get3A_1523 = tpu.vector_load %arg17[%get3A_1521, %get3A_1522] {strides = array<i32>} : memref<32x128xf32, #tpu.memory_space<vmem>>, vector<16xf32>,
      %max3A_1524 = arith.maximumf %max3A_1519, %get3A_1523 : vector<16xf32>
      %get3A_1525 = arith.constant 18 : i32
      %get3A_1526 = arith.index_cast %get3A_1525 : i32 to index
      %get3A_1527 = arith.constant 0 : index
      %get3A_1528 = tpu.vector_load %arg17[%get3A_1526, %get3A_1527] {strides = array<i32>} : memref<32x128xf32, #tpu.memory_space<vmem>>, vector<16xf32>,
      %max3A_1529 = arith.maximumf %max3A_1524, %get3A_1528 : vector<16xf32>
      %get3A_1530 = arith.constant 19 : i32
      %get3A_1531 = arith.index_cast %get3A_1530 : i32 to index
      %get3A_1532 = arith.constant 0 : index
      %get3A_1533 = tpu.vector_load %arg17[%get3A_1531, %get3A_1532] {strides = array<i32>} : memref<32x128xf32, #tpu.memory_space<vmem>>, vector<16xf32>,
      %max3A_1534 = arith.maximumf %max3A_1529, %get3A_1533 : vector<16xf32>
      %get3A_1535 = arith.constant 20 : i32
      %get3A_1536 = arith.index_cast %get3A_1535 : i32 to index
      %get3A_1537 = arith.constant 0 : index
      %get3A_1538 = tpu.vector_load %arg17[%get3A_1536, %get3A_1537] {strides = array<i32>} : memref<32x128xf32, #tpu.memory_space<vmem>>, vector<16xf32>,
      %max3A_1539 = arith.maximumf %max3A_1534, %get3A_1538 : vector<16xf32>
      %get3A_1540 = arith.constant 21 : i32
      %get3A_1541 = arith.index_cast %get3A_1540 : i32 to index
      %get3A_1542 = arith.constant 0 : index
      %get3A_1543 = tpu.vector_load %arg17[%get3A_1541, %get3A_1542] {strides = array<i32>} : memref<32x128xf32, #tpu.memory_space<vmem>>, vector<16xf32>,
      %max3A_1544 = arith.maximumf %max3A_1539, %get3A_1543 : vector<16xf32>
      %get3A_1545 = arith.constant 22 : i32
      %get3A_1546 = arith.index_cast %get3A_1545 : i32 to index
      %get3A_1547 = arith.constant 0 : index
      %get3A_1548 = tpu.vector_load %arg17[%get3A_1546, %get3A_1547] {strides = array<i32>} : memref<32x128xf32, #tpu.memory_space<vmem>>, vector<16xf32>,
      %max3A_1549 = arith.maximumf %max3A_1544, %get3A_1548 : vector<16xf32>
      %get3A_1550 = arith.constant 23 : i32
      %get3A_1551 = arith.index_cast %get3A_1550 : i32 to index
      %get3A_1552 = arith.constant 0 : index
      %get3A_1553 = tpu.vector_load %arg17[%get3A_1551, %get3A_1552] {strides = array<i32>} : memref<32x128xf32, #tpu.memory_space<vmem>>, vector<16xf32>,
      %max3A_1554 = arith.maximumf %max3A_1549, %get3A_1553 : vector<16xf32>
      %get3A_1555 = arith.constant 24 : i32
      %get3A_1556 = arith.index_cast %get3A_1555 : i32 to index
      %get3A_1557 = arith.constant 0 : index
      %get3A_1558 = tpu.vector_load %arg17[%get3A_1556, %get3A_1557] {strides = array<i32>} : memref<32x128xf32, #tpu.memory_space<vmem>>, vector<16xf32>,
      %max3A_1559 = arith.maximumf %max3A_1554, %get3A_1558 : vector<16xf32>
      %get3A_1560 = arith.constant 25 : i32
      %get3A_1561 = arith.index_cast %get3A_1560 : i32 to index
      %get3A_1562 = arith.constant 0 : index
      %get3A_1563 = tpu.vector_load %arg17[%get3A_1561, %get3A_1562] {strides = array<i32>} : memref<32x128xf32, #tpu.memory_space<vmem>>, vector<16xf32>,
      %max3A_1564 = arith.maximumf %max3A_1559, %get3A_1563 : vector<16xf32>
      %get3A_1565 = arith.constant 26 : i32
      %get3A_1566 = arith.index_cast %get3A_1565 : i32 to index
      %get3A_1567 = arith.constant 0 : index
      %get3A_1568 = tpu.vector_load %arg17[%get3A_1566, %get3A_1567] {strides = array<i32>} : memref<32x128xf32, #tpu.memory_space<vmem>>, vector<16xf32>,
      %max3A_1569 = arith.maximumf %max3A_1564, %get3A_1568 : vector<16xf32>
      %get3A_1570 = arith.constant 27 : i32
      %get3A_1571 = arith.index_cast %get3A_1570 : i32 to index
      %get3A_1572 = arith.constant 0 : index
      %get3A_1573 = tpu.vector_load %arg17[%get3A_1571, %get3A_1572] {strides = array<i32>} : memref<32x128xf32, #tpu.memory_space<vmem>>, vector<16xf32>,
      %max3A_1574 = arith.maximumf %max3A_1569, %get3A_1573 : vector<16xf32>
      %get3A_1575 = arith.constant 28 : i32
      %get3A_1576 = arith.index_cast %get3A_1575 : i32 to index
      %get3A_1577 = arith.constant 0 : index
      %get3A_1578 = tpu.vector_load %arg17[%get3A_1576, %get3A_1577] {strides = array<i32>} : memref<32x128xf32, #tpu.memory_space<vmem>>, vector<16xf32>,
      %max3A_1579 = arith.maximumf %max3A_1574, %get3A_1578 : vector<16xf32>
      %get3A_1580 = arith.constant 29 : i32
      %get3A_1581 = arith.index_cast %get3A_1580 : i32 to index
      %get3A_1582 = arith.constant 0 : index
      %get3A_1583 = tpu.vector_load %arg17[%get3A_1581, %get3A_1582] {strides = array<i32>} : memref<32x128xf32, #tpu.memory_space<vmem>>, vector<16xf32>,
      %max3A_1584 = arith.maximumf %max3A_1579, %get3A_1583 : vector<16xf32>
      %get3A_1585 = arith.constant 30 : i32
      %get3A_1586 = arith.index_cast %get3A_1585 : i32 to index
      %get3A_1587 = arith.constant 0 : index
      %get3A_1588 = tpu.vector_load %arg17[%get3A_1586, %get3A_1587] {strides = array<i32>} : memref<32x128xf32, #tpu.memory_space<vmem>>, vector<16xf32>,
      %max3A_1589 = arith.maximumf %max3A_1584, %get3A_1588 : vector<16xf32>
      %get3A_1590 = arith.constant 31 : i32
      %get3A_1591 = arith.index_cast %get3A_1590 : i32 to index
      %get3A_1592 = arith.constant 0 : index
      %get3A_1593 = tpu.vector_load %arg17[%get3A_1591, %get3A_1592] {strides = array<i32>} : memref<32x128xf32, #tpu.memory_space<vmem>>, vector<16xf32>,
      %max3A_1594 = arith.maximumf %max3A_1589, %get3A_1593 : vector<16xf32>
      %mul3A_1595 = arith.constant 128 : i32
      %mul3A_1596 = arith.muli %add3A_68, %mul3A_1595 : i32
      %add3A_1597 = arith.constant 0 : i32
      %add3A_1598 = arith.addi %mul3A_1596, %add3A_1597 : i32
      %multiple_of3A_1599 = tpu.assume_multiple %add3A_1598, 16 : i32
      %swap3A_1600 = arith.index_cast %multiple_of3A_1599 : i32 to index
      %swap3A_1601 = tpu.vector_load %arg18[%swap3A_1600] {strides = array<i32>} : memref<32768xf32, #tpu.memory_space<vmem>>, vector<16xf32>,
      tpu.vector_store %arg18[%swap3A_1600], %max3A_1594 {strides = array<i32>} : memref<32768xf32, #tpu.memory_space<vmem>>, vector<16xf32>,
      %get3A_1602 = arith.constant 0 : i32
      %get3A_1603 = arith.index_cast %get3A_1602 : i32 to index
      %get3A_1604 = arith.constant 16 : index
      %get3A_1605 = tpu.vector_load %arg17[%get3A_1603, %get3A_1604] {strides = array<i32>} : memref<32x128xf32, #tpu.memory_space<vmem>>, vector<16xf32>,
      %get3A_1606 = arith.constant 1 : i32
      %get3A_1607 = arith.index_cast %get3A_1606 : i32 to index
      %get3A_1608 = arith.constant 16 : index
      %get3A_1609 = tpu.vector_load %arg17[%get3A_1607, %get3A_1608] {strides = array<i32>} : memref<32x128xf32, #tpu.memory_space<vmem>>, vector<16xf32>,
      %max3A_1610 = arith.maximumf %get3A_1605, %get3A_1609 : vector<16xf32>
      %get3A_1611 = arith.constant 2 : i32
      %get3A_1612 = arith.index_cast %get3A_1611 : i32 to index
      %get3A_1613 = arith.constant 16 : index
      %get3A_1614 = tpu.vector_load %arg17[%get3A_1612, %get3A_1613] {strides = array<i32>} : memref<32x128xf32, #tpu.memory_space<vmem>>, vector<16xf32>,
      %max3A_1615 = arith.maximumf %max3A_1610, %get3A_1614 : vector<16xf32>
      %get3A_1616 = arith.constant 3 : i32
      %get3A_1617 = arith.index_cast %get3A_1616 : i32 to index
      %get3A_1618 = arith.constant 16 : index
      %get3A_1619 = tpu.vector_load %arg17[%get3A_1617, %get3A_1618] {strides = array<i32>} : memref<32x128xf32, #tpu.memory_space<vmem>>, vector<16xf32>,
      %max3A_1620 = arith.maximumf %max3A_1615, %get3A_1619 : vector<16xf32>
      %get3A_1621 = arith.constant 4 : i32
      %get3A_1622 = arith.index_cast %get3A_1621 : i32 to index
      %get3A_1623 = arith.constant 16 : index
      %get3A_1624 = tpu.vector_load %arg17[%get3A_1622, %get3A_1623] {strides = array<i32>} : memref<32x128xf32, #tpu.memory_space<vmem>>, vector<16xf32>,
      %max3A_1625 = arith.maximumf %max3A_1620, %get3A_1624 : vector<16xf32>
      %get3A_1626 = arith.constant 5 : i32
      %get3A_1627 = arith.index_cast %get3A_1626 : i32 to index
      %get3A_1628 = arith.constant 16 : index
      %get3A_1629 = tpu.vector_load %arg17[%get3A_1627, %get3A_1628] {strides = array<i32>} : memref<32x128xf32, #tpu.memory_space<vmem>>, vector<16xf32>,
      %max3A_1630 = arith.maximumf %max3A_1625, %get3A_1629 : vector<16xf32>
      %get3A_1631 = arith.constant 6 : i32
      %get3A_1632 = arith.index_cast %get3A_1631 : i32 to index
      %get3A_1633 = arith.constant 16 : index
      %get3A_1634 = tpu.vector_load %arg17[%get3A_1632, %get3A_1633] {strides = array<i32>} : memref<32x128xf32, #tpu.memory_space<vmem>>, vector<16xf32>,
      %max3A_1635 = arith.maximumf %max3A_1630, %get3A_1634 : vector<16xf32>
      %get3A_1636 = arith.constant 7 : i32
      %get3A_1637 = arith.index_cast %get3A_1636 : i32 to index
      %get3A_1638 = arith.constant 16 : index
      %get3A_1639 = tpu.vector_load %arg17[%get3A_1637, %get3A_1638] {strides = array<i32>} : memref<32x128xf32, #tpu.memory_space<vmem>>, vector<16xf32>,
      %max3A_1640 = arith.maximumf %max3A_1635, %get3A_1639 : vector<16xf32>
      %get3A_1641 = arith.constant 8 : i32
      %get3A_1642 = arith.index_cast %get3A_1641 : i32 to index
      %get3A_1643 = arith.constant 16 : index
      %get3A_1644 = tpu.vector_load %arg17[%get3A_1642, %get3A_1643] {strides = array<i32>} : memref<32x128xf32, #tpu.memory_space<vmem>>, vector<16xf32>,
      %max3A_1645 = arith.maximumf %max3A_1640, %get3A_1644 : vector<16xf32>
      %get3A_1646 = arith.constant 9 : i32
      %get3A_1647 = arith.index_cast %get3A_1646 : i32 to index
      %get3A_1648 = arith.constant 16 : index
      %get3A_1649 = tpu.vector_load %arg17[%get3A_1647, %get3A_1648] {strides = array<i32>} : memref<32x128xf32, #tpu.memory_space<vmem>>, vector<16xf32>,
      %max3A_1650 = arith.maximumf %max3A_1645, %get3A_1649 : vector<16xf32>
      %get3A_1651 = arith.constant 10 : i32
      %get3A_1652 = arith.index_cast %get3A_1651 : i32 to index
      %get3A_1653 = arith.constant 16 : index
      %get3A_1654 = tpu.vector_load %arg17[%get3A_1652, %get3A_1653] {strides = array<i32>} : memref<32x128xf32, #tpu.memory_space<vmem>>, vector<16xf32>,
      %max3A_1655 = arith.maximumf %max3A_1650, %get3A_1654 : vector<16xf32>
      %get3A_1656 = arith.constant 11 : i32
      %get3A_1657 = arith.index_cast %get3A_1656 : i32 to index
      %get3A_1658 = arith.constant 16 : index
      %get3A_1659 = tpu.vector_load %arg17[%get3A_1657, %get3A_1658] {strides = array<i32>} : memref<32x128xf32, #tpu.memory_space<vmem>>, vector<16xf32>,
      %max3A_1660 = arith.maximumf %max3A_1655, %get3A_1659 : vector<16xf32>
      %get3A_1661 = arith.constant 12 : i32
      %get3A_1662 = arith.index_cast %get3A_1661 : i32 to index
      %get3A_1663 = arith.constant 16 : index
      %get3A_1664 = tpu.vector_load %arg17[%get3A_1662, %get3A_1663] {strides = array<i32>} : memref<32x128xf32, #tpu.memory_space<vmem>>, vector<16xf32>,
      %max3A_1665 = arith.maximumf %max3A_1660, %get3A_1664 : vector<16xf32>
      %get3A_1666 = arith.constant 13 : i32
      %get3A_1667 = arith.index_cast %get3A_1666 : i32 to index
      %get3A_1668 = arith.constant 16 : index
      %get3A_1669 = tpu.vector_load %arg17[%get3A_1667, %get3A_1668] {strides = array<i32>} : memref<32x128xf32, #tpu.memory_space<vmem>>, vector<16xf32>,
      %max3A_1670 = arith.maximumf %max3A_1665, %get3A_1669 : vector<16xf32>
      %get3A_1671 = arith.constant 14 : i32
      %get3A_1672 = arith.index_cast %get3A_1671 : i32 to index
      %get3A_1673 = arith.constant 16 : index
      %get3A_1674 = tpu.vector_load %arg17[%get3A_1672, %get3A_1673] {strides = array<i32>} : memref<32x128xf32, #tpu.memory_space<vmem>>, vector<16xf32>,
      %max3A_1675 = arith.maximumf %max3A_1670, %get3A_1674 : vector<16xf32>
      %get3A_1676 = arith.constant 15 : i32
      %get3A_1677 = arith.index_cast %get3A_1676 : i32 to index
      %get3A_1678 = arith.constant 16 : index
      %get3A_1679 = tpu.vector_load %arg17[%get3A_1677, %get3A_1678] {strides = array<i32>} : memref<32x128xf32, #tpu.memory_space<vmem>>, vector<16xf32>,
      %max3A_1680 = arith.maximumf %max3A_1675, %get3A_1679 : vector<16xf32>
      %get3A_1681 = arith.constant 16 : i32
      %get3A_1682 = arith.index_cast %get3A_1681 : i32 to index
      %get3A_1683 = arith.constant 16 : index
      %get3A_1684 = tpu.vector_load %arg17[%get3A_1682, %get3A_1683] {strides = array<i32>} : memref<32x128xf32, #tpu.memory_space<vmem>>, vector<16xf32>,
      %max3A_1685 = arith.maximumf %max3A_1680, %get3A_1684 : vector<16xf32>
      %get3A_1686 = arith.constant 17 : i32
      %get3A_1687 = arith.index_cast %get3A_1686 : i32 to index
      %get3A_1688 = arith.constant 16 : index
      %get3A_1689 = tpu.vector_load %arg17[%get3A_1687, %get3A_1688] {strides = array<i32>} : memref<32x128xf32, #tpu.memory_space<vmem>>, vector<16xf32>,
      %max3A_1690 = arith.maximumf %max3A_1685, %get3A_1689 : vector<16xf32>
      %get3A_1691 = arith.constant 18 : i32
      %get3A_1692 = arith.index_cast %get3A_1691 : i32 to index
      %get3A_1693 = arith.constant 16 : index
      %get3A_1694 = tpu.vector_load %arg17[%get3A_1692, %get3A_1693] {strides = array<i32>} : memref<32x128xf32, #tpu.memory_space<vmem>>, vector<16xf32>,
      %max3A_1695 = arith.maximumf %max3A_1690, %get3A_1694 : vector<16xf32>
      %get3A_1696 = arith.constant 19 : i32
      %get3A_1697 = arith.index_cast %get3A_1696 : i32 to index
      %get3A_1698 = arith.constant 16 : index
      %get3A_1699 = tpu.vector_load %arg17[%get3A_1697, %get3A_1698] {strides = array<i32>} : memref<32x128xf32, #tpu.memory_space<vmem>>, vector<16xf32>,
      %max3A_1700 = arith.maximumf %max3A_1695, %get3A_1699 : vector<16xf32>
      %get3A_1701 = arith.constant 20 : i32
      %get3A_1702 = arith.index_cast %get3A_1701 : i32 to index
      %get3A_1703 = arith.constant 16 : index
      %get3A_1704 = tpu.vector_load %arg17[%get3A_1702, %get3A_1703] {strides = array<i32>} : memref<32x128xf32, #tpu.memory_space<vmem>>, vector<16xf32>,
      %max3A_1705 = arith.maximumf %max3A_1700, %get3A_1704 : vector<16xf32>
      %get3A_1706 = arith.constant 21 : i32
      %get3A_1707 = arith.index_cast %get3A_1706 : i32 to index
      %get3A_1708 = arith.constant 16 : index
      %get3A_1709 = tpu.vector_load %arg17[%get3A_1707, %get3A_1708] {strides = array<i32>} : memref<32x128xf32, #tpu.memory_space<vmem>>, vector<16xf32>,
      %max3A_1710 = arith.maximumf %max3A_1705, %get3A_1709 : vector<16xf32>
      %get3A_1711 = arith.constant 22 : i32
      %get3A_1712 = arith.index_cast %get3A_1711 : i32 to index
      %get3A_1713 = arith.constant 16 : index
      %get3A_1714 = tpu.vector_load %arg17[%get3A_1712, %get3A_1713] {strides = array<i32>} : memref<32x128xf32, #tpu.memory_space<vmem>>, vector<16xf32>,
      %max3A_1715 = arith.maximumf %max3A_1710, %get3A_1714 : vector<16xf32>
      %get3A_1716 = arith.constant 23 : i32
      %get3A_1717 = arith.index_cast %get3A_1716 : i32 to index
      %get3A_1718 = arith.constant 16 : index
      %get3A_1719 = tpu.vector_load %arg17[%get3A_1717, %get3A_1718] {strides = array<i32>} : memref<32x128xf32, #tpu.memory_space<vmem>>, vector<16xf32>,
      %max3A_1720 = arith.maximumf %max3A_1715, %get3A_1719 : vector<16xf32>
      %get3A_1721 = arith.constant 24 : i32
      %get3A_1722 = arith.index_cast %get3A_1721 : i32 to index
      %get3A_1723 = arith.constant 16 : index
      %get3A_1724 = tpu.vector_load %arg17[%get3A_1722, %get3A_1723] {strides = array<i32>} : memref<32x128xf32, #tpu.memory_space<vmem>>, vector<16xf32>,
      %max3A_1725 = arith.maximumf %max3A_1720, %get3A_1724 : vector<16xf32>
      %get3A_1726 = arith.constant 25 : i32
      %get3A_1727 = arith.index_cast %get3A_1726 : i32 to index
      %get3A_1728 = arith.constant 16 : index
      %get3A_1729 = tpu.vector_load %arg17[%get3A_1727, %get3A_1728] {strides = array<i32>} : memref<32x128xf32, #tpu.memory_space<vmem>>, vector<16xf32>,
      %max3A_1730 = arith.maximumf %max3A_1725, %get3A_1729 : vector<16xf32>
      %get3A_1731 = arith.constant 26 : i32
      %get3A_1732 = arith.index_cast %get3A_1731 : i32 to index
      %get3A_1733 = arith.constant 16 : index
      %get3A_1734 = tpu.vector_load %arg17[%get3A_1732, %get3A_1733] {strides = array<i32>} : memref<32x128xf32, #tpu.memory_space<vmem>>, vector<16xf32>,
      %max3A_1735 = arith.maximumf %max3A_1730, %get3A_1734 : vector<16xf32>
      %get3A_1736 = arith.constant 27 : i32
      %get3A_1737 = arith.index_cast %get3A_1736 : i32 to index
      %get3A_1738 = arith.constant 16 : index
      %get3A_1739 = tpu.vector_load %arg17[%get3A_1737, %get3A_1738] {strides = array<i32>} : memref<32x128xf32, #tpu.memory_space<vmem>>, vector<16xf32>,
      %max3A_1740 = arith.maximumf %max3A_1735, %get3A_1739 : vector<16xf32>
      %get3A_1741 = arith.constant 28 : i32
      %get3A_1742 = arith.index_cast %get3A_1741 : i32 to index
      %get3A_1743 = arith.constant 16 : index
      %get3A_1744 = tpu.vector_load %arg17[%get3A_1742, %get3A_1743] {strides = array<i32>} : memref<32x128xf32, #tpu.memory_space<vmem>>, vector<16xf32>,
      %max3A_1745 = arith.maximumf %max3A_1740, %get3A_1744 : vector<16xf32>
      %get3A_1746 = arith.constant 29 : i32
      %get3A_1747 = arith.index_cast %get3A_1746 : i32 to index
      %get3A_1748 = arith.constant 16 : index
      %get3A_1749 = tpu.vector_load %arg17[%get3A_1747, %get3A_1748] {strides = array<i32>} : memref<32x128xf32, #tpu.memory_space<vmem>>, vector<16xf32>,
      %max3A_1750 = arith.maximumf %max3A_1745, %get3A_1749 : vector<16xf32>
      %get3A_1751 = arith.constant 30 : i32
      %get3A_1752 = arith.index_cast %get3A_1751 : i32 to index
      %get3A_1753 = arith.constant 16 : index
      %get3A_1754 = tpu.vector_load %arg17[%get3A_1752, %get3A_1753] {strides = array<i32>} : memref<32x128xf32, #tpu.memory_space<vmem>>, vector<16xf32>,
      %max3A_1755 = arith.maximumf %max3A_1750, %get3A_1754 : vector<16xf32>
      %get3A_1756 = arith.constant 31 : i32
      %get3A_1757 = arith.index_cast %get3A_1756 : i32 to index
      %get3A_1758 = arith.constant 16 : index
      %get3A_1759 = tpu.vector_load %arg17[%get3A_1757, %get3A_1758] {strides = array<i32>} : memref<32x128xf32, #tpu.memory_space<vmem>>, vector<16xf32>,
      %max3A_1760 = arith.maximumf %max3A_1755, %get3A_1759 : vector<16xf32>
      %mul3A_1761 = arith.constant 128 : i32
      %mul3A_1762 = arith.muli %add3A_68, %mul3A_1761 : i32
      %add3A_1763 = arith.constant 16 : i32
      %add3A_1764 = arith.addi %mul3A_1762, %add3A_1763 : i32
      %multiple_of3A_1765 = tpu.assume_multiple %add3A_1764, 16 : i32
      %swap3A_1766 = arith.index_cast %multiple_of3A_1765 : i32 to index
      %swap3A_1767 = tpu.vector_load %arg18[%swap3A_1766] {strides = array<i32>} : memref<32768xf32, #tpu.memory_space<vmem>>, vector<16xf32>,
      tpu.vector_store %arg18[%swap3A_1766], %max3A_1760 {strides = array<i32>} : memref<32768xf32, #tpu.memory_space<vmem>>, vector<16xf32>,
      %get3A_1768 = arith.constant 0 : i32
      %get3A_1769 = arith.index_cast %get3A_1768 : i32 to index
      %get3A_1770 = arith.constant 32 : index
      %get3A_1771 = tpu.vector_load %arg17[%get3A_1769, %get3A_1770] {strides = array<i32>} : memref<32x128xf32, #tpu.memory_space<vmem>>, vector<16xf32>,
      %get3A_1772 = arith.constant 1 : i32
      %get3A_1773 = arith.index_cast %get3A_1772 : i32 to index
      %get3A_1774 = arith.constant 32 : index
      %get3A_1775 = tpu.vector_load %arg17[%get3A_1773, %get3A_1774] {strides = array<i32>} : memref<32x128xf32, #tpu.memory_space<vmem>>, vector<16xf32>,
      %max3A_1776 = arith.maximumf %get3A_1771, %get3A_1775 : vector<16xf32>
      %get3A_1777 = arith.constant 2 : i32
      %get3A_1778 = arith.index_cast %get3A_1777 : i32 to index
      %get3A_1779 = arith.constant 32 : index
      %get3A_1780 = tpu.vector_load %arg17[%get3A_1778, %get3A_1779] {strides = array<i32>} : memref<32x128xf32, #tpu.memory_space<vmem>>, vector<16xf32>,
      %max3A_1781 = arith.maximumf %max3A_1776, %get3A_1780 : vector<16xf32>
      %get3A_1782 = arith.constant 3 : i32
      %get3A_1783 = arith.index_cast %get3A_1782 : i32 to index
      %get3A_1784 = arith.constant 32 : index
      %get3A_1785 = tpu.vector_load %arg17[%get3A_1783, %get3A_1784] {strides = array<i32>} : memref<32x128xf32, #tpu.memory_space<vmem>>, vector<16xf32>,
      %max3A_1786 = arith.maximumf %max3A_1781, %get3A_1785 : vector<16xf32>
      %get3A_1787 = arith.constant 4 : i32
      %get3A_1788 = arith.index_cast %get3A_1787 : i32 to index
      %get3A_1789 = arith.constant 32 : index
      %get3A_1790 = tpu.vector_load %arg17[%get3A_1788, %get3A_1789] {strides = array<i32>} : memref<32x128xf32, #tpu.memory_space<vmem>>, vector<16xf32>,
      %max3A_1791 = arith.maximumf %max3A_1786, %get3A_1790 : vector<16xf32>
      %get3A_1792 = arith.constant 5 : i32
      %get3A_1793 = arith.index_cast %get3A_1792 : i32 to index
      %get3A_1794 = arith.constant 32 : index
      %get3A_1795 = tpu.vector_load %arg17[%get3A_1793, %get3A_1794] {strides = array<i32>} : memref<32x128xf32, #tpu.memory_space<vmem>>, vector<16xf32>,
      %max3A_1796 = arith.maximumf %max3A_1791, %get3A_1795 : vector<16xf32>
      %get3A_1797 = arith.constant 6 : i32
      %get3A_1798 = arith.index_cast %get3A_1797 : i32 to index
      %get3A_1799 = arith.constant 32 : index
      %get3A_1800 = tpu.vector_load %arg17[%get3A_1798, %get3A_1799] {strides = array<i32>} : memref<32x128xf32, #tpu.memory_space<vmem>>, vector<16xf32>,
      %max3A_1801 = arith.maximumf %max3A_1796, %get3A_1800 : vector<16xf32>
      %get3A_1802 = arith.constant 7 : i32
      %get3A_1803 = arith.index_cast %get3A_1802 : i32 to index
      %get3A_1804 = arith.constant 32 : index
      %get3A_1805 = tpu.vector_load %arg17[%get3A_1803, %get3A_1804] {strides = array<i32>} : memref<32x128xf32, #tpu.memory_space<vmem>>, vector<16xf32>,
      %max3A_1806 = arith.maximumf %max3A_1801, %get3A_1805 : vector<16xf32>
      %get3A_1807 = arith.constant 8 : i32
      %get3A_1808 = arith.index_cast %get3A_1807 : i32 to index
      %get3A_1809 = arith.constant 32 : index
      %get3A_1810 = tpu.vector_load %arg17[%get3A_1808, %get3A_1809] {strides = array<i32>} : memref<32x128xf32, #tpu.memory_space<vmem>>, vector<16xf32>,
      %max3A_1811 = arith.maximumf %max3A_1806, %get3A_1810 : vector<16xf32>
      %get3A_1812 = arith.constant 9 : i32
      %get3A_1813 = arith.index_cast %get3A_1812 : i32 to index
      %get3A_1814 = arith.constant 32 : index
      %get3A_1815 = tpu.vector_load %arg17[%get3A_1813, %get3A_1814] {strides = array<i32>} : memref<32x128xf32, #tpu.memory_space<vmem>>, vector<16xf32>,
      %max3A_1816 = arith.maximumf %max3A_1811, %get3A_1815 : vector<16xf32>
      %get3A_1817 = arith.constant 10 : i32
      %get3A_1818 = arith.index_cast %get3A_1817 : i32 to index
      %get3A_1819 = arith.constant 32 : index
      %get3A_1820 = tpu.vector_load %arg17[%get3A_1818, %get3A_1819] {strides = array<i32>} : memref<32x128xf32, #tpu.memory_space<vmem>>, vector<16xf32>,
      %max3A_1821 = arith.maximumf %max3A_1816, %get3A_1820 : vector<16xf32>
      %get3A_1822 = arith.constant 11 : i32
      %get3A_1823 = arith.index_cast %get3A_1822 : i32 to index
      %get3A_1824 = arith.constant 32 : index
      %get3A_1825 = tpu.vector_load %arg17[%get3A_1823, %get3A_1824] {strides = array<i32>} : memref<32x128xf32, #tpu.memory_space<vmem>>, vector<16xf32>,
      %max3A_1826 = arith.maximumf %max3A_1821, %get3A_1825 : vector<16xf32>
      %get3A_1827 = arith.constant 12 : i32
      %get3A_1828 = arith.index_cast %get3A_1827 : i32 to index
      %get3A_1829 = arith.constant 32 : index
      %get3A_1830 = tpu.vector_load %arg17[%get3A_1828, %get3A_1829] {strides = array<i32>} : memref<32x128xf32, #tpu.memory_space<vmem>>, vector<16xf32>,
      %max3A_1831 = arith.maximumf %max3A_1826, %get3A_1830 : vector<16xf32>
      %get3A_1832 = arith.constant 13 : i32
      %get3A_1833 = arith.index_cast %get3A_1832 : i32 to index
      %get3A_1834 = arith.constant 32 : index
      %get3A_1835 = tpu.vector_load %arg17[%get3A_1833, %get3A_1834] {strides = array<i32>} : memref<32x128xf32, #tpu.memory_space<vmem>>, vector<16xf32>,
      %max3A_1836 = arith.maximumf %max3A_1831, %get3A_1835 : vector<16xf32>
      %get3A_1837 = arith.constant 14 : i32
      %get3A_1838 = arith.index_cast %get3A_1837 : i32 to index
      %get3A_1839 = arith.constant 32 : index
      %get3A_1840 = tpu.vector_load %arg17[%get3A_1838, %get3A_1839] {strides = array<i32>} : memref<32x128xf32, #tpu.memory_space<vmem>>, vector<16xf32>,
      %max3A_1841 = arith.maximumf %max3A_1836, %get3A_1840 : vector<16xf32>
      %get3A_1842 = arith.constant 15 : i32
      %get3A_1843 = arith.index_cast %get3A_1842 : i32 to index
      %get3A_1844 = arith.constant 32 : index
      %get3A_1845 = tpu.vector_load %arg17[%get3A_1843, %get3A_1844] {strides = array<i32>} : memref<32x128xf32, #tpu.memory_space<vmem>>, vector<16xf32>,
      %max3A_1846 = arith.maximumf %max3A_1841, %get3A_1845 : vector<16xf32>
      %get3A_1847 = arith.constant 16 : i32
      %get3A_1848 = arith.index_cast %get3A_1847 : i32 to index
      %get3A_1849 = arith.constant 32 : index
      %get3A_1850 = tpu.vector_load %arg17[%get3A_1848, %get3A_1849] {strides = array<i32>} : memref<32x128xf32, #tpu.memory_space<vmem>>, vector<16xf32>,
      %max3A_1851 = arith.maximumf %max3A_1846, %get3A_1850 : vector<16xf32>
      %get3A_1852 = arith.constant 17 : i32
      %get3A_1853 = arith.index_cast %get3A_1852 : i32 to index
      %get3A_1854 = arith.constant 32 : index
      %get3A_1855 = tpu.vector_load %arg17[%get3A_1853, %get3A_1854] {strides = array<i32>} : memref<32x128xf32, #tpu.memory_space<vmem>>, vector<16xf32>,
      %max3A_1856 = arith.maximumf %max3A_1851, %get3A_1855 : vector<16xf32>
      %get3A_1857 = arith.constant 18 : i32
      %get3A_1858 = arith.index_cast %get3A_1857 : i32 to index
      %get3A_1859 = arith.constant 32 : index
      %get3A_1860 = tpu.vector_load %arg17[%get3A_1858, %get3A_1859] {strides = array<i32>} : memref<32x128xf32, #tpu.memory_space<vmem>>, vector<16xf32>,
      %max3A_1861 = arith.maximumf %max3A_1856, %get3A_1860 : vector<16xf32>
      %get3A_1862 = arith.constant 19 : i32
      %get3A_1863 = arith.index_cast %get3A_1862 : i32 to index
      %get3A_1864 = arith.constant 32 : index
      %get3A_1865 = tpu.vector_load %arg17[%get3A_1863, %get3A_1864] {strides = array<i32>} : memref<32x128xf32, #tpu.memory_space<vmem>>, vector<16xf32>,
      %max3A_1866 = arith.maximumf %max3A_1861, %get3A_1865 : vector<16xf32>
      %get3A_1867 = arith.constant 20 : i32
      %get3A_1868 = arith.index_cast %get3A_1867 : i32 to index
      %get3A_1869 = arith.constant 32 : index
      %get3A_1870 = tpu.vector_load %arg17[%get3A_1868, %get3A_1869] {strides = array<i32>} : memref<32x128xf32, #tpu.memory_space<vmem>>, vector<16xf32>,
      %max3A_1871 = arith.maximumf %max3A_1866, %get3A_1870 : vector<16xf32>
      %get3A_1872 = arith.constant 21 : i32
      %get3A_1873 = arith.index_cast %get3A_1872 : i32 to index
      %get3A_1874 = arith.constant 32 : index
      %get3A_1875 = tpu.vector_load %arg17[%get3A_1873, %get3A_1874] {strides = array<i32>} : memref<32x128xf32, #tpu.memory_space<vmem>>, vector<16xf32>,
      %max3A_1876 = arith.maximumf %max3A_1871, %get3A_1875 : vector<16xf32>
      %get3A_1877 = arith.constant 22 : i32
      %get3A_1878 = arith.index_cast %get3A_1877 : i32 to index
      %get3A_1879 = arith.constant 32 : index
      %get3A_1880 = tpu.vector_load %arg17[%get3A_1878, %get3A_1879] {strides = array<i32>} : memref<32x128xf32, #tpu.memory_space<vmem>>, vector<16xf32>,
      %max3A_1881 = arith.maximumf %max3A_1876, %get3A_1880 : vector<16xf32>
      %get3A_1882 = arith.constant 23 : i32
      %get3A_1883 = arith.index_cast %get3A_1882 : i32 to index
      %get3A_1884 = arith.constant 32 : index
      %get3A_1885 = tpu.vector_load %arg17[%get3A_1883, %get3A_1884] {strides = array<i32>} : memref<32x128xf32, #tpu.memory_space<vmem>>, vector<16xf32>,
      %max3A_1886 = arith.maximumf %max3A_1881, %get3A_1885 : vector<16xf32>
      %get3A_1887 = arith.constant 24 : i32
      %get3A_1888 = arith.index_cast %get3A_1887 : i32 to index
      %get3A_1889 = arith.constant 32 : index
      %get3A_1890 = tpu.vector_load %arg17[%get3A_1888, %get3A_1889] {strides = array<i32>} : memref<32x128xf32, #tpu.memory_space<vmem>>, vector<16xf32>,
      %max3A_1891 = arith.maximumf %max3A_1886, %get3A_1890 : vector<16xf32>
      %get3A_1892 = arith.constant 25 : i32
      %get3A_1893 = arith.index_cast %get3A_1892 : i32 to index
      %get3A_1894 = arith.constant 32 : index
      %get3A_1895 = tpu.vector_load %arg17[%get3A_1893, %get3A_1894] {strides = array<i32>} : memref<32x128xf32, #tpu.memory_space<vmem>>, vector<16xf32>,
      %max3A_1896 = arith.maximumf %max3A_1891, %get3A_1895 : vector<16xf32>
      %get3A_1897 = arith.constant 26 : i32
      %get3A_1898 = arith.index_cast %get3A_1897 : i32 to index
      %get3A_1899 = arith.constant 32 : index
      %get3A_1900 = tpu.vector_load %arg17[%get3A_1898, %get3A_1899] {strides = array<i32>} : memref<32x128xf32, #tpu.memory_space<vmem>>, vector<16xf32>,
      %max3A_1901 = arith.maximumf %max3A_1896, %get3A_1900 : vector<16xf32>
      %get3A_1902 = arith.constant 27 : i32
      %get3A_1903 = arith.index_cast %get3A_1902 : i32 to index
      %get3A_1904 = arith.constant 32 : index
      %get3A_1905 = tpu.vector_load %arg17[%get3A_1903, %get3A_1904] {strides = array<i32>} : memref<32x128xf32, #tpu.memory_space<vmem>>, vector<16xf32>,
      %max3A_1906 = arith.maximumf %max3A_1901, %get3A_1905 : vector<16xf32>
      %get3A_1907 = arith.constant 28 : i32
      %get3A_1908 = arith.index_cast %get3A_1907 : i32 to index
      %get3A_1909 = arith.constant 32 : index
      %get3A_1910 = tpu.vector_load %arg17[%get3A_1908, %get3A_1909] {strides = array<i32>} : memref<32x128xf32, #tpu.memory_space<vmem>>, vector<16xf32>,
      %max3A_1911 = arith.maximumf %max3A_1906, %get3A_1910 : vector<16xf32>
      %get3A_1912 = arith.constant 29 : i32
      %get3A_1913 = arith.index_cast %get3A_1912 : i32 to index
      %get3A_1914 = arith.constant 32 : index
      %get3A_1915 = tpu.vector_load %arg17[%get3A_1913, %get3A_1914] {strides = array<i32>} : memref<32x128xf32, #tpu.memory_space<vmem>>, vector<16xf32>,
      %max3A_1916 = arith.maximumf %max3A_1911, %get3A_1915 : vector<16xf32>
      %get3A_1917 = arith.constant 30 : i32
      %get3A_1918 = arith.index_cast %get3A_1917 : i32 to index
      %get3A_1919 = arith.constant 32 : index
      %get3A_1920 = tpu.vector_load %arg17[%get3A_1918, %get3A_1919] {strides = array<i32>} : memref<32x128xf32, #tpu.memory_space<vmem>>, vector<16xf32>,
      %max3A_1921 = arith.maximumf %max3A_1916, %get3A_1920 : vector<16xf32>
      %get3A_1922 = arith.constant 31 : i32
      %get3A_1923 = arith.index_cast %get3A_1922 : i32 to index
      %get3A_1924 = arith.constant 32 : index
      %get3A_1925 = tpu.vector_load %arg17[%get3A_1923, %get3A_1924] {strides = array<i32>} : memref<32x128xf32, #tpu.memory_space<vmem>>, vector<16xf32>,
      %max3A_1926 = arith.maximumf %max3A_1921, %get3A_1925 : vector<16xf32>
      %mul3A_1927 = arith.constant 128 : i32
      %mul3A_1928 = arith.muli %add3A_68, %mul3A_1927 : i32
      %add3A_1929 = arith.constant 32 : i32
      %add3A_1930 = arith.addi %mul3A_1928, %add3A_1929 : i32
      %multiple_of3A_1931 = tpu.assume_multiple %add3A_1930, 16 : i32
      %swap3A_1932 = arith.index_cast %multiple_of3A_1931 : i32 to index
      %swap3A_1933 = tpu.vector_load %arg18[%swap3A_1932] {strides = array<i32>} : memref<32768xf32, #tpu.memory_space<vmem>>, vector<16xf32>,
      tpu.vector_store %arg18[%swap3A_1932], %max3A_1926 {strides = array<i32>} : memref<32768xf32, #tpu.memory_space<vmem>>, vector<16xf32>,
      %get3A_1934 = arith.constant 0 : i32
      %get3A_1935 = arith.index_cast %get3A_1934 : i32 to index
      %get3A_1936 = arith.constant 48 : index
      %get3A_1937 = tpu.vector_load %arg17[%get3A_1935, %get3A_1936] {strides = array<i32>} : memref<32x128xf32, #tpu.memory_space<vmem>>, vector<16xf32>,
      %get3A_1938 = arith.constant 1 : i32
      %get3A_1939 = arith.index_cast %get3A_1938 : i32 to index
      %get3A_1940 = arith.constant 48 : index
      %get3A_1941 = tpu.vector_load %arg17[%get3A_1939, %get3A_1940] {strides = array<i32>} : memref<32x128xf32, #tpu.memory_space<vmem>>, vector<16xf32>,
      %max3A_1942 = arith.maximumf %get3A_1937, %get3A_1941 : vector<16xf32>
      %get3A_1943 = arith.constant 2 : i32
      %get3A_1944 = arith.index_cast %get3A_1943 : i32 to index
      %get3A_1945 = arith.constant 48 : index
      %get3A_1946 = tpu.vector_load %arg17[%get3A_1944, %get3A_1945] {strides = array<i32>} : memref<32x128xf32, #tpu.memory_space<vmem>>, vector<16xf32>,
      %max3A_1947 = arith.maximumf %max3A_1942, %get3A_1946 : vector<16xf32>
      %get3A_1948 = arith.constant 3 : i32
      %get3A_1949 = arith.index_cast %get3A_1948 : i32 to index
      %get3A_1950 = arith.constant 48 : index
      %get3A_1951 = tpu.vector_load %arg17[%get3A_1949, %get3A_1950] {strides = array<i32>} : memref<32x128xf32, #tpu.memory_space<vmem>>, vector<16xf32>,
      %max3A_1952 = arith.maximumf %max3A_1947, %get3A_1951 : vector<16xf32>
      %get3A_1953 = arith.constant 4 : i32
      %get3A_1954 = arith.index_cast %get3A_1953 : i32 to index
      %get3A_1955 = arith.constant 48 : index
      %get3A_1956 = tpu.vector_load %arg17[%get3A_1954, %get3A_1955] {strides = array<i32>} : memref<32x128xf32, #tpu.memory_space<vmem>>, vector<16xf32>,
      %max3A_1957 = arith.maximumf %max3A_1952, %get3A_1956 : vector<16xf32>
      %get3A_1958 = arith.constant 5 : i32
      %get3A_1959 = arith.index_cast %get3A_1958 : i32 to index
      %get3A_1960 = arith.constant 48 : index
      %get3A_1961 = tpu.vector_load %arg17[%get3A_1959, %get3A_1960] {strides = array<i32>} : memref<32x128xf32, #tpu.memory_space<vmem>>, vector<16xf32>,
      %max3A_1962 = arith.maximumf %max3A_1957, %get3A_1961 : vector<16xf32>
      %get3A_1963 = arith.constant 6 : i32
      %get3A_1964 = arith.index_cast %get3A_1963 : i32 to index
      %get3A_1965 = arith.constant 48 : index
      %get3A_1966 = tpu.vector_load %arg17[%get3A_1964, %get3A_1965] {strides = array<i32>} : memref<32x128xf32, #tpu.memory_space<vmem>>, vector<16xf32>,
      %max3A_1967 = arith.maximumf %max3A_1962, %get3A_1966 : vector<16xf32>
      %get3A_1968 = arith.constant 7 : i32
      %get3A_1969 = arith.index_cast %get3A_1968 : i32 to index
      %get3A_1970 = arith.constant 48 : index
      %get3A_1971 = tpu.vector_load %arg17[%get3A_1969, %get3A_1970] {strides = array<i32>} : memref<32x128xf32, #tpu.memory_space<vmem>>, vector<16xf32>,
      %max3A_1972 = arith.maximumf %max3A_1967, %get3A_1971 : vector<16xf32>
      %get3A_1973 = arith.constant 8 : i32
      %get3A_1974 = arith.index_cast %get3A_1973 : i32 to index
      %get3A_1975 = arith.constant 48 : index
      %get3A_1976 = tpu.vector_load %arg17[%get3A_1974, %get3A_1975] {strides = array<i32>} : memref<32x128xf32, #tpu.memory_space<vmem>>, vector<16xf32>,
      %max3A_1977 = arith.maximumf %max3A_1972, %get3A_1976 : vector<16xf32>
      %get3A_1978 = arith.constant 9 : i32
      %get3A_1979 = arith.index_cast %get3A_1978 : i32 to index
      %get3A_1980 = arith.constant 48 : index
      %get3A_1981 = tpu.vector_load %arg17[%get3A_1979, %get3A_1980] {strides = array<i32>} : memref<32x128xf32, #tpu.memory_space<vmem>>, vector<16xf32>,
      %max3A_1982 = arith.maximumf %max3A_1977, %get3A_1981 : vector<16xf32>
      %get3A_1983 = arith.constant 10 : i32
      %get3A_1984 = arith.index_cast %get3A_1983 : i32 to index
      %get3A_1985 = arith.constant 48 : index
      %get3A_1986 = tpu.vector_load %arg17[%get3A_1984, %get3A_1985] {strides = array<i32>} : memref<32x128xf32, #tpu.memory_space<vmem>>, vector<16xf32>,
      %max3A_1987 = arith.maximumf %max3A_1982, %get3A_1986 : vector<16xf32>
      %get3A_1988 = arith.constant 11 : i32
      %get3A_1989 = arith.index_cast %get3A_1988 : i32 to index
      %get3A_1990 = arith.constant 48 : index
      %get3A_1991 = tpu.vector_load %arg17[%get3A_1989, %get3A_1990] {strides = array<i32>} : memref<32x128xf32, #tpu.memory_space<vmem>>, vector<16xf32>,
      %max3A_1992 = arith.maximumf %max3A_1987, %get3A_1991 : vector<16xf32>
      %get3A_1993 = arith.constant 12 : i32
      %get3A_1994 = arith.index_cast %get3A_1993 : i32 to index
      %get3A_1995 = arith.constant 48 : index
      %get3A_1996 = tpu.vector_load %arg17[%get3A_1994, %get3A_1995] {strides = array<i32>} : memref<32x128xf32, #tpu.memory_space<vmem>>, vector<16xf32>,
      %max3A_1997 = arith.maximumf %max3A_1992, %get3A_1996 : vector<16xf32>
      %get3A_1998 = arith.constant 13 : i32
      %get3A_1999 = arith.index_cast %get3A_1998 : i32 to index
      %get3A_2000 = arith.constant 48 : index
      %get3A_2001 = tpu.vector_load %arg17[%get3A_1999, %get3A_2000] {strides = array<i32>} : memref<32x128xf32, #tpu.memory_space<vmem>>, vector<16xf32>,
      %max3A_2002 = arith.maximumf %max3A_1997, %get3A_2001 : vector<16xf32>
      %get3A_2003 = arith.constant 14 : i32
      %get3A_2004 = arith.index_cast %get3A_2003 : i32 to index
      %get3A_2005 = arith.constant 48 : index
      %get3A_2006 = tpu.vector_load %arg17[%get3A_2004, %get3A_2005] {strides = array<i32>} : memref<32x128xf32, #tpu.memory_space<vmem>>, vector<16xf32>,
      %max3A_2007 = arith.maximumf %max3A_2002, %get3A_2006 : vector<16xf32>
      %get3A_2008 = arith.constant 15 : i32
      %get3A_2009 = arith.index_cast %get3A_2008 : i32 to index
      %get3A_2010 = arith.constant 48 : index
      %get3A_2011 = tpu.vector_load %arg17[%get3A_2009, %get3A_2010] {strides = array<i32>} : memref<32x128xf32, #tpu.memory_space<vmem>>, vector<16xf32>,
      %max3A_2012 = arith.maximumf %max3A_2007, %get3A_2011 : vector<16xf32>
      %get3A_2013 = arith.constant 16 : i32
      %get3A_2014 = arith.index_cast %get3A_2013 : i32 to index
      %get3A_2015 = arith.constant 48 : index
      %get3A_2016 = tpu.vector_load %arg17[%get3A_2014, %get3A_2015] {strides = array<i32>} : memref<32x128xf32, #tpu.memory_space<vmem>>, vector<16xf32>,
      %max3A_2017 = arith.maximumf %max3A_2012, %get3A_2016 : vector<16xf32>
      %get3A_2018 = arith.constant 17 : i32
      %get3A_2019 = arith.index_cast %get3A_2018 : i32 to index
      %get3A_2020 = arith.constant 48 : index
      %get3A_2021 = tpu.vector_load %arg17[%get3A_2019, %get3A_2020] {strides = array<i32>} : memref<32x128xf32, #tpu.memory_space<vmem>>, vector<16xf32>,
      %max3A_2022 = arith.maximumf %max3A_2017, %get3A_2021 : vector<16xf32>
      %get3A_2023 = arith.constant 18 : i32
      %get3A_2024 = arith.index_cast %get3A_2023 : i32 to index
      %get3A_2025 = arith.constant 48 : index
      %get3A_2026 = tpu.vector_load %arg17[%get3A_2024, %get3A_2025] {strides = array<i32>} : memref<32x128xf32, #tpu.memory_space<vmem>>, vector<16xf32>,
      %max3A_2027 = arith.maximumf %max3A_2022, %get3A_2026 : vector<16xf32>
      %get3A_2028 = arith.constant 19 : i32
      %get3A_2029 = arith.index_cast %get3A_2028 : i32 to index
      %get3A_2030 = arith.constant 48 : index
      %get3A_2031 = tpu.vector_load %arg17[%get3A_2029, %get3A_2030] {strides = array<i32>} : memref<32x128xf32, #tpu.memory_space<vmem>>, vector<16xf32>,
      %max3A_2032 = arith.maximumf %max3A_2027, %get3A_2031 : vector<16xf32>
      %get3A_2033 = arith.constant 20 : i32
      %get3A_2034 = arith.index_cast %get3A_2033 : i32 to index
      %get3A_2035 = arith.constant 48 : index
      %get3A_2036 = tpu.vector_load %arg17[%get3A_2034, %get3A_2035] {strides = array<i32>} : memref<32x128xf32, #tpu.memory_space<vmem>>, vector<16xf32>,
      %max3A_2037 = arith.maximumf %max3A_2032, %get3A_2036 : vector<16xf32>
      %get3A_2038 = arith.constant 21 : i32
      %get3A_2039 = arith.index_cast %get3A_2038 : i32 to index
      %get3A_2040 = arith.constant 48 : index
      %get3A_2041 = tpu.vector_load %arg17[%get3A_2039, %get3A_2040] {strides = array<i32>} : memref<32x128xf32, #tpu.memory_space<vmem>>, vector<16xf32>,
      %max3A_2042 = arith.maximumf %max3A_2037, %get3A_2041 : vector<16xf32>
      %get3A_2043 = arith.constant 22 : i32
      %get3A_2044 = arith.index_cast %get3A_2043 : i32 to index
      %get3A_2045 = arith.constant 48 : index
      %get3A_2046 = tpu.vector_load %arg17[%get3A_2044, %get3A_2045] {strides = array<i32>} : memref<32x128xf32, #tpu.memory_space<vmem>>, vector<16xf32>,
      %max3A_2047 = arith.maximumf %max3A_2042, %get3A_2046 : vector<16xf32>
      %get3A_2048 = arith.constant 23 : i32
      %get3A_2049 = arith.index_cast %get3A_2048 : i32 to index
      %get3A_2050 = arith.constant 48 : index
      %get3A_2051 = tpu.vector_load %arg17[%get3A_2049, %get3A_2050] {strides = array<i32>} : memref<32x128xf32, #tpu.memory_space<vmem>>, vector<16xf32>,
      %max3A_2052 = arith.maximumf %max3A_2047, %get3A_2051 : vector<16xf32>
      %get3A_2053 = arith.constant 24 : i32
      %get3A_2054 = arith.index_cast %get3A_2053 : i32 to index
      %get3A_2055 = arith.constant 48 : index
      %get3A_2056 = tpu.vector_load %arg17[%get3A_2054, %get3A_2055] {strides = array<i32>} : memref<32x128xf32, #tpu.memory_space<vmem>>, vector<16xf32>,
      %max3A_2057 = arith.maximumf %max3A_2052, %get3A_2056 : vector<16xf32>
      %get3A_2058 = arith.constant 25 : i32
      %get3A_2059 = arith.index_cast %get3A_2058 : i32 to index
      %get3A_2060 = arith.constant 48 : index
      %get3A_2061 = tpu.vector_load %arg17[%get3A_2059, %get3A_2060] {strides = array<i32>} : memref<32x128xf32, #tpu.memory_space<vmem>>, vector<16xf32>,
      %max3A_2062 = arith.maximumf %max3A_2057, %get3A_2061 : vector<16xf32>
      %get3A_2063 = arith.constant 26 : i32
      %get3A_2064 = arith.index_cast %get3A_2063 : i32 to index
      %get3A_2065 = arith.constant 48 : index
      %get3A_2066 = tpu.vector_load %arg17[%get3A_2064, %get3A_2065] {strides = array<i32>} : memref<32x128xf32, #tpu.memory_space<vmem>>, vector<16xf32>,
      %max3A_2067 = arith.maximumf %max3A_2062, %get3A_2066 : vector<16xf32>
      %get3A_2068 = arith.constant 27 : i32
      %get3A_2069 = arith.index_cast %get3A_2068 : i32 to index
      %get3A_2070 = arith.constant 48 : index
      %get3A_2071 = tpu.vector_load %arg17[%get3A_2069, %get3A_2070] {strides = array<i32>} : memref<32x128xf32, #tpu.memory_space<vmem>>, vector<16xf32>,
      %max3A_2072 = arith.maximumf %max3A_2067, %get3A_2071 : vector<16xf32>
      %get3A_2073 = arith.constant 28 : i32
      %get3A_2074 = arith.index_cast %get3A_2073 : i32 to index
      %get3A_2075 = arith.constant 48 : index
      %get3A_2076 = tpu.vector_load %arg17[%get3A_2074, %get3A_2075] {strides = array<i32>} : memref<32x128xf32, #tpu.memory_space<vmem>>, vector<16xf32>,
      %max3A_2077 = arith.maximumf %max3A_2072, %get3A_2076 : vector<16xf32>
      %get3A_2078 = arith.constant 29 : i32
      %get3A_2079 = arith.index_cast %get3A_2078 : i32 to index
      %get3A_2080 = arith.constant 48 : index
      %get3A_2081 = tpu.vector_load %arg17[%get3A_2079, %get3A_2080] {strides = array<i32>} : memref<32x128xf32, #tpu.memory_space<vmem>>, vector<16xf32>,
      %max3A_2082 = arith.maximumf %max3A_2077, %get3A_2081 : vector<16xf32>
      %get3A_2083 = arith.constant 30 : i32
      %get3A_2084 = arith.index_cast %get3A_2083 : i32 to index
      %get3A_2085 = arith.constant 48 : index
      %get3A_2086 = tpu.vector_load %arg17[%get3A_2084, %get3A_2085] {strides = array<i32>} : memref<32x128xf32, #tpu.memory_space<vmem>>, vector<16xf32>,
      %max3A_2087 = arith.maximumf %max3A_2082, %get3A_2086 : vector<16xf32>
      %get3A_2088 = arith.constant 31 : i32
      %get3A_2089 = arith.index_cast %get3A_2088 : i32 to index
      %get3A_2090 = arith.constant 48 : index
      %get3A_2091 = tpu.vector_load %arg17[%get3A_2089, %get3A_2090] {strides = array<i32>} : memref<32x128xf32, #tpu.memory_space<vmem>>, vector<16xf32>,
      %max3A_2092 = arith.maximumf %max3A_2087, %get3A_2091 : vector<16xf32>
      %mul3A_2093 = arith.constant 128 : i32
      %mul3A_2094 = arith.muli %add3A_68, %mul3A_2093 : i32
      %add3A_2095 = arith.constant 48 : i32
      %add3A_2096 = arith.addi %mul3A_2094, %add3A_2095 : i32
      %multiple_of3A_2097 = tpu.assume_multiple %add3A_2096, 16 : i32
      %swap3A_2098 = arith.index_cast %multiple_of3A_2097 : i32 to index
      %swap3A_2099 = tpu.vector_load %arg18[%swap3A_2098] {strides = array<i32>} : memref<32768xf32, #tpu.memory_space<vmem>>, vector<16xf32>,
      tpu.vector_store %arg18[%swap3A_2098], %max3A_2092 {strides = array<i32>} : memref<32768xf32, #tpu.memory_space<vmem>>, vector<16xf32>,
      %get3A_2100 = arith.constant 0 : i32
      %get3A_2101 = arith.index_cast %get3A_2100 : i32 to index
      %get3A_2102 = arith.constant 64 : index
      %get3A_2103 = tpu.vector_load %arg17[%get3A_2101, %get3A_2102] {strides = array<i32>} : memref<32x128xf32, #tpu.memory_space<vmem>>, vector<16xf32>,
      %get3A_2104 = arith.constant 1 : i32
      %get3A_2105 = arith.index_cast %get3A_2104 : i32 to index
      %get3A_2106 = arith.constant 64 : index
      %get3A_2107 = tpu.vector_load %arg17[%get3A_2105, %get3A_2106] {strides = array<i32>} : memref<32x128xf32, #tpu.memory_space<vmem>>, vector<16xf32>,
      %max3A_2108 = arith.maximumf %get3A_2103, %get3A_2107 : vector<16xf32>
      %get3A_2109 = arith.constant 2 : i32
      %get3A_2110 = arith.index_cast %get3A_2109 : i32 to index
      %get3A_2111 = arith.constant 64 : index
      %get3A_2112 = tpu.vector_load %arg17[%get3A_2110, %get3A_2111] {strides = array<i32>} : memref<32x128xf32, #tpu.memory_space<vmem>>, vector<16xf32>,
      %max3A_2113 = arith.maximumf %max3A_2108, %get3A_2112 : vector<16xf32>
      %get3A_2114 = arith.constant 3 : i32
      %get3A_2115 = arith.index_cast %get3A_2114 : i32 to index
      %get3A_2116 = arith.constant 64 : index
      %get3A_2117 = tpu.vector_load %arg17[%get3A_2115, %get3A_2116] {strides = array<i32>} : memref<32x128xf32, #tpu.memory_space<vmem>>, vector<16xf32>,
      %max3A_2118 = arith.maximumf %max3A_2113, %get3A_2117 : vector<16xf32>
      %get3A_2119 = arith.constant 4 : i32
      %get3A_2120 = arith.index_cast %get3A_2119 : i32 to index
      %get3A_2121 = arith.constant 64 : index
      %get3A_2122 = tpu.vector_load %arg17[%get3A_2120, %get3A_2121] {strides = array<i32>} : memref<32x128xf32, #tpu.memory_space<vmem>>, vector<16xf32>,
      %max3A_2123 = arith.maximumf %max3A_2118, %get3A_2122 : vector<16xf32>
      %get3A_2124 = arith.constant 5 : i32
      %get3A_2125 = arith.index_cast %get3A_2124 : i32 to index
      %get3A_2126 = arith.constant 64 : index
      %get3A_2127 = tpu.vector_load %arg17[%get3A_2125, %get3A_2126] {strides = array<i32>} : memref<32x128xf32, #tpu.memory_space<vmem>>, vector<16xf32>,
      %max3A_2128 = arith.maximumf %max3A_2123, %get3A_2127 : vector<16xf32>
      %get3A_2129 = arith.constant 6 : i32
      %get3A_2130 = arith.index_cast %get3A_2129 : i32 to index
      %get3A_2131 = arith.constant 64 : index
      %get3A_2132 = tpu.vector_load %arg17[%get3A_2130, %get3A_2131] {strides = array<i32>} : memref<32x128xf32, #tpu.memory_space<vmem>>, vector<16xf32>,
      %max3A_2133 = arith.maximumf %max3A_2128, %get3A_2132 : vector<16xf32>
      %get3A_2134 = arith.constant 7 : i32
      %get3A_2135 = arith.index_cast %get3A_2134 : i32 to index
      %get3A_2136 = arith.constant 64 : index
      %get3A_2137 = tpu.vector_load %arg17[%get3A_2135, %get3A_2136] {strides = array<i32>} : memref<32x128xf32, #tpu.memory_space<vmem>>, vector<16xf32>,
      %max3A_2138 = arith.maximumf %max3A_2133, %get3A_2137 : vector<16xf32>
      %get3A_2139 = arith.constant 8 : i32
      %get3A_2140 = arith.index_cast %get3A_2139 : i32 to index
      %get3A_2141 = arith.constant 64 : index
      %get3A_2142 = tpu.vector_load %arg17[%get3A_2140, %get3A_2141] {strides = array<i32>} : memref<32x128xf32, #tpu.memory_space<vmem>>, vector<16xf32>,
      %max3A_2143 = arith.maximumf %max3A_2138, %get3A_2142 : vector<16xf32>
      %get3A_2144 = arith.constant 9 : i32
      %get3A_2145 = arith.index_cast %get3A_2144 : i32 to index
      %get3A_2146 = arith.constant 64 : index
      %get3A_2147 = tpu.vector_load %arg17[%get3A_2145, %get3A_2146] {strides = array<i32>} : memref<32x128xf32, #tpu.memory_space<vmem>>, vector<16xf32>,
      %max3A_2148 = arith.maximumf %max3A_2143, %get3A_2147 : vector<16xf32>
      %get3A_2149 = arith.constant 10 : i32
      %get3A_2150 = arith.index_cast %get3A_2149 : i32 to index
      %get3A_2151 = arith.constant 64 : index
      %get3A_2152 = tpu.vector_load %arg17[%get3A_2150, %get3A_2151] {strides = array<i32>} : memref<32x128xf32, #tpu.memory_space<vmem>>, vector<16xf32>,
      %max3A_2153 = arith.maximumf %max3A_2148, %get3A_2152 : vector<16xf32>
      %get3A_2154 = arith.constant 11 : i32
      %get3A_2155 = arith.index_cast %get3A_2154 : i32 to index
      %get3A_2156 = arith.constant 64 : index
      %get3A_2157 = tpu.vector_load %arg17[%get3A_2155, %get3A_2156] {strides = array<i32>} : memref<32x128xf32, #tpu.memory_space<vmem>>, vector<16xf32>,
      %max3A_2158 = arith.maximumf %max3A_2153, %get3A_2157 : vector<16xf32>
      %get3A_2159 = arith.constant 12 : i32
      %get3A_2160 = arith.index_cast %get3A_2159 : i32 to index
      %get3A_2161 = arith.constant 64 : index
      %get3A_2162 = tpu.vector_load %arg17[%get3A_2160, %get3A_2161] {strides = array<i32>} : memref<32x128xf32, #tpu.memory_space<vmem>>, vector<16xf32>,
      %max3A_2163 = arith.maximumf %max3A_2158, %get3A_2162 : vector<16xf32>
      %get3A_2164 = arith.constant 13 : i32
      %get3A_2165 = arith.index_cast %get3A_2164 : i32 to index
      %get3A_2166 = arith.constant 64 : index
      %get3A_2167 = tpu.vector_load %arg17[%get3A_2165, %get3A_2166] {strides = array<i32>} : memref<32x128xf32, #tpu.memory_space<vmem>>, vector<16xf32>,
      %max3A_2168 = arith.maximumf %max3A_2163, %get3A_2167 : vector<16xf32>
      %get3A_2169 = arith.constant 14 : i32
      %get3A_2170 = arith.index_cast %get3A_2169 : i32 to index
      %get3A_2171 = arith.constant 64 : index
      %get3A_2172 = tpu.vector_load %arg17[%get3A_2170, %get3A_2171] {strides = array<i32>} : memref<32x128xf32, #tpu.memory_space<vmem>>, vector<16xf32>,
      %max3A_2173 = arith.maximumf %max3A_2168, %get3A_2172 : vector<16xf32>
      %get3A_2174 = arith.constant 15 : i32
      %get3A_2175 = arith.index_cast %get3A_2174 : i32 to index
      %get3A_2176 = arith.constant 64 : index
      %get3A_2177 = tpu.vector_load %arg17[%get3A_2175, %get3A_2176] {strides = array<i32>} : memref<32x128xf32, #tpu.memory_space<vmem>>, vector<16xf32>,
      %max3A_2178 = arith.maximumf %max3A_2173, %get3A_2177 : vector<16xf32>
      %get3A_2179 = arith.constant 16 : i32
      %get3A_2180 = arith.index_cast %get3A_2179 : i32 to index
      %get3A_2181 = arith.constant 64 : index
      %get3A_2182 = tpu.vector_load %arg17[%get3A_2180, %get3A_2181] {strides = array<i32>} : memref<32x128xf32, #tpu.memory_space<vmem>>, vector<16xf32>,
      %max3A_2183 = arith.maximumf %max3A_2178, %get3A_2182 : vector<16xf32>
      %get3A_2184 = arith.constant 17 : i32
      %get3A_2185 = arith.index_cast %get3A_2184 : i32 to index
      %get3A_2186 = arith.constant 64 : index
      %get3A_2187 = tpu.vector_load %arg17[%get3A_2185, %get3A_2186] {strides = array<i32>} : memref<32x128xf32, #tpu.memory_space<vmem>>, vector<16xf32>,
      %max3A_2188 = arith.maximumf %max3A_2183, %get3A_2187 : vector<16xf32>
      %get3A_2189 = arith.constant 18 : i32
      %get3A_2190 = arith.index_cast %get3A_2189 : i32 to index
      %get3A_2191 = arith.constant 64 : index
      %get3A_2192 = tpu.vector_load %arg17[%get3A_2190, %get3A_2191] {strides = array<i32>} : memref<32x128xf32, #tpu.memory_space<vmem>>, vector<16xf32>,
      %max3A_2193 = arith.maximumf %max3A_2188, %get3A_2192 : vector<16xf32>
      %get3A_2194 = arith.constant 19 : i32
      %get3A_2195 = arith.index_cast %get3A_2194 : i32 to index
      %get3A_2196 = arith.constant 64 : index
      %get3A_2197 = tpu.vector_load %arg17[%get3A_2195, %get3A_2196] {strides = array<i32>} : memref<32x128xf32, #tpu.memory_space<vmem>>, vector<16xf32>,
      %max3A_2198 = arith.maximumf %max3A_2193, %get3A_2197 : vector<16xf32>
      %get3A_2199 = arith.constant 20 : i32
      %get3A_2200 = arith.index_cast %get3A_2199 : i32 to index
      %get3A_2201 = arith.constant 64 : index
      %get3A_2202 = tpu.vector_load %arg17[%get3A_2200, %get3A_2201] {strides = array<i32>} : memref<32x128xf32, #tpu.memory_space<vmem>>, vector<16xf32>,
      %max3A_2203 = arith.maximumf %max3A_2198, %get3A_2202 : vector<16xf32>
      %get3A_2204 = arith.constant 21 : i32
      %get3A_2205 = arith.index_cast %get3A_2204 : i32 to index
      %get3A_2206 = arith.constant 64 : index
      %get3A_2207 = tpu.vector_load %arg17[%get3A_2205, %get3A_2206] {strides = array<i32>} : memref<32x128xf32, #tpu.memory_space<vmem>>, vector<16xf32>,
      %max3A_2208 = arith.maximumf %max3A_2203, %get3A_2207 : vector<16xf32>
      %get3A_2209 = arith.constant 22 : i32
      %get3A_2210 = arith.index_cast %get3A_2209 : i32 to index
      %get3A_2211 = arith.constant 64 : index
      %get3A_2212 = tpu.vector_load %arg17[%get3A_2210, %get3A_2211] {strides = array<i32>} : memref<32x128xf32, #tpu.memory_space<vmem>>, vector<16xf32>,
      %max3A_2213 = arith.maximumf %max3A_2208, %get3A_2212 : vector<16xf32>
      %get3A_2214 = arith.constant 23 : i32
      %get3A_2215 = arith.index_cast %get3A_2214 : i32 to index
      %get3A_2216 = arith.constant 64 : index
      %get3A_2217 = tpu.vector_load %arg17[%get3A_2215, %get3A_2216] {strides = array<i32>} : memref<32x128xf32, #tpu.memory_space<vmem>>, vector<16xf32>,
      %max3A_2218 = arith.maximumf %max3A_2213, %get3A_2217 : vector<16xf32>
      %get3A_2219 = arith.constant 24 : i32
      %get3A_2220 = arith.index_cast %get3A_2219 : i32 to index
      %get3A_2221 = arith.constant 64 : index
      %get3A_2222 = tpu.vector_load %arg17[%get3A_2220, %get3A_2221] {strides = array<i32>} : memref<32x128xf32, #tpu.memory_space<vmem>>, vector<16xf32>,
      %max3A_2223 = arith.maximumf %max3A_2218, %get3A_2222 : vector<16xf32>
      %get3A_2224 = arith.constant 25 : i32
      %get3A_2225 = arith.index_cast %get3A_2224 : i32 to index
      %get3A_2226 = arith.constant 64 : index
      %get3A_2227 = tpu.vector_load %arg17[%get3A_2225, %get3A_2226] {strides = array<i32>} : memref<32x128xf32, #tpu.memory_space<vmem>>, vector<16xf32>,
      %max3A_2228 = arith.maximumf %max3A_2223, %get3A_2227 : vector<16xf32>
      %get3A_2229 = arith.constant 26 : i32
      %get3A_2230 = arith.index_cast %get3A_2229 : i32 to index
      %get3A_2231 = arith.constant 64 : index
      %get3A_2232 = tpu.vector_load %arg17[%get3A_2230, %get3A_2231] {strides = array<i32>} : memref<32x128xf32, #tpu.memory_space<vmem>>, vector<16xf32>,
      %max3A_2233 = arith.maximumf %max3A_2228, %get3A_2232 : vector<16xf32>
      %get3A_2234 = arith.constant 27 : i32
      %get3A_2235 = arith.index_cast %get3A_2234 : i32 to index
      %get3A_2236 = arith.constant 64 : index
      %get3A_2237 = tpu.vector_load %arg17[%get3A_2235, %get3A_2236] {strides = array<i32>} : memref<32x128xf32, #tpu.memory_space<vmem>>, vector<16xf32>,
      %max3A_2238 = arith.maximumf %max3A_2233, %get3A_2237 : vector<16xf32>
      %get3A_2239 = arith.constant 28 : i32
      %get3A_2240 = arith.index_cast %get3A_2239 : i32 to index
      %get3A_2241 = arith.constant 64 : index
      %get3A_2242 = tpu.vector_load %arg17[%get3A_2240, %get3A_2241] {strides = array<i32>} : memref<32x128xf32, #tpu.memory_space<vmem>>, vector<16xf32>,
      %max3A_2243 = arith.maximumf %max3A_2238, %get3A_2242 : vector<16xf32>
      %get3A_2244 = arith.constant 29 : i32
      %get3A_2245 = arith.index_cast %get3A_2244 : i32 to index
      %get3A_2246 = arith.constant 64 : index
      %get3A_2247 = tpu.vector_load %arg17[%get3A_2245, %get3A_2246] {strides = array<i32>} : memref<32x128xf32, #tpu.memory_space<vmem>>, vector<16xf32>,
      %max3A_2248 = arith.maximumf %max3A_2243, %get3A_2247 : vector<16xf32>
      %get3A_2249 = arith.constant 30 : i32
      %get3A_2250 = arith.index_cast %get3A_2249 : i32 to index
      %get3A_2251 = arith.constant 64 : index
      %get3A_2252 = tpu.vector_load %arg17[%get3A_2250, %get3A_2251] {strides = array<i32>} : memref<32x128xf32, #tpu.memory_space<vmem>>, vector<16xf32>,
      %max3A_2253 = arith.maximumf %max3A_2248, %get3A_2252 : vector<16xf32>
      %get3A_2254 = arith.constant 31 : i32
      %get3A_2255 = arith.index_cast %get3A_2254 : i32 to index
      %get3A_2256 = arith.constant 64 : index
      %get3A_2257 = tpu.vector_load %arg17[%get3A_2255, %get3A_2256] {strides = array<i32>} : memref<32x128xf32, #tpu.memory_space<vmem>>, vector<16xf32>,
      %max3A_2258 = arith.maximumf %max3A_2253, %get3A_2257 : vector<16xf32>
      %mul3A_2259 = arith.constant 128 : i32
      %mul3A_2260 = arith.muli %add3A_68, %mul3A_2259 : i32
      %add3A_2261 = arith.constant 64 : i32
      %add3A_2262 = arith.addi %mul3A_2260, %add3A_2261 : i32
      %multiple_of3A_2263 = tpu.assume_multiple %add3A_2262, 16 : i32
      %swap3A_2264 = arith.index_cast %multiple_of3A_2263 : i32 to index
      %swap3A_2265 = tpu.vector_load %arg18[%swap3A_2264] {strides = array<i32>} : memref<32768xf32, #tpu.memory_space<vmem>>, vector<16xf32>,
      tpu.vector_store %arg18[%swap3A_2264], %max3A_2258 {strides = array<i32>} : memref<32768xf32, #tpu.memory_space<vmem>>, vector<16xf32>,
      %get3A_2266 = arith.constant 0 : i32
      %get3A_2267 = arith.index_cast %get3A_2266 : i32 to index
      %get3A_2268 = arith.constant 80 : index
      %get3A_2269 = tpu.vector_load %arg17[%get3A_2267, %get3A_2268] {strides = array<i32>} : memref<32x128xf32, #tpu.memory_space<vmem>>, vector<16xf32>,
      %get3A_2270 = arith.constant 1 : i32
      %get3A_2271 = arith.index_cast %get3A_2270 : i32 to index
      %get3A_2272 = arith.constant 80 : index
      %get3A_2273 = tpu.vector_load %arg17[%get3A_2271, %get3A_2272] {strides = array<i32>} : memref<32x128xf32, #tpu.memory_space<vmem>>, vector<16xf32>,
      %max3A_2274 = arith.maximumf %get3A_2269, %get3A_2273 : vector<16xf32>
      %get3A_2275 = arith.constant 2 : i32
      %get3A_2276 = arith.index_cast %get3A_2275 : i32 to index
      %get3A_2277 = arith.constant 80 : index
      %get3A_2278 = tpu.vector_load %arg17[%get3A_2276, %get3A_2277] {strides = array<i32>} : memref<32x128xf32, #tpu.memory_space<vmem>>, vector<16xf32>,
      %max3A_2279 = arith.maximumf %max3A_2274, %get3A_2278 : vector<16xf32>
      %get3A_2280 = arith.constant 3 : i32
      %get3A_2281 = arith.index_cast %get3A_2280 : i32 to index
      %get3A_2282 = arith.constant 80 : index
      %get3A_2283 = tpu.vector_load %arg17[%get3A_2281, %get3A_2282] {strides = array<i32>} : memref<32x128xf32, #tpu.memory_space<vmem>>, vector<16xf32>,
      %max3A_2284 = arith.maximumf %max3A_2279, %get3A_2283 : vector<16xf32>
      %get3A_2285 = arith.constant 4 : i32
      %get3A_2286 = arith.index_cast %get3A_2285 : i32 to index
      %get3A_2287 = arith.constant 80 : index
      %get3A_2288 = tpu.vector_load %arg17[%get3A_2286, %get3A_2287] {strides = array<i32>} : memref<32x128xf32, #tpu.memory_space<vmem>>, vector<16xf32>,
      %max3A_2289 = arith.maximumf %max3A_2284, %get3A_2288 : vector<16xf32>
      %get3A_2290 = arith.constant 5 : i32
      %get3A_2291 = arith.index_cast %get3A_2290 : i32 to index
      %get3A_2292 = arith.constant 80 : index
      %get3A_2293 = tpu.vector_load %arg17[%get3A_2291, %get3A_2292] {strides = array<i32>} : memref<32x128xf32, #tpu.memory_space<vmem>>, vector<16xf32>,
      %max3A_2294 = arith.maximumf %max3A_2289, %get3A_2293 : vector<16xf32>
      %get3A_2295 = arith.constant 6 : i32
      %get3A_2296 = arith.index_cast %get3A_2295 : i32 to index
      %get3A_2297 = arith.constant 80 : index
      %get3A_2298 = tpu.vector_load %arg17[%get3A_2296, %get3A_2297] {strides = array<i32>} : memref<32x128xf32, #tpu.memory_space<vmem>>, vector<16xf32>,
      %max3A_2299 = arith.maximumf %max3A_2294, %get3A_2298 : vector<16xf32>
      %get3A_2300 = arith.constant 7 : i32
      %get3A_2301 = arith.index_cast %get3A_2300 : i32 to index
      %get3A_2302 = arith.constant 80 : index
      %get3A_2303 = tpu.vector_load %arg17[%get3A_2301, %get3A_2302] {strides = array<i32>} : memref<32x128xf32, #tpu.memory_space<vmem>>, vector<16xf32>,
      %max3A_2304 = arith.maximumf %max3A_2299, %get3A_2303 : vector<16xf32>
      %get3A_2305 = arith.constant 8 : i32
      %get3A_2306 = arith.index_cast %get3A_2305 : i32 to index
      %get3A_2307 = arith.constant 80 : index
      %get3A_2308 = tpu.vector_load %arg17[%get3A_2306, %get3A_2307] {strides = array<i32>} : memref<32x128xf32, #tpu.memory_space<vmem>>, vector<16xf32>,
      %max3A_2309 = arith.maximumf %max3A_2304, %get3A_2308 : vector<16xf32>
      %get3A_2310 = arith.constant 9 : i32
      %get3A_2311 = arith.index_cast %get3A_2310 : i32 to index
      %get3A_2312 = arith.constant 80 : index
      %get3A_2313 = tpu.vector_load %arg17[%get3A_2311, %get3A_2312] {strides = array<i32>} : memref<32x128xf32, #tpu.memory_space<vmem>>, vector<16xf32>,
      %max3A_2314 = arith.maximumf %max3A_2309, %get3A_2313 : vector<16xf32>
      %get3A_2315 = arith.constant 10 : i32
      %get3A_2316 = arith.index_cast %get3A_2315 : i32 to index
      %get3A_2317 = arith.constant 80 : index
      %get3A_2318 = tpu.vector_load %arg17[%get3A_2316, %get3A_2317] {strides = array<i32>} : memref<32x128xf32, #tpu.memory_space<vmem>>, vector<16xf32>,
      %max3A_2319 = arith.maximumf %max3A_2314, %get3A_2318 : vector<16xf32>
      %get3A_2320 = arith.constant 11 : i32
      %get3A_2321 = arith.index_cast %get3A_2320 : i32 to index
      %get3A_2322 = arith.constant 80 : index
      %get3A_2323 = tpu.vector_load %arg17[%get3A_2321, %get3A_2322] {strides = array<i32>} : memref<32x128xf32, #tpu.memory_space<vmem>>, vector<16xf32>,
      %max3A_2324 = arith.maximumf %max3A_2319, %get3A_2323 : vector<16xf32>
      %get3A_2325 = arith.constant 12 : i32
      %get3A_2326 = arith.index_cast %get3A_2325 : i32 to index
      %get3A_2327 = arith.constant 80 : index
      %get3A_2328 = tpu.vector_load %arg17[%get3A_2326, %get3A_2327] {strides = array<i32>} : memref<32x128xf32, #tpu.memory_space<vmem>>, vector<16xf32>,
      %max3A_2329 = arith.maximumf %max3A_2324, %get3A_2328 : vector<16xf32>
      %get3A_2330 = arith.constant 13 : i32
      %get3A_2331 = arith.index_cast %get3A_2330 : i32 to index
      %get3A_2332 = arith.constant 80 : index
      %get3A_2333 = tpu.vector_load %arg17[%get3A_2331, %get3A_2332] {strides = array<i32>} : memref<32x128xf32, #tpu.memory_space<vmem>>, vector<16xf32>,
      %max3A_2334 = arith.maximumf %max3A_2329, %get3A_2333 : vector<16xf32>
      %get3A_2335 = arith.constant 14 : i32
      %get3A_2336 = arith.index_cast %get3A_2335 : i32 to index
      %get3A_2337 = arith.constant 80 : index
      %get3A_2338 = tpu.vector_load %arg17[%get3A_2336, %get3A_2337] {strides = array<i32>} : memref<32x128xf32, #tpu.memory_space<vmem>>, vector<16xf32>,
      %max3A_2339 = arith.maximumf %max3A_2334, %get3A_2338 : vector<16xf32>
      %get3A_2340 = arith.constant 15 : i32
      %get3A_2341 = arith.index_cast %get3A_2340 : i32 to index
      %get3A_2342 = arith.constant 80 : index
      %get3A_2343 = tpu.vector_load %arg17[%get3A_2341, %get3A_2342] {strides = array<i32>} : memref<32x128xf32, #tpu.memory_space<vmem>>, vector<16xf32>,
      %max3A_2344 = arith.maximumf %max3A_2339, %get3A_2343 : vector<16xf32>
      %get3A_2345 = arith.constant 16 : i32
      %get3A_2346 = arith.index_cast %get3A_2345 : i32 to index
      %get3A_2347 = arith.constant 80 : index
      %get3A_2348 = tpu.vector_load %arg17[%get3A_2346, %get3A_2347] {strides = array<i32>} : memref<32x128xf32, #tpu.memory_space<vmem>>, vector<16xf32>,
      %max3A_2349 = arith.maximumf %max3A_2344, %get3A_2348 : vector<16xf32>
      %get3A_2350 = arith.constant 17 : i32
      %get3A_2351 = arith.index_cast %get3A_2350 : i32 to index
      %get3A_2352 = arith.constant 80 : index
      %get3A_2353 = tpu.vector_load %arg17[%get3A_2351, %get3A_2352] {strides = array<i32>} : memref<32x128xf32, #tpu.memory_space<vmem>>, vector<16xf32>,
      %max3A_2354 = arith.maximumf %max3A_2349, %get3A_2353 : vector<16xf32>
      %get3A_2355 = arith.constant 18 : i32
      %get3A_2356 = arith.index_cast %get3A_2355 : i32 to index
      %get3A_2357 = arith.constant 80 : index
      %get3A_2358 = tpu.vector_load %arg17[%get3A_2356, %get3A_2357] {strides = array<i32>} : memref<32x128xf32, #tpu.memory_space<vmem>>, vector<16xf32>,
      %max3A_2359 = arith.maximumf %max3A_2354, %get3A_2358 : vector<16xf32>
      %get3A_2360 = arith.constant 19 : i32
      %get3A_2361 = arith.index_cast %get3A_2360 : i32 to index
      %get3A_2362 = arith.constant 80 : index
      %get3A_2363 = tpu.vector_load %arg17[%get3A_2361, %get3A_2362] {strides = array<i32>} : memref<32x128xf32, #tpu.memory_space<vmem>>, vector<16xf32>,
      %max3A_2364 = arith.maximumf %max3A_2359, %get3A_2363 : vector<16xf32>
      %get3A_2365 = arith.constant 20 : i32
      %get3A_2366 = arith.index_cast %get3A_2365 : i32 to index
      %get3A_2367 = arith.constant 80 : index
      %get3A_2368 = tpu.vector_load %arg17[%get3A_2366, %get3A_2367] {strides = array<i32>} : memref<32x128xf32, #tpu.memory_space<vmem>>, vector<16xf32>,
      %max3A_2369 = arith.maximumf %max3A_2364, %get3A_2368 : vector<16xf32>
      %get3A_2370 = arith.constant 21 : i32
      %get3A_2371 = arith.index_cast %get3A_2370 : i32 to index
      %get3A_2372 = arith.constant 80 : index
      %get3A_2373 = tpu.vector_load %arg17[%get3A_2371, %get3A_2372] {strides = array<i32>} : memref<32x128xf32, #tpu.memory_space<vmem>>, vector<16xf32>,
      %max3A_2374 = arith.maximumf %max3A_2369, %get3A_2373 : vector<16xf32>
      %get3A_2375 = arith.constant 22 : i32
      %get3A_2376 = arith.index_cast %get3A_2375 : i32 to index
      %get3A_2377 = arith.constant 80 : index
      %get3A_2378 = tpu.vector_load %arg17[%get3A_2376, %get3A_2377] {strides = array<i32>} : memref<32x128xf32, #tpu.memory_space<vmem>>, vector<16xf32>,
      %max3A_2379 = arith.maximumf %max3A_2374, %get3A_2378 : vector<16xf32>
      %get3A_2380 = arith.constant 23 : i32
      %get3A_2381 = arith.index_cast %get3A_2380 : i32 to index
      %get3A_2382 = arith.constant 80 : index
      %get3A_2383 = tpu.vector_load %arg17[%get3A_2381, %get3A_2382] {strides = array<i32>} : memref<32x128xf32, #tpu.memory_space<vmem>>, vector<16xf32>,
      %max3A_2384 = arith.maximumf %max3A_2379, %get3A_2383 : vector<16xf32>
      %get3A_2385 = arith.constant 24 : i32
      %get3A_2386 = arith.index_cast %get3A_2385 : i32 to index
      %get3A_2387 = arith.constant 80 : index
      %get3A_2388 = tpu.vector_load %arg17[%get3A_2386, %get3A_2387] {strides = array<i32>} : memref<32x128xf32, #tpu.memory_space<vmem>>, vector<16xf32>,
      %max3A_2389 = arith.maximumf %max3A_2384, %get3A_2388 : vector<16xf32>
      %get3A_2390 = arith.constant 25 : i32
      %get3A_2391 = arith.index_cast %get3A_2390 : i32 to index
      %get3A_2392 = arith.constant 80 : index
      %get3A_2393 = tpu.vector_load %arg17[%get3A_2391, %get3A_2392] {strides = array<i32>} : memref<32x128xf32, #tpu.memory_space<vmem>>, vector<16xf32>,
      %max3A_2394 = arith.maximumf %max3A_2389, %get3A_2393 : vector<16xf32>
      %get3A_2395 = arith.constant 26 : i32
      %get3A_2396 = arith.index_cast %get3A_2395 : i32 to index
      %get3A_2397 = arith.constant 80 : index
      %get3A_2398 = tpu.vector_load %arg17[%get3A_2396, %get3A_2397] {strides = array<i32>} : memref<32x128xf32, #tpu.memory_space<vmem>>, vector<16xf32>,
      %max3A_2399 = arith.maximumf %max3A_2394, %get3A_2398 : vector<16xf32>
      %get3A_2400 = arith.constant 27 : i32
      %get3A_2401 = arith.index_cast %get3A_2400 : i32 to index
      %get3A_2402 = arith.constant 80 : index
      %get3A_2403 = tpu.vector_load %arg17[%get3A_2401, %get3A_2402] {strides = array<i32>} : memref<32x128xf32, #tpu.memory_space<vmem>>, vector<16xf32>,
      %max3A_2404 = arith.maximumf %max3A_2399, %get3A_2403 : vector<16xf32>
      %get3A_2405 = arith.constant 28 : i32
      %get3A_2406 = arith.index_cast %get3A_2405 : i32 to index
      %get3A_2407 = arith.constant 80 : index
      %get3A_2408 = tpu.vector_load %arg17[%get3A_2406, %get3A_2407] {strides = array<i32>} : memref<32x128xf32, #tpu.memory_space<vmem>>, vector<16xf32>,
      %max3A_2409 = arith.maximumf %max3A_2404, %get3A_2408 : vector<16xf32>
      %get3A_2410 = arith.constant 29 : i32
      %get3A_2411 = arith.index_cast %get3A_2410 : i32 to index
      %get3A_2412 = arith.constant 80 : index
      %get3A_2413 = tpu.vector_load %arg17[%get3A_2411, %get3A_2412] {strides = array<i32>} : memref<32x128xf32, #tpu.memory_space<vmem>>, vector<16xf32>,
      %max3A_2414 = arith.maximumf %max3A_2409, %get3A_2413 : vector<16xf32>
      %get3A_2415 = arith.constant 30 : i32
      %get3A_2416 = arith.index_cast %get3A_2415 : i32 to index
      %get3A_2417 = arith.constant 80 : index
      %get3A_2418 = tpu.vector_load %arg17[%get3A_2416, %get3A_2417] {strides = array<i32>} : memref<32x128xf32, #tpu.memory_space<vmem>>, vector<16xf32>,
      %max3A_2419 = arith.maximumf %max3A_2414, %get3A_2418 : vector<16xf32>
      %get3A_2420 = arith.constant 31 : i32
      %get3A_2421 = arith.index_cast %get3A_2420 : i32 to index
      %get3A_2422 = arith.constant 80 : index
      %get3A_2423 = tpu.vector_load %arg17[%get3A_2421, %get3A_2422] {strides = array<i32>} : memref<32x128xf32, #tpu.memory_space<vmem>>, vector<16xf32>,
      %max3A_2424 = arith.maximumf %max3A_2419, %get3A_2423 : vector<16xf32>
      %mul3A_2425 = arith.constant 128 : i32
      %mul3A_2426 = arith.muli %add3A_68, %mul3A_2425 : i32
      %add3A_2427 = arith.constant 80 : i32
      %add3A_2428 = arith.addi %mul3A_2426, %add3A_2427 : i32
      %multiple_of3A_2429 = tpu.assume_multiple %add3A_2428, 16 : i32
      %swap3A_2430 = arith.index_cast %multiple_of3A_2429 : i32 to index
      %swap3A_2431 = tpu.vector_load %arg18[%swap3A_2430] {strides = array<i32>} : memref<32768xf32, #tpu.memory_space<vmem>>, vector<16xf32>,
      tpu.vector_store %arg18[%swap3A_2430], %max3A_2424 {strides = array<i32>} : memref<32768xf32, #tpu.memory_space<vmem>>, vector<16xf32>,
      %get3A_2432 = arith.constant 0 : i32
      %get3A_2433 = arith.index_cast %get3A_2432 : i32 to index
      %get3A_2434 = arith.constant 96 : index
      %get3A_2435 = tpu.vector_load %arg17[%get3A_2433, %get3A_2434] {strides = array<i32>} : memref<32x128xf32, #tpu.memory_space<vmem>>, vector<16xf32>,
      %get3A_2436 = arith.constant 1 : i32
      %get3A_2437 = arith.index_cast %get3A_2436 : i32 to index
      %get3A_2438 = arith.constant 96 : index
      %get3A_2439 = tpu.vector_load %arg17[%get3A_2437, %get3A_2438] {strides = array<i32>} : memref<32x128xf32, #tpu.memory_space<vmem>>, vector<16xf32>,
      %max3A_2440 = arith.maximumf %get3A_2435, %get3A_2439 : vector<16xf32>
      %get3A_2441 = arith.constant 2 : i32
      %get3A_2442 = arith.index_cast %get3A_2441 : i32 to index
      %get3A_2443 = arith.constant 96 : index
      %get3A_2444 = tpu.vector_load %arg17[%get3A_2442, %get3A_2443] {strides = array<i32>} : memref<32x128xf32, #tpu.memory_space<vmem>>, vector<16xf32>,
      %max3A_2445 = arith.maximumf %max3A_2440, %get3A_2444 : vector<16xf32>
      %get3A_2446 = arith.constant 3 : i32
      %get3A_2447 = arith.index_cast %get3A_2446 : i32 to index
      %get3A_2448 = arith.constant 96 : index
      %get3A_2449 = tpu.vector_load %arg17[%get3A_2447, %get3A_2448] {strides = array<i32>} : memref<32x128xf32, #tpu.memory_space<vmem>>, vector<16xf32>,
      %max3A_2450 = arith.maximumf %max3A_2445, %get3A_2449 : vector<16xf32>
      %get3A_2451 = arith.constant 4 : i32
      %get3A_2452 = arith.index_cast %get3A_2451 : i32 to index
      %get3A_2453 = arith.constant 96 : index
      %get3A_2454 = tpu.vector_load %arg17[%get3A_2452, %get3A_2453] {strides = array<i32>} : memref<32x128xf32, #tpu.memory_space<vmem>>, vector<16xf32>,
      %max3A_2455 = arith.maximumf %max3A_2450, %get3A_2454 : vector<16xf32>
      %get3A_2456 = arith.constant 5 : i32
      %get3A_2457 = arith.index_cast %get3A_2456 : i32 to index
      %get3A_2458 = arith.constant 96 : index
      %get3A_2459 = tpu.vector_load %arg17[%get3A_2457, %get3A_2458] {strides = array<i32>} : memref<32x128xf32, #tpu.memory_space<vmem>>, vector<16xf32>,
      %max3A_2460 = arith.maximumf %max3A_2455, %get3A_2459 : vector<16xf32>
      %get3A_2461 = arith.constant 6 : i32
      %get3A_2462 = arith.index_cast %get3A_2461 : i32 to index
      %get3A_2463 = arith.constant 96 : index
      %get3A_2464 = tpu.vector_load %arg17[%get3A_2462, %get3A_2463] {strides = array<i32>} : memref<32x128xf32, #tpu.memory_space<vmem>>, vector<16xf32>,
      %max3A_2465 = arith.maximumf %max3A_2460, %get3A_2464 : vector<16xf32>
      %get3A_2466 = arith.constant 7 : i32
      %get3A_2467 = arith.index_cast %get3A_2466 : i32 to index
      %get3A_2468 = arith.constant 96 : index
      %get3A_2469 = tpu.vector_load %arg17[%get3A_2467, %get3A_2468] {strides = array<i32>} : memref<32x128xf32, #tpu.memory_space<vmem>>, vector<16xf32>,
      %max3A_2470 = arith.maximumf %max3A_2465, %get3A_2469 : vector<16xf32>
      %get3A_2471 = arith.constant 8 : i32
      %get3A_2472 = arith.index_cast %get3A_2471 : i32 to index
      %get3A_2473 = arith.constant 96 : index
      %get3A_2474 = tpu.vector_load %arg17[%get3A_2472, %get3A_2473] {strides = array<i32>} : memref<32x128xf32, #tpu.memory_space<vmem>>, vector<16xf32>,
      %max3A_2475 = arith.maximumf %max3A_2470, %get3A_2474 : vector<16xf32>
      %get3A_2476 = arith.constant 9 : i32
      %get3A_2477 = arith.index_cast %get3A_2476 : i32 to index
      %get3A_2478 = arith.constant 96 : index
      %get3A_2479 = tpu.vector_load %arg17[%get3A_2477, %get3A_2478] {strides = array<i32>} : memref<32x128xf32, #tpu.memory_space<vmem>>, vector<16xf32>,
      %max3A_2480 = arith.maximumf %max3A_2475, %get3A_2479 : vector<16xf32>
      %get3A_2481 = arith.constant 10 : i32
      %get3A_2482 = arith.index_cast %get3A_2481 : i32 to index
      %get3A_2483 = arith.constant 96 : index
      %get3A_2484 = tpu.vector_load %arg17[%get3A_2482, %get3A_2483] {strides = array<i32>} : memref<32x128xf32, #tpu.memory_space<vmem>>, vector<16xf32>,
      %max3A_2485 = arith.maximumf %max3A_2480, %get3A_2484 : vector<16xf32>
      %get3A_2486 = arith.constant 11 : i32
      %get3A_2487 = arith.index_cast %get3A_2486 : i32 to index
      %get3A_2488 = arith.constant 96 : index
      %get3A_2489 = tpu.vector_load %arg17[%get3A_2487, %get3A_2488] {strides = array<i32>} : memref<32x128xf32, #tpu.memory_space<vmem>>, vector<16xf32>,
      %max3A_2490 = arith.maximumf %max3A_2485, %get3A_2489 : vector<16xf32>
      %get3A_2491 = arith.constant 12 : i32
      %get3A_2492 = arith.index_cast %get3A_2491 : i32 to index
      %get3A_2493 = arith.constant 96 : index
      %get3A_2494 = tpu.vector_load %arg17[%get3A_2492, %get3A_2493] {strides = array<i32>} : memref<32x128xf32, #tpu.memory_space<vmem>>, vector<16xf32>,
      %max3A_2495 = arith.maximumf %max3A_2490, %get3A_2494 : vector<16xf32>
      %get3A_2496 = arith.constant 13 : i32
      %get3A_2497 = arith.index_cast %get3A_2496 : i32 to index
      %get3A_2498 = arith.constant 96 : index
      %get3A_2499 = tpu.vector_load %arg17[%get3A_2497, %get3A_2498] {strides = array<i32>} : memref<32x128xf32, #tpu.memory_space<vmem>>, vector<16xf32>,
      %max3A_2500 = arith.maximumf %max3A_2495, %get3A_2499 : vector<16xf32>
      %get3A_2501 = arith.constant 14 : i32
      %get3A_2502 = arith.index_cast %get3A_2501 : i32 to index
      %get3A_2503 = arith.constant 96 : index
      %get3A_2504 = tpu.vector_load %arg17[%get3A_2502, %get3A_2503] {strides = array<i32>} : memref<32x128xf32, #tpu.memory_space<vmem>>, vector<16xf32>,
      %max3A_2505 = arith.maximumf %max3A_2500, %get3A_2504 : vector<16xf32>
      %get3A_2506 = arith.constant 15 : i32
      %get3A_2507 = arith.index_cast %get3A_2506 : i32 to index
      %get3A_2508 = arith.constant 96 : index
      %get3A_2509 = tpu.vector_load %arg17[%get3A_2507, %get3A_2508] {strides = array<i32>} : memref<32x128xf32, #tpu.memory_space<vmem>>, vector<16xf32>,
      %max3A_2510 = arith.maximumf %max3A_2505, %get3A_2509 : vector<16xf32>
      %get3A_2511 = arith.constant 16 : i32
      %get3A_2512 = arith.index_cast %get3A_2511 : i32 to index
      %get3A_2513 = arith.constant 96 : index
      %get3A_2514 = tpu.vector_load %arg17[%get3A_2512, %get3A_2513] {strides = array<i32>} : memref<32x128xf32, #tpu.memory_space<vmem>>, vector<16xf32>,
      %max3A_2515 = arith.maximumf %max3A_2510, %get3A_2514 : vector<16xf32>
      %get3A_2516 = arith.constant 17 : i32
      %get3A_2517 = arith.index_cast %get3A_2516 : i32 to index
      %get3A_2518 = arith.constant 96 : index
      %get3A_2519 = tpu.vector_load %arg17[%get3A_2517, %get3A_2518] {strides = array<i32>} : memref<32x128xf32, #tpu.memory_space<vmem>>, vector<16xf32>,
      %max3A_2520 = arith.maximumf %max3A_2515, %get3A_2519 : vector<16xf32>
      %get3A_2521 = arith.constant 18 : i32
      %get3A_2522 = arith.index_cast %get3A_2521 : i32 to index
      %get3A_2523 = arith.constant 96 : index
      %get3A_2524 = tpu.vector_load %arg17[%get3A_2522, %get3A_2523] {strides = array<i32>} : memref<32x128xf32, #tpu.memory_space<vmem>>, vector<16xf32>,
      %max3A_2525 = arith.maximumf %max3A_2520, %get3A_2524 : vector<16xf32>
      %get3A_2526 = arith.constant 19 : i32
      %get3A_2527 = arith.index_cast %get3A_2526 : i32 to index
      %get3A_2528 = arith.constant 96 : index
      %get3A_2529 = tpu.vector_load %arg17[%get3A_2527, %get3A_2528] {strides = array<i32>} : memref<32x128xf32, #tpu.memory_space<vmem>>, vector<16xf32>,
      %max3A_2530 = arith.maximumf %max3A_2525, %get3A_2529 : vector<16xf32>
      %get3A_2531 = arith.constant 20 : i32
      %get3A_2532 = arith.index_cast %get3A_2531 : i32 to index
      %get3A_2533 = arith.constant 96 : index
      %get3A_2534 = tpu.vector_load %arg17[%get3A_2532, %get3A_2533] {strides = array<i32>} : memref<32x128xf32, #tpu.memory_space<vmem>>, vector<16xf32>,
      %max3A_2535 = arith.maximumf %max3A_2530, %get3A_2534 : vector<16xf32>
      %get3A_2536 = arith.constant 21 : i32
      %get3A_2537 = arith.index_cast %get3A_2536 : i32 to index
      %get3A_2538 = arith.constant 96 : index
      %get3A_2539 = tpu.vector_load %arg17[%get3A_2537, %get3A_2538] {strides = array<i32>} : memref<32x128xf32, #tpu.memory_space<vmem>>, vector<16xf32>,
      %max3A_2540 = arith.maximumf %max3A_2535, %get3A_2539 : vector<16xf32>
      %get3A_2541 = arith.constant 22 : i32
      %get3A_2542 = arith.index_cast %get3A_2541 : i32 to index
      %get3A_2543 = arith.constant 96 : index
      %get3A_2544 = tpu.vector_load %arg17[%get3A_2542, %get3A_2543] {strides = array<i32>} : memref<32x128xf32, #tpu.memory_space<vmem>>, vector<16xf32>,
      %max3A_2545 = arith.maximumf %max3A_2540, %get3A_2544 : vector<16xf32>
      %get3A_2546 = arith.constant 23 : i32
      %get3A_2547 = arith.index_cast %get3A_2546 : i32 to index
      %get3A_2548 = arith.constant 96 : index
      %get3A_2549 = tpu.vector_load %arg17[%get3A_2547, %get3A_2548] {strides = array<i32>} : memref<32x128xf32, #tpu.memory_space<vmem>>, vector<16xf32>,
      %max3A_2550 = arith.maximumf %max3A_2545, %get3A_2549 : vector<16xf32>
      %get3A_2551 = arith.constant 24 : i32
      %get3A_2552 = arith.index_cast %get3A_2551 : i32 to index
      %get3A_2553 = arith.constant 96 : index
      %get3A_2554 = tpu.vector_load %arg17[%get3A_2552, %get3A_2553] {strides = array<i32>} : memref<32x128xf32, #tpu.memory_space<vmem>>, vector<16xf32>,
      %max3A_2555 = arith.maximumf %max3A_2550, %get3A_2554 : vector<16xf32>
      %get3A_2556 = arith.constant 25 : i32
      %get3A_2557 = arith.index_cast %get3A_2556 : i32 to index
      %get3A_2558 = arith.constant 96 : index
      %get3A_2559 = tpu.vector_load %arg17[%get3A_2557, %get3A_2558] {strides = array<i32>} : memref<32x128xf32, #tpu.memory_space<vmem>>, vector<16xf32>,
      %max3A_2560 = arith.maximumf %max3A_2555, %get3A_2559 : vector<16xf32>
      %get3A_2561 = arith.constant 26 : i32
      %get3A_2562 = arith.index_cast %get3A_2561 : i32 to index
      %get3A_2563 = arith.constant 96 : index
      %get3A_2564 = tpu.vector_load %arg17[%get3A_2562, %get3A_2563] {strides = array<i32>} : memref<32x128xf32, #tpu.memory_space<vmem>>, vector<16xf32>,
      %max3A_2565 = arith.maximumf %max3A_2560, %get3A_2564 : vector<16xf32>
      %get3A_2566 = arith.constant 27 : i32
      %get3A_2567 = arith.index_cast %get3A_2566 : i32 to index
      %get3A_2568 = arith.constant 96 : index
      %get3A_2569 = tpu.vector_load %arg17[%get3A_2567, %get3A_2568] {strides = array<i32>} : memref<32x128xf32, #tpu.memory_space<vmem>>, vector<16xf32>,
      %max3A_2570 = arith.maximumf %max3A_2565, %get3A_2569 : vector<16xf32>
      %get3A_2571 = arith.constant 28 : i32
      %get3A_2572 = arith.index_cast %get3A_2571 : i32 to index
      %get3A_2573 = arith.constant 96 : index
      %get3A_2574 = tpu.vector_load %arg17[%get3A_2572, %get3A_2573] {strides = array<i32>} : memref<32x128xf32, #tpu.memory_space<vmem>>, vector<16xf32>,
      %max3A_2575 = arith.maximumf %max3A_2570, %get3A_2574 : vector<16xf32>
      %get3A_2576 = arith.constant 29 : i32
      %get3A_2577 = arith.index_cast %get3A_2576 : i32 to index
      %get3A_2578 = arith.constant 96 : index
      %get3A_2579 = tpu.vector_load %arg17[%get3A_2577, %get3A_2578] {strides = array<i32>} : memref<32x128xf32, #tpu.memory_space<vmem>>, vector<16xf32>,
      %max3A_2580 = arith.maximumf %max3A_2575, %get3A_2579 : vector<16xf32>
      %get3A_2581 = arith.constant 30 : i32
      %get3A_2582 = arith.index_cast %get3A_2581 : i32 to index
      %get3A_2583 = arith.constant 96 : index
      %get3A_2584 = tpu.vector_load %arg17[%get3A_2582, %get3A_2583] {strides = array<i32>} : memref<32x128xf32, #tpu.memory_space<vmem>>, vector<16xf32>,
      %max3A_2585 = arith.maximumf %max3A_2580, %get3A_2584 : vector<16xf32>
      %get3A_2586 = arith.constant 31 : i32
      %get3A_2587 = arith.index_cast %get3A_2586 : i32 to index
      %get3A_2588 = arith.constant 96 : index
      %get3A_2589 = tpu.vector_load %arg17[%get3A_2587, %get3A_2588] {strides = array<i32>} : memref<32x128xf32, #tpu.memory_space<vmem>>, vector<16xf32>,
      %max3A_2590 = arith.maximumf %max3A_2585, %get3A_2589 : vector<16xf32>
      %mul3A_2591 = arith.constant 128 : i32
      %mul3A_2592 = arith.muli %add3A_68, %mul3A_2591 : i32
      %add3A_2593 = arith.constant 96 : i32
      %add3A_2594 = arith.addi %mul3A_2592, %add3A_2593 : i32
      %multiple_of3A_2595 = tpu.assume_multiple %add3A_2594, 16 : i32
      %swap3A_2596 = arith.index_cast %multiple_of3A_2595 : i32 to index
      %swap3A_2597 = tpu.vector_load %arg18[%swap3A_2596] {strides = array<i32>} : memref<32768xf32, #tpu.memory_space<vmem>>, vector<16xf32>,
      tpu.vector_store %arg18[%swap3A_2596], %max3A_2590 {strides = array<i32>} : memref<32768xf32, #tpu.memory_space<vmem>>, vector<16xf32>,
      %get3A_2598 = arith.constant 0 : i32
      %get3A_2599 = arith.index_cast %get3A_2598 : i32 to index
      %get3A_2600 = arith.constant 112 : index
      %get3A_2601 = tpu.vector_load %arg17[%get3A_2599, %get3A_2600] {strides = array<i32>} : memref<32x128xf32, #tpu.memory_space<vmem>>, vector<16xf32>,
      %get3A_2602 = arith.constant 1 : i32
      %get3A_2603 = arith.index_cast %get3A_2602 : i32 to index
      %get3A_2604 = arith.constant 112 : index
      %get3A_2605 = tpu.vector_load %arg17[%get3A_2603, %get3A_2604] {strides = array<i32>} : memref<32x128xf32, #tpu.memory_space<vmem>>, vector<16xf32>,
      %max3A_2606 = arith.maximumf %get3A_2601, %get3A_2605 : vector<16xf32>
      %get3A_2607 = arith.constant 2 : i32
      %get3A_2608 = arith.index_cast %get3A_2607 : i32 to index
      %get3A_2609 = arith.constant 112 : index
      %get3A_2610 = tpu.vector_load %arg17[%get3A_2608, %get3A_2609] {strides = array<i32>} : memref<32x128xf32, #tpu.memory_space<vmem>>, vector<16xf32>,
      %max3A_2611 = arith.maximumf %max3A_2606, %get3A_2610 : vector<16xf32>
      %get3A_2612 = arith.constant 3 : i32
      %get3A_2613 = arith.index_cast %get3A_2612 : i32 to index
      %get3A_2614 = arith.constant 112 : index
      %get3A_2615 = tpu.vector_load %arg17[%get3A_2613, %get3A_2614] {strides = array<i32>} : memref<32x128xf32, #tpu.memory_space<vmem>>, vector<16xf32>,
      %max3A_2616 = arith.maximumf %max3A_2611, %get3A_2615 : vector<16xf32>
      %get3A_2617 = arith.constant 4 : i32
      %get3A_2618 = arith.index_cast %get3A_2617 : i32 to index
      %get3A_2619 = arith.constant 112 : index
      %get3A_2620 = tpu.vector_load %arg17[%get3A_2618, %get3A_2619] {strides = array<i32>} : memref<32x128xf32, #tpu.memory_space<vmem>>, vector<16xf32>,
      %max3A_2621 = arith.maximumf %max3A_2616, %get3A_2620 : vector<16xf32>
      %get3A_2622 = arith.constant 5 : i32
      %get3A_2623 = arith.index_cast %get3A_2622 : i32 to index
      %get3A_2624 = arith.constant 112 : index
      %get3A_2625 = tpu.vector_load %arg17[%get3A_2623, %get3A_2624] {strides = array<i32>} : memref<32x128xf32, #tpu.memory_space<vmem>>, vector<16xf32>,
      %max3A_2626 = arith.maximumf %max3A_2621, %get3A_2625 : vector<16xf32>
      %get3A_2627 = arith.constant 6 : i32
      %get3A_2628 = arith.index_cast %get3A_2627 : i32 to index
      %get3A_2629 = arith.constant 112 : index
      %get3A_2630 = tpu.vector_load %arg17[%get3A_2628, %get3A_2629] {strides = array<i32>} : memref<32x128xf32, #tpu.memory_space<vmem>>, vector<16xf32>,
      %max3A_2631 = arith.maximumf %max3A_2626, %get3A_2630 : vector<16xf32>
      %get3A_2632 = arith.constant 7 : i32
      %get3A_2633 = arith.index_cast %get3A_2632 : i32 to index
      %get3A_2634 = arith.constant 112 : index
      %get3A_2635 = tpu.vector_load %arg17[%get3A_2633, %get3A_2634] {strides = array<i32>} : memref<32x128xf32, #tpu.memory_space<vmem>>, vector<16xf32>,
      %max3A_2636 = arith.maximumf %max3A_2631, %get3A_2635 : vector<16xf32>
      %get3A_2637 = arith.constant 8 : i32
      %get3A_2638 = arith.index_cast %get3A_2637 : i32 to index
      %get3A_2639 = arith.constant 112 : index
      %get3A_2640 = tpu.vector_load %arg17[%get3A_2638, %get3A_2639] {strides = array<i32>} : memref<32x128xf32, #tpu.memory_space<vmem>>, vector<16xf32>,
      %max3A_2641 = arith.maximumf %max3A_2636, %get3A_2640 : vector<16xf32>
      %get3A_2642 = arith.constant 9 : i32
      %get3A_2643 = arith.index_cast %get3A_2642 : i32 to index
      %get3A_2644 = arith.constant 112 : index
      %get3A_2645 = tpu.vector_load %arg17[%get3A_2643, %get3A_2644] {strides = array<i32>} : memref<32x128xf32, #tpu.memory_space<vmem>>, vector<16xf32>,
      %max3A_2646 = arith.maximumf %max3A_2641, %get3A_2645 : vector<16xf32>
      %get3A_2647 = arith.constant 10 : i32
      %get3A_2648 = arith.index_cast %get3A_2647 : i32 to index
      %get3A_2649 = arith.constant 112 : index
      %get3A_2650 = tpu.vector_load %arg17[%get3A_2648, %get3A_2649] {strides = array<i32>} : memref<32x128xf32, #tpu.memory_space<vmem>>, vector<16xf32>,
      %max3A_2651 = arith.maximumf %max3A_2646, %get3A_2650 : vector<16xf32>
      %get3A_2652 = arith.constant 11 : i32
      %get3A_2653 = arith.index_cast %get3A_2652 : i32 to index
      %get3A_2654 = arith.constant 112 : index
      %get3A_2655 = tpu.vector_load %arg17[%get3A_2653, %get3A_2654] {strides = array<i32>} : memref<32x128xf32, #tpu.memory_space<vmem>>, vector<16xf32>,
      %max3A_2656 = arith.maximumf %max3A_2651, %get3A_2655 : vector<16xf32>
      %get3A_2657 = arith.constant 12 : i32
      %get3A_2658 = arith.index_cast %get3A_2657 : i32 to index
      %get3A_2659 = arith.constant 112 : index
      %get3A_2660 = tpu.vector_load %arg17[%get3A_2658, %get3A_2659] {strides = array<i32>} : memref<32x128xf32, #tpu.memory_space<vmem>>, vector<16xf32>,
      %max3A_2661 = arith.maximumf %max3A_2656, %get3A_2660 : vector<16xf32>
      %get3A_2662 = arith.constant 13 : i32
      %get3A_2663 = arith.index_cast %get3A_2662 : i32 to index
      %get3A_2664 = arith.constant 112 : index
      %get3A_2665 = tpu.vector_load %arg17[%get3A_2663, %get3A_2664] {strides = array<i32>} : memref<32x128xf32, #tpu.memory_space<vmem>>, vector<16xf32>,
      %max3A_2666 = arith.maximumf %max3A_2661, %get3A_2665 : vector<16xf32>
      %get3A_2667 = arith.constant 14 : i32
      %get3A_2668 = arith.index_cast %get3A_2667 : i32 to index
      %get3A_2669 = arith.constant 112 : index
      %get3A_2670 = tpu.vector_load %arg17[%get3A_2668, %get3A_2669] {strides = array<i32>} : memref<32x128xf32, #tpu.memory_space<vmem>>, vector<16xf32>,
      %max3A_2671 = arith.maximumf %max3A_2666, %get3A_2670 : vector<16xf32>
      %get3A_2672 = arith.constant 15 : i32
      %get3A_2673 = arith.index_cast %get3A_2672 : i32 to index
      %get3A_2674 = arith.constant 112 : index
      %get3A_2675 = tpu.vector_load %arg17[%get3A_2673, %get3A_2674] {strides = array<i32>} : memref<32x128xf32, #tpu.memory_space<vmem>>, vector<16xf32>,
      %max3A_2676 = arith.maximumf %max3A_2671, %get3A_2675 : vector<16xf32>
      %get3A_2677 = arith.constant 16 : i32
      %get3A_2678 = arith.index_cast %get3A_2677 : i32 to index
      %get3A_2679 = arith.constant 112 : index
      %get3A_2680 = tpu.vector_load %arg17[%get3A_2678, %get3A_2679] {strides = array<i32>} : memref<32x128xf32, #tpu.memory_space<vmem>>, vector<16xf32>,
      %max3A_2681 = arith.maximumf %max3A_2676, %get3A_2680 : vector<16xf32>
      %get3A_2682 = arith.constant 17 : i32
      %get3A_2683 = arith.index_cast %get3A_2682 : i32 to index
      %get3A_2684 = arith.constant 112 : index
      %get3A_2685 = tpu.vector_load %arg17[%get3A_2683, %get3A_2684] {strides = array<i32>} : memref<32x128xf32, #tpu.memory_space<vmem>>, vector<16xf32>,
      %max3A_2686 = arith.maximumf %max3A_2681, %get3A_2685 : vector<16xf32>
      %get3A_2687 = arith.constant 18 : i32
      %get3A_2688 = arith.index_cast %get3A_2687 : i32 to index
      %get3A_2689 = arith.constant 112 : index
      %get3A_2690 = tpu.vector_load %arg17[%get3A_2688, %get3A_2689] {strides = array<i32>} : memref<32x128xf32, #tpu.memory_space<vmem>>, vector<16xf32>,
      %max3A_2691 = arith.maximumf %max3A_2686, %get3A_2690 : vector<16xf32>
      %get3A_2692 = arith.constant 19 : i32
      %get3A_2693 = arith.index_cast %get3A_2692 : i32 to index
      %get3A_2694 = arith.constant 112 : index
      %get3A_2695 = tpu.vector_load %arg17[%get3A_2693, %get3A_2694] {strides = array<i32>} : memref<32x128xf32, #tpu.memory_space<vmem>>, vector<16xf32>,
      %max3A_2696 = arith.maximumf %max3A_2691, %get3A_2695 : vector<16xf32>
      %get3A_2697 = arith.constant 20 : i32
      %get3A_2698 = arith.index_cast %get3A_2697 : i32 to index
      %get3A_2699 = arith.constant 112 : index
      %get3A_2700 = tpu.vector_load %arg17[%get3A_2698, %get3A_2699] {strides = array<i32>} : memref<32x128xf32, #tpu.memory_space<vmem>>, vector<16xf32>,
      %max3A_2701 = arith.maximumf %max3A_2696, %get3A_2700 : vector<16xf32>
      %get3A_2702 = arith.constant 21 : i32
      %get3A_2703 = arith.index_cast %get3A_2702 : i32 to index
      %get3A_2704 = arith.constant 112 : index
      %get3A_2705 = tpu.vector_load %arg17[%get3A_2703, %get3A_2704] {strides = array<i32>} : memref<32x128xf32, #tpu.memory_space<vmem>>, vector<16xf32>,
      %max3A_2706 = arith.maximumf %max3A_2701, %get3A_2705 : vector<16xf32>
      %get3A_2707 = arith.constant 22 : i32
      %get3A_2708 = arith.index_cast %get3A_2707 : i32 to index
      %get3A_2709 = arith.constant 112 : index
      %get3A_2710 = tpu.vector_load %arg17[%get3A_2708, %get3A_2709] {strides = array<i32>} : memref<32x128xf32, #tpu.memory_space<vmem>>, vector<16xf32>,
      %max3A_2711 = arith.maximumf %max3A_2706, %get3A_2710 : vector<16xf32>
      %get3A_2712 = arith.constant 23 : i32
      %get3A_2713 = arith.index_cast %get3A_2712 : i32 to index
      %get3A_2714 = arith.constant 112 : index
      %get3A_2715 = tpu.vector_load %arg17[%get3A_2713, %get3A_2714] {strides = array<i32>} : memref<32x128xf32, #tpu.memory_space<vmem>>, vector<16xf32>,
      %max3A_2716 = arith.maximumf %max3A_2711, %get3A_2715 : vector<16xf32>
      %get3A_2717 = arith.constant 24 : i32
      %get3A_2718 = arith.index_cast %get3A_2717 : i32 to index
      %get3A_2719 = arith.constant 112 : index
      %get3A_2720 = tpu.vector_load %arg17[%get3A_2718, %get3A_2719] {strides = array<i32>} : memref<32x128xf32, #tpu.memory_space<vmem>>, vector<16xf32>,
      %max3A_2721 = arith.maximumf %max3A_2716, %get3A_2720 : vector<16xf32>
      %get3A_2722 = arith.constant 25 : i32
      %get3A_2723 = arith.index_cast %get3A_2722 : i32 to index
      %get3A_2724 = arith.constant 112 : index
      %get3A_2725 = tpu.vector_load %arg17[%get3A_2723, %get3A_2724] {strides = array<i32>} : memref<32x128xf32, #tpu.memory_space<vmem>>, vector<16xf32>,
      %max3A_2726 = arith.maximumf %max3A_2721, %get3A_2725 : vector<16xf32>
      %get3A_2727 = arith.constant 26 : i32
      %get3A_2728 = arith.index_cast %get3A_2727 : i32 to index
      %get3A_2729 = arith.constant 112 : index
      %get3A_2730 = tpu.vector_load %arg17[%get3A_2728, %get3A_2729] {strides = array<i32>} : memref<32x128xf32, #tpu.memory_space<vmem>>, vector<16xf32>,
      %max3A_2731 = arith.maximumf %max3A_2726, %get3A_2730 : vector<16xf32>
      %get3A_2732 = arith.constant 27 : i32
      %get3A_2733 = arith.index_cast %get3A_2732 : i32 to index
      %get3A_2734 = arith.constant 112 : index
      %get3A_2735 = tpu.vector_load %arg17[%get3A_2733, %get3A_2734] {strides = array<i32>} : memref<32x128xf32, #tpu.memory_space<vmem>>, vector<16xf32>,
      %max3A_2736 = arith.maximumf %max3A_2731, %get3A_2735 : vector<16xf32>
      %get3A_2737 = arith.constant 28 : i32
      %get3A_2738 = arith.index_cast %get3A_2737 : i32 to index
      %get3A_2739 = arith.constant 112 : index
      %get3A_2740 = tpu.vector_load %arg17[%get3A_2738, %get3A_2739] {strides = array<i32>} : memref<32x128xf32, #tpu.memory_space<vmem>>, vector<16xf32>,
      %max3A_2741 = arith.maximumf %max3A_2736, %get3A_2740 : vector<16xf32>
      %get3A_2742 = arith.constant 29 : i32
      %get3A_2743 = arith.index_cast %get3A_2742 : i32 to index
      %get3A_2744 = arith.constant 112 : index
      %get3A_2745 = tpu.vector_load %arg17[%get3A_2743, %get3A_2744] {strides = array<i32>} : memref<32x128xf32, #tpu.memory_space<vmem>>, vector<16xf32>,
      %max3A_2746 = arith.maximumf %max3A_2741, %get3A_2745 : vector<16xf32>
      %get3A_2747 = arith.constant 30 : i32
      %get3A_2748 = arith.index_cast %get3A_2747 : i32 to index
      %get3A_2749 = arith.constant 112 : index
      %get3A_2750 = tpu.vector_load %arg17[%get3A_2748, %get3A_2749] {strides = array<i32>} : memref<32x128xf32, #tpu.memory_space<vmem>>, vector<16xf32>,
      %max3A_2751 = arith.maximumf %max3A_2746, %get3A_2750 : vector<16xf32>
      %get3A_2752 = arith.constant 31 : i32
      %get3A_2753 = arith.index_cast %get3A_2752 : i32 to index
      %get3A_2754 = arith.constant 112 : index
      %get3A_2755 = tpu.vector_load %arg17[%get3A_2753, %get3A_2754] {strides = array<i32>} : memref<32x128xf32, #tpu.memory_space<vmem>>, vector<16xf32>,
      %max3A_2756 = arith.maximumf %max3A_2751, %get3A_2755 : vector<16xf32>
      %mul3A_2757 = arith.constant 128 : i32
      %mul3A_2758 = arith.muli %add3A_68, %mul3A_2757 : i32
      %add3A_2759 = arith.constant 112 : i32
      %add3A_2760 = arith.addi %mul3A_2758, %add3A_2759 : i32
      %multiple_of3A_2761 = tpu.assume_multiple %add3A_2760, 16 : i32
      %swap3A_2762 = arith.index_cast %multiple_of3A_2761 : i32 to index
      %swap3A_2763 = tpu.vector_load %arg18[%swap3A_2762] {strides = array<i32>} : memref<32768xf32, #tpu.memory_space<vmem>>, vector<16xf32>,
      tpu.vector_store %arg18[%swap3A_2762], %max3A_2756 {strides = array<i32>} : memref<32768xf32, #tpu.memory_space<vmem>>, vector<16xf32>,
    }
    %scan3A_60 = arith.constant 128 : i32
    %mul3A_61 = arith.constant 128 : i32
    %mul3A_62 = arith.muli %multiple_of3A, %mul3A_61 : i32
    "tpu.region"() ({
      %run_scoped3A = tpu.sem_alloc : memref<!tpu.dma_semaphore, #tpu.memory_space<semaphore_mem>>
      %dma_start3A = tpu.memref_slice %arg6[%mul3A_62] : memref<1048576xf32, #tpu.memory_space<hbm>> -> memref<32768xf32, #tpu.memory_space<hbm>>
      %dma_start3A_63 = tpu.memref_slice %arg6[%mul3A_62] : memref<1048576xf32, #tpu.memory_space<hbm>> -> memref<32768xf32, #tpu.memory_space<hbm>>
      tpu.enqueue_dma source(%arg18 : memref<32768xf32, #tpu.memory_space<vmem>>) target(%dma_start3A_63 : memref<32768xf32, #tpu.memory_space<hbm>>) target_semaphore(%run_scoped3A : memref<!tpu.dma_semaphore, #tpu.memory_space<semaphore_mem>>)
      %dma_wait3A = tpu.memref_slice %arg6[%mul3A_62] : memref<1048576xf32, #tpu.memory_space<hbm>> -> memref<32768xf32, #tpu.memory_space<hbm>>
      %dma_wait3A_64 = tpu.memref_slice %arg6[%mul3A_62] : memref<1048576xf32, #tpu.memory_space<hbm>> -> memref<32768xf32, #tpu.memory_space<hbm>>
      tpu.wait_dma2 semaphore(%run_scoped3A : memref<!tpu.dma_semaphore, #tpu.memory_space<semaphore_mem>>) src(%arg18 : memref<32768xf32, #tpu.memory_space<vmem>>) dst(%dma_wait3A_64 : memref<32768xf32, #tpu.memory_space<hbm>>)
      tpu.yield
    }) : () -> ()
    return
  }
}

module attributes {stable_mosaic.version = 14 : i64} {
  func.func @_mlp_body(%arg0: i32, %arg1: memref<4096x64xf32, #tpu.memory_space<vmem>>, %arg2: memref<64x64xf32, #tpu.memory_space<vmem>>, %arg3: memref<1x64xf32, #tpu.memory_space<vmem>>, %arg4: memref<64x64xf32, #tpu.memory_space<vmem>>, %arg5: memref<1x64xf32, #tpu.memory_space<vmem>>, %arg6: memref<64x128xf32, #tpu.memory_space<vmem>>, %arg7: memref<1x128xf32, #tpu.memory_space<vmem>>, %arg8: memref<4096x128xf32, #tpu.memory_space<vmem>>) attributes {dimension_semantics = [#tpu.dimension_semantics<arbitrary>], iteration_bounds = array<i64: 8>, scalar_prefetch = 0 : i64, scratch_operands = 0 : i64, tpu.core_type = #tpu.core_type<tc>, window_params = [{transform_indices = @transform_0, window_bounds = array<i64: 4096, 64>}, {pipeline_mode = #tpu.pipeline_mode<synchronous>, transform_indices = @transform_1, window_bounds = array<i64: 64, 64>}, {pipeline_mode = #tpu.pipeline_mode<synchronous>, transform_indices = @transform_2, window_bounds = array<i64: 1, 64>}, {pipeline_mode = #tpu.pipeline_mode<synchronous>, transform_indices = @transform_3, window_bounds = array<i64: 64, 64>}, {pipeline_mode = #tpu.pipeline_mode<synchronous>, transform_indices = @transform_4, window_bounds = array<i64: 1, 64>}, {pipeline_mode = #tpu.pipeline_mode<synchronous>, transform_indices = @transform_5, window_bounds = array<i64: 64, 128>}, {pipeline_mode = #tpu.pipeline_mode<synchronous>, transform_indices = @transform_6, window_bounds = array<i64: 1, 128>}, {transform_indices = @transform_7, window_bounds = array<i64: 4096, 128>}]} {
    %get3A = arith.constant 0 : index
    %get3A_0 = arith.constant 0 : index
    %get3A_1 = vector.load %arg1[%get3A, %get3A_0] : memref<4096x64xf32, #tpu.memory_space<vmem>>, vector<4096x64xf32>
    %get3A_2 = arith.constant 0 : index
    %get3A_3 = arith.constant 0 : index
    %get3A_4 = vector.load %arg2[%get3A_2, %get3A_3] : memref<64x64xf32, #tpu.memory_space<vmem>>, vector<64x64xf32>
    %dot_general3A = arith.constant dense<0.000000e+00> : vector<4096x64xf32>
    %dot_general3A_5 = tpu.matmul %get3A_1, %get3A_4, %dot_general3A {dimension_numbers = #tpu.dot_dimension_numbers<[1], [0], [0], [1], [0, 0, 1, 1], [], []>, transpose_lhs_hint = false} : vector<4096x64xf32>, vector<64x64xf32>, vector<4096x64xf32> -> vector<4096x64xf32>
    %get3A_6 = arith.constant 0 : index
    %get3A_7 = arith.constant 0 : index
    %get3A_8 = vector.load %arg3[%get3A_6, %get3A_7] : memref<1x64xf32, #tpu.memory_space<vmem>>, vector<1x64xf32>
    %add3A = vector.broadcast %get3A_8 : vector<1x64xf32> to vector<4096x64xf32>
    %add3A_9 = arith.addf %dot_general3A_5, %add3A : vector<4096x64xf32>
    %max3A = arith.constant 0.000000e+00 : f32
    %max3A_10 = vector.broadcast %max3A : f32 to vector<4096x64xf32>
    %max3A_11 = arith.maximumf %add3A_9, %max3A_10 : vector<4096x64xf32>
    %get3A_12 = arith.constant 0 : index
    %get3A_13 = arith.constant 0 : index
    %get3A_14 = vector.load %arg4[%get3A_12, %get3A_13] : memref<64x64xf32, #tpu.memory_space<vmem>>, vector<64x64xf32>
    %dot_general3A_15 = arith.constant dense<0.000000e+00> : vector<4096x64xf32>
    %dot_general3A_16 = tpu.matmul %max3A_11, %get3A_14, %dot_general3A_15 {dimension_numbers = #tpu.dot_dimension_numbers<[1], [0], [0], [1], [0, 0, 1, 1], [], []>, transpose_lhs_hint = false} : vector<4096x64xf32>, vector<64x64xf32>, vector<4096x64xf32> -> vector<4096x64xf32>
    %get3A_17 = arith.constant 0 : index
    %get3A_18 = arith.constant 0 : index
    %get3A_19 = vector.load %arg5[%get3A_17, %get3A_18] : memref<1x64xf32, #tpu.memory_space<vmem>>, vector<1x64xf32>
    %add3A_20 = vector.broadcast %get3A_19 : vector<1x64xf32> to vector<4096x64xf32>
    %add3A_21 = arith.addf %dot_general3A_16, %add3A_20 : vector<4096x64xf32>
    %max3A_22 = arith.constant 0.000000e+00 : f32
    %max3A_23 = vector.broadcast %max3A_22 : f32 to vector<4096x64xf32>
    %max3A_24 = arith.maximumf %add3A_21, %max3A_23 : vector<4096x64xf32>
    %get3A_25 = arith.constant 0 : index
    %get3A_26 = arith.constant 0 : index
    %get3A_27 = vector.load %arg6[%get3A_25, %get3A_26] : memref<64x128xf32, #tpu.memory_space<vmem>>, vector<64x128xf32>
    %dot_general3A_28 = arith.constant dense<0.000000e+00> : vector<4096x128xf32>
    %dot_general3A_29 = tpu.matmul %max3A_24, %get3A_27, %dot_general3A_28 {dimension_numbers = #tpu.dot_dimension_numbers<[1], [0], [0], [1], [0, 0, 1, 1], [], []>, transpose_lhs_hint = false} : vector<4096x64xf32>, vector<64x128xf32>, vector<4096x128xf32> -> vector<4096x128xf32>
    %get3A_30 = arith.constant 0 : index
    %get3A_31 = arith.constant 0 : index
    %get3A_32 = vector.load %arg7[%get3A_30, %get3A_31] : memref<1x128xf32, #tpu.memory_space<vmem>>, vector<1x128xf32>
    %add3A_33 = vector.broadcast %get3A_32 : vector<1x128xf32> to vector<4096x128xf32>
    %add3A_34 = arith.addf %dot_general3A_29, %add3A_33 : vector<4096x128xf32>
    %max3A_35 = arith.constant 0.000000e+00 : f32
    %max3A_36 = vector.broadcast %max3A_35 : f32 to vector<4096x128xf32>
    %max3A_37 = arith.maximumf %add3A_34, %max3A_36 : vector<4096x128xf32>
    %swap3A = arith.constant 0 : index
    %swap3A_38 = arith.constant 0 : index
    %swap3A_39 = vector.load %arg8[%swap3A, %swap3A_38] : memref<4096x128xf32, #tpu.memory_space<vmem>>, vector<4096x128xf32>
    tpu.vector_store %arg8[%swap3A, %swap3A_38], %max3A_37 {strides = array<i32>} : memref<4096x128xf32, #tpu.memory_space<vmem>>, vector<4096x128xf32>,
    return
  }
  func.func @transform_0(%arg0: i32) -> (i32, i32) {
    %c0_i32 = arith.constant 0 : i32
    %c0_i32_0 = arith.constant 0 : i32
    return %arg0, %c0_i32 : i32, i32
  }
  func.func @transform_1(%arg0: i32) -> (i32, i32) {
    %c0_i32 = arith.constant 0 : i32
    %c0_i32_0 = arith.constant 0 : i32
    %c0_i32_1 = arith.constant 0 : i32
    return %c0_i32, %c0_i32_0 : i32, i32
  }
  func.func @transform_2(%arg0: i32) -> (i32, i32) {
    %c0_i32 = arith.constant 0 : i32
    %c0_i32_0 = arith.constant 0 : i32
    %c0_i32_1 = arith.constant 0 : i32
    return %c0_i32, %c0_i32_0 : i32, i32
  }
  func.func @transform_3(%arg0: i32) -> (i32, i32) {
    %c0_i32 = arith.constant 0 : i32
    %c0_i32_0 = arith.constant 0 : i32
    %c0_i32_1 = arith.constant 0 : i32
    return %c0_i32, %c0_i32_0 : i32, i32
  }
  func.func @transform_4(%arg0: i32) -> (i32, i32) {
    %c0_i32 = arith.constant 0 : i32
    %c0_i32_0 = arith.constant 0 : i32
    %c0_i32_1 = arith.constant 0 : i32
    return %c0_i32, %c0_i32_0 : i32, i32
  }
  func.func @transform_5(%arg0: i32) -> (i32, i32) {
    %c0_i32 = arith.constant 0 : i32
    %c0_i32_0 = arith.constant 0 : i32
    %c0_i32_1 = arith.constant 0 : i32
    return %c0_i32, %c0_i32_0 : i32, i32
  }
  func.func @transform_6(%arg0: i32) -> (i32, i32) {
    %c0_i32 = arith.constant 0 : i32
    %c0_i32_0 = arith.constant 0 : i32
    %c0_i32_1 = arith.constant 0 : i32
    return %c0_i32, %c0_i32_0 : i32, i32
  }
  func.func @transform_7(%arg0: i32) -> (i32, i32) {
    %c0_i32 = arith.constant 0 : i32
    %c0_i32_0 = arith.constant 0 : i32
    return %arg0, %c0_i32 : i32, i32
  }
}

module attributes {stable_mosaic.version = 14 : i64} {
  func.func @_fps_body(%arg0: memref<3x8x4096xf32, #tpu.memory_space<vmem>>, %arg1: memref<3x8x1024xf32, #tpu.memory_space<vmem>>, %arg2: memref<8x1024xi32, #tpu.memory_space<vmem>>) attributes {dimension_semantics = [], scalar_prefetch = 0 : i64, scratch_operands = 0 : i64, tpu.core_type = #tpu.core_type<tc>} {
    %get3A = arith.constant 0 : index
    %get3A_0 = arith.constant 0 : index
    %get3A_1 = arith.constant 0 : index
    %get3A_2 = vector.load %arg0[%get3A, %get3A_0, %get3A_1] : memref<3x8x4096xf32, #tpu.memory_space<vmem>>, vector<1x8x4096xf32>
    %get3A_3 = vector.shape_cast %get3A_2 : vector<1x8x4096xf32> to vector<8x4096xf32>
    %get3A_4 = arith.constant 1 : index
    %get3A_5 = arith.constant 0 : index
    %get3A_6 = arith.constant 0 : index
    %get3A_7 = vector.load %arg0[%get3A_4, %get3A_5, %get3A_6] : memref<3x8x4096xf32, #tpu.memory_space<vmem>>, vector<1x8x4096xf32>
    %get3A_8 = vector.shape_cast %get3A_7 : vector<1x8x4096xf32> to vector<8x4096xf32>
    %get3A_9 = arith.constant 2 : index
    %get3A_10 = arith.constant 0 : index
    %get3A_11 = arith.constant 0 : index
    %get3A_12 = vector.load %arg0[%get3A_9, %get3A_10, %get3A_11] : memref<3x8x4096xf32, #tpu.memory_space<vmem>>, vector<1x8x4096xf32>
    %get3A_13 = vector.shape_cast %get3A_12 : vector<1x8x4096xf32> to vector<8x4096xf32>
    %iota3A = tpu.iota {dimensions = array<i32: 1>} : vector<8x4096xi32>
    %iota3A_14 = tpu.iota {dimensions = array<i32: 1>} : vector<8x128xi32>
    %iota3A_15 = tpu.iota {dimensions = array<i32: 0>} : vector<8x1xi32>
    %mul3A = arith.constant 4096 : i32
    %mul3A_16 = vector.broadcast %mul3A : i32 to vector<8x1xi32>
    %mul3A_17 = arith.muli %iota3A_15, %mul3A_16 : vector<8x1xi32>
    %broadcast_in_dim3A = arith.constant 0.000000e+00 : f32
    %broadcast_in_dim3A_18 = vector.broadcast %broadcast_in_dim3A : f32 to vector<8x128xf32>
    %broadcast_in_dim3A_19 = arith.constant 1.000000e+10 : f32
    %broadcast_in_dim3A_20 = vector.broadcast %broadcast_in_dim3A_19 : f32 to vector<8x4096xf32>
    %broadcast_in_dim3A_21 = arith.constant 0 : i32
    %broadcast_in_dim3A_22 = vector.broadcast %broadcast_in_dim3A_21 : i32 to vector<8x1xi32>
    %broadcast_in_dim3A_23 = arith.constant 0 : i32
    %broadcast_in_dim3A_24 = vector.broadcast %broadcast_in_dim3A_23 : i32 to vector<8x128xi32>
    %scan3A = arith.constant 0 : i32
    %scan3A_25 = arith.constant 1024 : i32
    %scan3A_26 = arith.addi %scan3A, %scan3A_25 : i32
    %scan3A_27 = arith.constant 1 : i32
    %scan3A_28:6 = scf.for %scan3A_30 = %scan3A to %scan3A_26 step %scan3A_27 iter_args(%scan3A_31 = %broadcast_in_dim3A_20, %scan3A_32 = %broadcast_in_dim3A_22, %scan3A_33 = %broadcast_in_dim3A_18, %scan3A_34 = %broadcast_in_dim3A_18, %scan3A_35 = %broadcast_in_dim3A_18, %scan3A_36 = %broadcast_in_dim3A_24) -> (vector<8x4096xf32>, vector<8x1xi32>, vector<8x128xf32>, vector<8x128xf32>, vector<8x128xf32>, vector<8x128xi32>)  : i32 {
      %eq3A = vector.broadcast %scan3A_32 : vector<8x1xi32> to vector<8x4096xi32>
      %eq3A_37 = arith.cmpi eq, %iota3A, %eq3A : vector<8x4096xi32>
      %jit3A = arith.constant 0.000000e+00 : f32
      %broadcast_in_dim3A_38 = vector.broadcast %jit3A : f32 to vector<8x4096xf32>
      %select_n3A = arith.select %eq3A_37, %get3A_3, %broadcast_in_dim3A_38 : vector<8x4096xi1>, vector<8x4096xf32>
      %reduce_sum3A = arith.constant dense<0.000000e+00> : vector<8xf32>
      %reduce_sum3A_39 = vector.multi_reduction <add>, %select_n3A, %reduce_sum3A [1] : vector<8x4096xf32> to vector<8xf32>
      %broadcast_in_dim3A_40 = vector.shape_cast %reduce_sum3A_39 : vector<8xf32> to vector<8x1xf32>
      %jit3A_41 = arith.constant 0.000000e+00 : f32
      %broadcast_in_dim3A_42 = vector.broadcast %jit3A_41 : f32 to vector<8x4096xf32>
      %select_n3A_43 = arith.select %eq3A_37, %get3A_8, %broadcast_in_dim3A_42 : vector<8x4096xi1>, vector<8x4096xf32>
      %reduce_sum3A_44 = arith.constant dense<0.000000e+00> : vector<8xf32>
      %reduce_sum3A_45 = vector.multi_reduction <add>, %select_n3A_43, %reduce_sum3A_44 [1] : vector<8x4096xf32> to vector<8xf32>
      %broadcast_in_dim3A_46 = vector.shape_cast %reduce_sum3A_45 : vector<8xf32> to vector<8x1xf32>
      %jit3A_47 = arith.constant 0.000000e+00 : f32
      %broadcast_in_dim3A_48 = vector.broadcast %jit3A_47 : f32 to vector<8x4096xf32>
      %select_n3A_49 = arith.select %eq3A_37, %get3A_13, %broadcast_in_dim3A_48 : vector<8x4096xi1>, vector<8x4096xf32>
      %reduce_sum3A_50 = arith.constant dense<0.000000e+00> : vector<8xf32>
      %reduce_sum3A_51 = vector.multi_reduction <add>, %select_n3A_49, %reduce_sum3A_50 [1] : vector<8x4096xf32> to vector<8xf32>
      %broadcast_in_dim3A_52 = vector.shape_cast %reduce_sum3A_51 : vector<8xf32> to vector<8x1xf32>
      %and3A = arith.constant 127 : i32
      %and3A_53 = arith.andi %scan3A_30, %and3A : i32
      %eq3A_54 = vector.broadcast %and3A_53 : i32 to vector<8x128xi32>
      %eq3A_55 = arith.cmpi eq, %iota3A_14, %eq3A_54 : vector<8x128xi32>
      %broadcast_in_dim3A_56 = vector.shape_cast %broadcast_in_dim3A_40 : vector<8x1xf32> to vector<8x1xf32>
      %broadcast_in_dim3A_57 = vector.broadcast %broadcast_in_dim3A_56 : vector<8x1xf32> to vector<8x128xf32>
      %select_n3A_58 = arith.select %eq3A_55, %broadcast_in_dim3A_57, %scan3A_33 : vector<8x128xi1>, vector<8x128xf32>
      %broadcast_in_dim3A_59 = vector.shape_cast %broadcast_in_dim3A_46 : vector<8x1xf32> to vector<8x1xf32>
      %broadcast_in_dim3A_60 = vector.broadcast %broadcast_in_dim3A_59 : vector<8x1xf32> to vector<8x128xf32>
      %select_n3A_61 = arith.select %eq3A_55, %broadcast_in_dim3A_60, %scan3A_34 : vector<8x128xi1>, vector<8x128xf32>
      %broadcast_in_dim3A_62 = vector.shape_cast %broadcast_in_dim3A_52 : vector<8x1xf32> to vector<8x1xf32>
      %broadcast_in_dim3A_63 = vector.broadcast %broadcast_in_dim3A_62 : vector<8x1xf32> to vector<8x128xf32>
      %select_n3A_64 = arith.select %eq3A_55, %broadcast_in_dim3A_63, %scan3A_35 : vector<8x128xi1>, vector<8x128xf32>
      %add3A = arith.addi %scan3A_32, %mul3A_17 : vector<8x1xi32>
      %broadcast_in_dim3A_65 = vector.shape_cast %add3A : vector<8x1xi32> to vector<8x1xi32>
      %broadcast_in_dim3A_66 = vector.broadcast %broadcast_in_dim3A_65 : vector<8x1xi32> to vector<8x128xi32>
      %select_n3A_67 = arith.select %eq3A_55, %broadcast_in_dim3A_66, %scan3A_36 : vector<8x128xi1>, vector<8x128xi32>
      %and3A_68 = arith.constant 127 : i32
      %and3A_69 = arith.andi %scan3A_30, %and3A_68 : i32
      %eq3A_70 = arith.constant 127 : i32
      %eq3A_71 = arith.cmpi eq, %and3A_69, %eq3A_70 : i32
      %convert_element_type3A = arith.extui %eq3A_71 : i1 to i32
      %cond3A = arith.constant 0 : i32
      %cond3A_72 = arith.cmpi ne, %convert_element_type3A, %cond3A : i32
      scf.if %cond3A_72 {
        %sub3A_92 = arith.constant 127 : i32
        %sub3A_93 = arith.subi %scan3A_30, %sub3A_92 : i32
        %multiple_of3A = tpu.assume_multiple %sub3A_93, 128 : i32
        %swap3A = arith.constant 0 : index
        %swap3A_94 = arith.constant 0 : index
        %swap3A_95 = arith.index_cast %multiple_of3A : i32 to index
        %swap3A_96 = vector.load %arg1[%swap3A, %swap3A_94, %swap3A_95] : memref<3x8x1024xf32, #tpu.memory_space<vmem>>, vector<1x8x128xf32>
        %swap3A_97 = vector.shape_cast %swap3A_96 : vector<1x8x128xf32> to vector<8x128xf32>
        %swap3A_98 = vector.shape_cast %select_n3A_58 : vector<8x128xf32> to vector<1x8x128xf32>
        tpu.vector_store %arg1[%swap3A, %swap3A_94, %swap3A_95], %swap3A_98 {strides = array<i32>} : memref<3x8x1024xf32, #tpu.memory_space<vmem>>, vector<1x8x128xf32>,
        %swap3A_99 = arith.constant 1 : index
        %swap3A_100 = arith.constant 0 : index
        %swap3A_101 = arith.index_cast %multiple_of3A : i32 to index
        %swap3A_102 = vector.load %arg1[%swap3A_99, %swap3A_100, %swap3A_101] : memref<3x8x1024xf32, #tpu.memory_space<vmem>>, vector<1x8x128xf32>
        %swap3A_103 = vector.shape_cast %swap3A_102 : vector<1x8x128xf32> to vector<8x128xf32>
        %swap3A_104 = vector.shape_cast %select_n3A_61 : vector<8x128xf32> to vector<1x8x128xf32>
        tpu.vector_store %arg1[%swap3A_99, %swap3A_100, %swap3A_101], %swap3A_104 {strides = array<i32>} : memref<3x8x1024xf32, #tpu.memory_space<vmem>>, vector<1x8x128xf32>,
        %swap3A_105 = arith.constant 2 : index
        %swap3A_106 = arith.constant 0 : index
        %swap3A_107 = arith.index_cast %multiple_of3A : i32 to index
        %swap3A_108 = vector.load %arg1[%swap3A_105, %swap3A_106, %swap3A_107] : memref<3x8x1024xf32, #tpu.memory_space<vmem>>, vector<1x8x128xf32>
        %swap3A_109 = vector.shape_cast %swap3A_108 : vector<1x8x128xf32> to vector<8x128xf32>
        %swap3A_110 = vector.shape_cast %select_n3A_64 : vector<8x128xf32> to vector<1x8x128xf32>
        tpu.vector_store %arg1[%swap3A_105, %swap3A_106, %swap3A_107], %swap3A_110 {strides = array<i32>} : memref<3x8x1024xf32, #tpu.memory_space<vmem>>, vector<1x8x128xf32>,
        %swap3A_111 = arith.constant 0 : index
        %swap3A_112 = arith.index_cast %multiple_of3A : i32 to index
        %swap3A_113 = vector.load %arg2[%swap3A_111, %swap3A_112] : memref<8x1024xi32, #tpu.memory_space<vmem>>, vector<8x128xi32>
        tpu.vector_store %arg2[%swap3A_111, %swap3A_112], %select_n3A_67 {strides = array<i32>} : memref<8x1024xi32, #tpu.memory_space<vmem>>, vector<8x128xi32>,
      } else {
      }
      %sub3A = vector.broadcast %broadcast_in_dim3A_40 : vector<8x1xf32> to vector<8x4096xf32>
      %sub3A_73 = arith.subf %get3A_3, %sub3A : vector<8x4096xf32>
      %sub3A_74 = vector.broadcast %broadcast_in_dim3A_46 : vector<8x1xf32> to vector<8x4096xf32>
      %sub3A_75 = arith.subf %get3A_8, %sub3A_74 : vector<8x4096xf32>
      %sub3A_76 = vector.broadcast %broadcast_in_dim3A_52 : vector<8x1xf32> to vector<8x4096xf32>
      %sub3A_77 = arith.subf %get3A_13, %sub3A_76 : vector<8x4096xf32>
      %mul3A_78 = arith.mulf %sub3A_73, %sub3A_73 : vector<8x4096xf32>
      %mul3A_79 = arith.mulf %sub3A_75, %sub3A_75 : vector<8x4096xf32>
      %add3A_80 = arith.addf %mul3A_78, %mul3A_79 : vector<8x4096xf32>
      %mul3A_81 = arith.mulf %sub3A_77, %sub3A_77 : vector<8x4096xf32>
      %add3A_82 = arith.addf %add3A_80, %mul3A_81 : vector<8x4096xf32>
      %min3A = arith.minimumf %scan3A_31, %add3A_82 : vector<8x4096xf32>
      %reduce_max3A = arith.constant dense<0xFF800000> : vector<8xf32>
      %reduce_max3A_83 = vector.multi_reduction <maximumf>, %min3A, %reduce_max3A [1] : vector<8x4096xf32> to vector<8xf32>
      %broadcast_in_dim3A_84 = vector.shape_cast %reduce_max3A_83 : vector<8xf32> to vector<8x1xf32>
      %eq3A_85 = vector.broadcast %broadcast_in_dim3A_84 : vector<8x1xf32> to vector<8x4096xf32>
      %eq3A_86 = arith.cmpf oeq, %min3A, %eq3A_85 : vector<8x4096xf32>
      %jit3A_87 = arith.constant 4096 : i32
      %broadcast_in_dim3A_88 = vector.broadcast %jit3A_87 : i32 to vector<8x4096xi32>
      %select_n3A_89 = arith.select %eq3A_86, %iota3A, %broadcast_in_dim3A_88 : vector<8x4096xi1>, vector<8x4096xi32>
      %reduce_min3A = arith.constant dense<2147483647> : vector<8xi32>
      %reduce_min3A_90 = vector.multi_reduction <minsi>, %select_n3A_89, %reduce_min3A [1] : vector<8x4096xi32> to vector<8xi32>
      %broadcast_in_dim3A_91 = vector.shape_cast %reduce_min3A_90 : vector<8xi32> to vector<8x1xi32>
      scf.yield %min3A, %broadcast_in_dim3A_91, %select_n3A_58, %select_n3A_61, %select_n3A_64, %select_n3A_67 : vector<8x4096xf32>, vector<8x1xi32>, vector<8x128xf32>, vector<8x128xf32>, vector<8x128xf32>, vector<8x128xi32>
    }
    %scan3A_29 = arith.constant 1024 : i32
    return
  }
}

</mosaic_0001>

<sc_bundles>
// kernel: kernel.5.cloned.1.call-start
scs
__scs_entry_jumppad:
0x0: {  	(pc) =	sbr.rel $0x88, $3  }
0x1: {  	(tag) =	ssettag $0x0;
	lr =	simm.s32 $0x1  }
0x2: {  	[smem:$0x3F99] =	sst lr;
	_ =	strace $0xD0000000  }
0x3: {  	_ = 	snop  }
0x4: {  	_ = 	snop  }
0x5: {  	_ = 	snop  }
0x6: {  	_ = 	snop  }
0x7: {  	_ = 	snop  }
__scs_overlays_trampoline_lowered:
0x8: {  	[smem:$0x3FA8] =	sst s0  }
0x9: {  	[smem:$0x3FA9] =	sst s1  }
0xa: {  	[smem:$0x3FAA] =	sst s2  }
0xb: {  	[smem:$0x3FAB] =	sst s3  }
0xc: {  	[smem:$0x3FAC] =	sst s4  }
0xd: {  	[smem:$0x3FAD] =	sst s5  }
0xe: {  	[smem:$0x3FAE] =	sst s6  }
0xf: {  	[smem:$0x3FAF] =	sst s7  }
0x10: {  	[smem:$0x3FB0] =	sst s8  }
0x11: {  	[smem:$0x3FB1] =	sst s9;
	s0 =	simm.s32 @!p0 $0x0  }
0x12: {  	s1 =	sld [smem:$0x3F97];
	s0 =	simm.s32 @p0 $0x1  }
0x13: {  	[smem:$0x3FB2] =	sst s0;
	s0 =	simm.s32 @!p1 $0x0  }
0x14: {  	s2 =	sld [smem:$0x3F96];
	s0 =	simm.s32 @p1 $0x1  }
0x15: {  	[smem:$0x3FB3] =	sst s0;
	s0 =	simm.s32 @!p2 $0x0  }
0x16: {  	s3 =	sld [smem:$0x3FDB];
	s0 =	simm.s32 @p2 $0x1  }
0x17: {  	s4 =	simm.s32 $0x1BF5;
	[smem:$0x3FB5] =	sst s0  }
0x18: {  	s0 =	sld [smem:$0x3F98];
	_ =	swait.ge [sflag:s4], $0x0  }
0x19: {  	s7 =	sld [smem:$0x3F99]  }
0x1a: {  	s8 =	sadd.s32 $0xFFFFE003, lr  }
0x1b: {  	s9 =	sadd.s32 $0xFFFFFEF7, lr;
	s5 =	simm.s32 $0xFFFFFFFF;
	p2 =	slt.u32 s8, $0xFFFFF086  }
0x1c: {  	p1 =	slt.u32 s9, $0xF7A;
	s5 =	simm.s32 @!p2 $0x0  }
0x1d: {  	s5 =	simm.s32 @p1 $0x1;
	p0 =	seq.s32 s7, s2  }
0x1e: {  	s7 =	smul.u32 @!p0 $0xF7A, s2;
	p2 =	seq.s32 @!p0 s5, $0x0  }
0x1f: {  	s9 =	smul.u32 $0xF7A, s1;
	s8 =	simm.s32 @!p0 $0x1BF5;
	p2 =	por !p2, p0  }
0x20: {  	[sflag:s8] =	ssyncset.s32 @!p0 $0xFFFFF086;
	s6 =	sadd.s32 @!p0 s3, s7;
	s7 =	simm.s32 @!p0 $0x108  }
0x21: {  	s3 =	sadd.s32 s3, s9;
	s6 =	sadd.s32 @!p0 $0x88, s6;
	s7 =	simm.s32 @p2 $0x1082  }
0x22: {  	[simem:s7], [sflag:s8] =	dma.local @!p0 [hbm:s6], $0xF7A  }
0x23: {  	s9 =	sor.u32 $0xD0000000, s2;
	s6 =	simm.s32 $0x108;
	_ =	swait.ge @!p0 [sflag:s8], $0x0  }
0x24: {  	s3 =	sadd.s32 $0x88, s3;
	s6 =	simm.s32 @!p1 $0x1082;
	[sflag:s4] =	ssyncset.s32 $0xFFFFF086  }
0x25: {  	[simem:s6], [sflag:s4] =	dma.local [hbm:s3], $0xF7A  }
0x26: {  	[smem:$0x3F99] =	sst s1;
	(tag) =	ssettag s2;
	_ =	strace s9  }
0x27: {  	s1 =	sld [smem:$0x3FA9]  }
0x28: {  	s2 =	sld [smem:$0x3FAA]  }
0x29: {  	s4 =	sld [smem:$0x3FAC]  }
0x2a: {  	p0 =	seq.s32 s5, $0x0;
	s5 =	sld [smem:$0x3FAD]  }
0x2b: {  	s6 =	sld [smem:$0x3FAE]  }
0x2c: {  	s7 =	sld [smem:$0x3FAF]  }
0x2d: {  	s3 =	simm.s32 $0x108;
	s8 =	sld [smem:$0x3FB0]  }
0x2e: {  	s3 =	simm.s32 @!p0 $0x1082;
	s9 =	sld [smem:$0x3FB1]  }
0x2f: {  	lr =	sadd.s32 s0, s3;
	s0 =	sld [smem:$0x3FA8]  }
0x30: {  	s3 =	sld [smem:$0x3FAB]  }
0x31: {  	[smem:$0x3FB4] =	sst s10  }
0x32: {  	s10 =	sld [smem:$0x3FB2];
	_ =	sdelay $0x3  }
0x33: {  	p0 =	seq.s32 s10, $0x1;
	s10 =	sld [smem:$0x3FB4];
	_ =	sdelay $0x3  }
0x34: {  	[smem:$0x3FB4] =	sst s10  }
0x35: {  	s10 =	sld [smem:$0x3FB3];
	_ =	sdelay $0x3  }
0x36: {  	p1 =	seq.s32 s10, $0x1;
	s10 =	sld [smem:$0x3FB4];
	_ =	sdelay $0x3  }
0x37: {  	[smem:$0x3FB4] =	sst s10  }
0x38: {  	s10 =	sld [smem:$0x3FB5]  }
0x39: {  	_ = 	snop;
	(pc) =	sbr.ind lr, $3  }
0x3a: {  	_ = 	snop  }
0x3b: {  	_ = 	snop  }
0x3c: {  	p2 =	seq.s32 s10, $0x1;
	s10 =	sld [smem:$0x3FB4]  }
0x3d: {  	_ =	shalt  }
0x3e: {  	_ =	shalt  }
0x3f: {  	_ =	shalt  }
0x40: {  	_ =	shalt  }
0x41: {  	_ =	shalt  }
0x42: {  	_ =	shalt  }
0x43: {  	_ =	shalt  }
0x44: {  	_ =	shalt  }
0x45: {  	_ =	shalt  }
0x46: {  	_ =	shalt  }
0x47: {  	_ =	shalt  }
0x48: {  	_ =	shalt  }
0x49: {  	_ =	shalt  }
0x4a: {  	_ =	shalt  }
0x4b: {  	_ =	shalt  }
0x4c: {  	_ =	shalt  }
0x4d: {  	_ =	shalt  }
0x4e: {  	_ =	shalt  }
0x4f: {  	_ =	shalt  }
0x50: {  	_ =	shalt  }
0x51: {  	_ =	shalt  }
0x52: {  	_ =	shalt  }
0x53: {  	_ =	shalt  }
0x54: {  	_ =	shalt  }
0x55: {  	_ =	shalt  }
0x56: {  	_ =	shalt  }
0x57: {  	_ =	shalt  }
0x58: {  	_ =	shalt  }
0x59: {  	_ =	shalt  }
0x5a: {  	_ =	shalt  }
0x5b: {  	_ =	shalt  }
0x5c: {  	_ =	shalt  }
0x5d: {  	_ =	shalt  }
0x5e: {  	_ =	shalt  }
0x5f: {  	_ =	shalt  }
0x60: {  	_ =	shalt  }
0x61: {  	_ =	shalt  }
0x62: {  	_ =	shalt  }
0x63: {  	_ =	shalt  }
0x64: {  	_ =	shalt  }
0x65: {  	_ =	shalt  }
0x66: {  	_ =	shalt  }
0x67: {  	_ =	shalt  }
0x68: {  	_ =	shalt  }
0x69: {  	_ =	shalt  }
0x6a: {  	_ =	shalt  }
0x6b: {  	_ =	shalt  }
0x6c: {  	_ =	shalt  }
0x6d: {  	_ =	shalt  }
0x6e: {  	_ =	shalt  }
0x6f: {  	_ =	shalt  }
0x70: {  	_ =	shalt  }
0x71: {  	_ =	shalt  }
0x72: {  	_ =	shalt  }
0x73: {  	_ =	shalt  }
0x74: {  	_ =	shalt  }
0x75: {  	_ =	shalt  }
0x76: {  	_ =	shalt  }
0x77: {  	_ =	shalt  }
0x78: {  	_ =	shalt  }
0x79: {  	_ =	shalt  }
0x7a: {  	_ =	shalt  }
0x7b: {  	_ =	shalt  }
0x7c: {  	_ =	shalt  }
0x7d: {  	_ =	shalt  }
0x7e: {  	_ =	shalt  }
0x7f: {  	_ =	shalt  }
0x80: {  	_ =	shalt  }
0x81: {  	_ =	shalt  }
0x82: {  	_ =	shalt  }
0x83: {  	_ =	shalt  }
0x84: {  	_ =	shalt  }
0x85: {  	_ =	shalt  }
0x86: {  	_ =	shalt  }
0x87: {  	_ =	shalt  }
.Lfunc_end0:
.L_simem_size_0:
called_computation_lowered:
.L_overlay_start_0:
0x88: {  	s2 =	sld [smem:$0x3FD9]  }
0x89: {  	s3 =	sld [smem:$0x3FFE];
	_ =	sdelay $0x1  }
0x8a: {  	s1 =	srdreg.scid  }
0x8b: {  	s0 =	sand.u32 $0x1, s1  }
0x8c: {  	s14 =	sshll.u32 s0, $0xA;
	s2 =	sadd.s32 s3, s2  }
0x8d: {  	s2 =	sadd.s32 s2, s14  }
0x8e: {  	[smem:$0x3FC0] =	sst s2  }
0x8f: {  	_ = 	snop  }
0x90: {  	s2 =	sld [smem:$0x3FD0];
	_ =	sdelay $0x2  }
0x91: {  	s15 =	simm.s32 $0xA;
	s4 =	simm.s32 $0x10  }
0x92: {  	[smem:s4], [sflag:s15] =	dma.local [hbm:s2], $0x1  }
0x93: {  	_ =	swait.eq [sflag:s15], $0x1  }
0x94: {  	[sflag:s15] =	ssyncset.done $0x0  }
0x95: {  	[sflag:s15] =	ssyncadd.s32 $0xFFFFFFFF  }
0x96: {  	s16 =	sld [smem:$0x11];
	(tm) =	ssettm $0x1  }
0x97: {  	s17 =	sld [smem:$0x3FFB];
	_ =	sdelay $0x3  }
0x98: {  	_ =	strace s17  }
0x99: {  	s3 =	sld [smem:$0x3FFC];
	_ =	sdelay $0x3  }
0x9a: {  	_ =	strace s3  }
0x9b: {  	s3 =	sld [smem:$0x3FFD];
	_ =	sdelay $0x3  }
0x9c: {  	_ =	strace s3  }
0x9d: {  	_ =	strace $0x8FFFFFFF  }
0x9e: {  	s18 =	sld [smem:$0x3FDB];
	_ =	sdelay $0x1  }
0x9f: {  	s19 =	simm.s32 $_scs_section_size  }
0xa0: {  	s5 =	simm.s32 $_size__tile_overlayer_lowered;
	s6 =	simm.s32 $_tile_overlayer_lowered  }
0xa1: {  	s22 =	simm.s32 $0x1BFF;
	s21 =	sshll.u32 s6, $0x1;
	s3 =	sadd.s32 s19, s18  }
0xa2: {  	s7 =	simm.s32 $0x0;
	s20 =	sshll.u32 s5, $0x1;
	s5 =	sadd.s32 s21, s3  }
0xa3: {  	[timem:s7], [sflag:s22] =	dma.local [hbm:s5], s20  }
0xa4: {  	_ =	swait.ge [sflag:s22], s20  }
0xa5: {  	s4 =	ssub.s32 $0x0, s20;
	[sflag:s22] =	ssyncset.done $0x0  }
0xa6: {  	[sflag:s22] =	ssyncadd.s32 s4;
	_ =	sdelay $0x1  }
0xa7: {  	s23 =	simm.s32 $0x1B8B  }
0xa8: {  	_ =	swait.ge [sflag:s23], $0x1  }
0xa9: {  	[sflag:s23] =	ssyncset.done $0x0  }
0xaa: {  	s25 =	simm.s32 $0x1B8E;
	s24 =	sld [smem:$0x3FFE];
	[sflag:s23] =	ssyncadd.s32 $0xFFFFFFFF  }
0xab: {  	s26 =	simm.s32 $execute0_lowered;
	[smem:$0x3FD2] =	sst s25  }
0xac: {  	s5 =	sshll.u32 s26, $0x1;
	_ =	strace $0x80000046;
	[dreg:$0x1] =	wrdreg $0xFFFFFFFF  }
0xad: {  	s28 =	simm.s32 $_size_execute0_lowered;
	s3 =	sadd.s32 s3, s5;
	[dreg:$0x0] =	wrdreg $0x0  }
0xae: {  	s5 =	sshll.u32 s28, $0x1;
	[dreg:$0x2] =	wrdreg s3  }
0xaf: {  	[dreg:$0x3] =	wrdreg s5  }
0xb0: {  	[dreg:$0x4] =	wrdreg $0xC0  }
0xb1: {  	_ =	task [dreg:s7], $0x5FFFF  }
0xb2: {  	[dreg:$0x1] =	wrdreg $0xFFFFFFFF  }
0xb3: {  	[dreg:$0x0] =	wrdreg $0x60  }
0xb4: {  	[dreg:$0x2] =	wrdreg s16  }
0xb5: {  	[dreg:$0x3] =	wrdreg s24  }
0xb6: {  	[dreg:$0x4] =	wrdreg $0x9  }
0xb7: {  	_ =	task.clear_ibuf [dreg:s7], $0x5FFFF;
	_ =	strace $0x90000046  }
0xb8: {  	s29 =	simm.s32 $0x9;
	_ =	strace $0x80000048  }
0xb9: {  	_ =	swait.ge [sflag:s29], $0x1  }
0xba: {  	[sflag:s29] =	ssyncadd.s32 $0xFFFFFFFF  }
0xbb: {  	_ =	strace $0x90000048  }
0xbc: {  	_ =	sfence  }
0xbd: {  	s30 =	sld [smem:$0x0];
	_ =	sdelay $0x2  }
0xbe: {  	s31 =	sshll.u32 s1, $0xD;
	s1 =	sshrl.u32 s1, $0x2  }
0xbf: {  	s3 =	sand.u32 $0x4000, s31;
	s1 =	sadd.s32 s1, s30  }
0xc0: {  	s0 =	sor.u32 s3, s0;
	s1 =	sshll.u32 s1, $0x11  }
0xc1: {  	s0 =	sor.u32 s1, s0  }
0xc2: {  	s0 =	sadd.s32 $0x8F2B, s0  }
0xc3: {  	[sflag:s0] =	ssyncadd.remote.s32 $0x1  }
0xc4: {  	_ =	sfence.sel $0xFFFF  }
0xc5: {  	[dreg:$0x0] =	wrdreg $0xFFFFFFFF;
	(pc) =	sbr.abs _section_cstart, $3  }
0xc6: {  	[dreg:$0x1] =	wrdreg $0xFFFFFFFF  }
0xc7: {  	_ =	task.clear_ibuf [dreg:s7], $0x2FFFF;
	_ =	strace $0x9FFFFFFF  }
0xc8: {  	(tm) =	ssettm $0x7FFFFFFF  }
0xc9: {  	_ =	shalt  }
tec
execute0_lowered:
.L_overlay_start_1:
0x0: {  	(tag) =	ssettag $0x1  }
0x1: {  	s2 =	stileid.u32;
	s5 =	rddreg [dreg:$0x0]  }
0x2: {  	s0 =	srdreg.scid;
	s6 =	rddreg [dreg:$0x1]  }
0x3: {  	s14 =	simm.s32 $0x3;
	s17 =	simm.s32 $0x3000;
	s18 =	simm.s32 $0x3100  }
0x4: {  	s19 =	simm.s32 $0x3200;
	s20 =	simm.s32 $0x3300;
	s21 =	simm.s32 $0x3400  }
0x5: {  	s22 =	simm.s32 $0x3480;
	s23 =	simm.s32 $0x4480;
	s24 =	simm.s32 $0x20  }
0x6: {  	s25 =	simm.s32 $0x4500;
	s28 =	simm.s32 $0x2;
	s30 =	simm.s32 $0x0  }
0x7: {  	s1 =	sshll.u32 s2, $0x1;
	s0 =	sand.u32 $0x1, s0;
	s4 =	sshrl.u32 s2, $0x1  }
0x8: {  	s2 =	simm.s32 $0x0;
	s1 =	sand.u32 $0x2, s1;
	s3 =	sshll.u32 s4, $0xA  }
0x9: {  	[smem:$0x7FF] =	sst s2;
	s7 =	sshll.u32 s4, $0x9;
	s4 =	sshll.u32 s4, $0xC  }
0xa: {  	s1 =	sor.u32 s0, s1;
	_ =	strace $0x80000047;
	s5 =	sadd.s32 s5, s7  }
0xb: {  	s0 =	ssub.s32 $0x2, s0;
	s1 =	sshll.u32 s1, $0x8;
	s29 =	sadd.s32 $0x1000, s5  }
0xc: {  	s26 =	sshrl.u32 s0, $0x1;
	s31 =	sadd.s32 $0x2000, s5;
	[dreg:$0x3] =	wrdreg s29  }
0xd: {  	s1 =	sor.u32 s3, s1;
	s0 =	ssub.s32 s0, s26;
	[dreg:$0x4] =	wrdreg s31  }
0xe: {  	s26 =	simm.s32 $0x1;
	s3 =	sshrl.u32 s1, $0x3;
	s1 =	sshll.u32 s1, $0x4  }
0xf: {  	s13 =	smax.u32 s0, $0x1;
	s11 =	sadd.s32 s3, s6;
	s3 =	sadd.s32 $0x2600, s6  }
0x10: {  	s1 =	sadd.s32 s1, s6;
	s8 =	sadd.s32 $0x1600, s11;
	s9 =	sadd.s32 $0x1A00, s11  }
0x11: {  	v0 =	vimm.s32 $0x0;
	v1 =	vlaneseq.u32;
	s10 =	sadd.s32 $0x1E00, s11;
	s11 =	sadd.s32 $0x2200, s11;
	s12 =	sadd.s32 $0x82600, s1  }
.LBB2_1:
0x12: {  	[tilespmem:s2], [sflag:$0x3] =	stream.linear.gather [hbm4b:s5+s2], $0x1000, $0x38;
	[tilespmem:$0xD500] =	vst v63  }
0x13: {  	_ =	swait.ge [sflag:s14], $0x1000  }
0x14: {  	[sflag:s14] =	ssyncset.done $0x0  }
0x15: {  	s1 =	simm.s32 $0x1000;
	s0 =	rddreg [dreg:$0x3];
	[sflag:s14] =	ssyncadd.s32 $0xFFFFF000  }
0x16: {  	[tilespmem:s1], [sflag:$0x3] =	stream.linear.gather [hbm4b:s0+s2], $0x1000, $0x38;
	[tilespmem:$0xD500] =	vst v63  }
0x17: {  	_ =	swait.ge [sflag:s14], $0x1000  }
0x18: {  	[sflag:s14] =	ssyncset.done $0x0  }
0x19: {  	s29 =	simm.s32 $0x2000;
	s16 =	rddreg [dreg:$0x4];
	[sflag:s14] =	ssyncadd.s32 $0xFFFFF000  }
0x1a: {  	[tilespmem:s29], [sflag:$0x3] =	stream.linear.gather [hbm4b:s16+s2], $0x1000, $0x38;
	[tilespmem:$0xD500] =	vst v63  }
0x1b: {  	_ =	swait.ge [sflag:s14], $0x1000  }
0x1c: {  	[sflag:s14] =	ssyncset.done $0x0  }
0x1d: {  	[sflag:s14] =	ssyncadd.s32 $0xFFFFF000  }
0x1e: {  	[tilespmem:s17], [sflag:$0x3] =	stream.linear.gather [hbm4b:s8+s2], $0x100, $0x38;
	[tilespmem:$0xD500] =	vst v63  }
0x1f: {  	_ =	swait.ge [sflag:s14], $0x100  }
0x20: {  	[sflag:s14] =	ssyncset.done $0x0  }
0x21: {  	[sflag:s14] =	ssyncadd.s32 $0xFFFFFF00  }
0x22: {  	[tilespmem:s18], [sflag:$0x3] =	stream.linear.gather [hbm4b:s9+s2], $0x100, $0x38;
	[tilespmem:$0xD500] =	vst v63  }
0x23: {  	_ =	swait.ge [sflag:s14], $0x100  }
0x24: {  	[sflag:s14] =	ssyncset.done $0x0  }
0x25: {  	[sflag:s14] =	ssyncadd.s32 $0xFFFFFF00  }
0x26: {  	[tilespmem:s19], [sflag:$0x3] =	stream.linear.gather [hbm4b:s10+s2], $0x100, $0x38;
	[tilespmem:$0xD500] =	vst v63  }
0x27: {  	_ =	swait.ge [sflag:s14], $0x100  }
0x28: {  	[sflag:s14] =	ssyncset.done $0x0  }
0x29: {  	[sflag:s14] =	ssyncadd.s32 $0xFFFFFF00  }
0x2a: {  	[tilespmem:s20], [sflag:$0x3] =	stream.linear.gather [hbm4b:s11+s2], $0x100, $0x38;
	[tilespmem:$0xD500] =	vst v63  }
0x2b: {  	_ =	swait.ge [sflag:s14], $0x100  }
0x2c: {  	[sflag:s14] =	ssyncset.done $0x0  }
0x2d: {  	s31 =	simm.s32 $0x0;
	[sflag:s14] =	ssyncadd.s32 $0xFFFFFF00  }
.LBB2_2:
0x2e: {  	s0 =	sshll.u32 s31, $0x1  }
0x2f: {  	v2 =	vmov s0  }
0x30: {  	v4 =	vbroadcast v2, $0x0;
	_ =	sdelay $0x5  }
0x31: {  	v5 =	vld.idx.msk [tilespmem:v4+s20+$0x0], $0xffff;
	_ =	sdelay $0x2  }
0x32: {  	v2 =	vld.idx.msk [tilespmem:v4+s17+$0x0], $0xffff  }
0x33: {  	v3 =	vld.idx.msk [tilespmem:v4+s18+$0x0], $0xffff  }
0x34: {  	s1 =	simm.s32 $0x0;
	v4 =	vld.idx.msk [tilespmem:v4+s19+$0x0], $0xffff;
	[tilespmem:$0x3400] =	vst v5  }
0x35: {  	s15 =	simm.s32 $0x1020;
	s16 =	simm.s32 $0x2020;
	s29 =	simm.s32 $0x20;
	[tilespmem:$0x3410] =	vst v5;
	v5 =	vimm.s32 $0x0  }
.LBB2_3:
0x36: {  	v6 =	vld [tilespmem:s29+$0xFFFFFFE0]  }
0x37: {  	v7 =	vld [tilespmem:s15+$0xFFFFFFE0];
	_ =	sdelay $0x1  }
0x38: {  	v8 =	vld [tilespmem:s16+$0xFFFFFFE0];
	_ =	sdelay $0x2  }
0x39: {  	v6 =	vsub.f32 v6, v2;
	v7 =	vsub.f32 v7, v3;
	_ =	sdelay $0x1  }
0x3a: {  	v8 =	vsub.f32 v8, v4;
	v6 =	vmul.f32 v6, v6;
	v7 =	vmul.f32 v7, v7;
	_ =	sdelay $0x1  }
0x3b: {  	v6 =	vadd.f32 v7, v6;
	v7 =	vmul.f32 v8, v8;
	_ =	sdelay $0x1  }
0x3c: {  	v6 =	vadd.f32 v7, v6;
	_ =	sdelay $0x1  }
0x3d: {  	vm0 =	vle.f32 v6, $3.999999910e-02  }
0x3e: {  	v6 =	vsel vm0, $0x1, v0  }
0x3f: {  	(xrf0) =	vadd.scan.msk.s32 $0xffff, v6;
	_ =	sdelay $0x5  }
0x40: {  	v6, _, _ =	vpop (xrf0)  }
0x41: {  	v6 =	vadd.s32 v6, v5  }
0x42: {  	v6 =	vadd.s32 $0xFFFFFFFF, v6  }
0x43: {  	vm1 =	vlt.s32 v6, $0x20  }
0x44: {  	vm1 =	vmand vm0, vm1;
	_ =	sdelay $0x3  }
0x45: {  	s6 =	sadd.s32 s1, s4  }
0x46: {  	v7 =	vor.u32 s6, v1  }
0x47: {  	[tilespmem:v6+s21+$0x0] =	vst.idx.msk vm1, v7  }
0x48: {  	v6 =	vld [tilespmem:s29+$0xFFFFFFF0]  }
0x49: {  	v7 =	vld [tilespmem:s15+$0xFFFFFFF0];
	_ =	sdelay $0x1  }
0x4a: {  	v60 =	vld [tilespmem:s16+$0xFFFFFFF0];
	_ =	sdelay $0x2  }
0x4b: {  	v6 =	vsub.f32 v6, v2;
	v7 =	vsub.f32 v7, v3;
	_ =	sdelay $0x1  }
0x4c: {  	v8 =	vsub.f32 v60, v4;
	v6 =	vmul.f32 v6, v6;
	v7 =	vmul.f32 v7, v7;
	_ =	sdelay $0x1  }
0x4d: {  	v6 =	vadd.f32 v7, v6;
	v7 =	vmul.f32 v8, v8;
	_ =	sdelay $0x1  }
0x4e: {  	v6 =	vadd.f32 v7, v6;
	_ =	sdelay $0x1  }
0x4f: {  	vm10 =	vle.f32 v6, $3.999999910e-02  }
0x50: {  	v6 =	vsel vm10, $0x1, v0  }
0x51: {  	(xrf0) =	vadd.scan.msk.s32 $0xffff, v6;
	_ =	sdelay $0x1  }
0x52: {  	v6 =	vmpcnt.ones.xlane vm0;
	_ =	sdelay $0x3  }
0x53: {  	v5 =	vadd.s32 v5, v6;
	v6, _, _ =	vpop (xrf0)  }
0x54: {  	v6 =	vadd.s32 v6, v5  }
0x55: {  	v6 =	vadd.s32 $0xFFFFFFFF, v6  }
0x56: {  	vm11 =	vlt.s32 v6, $0x20  }
0x57: {  	vm0 =	vmand vm10, vm11;
	_ =	sdelay $0x3  }
0x58: {  	s7 =	sadd.s32 $0x10, s6  }
0x59: {  	v7 =	vor.u32 s7, v1  }
0x5a: {  	[tilespmem:v6+s21+$0x0] =	vst.idx.msk vm0, v7  }
0x5b: {  	v6 =	vld [tilespmem:s29+$0x0]  }
0x5c: {  	v7 =	vld [tilespmem:s15+$0x0];
	_ =	sdelay $0x1  }
0x5d: {  	v61 =	vld [tilespmem:s16+$0x0];
	_ =	sdelay $0x2  }
0x5e: {  	v6 =	vsub.f32 v6, v2;
	v7 =	vsub.f32 v7, v3;
	_ =	sdelay $0x1  }
0x5f: {  	v8 =	vsub.f32 v61, v4;
	v6 =	vmul.f32 v6, v6;
	v7 =	vmul.f32 v7, v7;
	_ =	sdelay $0x1  }
0x60: {  	v6 =	vadd.f32 v7, v6;
	v7 =	vmul.f32 v8, v8;
	_ =	sdelay $0x1  }
0x61: {  	v6 =	vadd.f32 v7, v6;
	_ =	sdelay $0x1  }
0x62: {  	vm12 =	vle.f32 v6, $3.999999910e-02  }
0x63: {  	v6 =	vsel vm12, $0x1, v0  }
0x64: {  	(xrf0) =	vadd.scan.msk.s32 $0xffff, v6;
	_ =	sdelay $0x1  }
0x65: {  	v6 =	vmpcnt.ones.xlane vm10;
	_ =	sdelay $0x3  }
0x66: {  	v5 =	vadd.s32 v5, v6;
	v6, _, _ =	vpop (xrf0)  }
0x67: {  	v6 =	vadd.s32 v6, v5  }
0x68: {  	v6 =	vadd.s32 $0xFFFFFFFF, v6  }
0x69: {  	vm13 =	vlt.s32 v6, $0x20  }
0x6a: {  	vm1 =	vmand vm12, vm13;
	_ =	sdelay $0x3  }
0x6b: {  	s7 =	sadd.s32 $0x20, s6  }
0x6c: {  	v7 =	vor.u32 s7, v1  }
0x6d: {  	[tilespmem:v6+s21+$0x0] =	vst.idx.msk vm1, v7  }
0x6e: {  	v6 =	vld [tilespmem:s29+$0x10]  }
0x6f: {  	v7 =	vld [tilespmem:s15+$0x10];
	_ =	sdelay $0x1  }
0x70: {  	v62 =	vld [tilespmem:s16+$0x10];
	_ =	sdelay $0x2  }
0x71: {  	v6 =	vsub.f32 v6, v2;
	v7 =	vsub.f32 v7, v3;
	_ =	sdelay $0x1  }
0x72: {  	v8 =	vsub.f32 v62, v4;
	v6 =	vmul.f32 v6, v6;
	v7 =	vmul.f32 v7, v7;
	_ =	sdelay $0x1  }
0x73: {  	v6 =	vadd.f32 v7, v6;
	v7 =	vmul.f32 v8, v8;
	_ =	sdelay $0x1  }
0x74: {  	v6 =	vadd.f32 v7, v6;
	_ =	sdelay $0x1  }
0x75: {  	vm14 =	vle.f32 v6, $3.999999910e-02  }
0x76: {  	v6 =	vsel vm14, $0x1, v0  }
0x77: {  	(xrf0) =	vadd.scan.msk.s32 $0xffff, v6;
	_ =	sdelay $0x1  }
0x78: {  	v6 =	vmpcnt.ones.xlane vm12;
	_ =	sdelay $0x3  }
0x79: {  	v5 =	vadd.s32 v5, v6;
	v6, _, _ =	vpop (xrf0)  }
0x7a: {  	v6 =	vadd.s32 v6, v5  }
0x7b: {  	v6 =	vadd.s32 $0xFFFFFFFF, v6  }
0x7c: {  	vm15 =	vlt.s32 v6, $0x20  }
0x7d: {  	vm0 =	vmand vm14, vm15  }
0x7e: {  	p0 =	sne.s32 s1, $0xFC0  }
.Ltmp0:
0x7f: {  	_ = 	snop;
	(pc) =	sbr.rel @p0 .LBB2_3-.Ltmp0, $4  }
0x80: {  	_ = 	snop  }
0x81: {  	s6 =	sadd.s32 $0x30, s6;
	v7 =	vmpcnt.ones.xlane vm14  }
0x82: {  	s1 =	sadd.s32 $0x40, s1;
	v63 =	vor.u32 s6, v1  }
0x83: {  	s15 =	sadd.s32 $0x40, s15;
	s16 =	sadd.s32 $0x40, s16;
	s29 =	sadd.s32 $0x40, s29;
	v5 =	vadd.s32 v5, v7;
	[tilespmem:v6+s21+$0x0] =	vst.idx.msk vm0, v63  }
0x84: {  	s1 =	sor.u32 $0x1, s0  }
0x85: {  	v4 =	vmov s1;
	_ =	sdelay $0x2  }
0x86: {  	s0 =	simm.s32 $0x20  }
0x87: {  	[tilespmem:s22], [sflag:$0x1] =	stream.indirect.gather [hbm4b:s3+s0], $0x80, s21, s0, $0xb8;
	[tilespmem:$0xD500] =	vst v63  }
0x88: {  	v5 =	vld.idx.msk [tilespmem:v4+s20+$0x0], $0xffff;
	_ =	sdelay $0x2  }
0x89: {  	v2 =	vld.idx.msk [tilespmem:v4+s17+$0x0], $0xffff  }
0x8a: {  	v3 =	vld.idx.msk [tilespmem:v4+s18+$0x0], $0xffff  }
0x8b: {  	v4 =	vld.idx.msk [tilespmem:v4+s19+$0x0], $0xffff;
	[tilespmem:$0x4480] =	vst v5  }
0x8c: {  	s15 =	simm.s32 $0x0;
	s16 =	simm.s32 $0x1020;
	s29 =	simm.s32 $0x2020;
	[tilespmem:$0x4490] =	vst v5;
	v5 =	vimm.s32 $0x0  }
.LBB2_5:
0x8d: {  	v6 =	vld [tilespmem:s0+$0xFFFFFFE0]  }
0x8e: {  	v7 =	vld [tilespmem:s16+$0xFFFFFFE0];
	_ =	sdelay $0x1  }
0x8f: {  	v8 =	vld [tilespmem:s29+$0xFFFFFFE0];
	_ =	sdelay $0x2  }
0x90: {  	v6 =	vsub.f32 v6, v2;
	v7 =	vsub.f32 v7, v3;
	_ =	sdelay $0x1  }
0x91: {  	v8 =	vsub.f32 v8, v4;
	v6 =	vmul.f32 v6, v6;
	v7 =	vmul.f32 v7, v7;
	_ =	sdelay $0x1  }
0x92: {  	v6 =	vadd.f32 v7, v6;
	v7 =	vmul.f32 v8, v8;
	_ =	sdelay $0x1  }
0x93: {  	v6 =	vadd.f32 v7, v6;
	_ =	sdelay $0x1  }
0x94: {  	vm0 =	vle.f32 v6, $3.999999910e-02  }
0x95: {  	v6 =	vsel vm0, $0x1, v0  }
0x96: {  	(xrf0) =	vadd.scan.msk.s32 $0xffff, v6;
	_ =	sdelay $0x5  }
0x97: {  	v6, _, _ =	vpop (xrf0)  }
0x98: {  	v6 =	vadd.s32 v6, v5  }
0x99: {  	v6 =	vadd.s32 $0xFFFFFFFF, v6  }
0x9a: {  	vm1 =	vlt.s32 v6, $0x20  }
0x9b: {  	vm1 =	vmand vm0, vm1;
	_ =	sdelay $0x3  }
0x9c: {  	s6 =	sadd.s32 s15, s4  }
0x9d: {  	v7 =	vor.u32 s6, v1  }
0x9e: {  	[tilespmem:v6+s23+$0x0] =	vst.idx.msk vm1, v7  }
0x9f: {  	v6 =	vld [tilespmem:s0+$0xFFFFFFF0]  }
0xa0: {  	v7 =	vld [tilespmem:s16+$0xFFFFFFF0];
	_ =	sdelay $0x1  }
0xa1: {  	v60 =	vld [tilespmem:s29+$0xFFFFFFF0];
	_ =	sdelay $0x2  }
0xa2: {  	v6 =	vsub.f32 v6, v2;
	v7 =	vsub.f32 v7, v3;
	_ =	sdelay $0x1  }
0xa3: {  	v8 =	vsub.f32 v60, v4;
	v6 =	vmul.f32 v6, v6;
	v7 =	vmul.f32 v7, v7;
	_ =	sdelay $0x1  }
0xa4: {  	v6 =	vadd.f32 v7, v6;
	v7 =	vmul.f32 v8, v8;
	_ =	sdelay $0x1  }
0xa5: {  	v6 =	vadd.f32 v7, v6;
	_ =	sdelay $0x1  }
0xa6: {  	vm10 =	vle.f32 v6, $3.999999910e-02  }
0xa7: {  	v6 =	vsel vm10, $0x1, v0  }
0xa8: {  	(xrf0) =	vadd.scan.msk.s32 $0xffff, v6;
	_ =	sdelay $0x1  }
0xa9: {  	v6 =	vmpcnt.ones.xlane vm0;
	_ =	sdelay $0x3  }
0xaa: {  	v5 =	vadd.s32 v5, v6;
	v6, _, _ =	vpop (xrf0)  }
0xab: {  	v6 =	vadd.s32 v6, v5  }
0xac: {  	v6 =	vadd.s32 $0xFFFFFFFF, v6  }
0xad: {  	vm11 =	vlt.s32 v6, $0x20  }
0xae: {  	vm0 =	vmand vm10, vm11;
	_ =	sdelay $0x3  }
0xaf: {  	s7 =	sadd.s32 $0x10, s6  }
0xb0: {  	v7 =	vor.u32 s7, v1  }
0xb1: {  	[tilespmem:v6+s23+$0x0] =	vst.idx.msk vm0, v7  }
0xb2: {  	v6 =	vld [tilespmem:s0+$0x0]  }
0xb3: {  	v7 =	vld [tilespmem:s16+$0x0];
	_ =	sdelay $0x1  }
0xb4: {  	v61 =	vld [tilespmem:s29+$0x0];
	_ =	sdelay $0x2  }
0xb5: {  	v6 =	vsub.f32 v6, v2;
	v7 =	vsub.f32 v7, v3;
	_ =	sdelay $0x1  }
0xb6: {  	v8 =	vsub.f32 v61, v4;
	v6 =	vmul.f32 v6, v6;
	v7 =	vmul.f32 v7, v7;
	_ =	sdelay $0x1  }
0xb7: {  	v6 =	vadd.f32 v7, v6;
	v7 =	vmul.f32 v8, v8;
	_ =	sdelay $0x1  }
0xb8: {  	v6 =	vadd.f32 v7, v6;
	_ =	sdelay $0x1  }
0xb9: {  	vm12 =	vle.f32 v6, $3.999999910e-02  }
0xba: {  	v6 =	vsel vm12, $0x1, v0  }
0xbb: {  	(xrf0) =	vadd.scan.msk.s32 $0xffff, v6;
	_ =	sdelay $0x1  }
0xbc: {  	v6 =	vmpcnt.ones.xlane vm10;
	_ =	sdelay $0x3  }
0xbd: {  	v5 =	vadd.s32 v5, v6;
	v6, _, _ =	vpop (xrf0)  }
0xbe: {  	v6 =	vadd.s32 v6, v5  }
0xbf: {  	v6 =	vadd.s32 $0xFFFFFFFF, v6  }
0xc0: {  	vm13 =	vlt.s32 v6, $0x20  }
0xc1: {  	vm1 =	vmand vm12, vm13;
	_ =	sdelay $0x3  }
0xc2: {  	s7 =	sadd.s32 $0x20, s6  }
0xc3: {  	v7 =	vor.u32 s7, v1  }
0xc4: {  	[tilespmem:v6+s23+$0x0] =	vst.idx.msk vm1, v7  }
0xc5: {  	v6 =	vld [tilespmem:s0+$0x10]  }
0xc6: {  	v7 =	vld [tilespmem:s16+$0x10];
	_ =	sdelay $0x1  }
0xc7: {  	v62 =	vld [tilespmem:s29+$0x10];
	_ =	sdelay $0x2  }
0xc8: {  	v6 =	vsub.f32 v6, v2;
	v7 =	vsub.f32 v7, v3;
	_ =	sdelay $0x1  }
0xc9: {  	v8 =	vsub.f32 v62, v4;
	v6 =	vmul.f32 v6, v6;
	v7 =	vmul.f32 v7, v7;
	_ =	sdelay $0x1  }
0xca: {  	v6 =	vadd.f32 v7, v6;
	v7 =	vmul.f32 v8, v8;
	_ =	sdelay $0x1  }
0xcb: {  	v6 =	vadd.f32 v7, v6;
	_ =	sdelay $0x1  }
0xcc: {  	vm14 =	vle.f32 v6, $3.999999910e-02  }
0xcd: {  	v6 =	vsel vm14, $0x1, v0  }
0xce: {  	(xrf0) =	vadd.scan.msk.s32 $0xffff, v6;
	_ =	sdelay $0x1  }
0xcf: {  	v6 =	vmpcnt.ones.xlane vm12;
	_ =	sdelay $0x3  }
0xd0: {  	v5 =	vadd.s32 v5, v6;
	v6, _, _ =	vpop (xrf0)  }
0xd1: {  	v6 =	vadd.s32 v6, v5  }
0xd2: {  	v6 =	vadd.s32 $0xFFFFFFFF, v6  }
0xd3: {  	vm15 =	vlt.s32 v6, $0x20  }
0xd4: {  	vm0 =	vmand vm14, vm15  }
0xd5: {  	p0 =	sne.s32 s15, $0xFC0  }
.Ltmp1:
0xd6: {  	_ = 	snop;
	(pc) =	sbr.rel @p0 .LBB2_5-.Ltmp1, $4  }
0xd7: {  	_ = 	snop  }
0xd8: {  	s6 =	sadd.s32 $0x30, s6;
	v7 =	vmpcnt.ones.xlane vm14  }
0xd9: {  	s15 =	sadd.s32 $0x40, s15;
	v63 =	vor.u32 s6, v1  }
0xda: {  	s16 =	sadd.s32 $0x40, s16;
	s29 =	sadd.s32 $0x40, s29;
	s0 =	sadd.s32 $0x40, s0;
	v5 =	vadd.s32 v5, v7;
	[tilespmem:v6+s23+$0x0] =	vst.idx.msk vm0, v63  }
0xdb: {  	[tilespmem:s25], [sflag:$0x2] =	stream.indirect.gather [hbm4b:s3+s24], $0x80, s23, s24, $0xb8;
	[tilespmem:$0xD500] =	vst v63  }
0xdc: {  	_ =	swait.ge [sflag:s26], $0x1000  }
0xdd: {  	[sflag:s26] =	ssyncset.done $0x0  }
0xde: {  	[sflag:s26] =	ssyncadd.s32 $0xFFFFF000  }
0xdf: {  	v2 =	vld [tilespmem:$0x3480]  }
0xe0: {  	v3 =	vld [tilespmem:$0x3500]  }
0xe1: {  	v4 =	vld [tilespmem:$0x3580]  }
0xe2: {  	v5 =	vld [tilespmem:$0x3600]  }
0xe3: {  	v6 =	vld [tilespmem:$0x3680]  }
0xe4: {  	v7 =	vld [tilespmem:$0x3700]  }
0xe5: {  	v2 =	vmax.f32 v2, v3;
	v3 =	vld [tilespmem:$0x3780]  }
0xe6: {  	v14 =	vld [tilespmem:$0x3800];
	v2 =	vmax.f32 v2, v4  }
0xe7: {  	v15 =	vld [tilespmem:$0x3880];
	v2 =	vmax.f32 v2, v5  }
0xe8: {  	v16 =	vld [tilespmem:$0x3900];
	v2 =	vmax.f32 v2, v6  }
0xe9: {  	v17 =	vld [tilespmem:$0x3980];
	v2 =	vmax.f32 v2, v7  }
0xea: {  	v2 =	vmax.f32 v2, v3;
	v3 =	vld [tilespmem:$0x3A00]  }
0xeb: {  	v18 =	vld [tilespmem:$0x3A80];
	v2 =	vmax.f32 v2, v14  }
0xec: {  	v19 =	vld [tilespmem:$0x3B00];
	v2 =	vmax.f32 v2, v15  }
0xed: {  	v20 =	vld [tilespmem:$0x3B80];
	v2 =	vmax.f32 v2, v16  }
0xee: {  	v21 =	vld [tilespmem:$0x3C00];
	v2 =	vmax.f32 v2, v17  }
0xef: {  	v2 =	vmax.f32 v2, v3;
	v3 =	vld [tilespmem:$0x3C80]  }
0xf0: {  	v22 =	vld [tilespmem:$0x3D00];
	v2 =	vmax.f32 v2, v18  }
0xf1: {  	v23 =	vld [tilespmem:$0x3D80];
	v2 =	vmax.f32 v2, v19  }
0xf2: {  	v24 =	vld [tilespmem:$0x3E00];
	v2 =	vmax.f32 v2, v20  }
0xf3: {  	v25 =	vld [tilespmem:$0x3E80];
	v2 =	vmax.f32 v2, v21  }
0xf4: {  	v2 =	vmax.f32 v2, v3;
	v3 =	vld [tilespmem:$0x3F00]  }
0xf5: {  	v26 =	vld [tilespmem:$0x3F80];
	v2 =	vmax.f32 v2, v22  }
0xf6: {  	v27 =	vld [tilespmem:$0x4000];
	v2 =	vmax.f32 v2, v23  }
0xf7: {  	v28 =	vld [tilespmem:$0x4080];
	v2 =	vmax.f32 v2, v24  }
0xf8: {  	v29 =	vld [tilespmem:$0x4100];
	v2 =	vmax.f32 v2, v25  }
0xf9: {  	v2 =	vmax.f32 v2, v3;
	v3 =	vld [tilespmem:$0x4180]  }
0xfa: {  	v30 =	vld [tilespmem:$0x4200];
	v2 =	vmax.f32 v2, v26  }
0xfb: {  	v31 =	vld [tilespmem:$0x4280];
	v2 =	vmax.f32 v2, v27  }
0xfc: {  	v32 =	vld [tilespmem:$0x4300];
	v2 =	vmax.f32 v2, v28  }
0xfd: {  	v33 =	vld [tilespmem:$0x4380];
	v2 =	vmax.f32 v2, v29  }
0xfe: {  	v2 =	vmax.f32 v2, v3;
	v3 =	vld [tilespmem:$0x4400]  }
0xff: {  	v2 =	vmax.f32 v2, v30  }
0x100: {  	v2 =	vmax.f32 v2, v31  }
0x101: {  	v2 =	vmax.f32 v2, v32  }
0x102: {  	s0 =	sshll.u32 s31, $0x8;
	v2 =	vmax.f32 v2, v33  }
0x103: {  	s0 =	sand.u32 $0x3FFFFF00, s0;
	v2 =	vmax.f32 v2, v3  }
0x104: {  	[tilespmem:s0+$0x5500] =	vst v2  }
0x105: {  	v2 =	vld [tilespmem:$0x3490]  }
0x106: {  	v3 =	vld [tilespmem:$0x3510]  }
0x107: {  	v34 =	vld [tilespmem:$0x3590]  }
0x108: {  	v35 =	vld [tilespmem:$0x3610]  }
0x109: {  	v36 =	vld [tilespmem:$0x3690]  }
0x10a: {  	v37 =	vld [tilespmem:$0x3710]  }
0x10b: {  	v2 =	vmax.f32 v2, v3;
	v3 =	vld [tilespmem:$0x3790]  }
0x10c: {  	v38 =	vld [tilespmem:$0x3810];
	v2 =	vmax.f32 v2, v34  }
0x10d: {  	v39 =	vld [tilespmem:$0x3890];
	v2 =	vmax.f32 v2, v35  }
0x10e: {  	v40 =	vld [tilespmem:$0x3910];
	v2 =	vmax.f32 v2, v36  }
0x10f: {  	v41 =	vld [tilespmem:$0x3990];
	v2 =	vmax.f32 v2, v37  }
0x110: {  	v2 =	vmax.f32 v2, v3;
	v3 =	vld [tilespmem:$0x3A10]  }
0x111: {  	v42 =	vld [tilespmem:$0x3A90];
	v2 =	vmax.f32 v2, v38  }
0x112: {  	v43 =	vld [tilespmem:$0x3B10];
	v2 =	vmax.f32 v2, v39  }
0x113: {  	v44 =	vld [tilespmem:$0x3B90];
	v2 =	vmax.f32 v2, v40  }
0x114: {  	v45 =	vld [tilespmem:$0x3C10];
	v2 =	vmax.f32 v2, v41  }
0x115: {  	v2 =	vmax.f32 v2, v3;
	v3 =	vld [tilespmem:$0x3C90]  }
0x116: {  	v46 =	vld [tilespmem:$0x3D10];
	v2 =	vmax.f32 v2, v42  }
0x117: {  	v47 =	vld [tilespmem:$0x3D90];
	v2 =	vmax.f32 v2, v43  }
0x118: {  	v48 =	vld [tilespmem:$0x3E10];
	v2 =	vmax.f32 v2, v44  }
0x119: {  	v49 =	vld [tilespmem:$0x3E90];
	v2 =	vmax.f32 v2, v45  }
0x11a: {  	v2 =	vmax.f32 v2, v3;
	v3 =	vld [tilespmem:$0x3F10]  }
0x11b: {  	v50 =	vld [tilespmem:$0x3F90];
	v2 =	vmax.f32 v2, v46  }
0x11c: {  	v51 =	vld [tilespmem:$0x4010];
	v2 =	vmax.f32 v2, v47  }
0x11d: {  	v52 =	vld [tilespmem:$0x4090];
	v2 =	vmax.f32 v2, v48  }
0x11e: {  	v53 =	vld [tilespmem:$0x4110];
	v2 =	vmax.f32 v2, v49  }
0x11f: {  	v2 =	vmax.f32 v2, v3;
	v3 =	vld [tilespmem:$0x4190]  }
0x120: {  	v54 =	vld [tilespmem:$0x4210];
	v2 =	vmax.f32 v2, v50  }
0x121: {  	v55 =	vld [tilespmem:$0x4290];
	v2 =	vmax.f32 v2, v51  }
0x122: {  	v56 =	vld [tilespmem:$0x4310];
	v2 =	vmax.f32 v2, v52  }
0x123: {  	v57 =	vld [tilespmem:$0x4390];
	v2 =	vmax.f32 v2, v53  }
0x124: {  	v2 =	vmax.f32 v2, v3;
	v3 =	vld [tilespmem:$0x4410]  }
0x125: {  	v2 =	vmax.f32 v2, v54  }
0x126: {  	v2 =	vmax.f32 v2, v55  }
0x127: {  	v2 =	vmax.f32 v2, v56  }
0x128: {  	v2 =	vmax.f32 v2, v57  }
0x129: {  	v2 =	vmax.f32 v2, v3  }
0x12a: {  	[tilespmem:s0+$0x5510] =	vst v2  }
0x12b: {  	v2 =	vld [tilespmem:$0x34A0]  }
0x12c: {  	v3 =	vld [tilespmem:$0x3520]  }
0x12d: {  	v58 =	vld [tilespmem:$0x35A0]  }
0x12e: {  	v59 =	vld [tilespmem:$0x3620]  }
0x12f: {  	v60 =	vld [tilespmem:$0x36A0]  }
0x130: {  	v61 =	vld [tilespmem:$0x3720]  }
0x131: {  	v2 =	vmax.f32 v2, v3;
	v3 =	vld [tilespmem:$0x37A0]  }
0x132: {  	v62 =	vld [tilespmem:$0x3820];
	v2 =	vmax.f32 v2, v58  }
0x133: {  	v63 =	vld [tilespmem:$0x38A0];
	v2 =	vmax.f32 v2, v59  }
0x134: {  	v9 =	vld [tilespmem:$0x3920];
	v2 =	vmax.f32 v2, v60  }
0x135: {  	v10 =	vld [tilespmem:$0x39A0];
	v2 =	vmax.f32 v2, v61  }
0x136: {  	v2 =	vmax.f32 v2, v3;
	v3 =	vld [tilespmem:$0x3A20]  }
0x137: {  	v11 =	vld [tilespmem:$0x3AA0];
	v2 =	vmax.f32 v2, v62  }
0x138: {  	v12 =	vld [tilespmem:$0x3B20];
	v2 =	vmax.f32 v2, v63  }
0x139: {  	v13 =	vld [tilespmem:$0x3BA0];
	v2 =	vmax.f32 v2, v9  }
0x13a: {  	v14 =	vld [tilespmem:$0x3C20];
	v2 =	vmax.f32 v2, v10  }
0x13b: {  	v2 =	vmax.f32 v2, v3;
	v3 =	vld [tilespmem:$0x3CA0]  }
0x13c: {  	v15 =	vld [tilespmem:$0x3D20];
	v2 =	vmax.f32 v2, v11  }
0x13d: {  	v16 =	vld [tilespmem:$0x3DA0];
	v2 =	vmax.f32 v2, v12  }
0x13e: {  	v17 =	vld [tilespmem:$0x3E20];
	v2 =	vmax.f32 v2, v13  }
0x13f: {  	v18 =	vld [tilespmem:$0x3EA0];
	v2 =	vmax.f32 v2, v14  }
0x140: {  	v2 =	vmax.f32 v2, v3;
	v3 =	vld [tilespmem:$0x3F20]  }
0x141: {  	v19 =	vld [tilespmem:$0x3FA0];
	v2 =	vmax.f32 v2, v15  }
0x142: {  	v20 =	vld [tilespmem:$0x4020];
	v2 =	vmax.f32 v2, v16  }
0x143: {  	v21 =	vld [tilespmem:$0x40A0];
	v2 =	vmax.f32 v2, v17  }
0x144: {  	v22 =	vld [tilespmem:$0x4120];
	v2 =	vmax.f32 v2, v18  }
0x145: {  	v2 =	vmax.f32 v2, v3;
	v3 =	vld [tilespmem:$0x41A0]  }
0x146: {  	v23 =	vld [tilespmem:$0x4220];
	v2 =	vmax.f32 v2, v19  }
0x147: {  	v24 =	vld [tilespmem:$0x42A0];
	v2 =	vmax.f32 v2, v20  }
0x148: {  	v25 =	vld [tilespmem:$0x4320];
	v2 =	vmax.f32 v2, v21  }
0x149: {  	v26 =	vld [tilespmem:$0x43A0];
	v2 =	vmax.f32 v2, v22  }
0x14a: {  	v2 =	vmax.f32 v2, v3;
	v3 =	vld [tilespmem:$0x4420]  }
0x14b: {  	v2 =	vmax.f32 v2, v23  }
0x14c: {  	v2 =	vmax.f32 v2, v24  }
0x14d: {  	v2 =	vmax.f32 v2, v25  }
0x14e: {  	v2 =	vmax.f32 v2, v26  }
0x14f: {  	v2 =	vmax.f32 v2, v3  }
0x150: {  	[tilespmem:s0+$0x5520] =	vst v2  }
0x151: {  	v2 =	vld [tilespmem:$0x34B0]  }
0x152: {  	v3 =	vld [tilespmem:$0x3530]  }
0x153: {  	v27 =	vld [tilespmem:$0x35B0]  }
0x154: {  	v28 =	vld [tilespmem:$0x3630]  }
0x155: {  	v29 =	vld [tilespmem:$0x36B0]  }
0x156: {  	v30 =	vld [tilespmem:$0x3730]  }
0x157: {  	v2 =	vmax.f32 v2, v3;
	v3 =	vld [tilespmem:$0x37B0]  }
0x158: {  	v31 =	vld [tilespmem:$0x3830];
	v2 =	vmax.f32 v2, v27  }
0x159: {  	v32 =	vld [tilespmem:$0x38B0];
	v2 =	vmax.f32 v2, v28  }
0x15a: {  	v33 =	vld [tilespmem:$0x3930];
	v2 =	vmax.f32 v2, v29  }
0x15b: {  	v34 =	vld [tilespmem:$0x39B0];
	v2 =	vmax.f32 v2, v30  }
0x15c: {  	v2 =	vmax.f32 v2, v3;
	v3 =	vld [tilespmem:$0x3A30]  }
0x15d: {  	v35 =	vld [tilespmem:$0x3AB0];
	v2 =	vmax.f32 v2, v31  }
0x15e: {  	v36 =	vld [tilespmem:$0x3B30];
	v2 =	vmax.f32 v2, v32  }
0x15f: {  	v37 =	vld [tilespmem:$0x3BB0];
	v2 =	vmax.f32 v2, v33  }
0x160: {  	v38 =	vld [tilespmem:$0x3C30];
	v2 =	vmax.f32 v2, v34  }
0x161: {  	v2 =	vmax.f32 v2, v3;
	v3 =	vld [tilespmem:$0x3CB0]  }
0x162: {  	v39 =	vld [tilespmem:$0x3D30];
	v2 =	vmax.f32 v2, v35  }
0x163: {  	v40 =	vld [tilespmem:$0x3DB0];
	v2 =	vmax.f32 v2, v36  }
0x164: {  	v41 =	vld [tilespmem:$0x3E30];
	v2 =	vmax.f32 v2, v37  }
0x165: {  	v42 =	vld [tilespmem:$0x3EB0];
	v2 =	vmax.f32 v2, v38  }
0x166: {  	v2 =	vmax.f32 v2, v3;
	v3 =	vld [tilespmem:$0x3F30]  }
0x167: {  	v43 =	vld [tilespmem:$0x3FB0];
	v2 =	vmax.f32 v2, v39  }
0x168: {  	v44 =	vld [tilespmem:$0x4030];
	v2 =	vmax.f32 v2, v40  }
0x169: {  	v45 =	vld [tilespmem:$0x40B0];
	v2 =	vmax.f32 v2, v41  }
0x16a: {  	v46 =	vld [tilespmem:$0x4130];
	v2 =	vmax.f32 v2, v42  }
0x16b: {  	v2 =	vmax.f32 v2, v3;
	v3 =	vld [tilespmem:$0x41B0]  }
0x16c: {  	v47 =	vld [tilespmem:$0x4230];
	v2 =	vmax.f32 v2, v43  }
0x16d: {  	v48 =	vld [tilespmem:$0x42B0];
	v2 =	vmax.f32 v2, v44  }
0x16e: {  	v49 =	vld [tilespmem:$0x4330];
	v2 =	vmax.f32 v2, v45  }
0x16f: {  	v50 =	vld [tilespmem:$0x43B0];
	v2 =	vmax.f32 v2, v46  }
0x170: {  	v2 =	vmax.f32 v2, v3;
	v3 =	vld [tilespmem:$0x4430]  }
0x171: {  	v2 =	vmax.f32 v2, v47  }
0x172: {  	v2 =	vmax.f32 v2, v48  }
0x173: {  	v2 =	vmax.f32 v2, v49  }
0x174: {  	v2 =	vmax.f32 v2, v50  }
0x175: {  	v2 =	vmax.f32 v2, v3  }
0x176: {  	[tilespmem:s0+$0x5530] =	vst v2  }
0x177: {  	v2 =	vld [tilespmem:$0x34C0]  }
0x178: {  	v3 =	vld [tilespmem:$0x3540]  }
0x179: {  	v51 =	vld [tilespmem:$0x35C0]  }
0x17a: {  	v52 =	vld [tilespmem:$0x3640]  }
0x17b: {  	v53 =	vld [tilespmem:$0x36C0]  }
0x17c: {  	v54 =	vld [tilespmem:$0x3740]  }
0x17d: {  	v2 =	vmax.f32 v2, v3;
	v3 =	vld [tilespmem:$0x37C0]  }
0x17e: {  	v55 =	vld [tilespmem:$0x3840];
	v2 =	vmax.f32 v2, v51  }
0x17f: {  	v56 =	vld [tilespmem:$0x38C0];
	v2 =	vmax.f32 v2, v52  }
0x180: {  	v57 =	vld [tilespmem:$0x3940];
	v2 =	vmax.f32 v2, v53  }
0x181: {  	v58 =	vld [tilespmem:$0x39C0];
	v2 =	vmax.f32 v2, v54  }
0x182: {  	v2 =	vmax.f32 v2, v3;
	v3 =	vld [tilespmem:$0x3A40]  }
0x183: {  	v59 =	vld [tilespmem:$0x3AC0];
	v2 =	vmax.f32 v2, v55  }
0x184: {  	v60 =	vld [tilespmem:$0x3B40];
	v2 =	vmax.f32 v2, v56  }
0x185: {  	v61 =	vld [tilespmem:$0x3BC0];
	v2 =	vmax.f32 v2, v57  }
0x186: {  	v62 =	vld [tilespmem:$0x3C40];
	v2 =	vmax.f32 v2, v58  }
0x187: {  	v2 =	vmax.f32 v2, v3;
	v3 =	vld [tilespmem:$0x3CC0]  }
0x188: {  	v63 =	vld [tilespmem:$0x3D40];
	v2 =	vmax.f32 v2, v59  }
0x189: {  	v9 =	vld [tilespmem:$0x3DC0];
	v2 =	vmax.f32 v2, v60  }
0x18a: {  	v10 =	vld [tilespmem:$0x3E40];
	v2 =	vmax.f32 v2, v61  }
0x18b: {  	v11 =	vld [tilespmem:$0x3EC0];
	v2 =	vmax.f32 v2, v62  }
0x18c: {  	v2 =	vmax.f32 v2, v3;
	v3 =	vld [tilespmem:$0x3F40]  }
0x18d: {  	v12 =	vld [tilespmem:$0x3FC0];
	v2 =	vmax.f32 v2, v63  }
0x18e: {  	v13 =	vld [tilespmem:$0x4040];
	v2 =	vmax.f32 v2, v9  }
0x18f: {  	v14 =	vld [tilespmem:$0x40C0];
	v2 =	vmax.f32 v2, v10  }
0x190: {  	v15 =	vld [tilespmem:$0x4140];
	v2 =	vmax.f32 v2, v11  }
0x191: {  	v2 =	vmax.f32 v2, v3;
	v3 =	vld [tilespmem:$0x41C0]  }
0x192: {  	v16 =	vld [tilespmem:$0x4240];
	v2 =	vmax.f32 v2, v12  }
0x193: {  	v17 =	vld [tilespmem:$0x42C0];
	v2 =	vmax.f32 v2, v13  }
0x194: {  	v18 =	vld [tilespmem:$0x4340];
	v2 =	vmax.f32 v2, v14  }
0x195: {  	v19 =	vld [tilespmem:$0x43C0];
	v2 =	vmax.f32 v2, v15  }
0x196: {  	v2 =	vmax.f32 v2, v3;
	v3 =	vld [tilespmem:$0x4440]  }
0x197: {  	v2 =	vmax.f32 v2, v16  }
0x198: {  	v2 =	vmax.f32 v2, v17  }
0x199: {  	v2 =	vmax.f32 v2, v18  }
0x19a: {  	v2 =	vmax.f32 v2, v19  }
0x19b: {  	v2 =	vmax.f32 v2, v3  }
0x19c: {  	[tilespmem:s0+$0x5540] =	vst v2  }
0x19d: {  	v2 =	vld [tilespmem:$0x34D0]  }
0x19e: {  	v3 =	vld [tilespmem:$0x3550]  }
0x19f: {  	v20 =	vld [tilespmem:$0x35D0]  }
0x1a0: {  	v21 =	vld [tilespmem:$0x3650]  }
0x1a1: {  	v22 =	vld [tilespmem:$0x36D0]  }
0x1a2: {  	v23 =	vld [tilespmem:$0x3750]  }
0x1a3: {  	v2 =	vmax.f32 v2, v3;
	v3 =	vld [tilespmem:$0x37D0]  }
0x1a4: {  	v24 =	vld [tilespmem:$0x3850];
	v2 =	vmax.f32 v2, v20  }
0x1a5: {  	v25 =	vld [tilespmem:$0x38D0];
	v2 =	vmax.f32 v2, v21  }
0x1a6: {  	v26 =	vld [tilespmem:$0x3950];
	v2 =	vmax.f32 v2, v22  }
0x1a7: {  	v27 =	vld [tilespmem:$0x39D0];
	v2 =	vmax.f32 v2, v23  }
0x1a8: {  	v2 =	vmax.f32 v2, v3;
	v3 =	vld [tilespmem:$0x3A50]  }
0x1a9: {  	v28 =	vld [tilespmem:$0x3AD0];
	v2 =	vmax.f32 v2, v24  }
0x1aa: {  	v29 =	vld [tilespmem:$0x3B50];
	v2 =	vmax.f32 v2, v25  }
0x1ab: {  	v30 =	vld [tilespmem:$0x3BD0];
	v2 =	vmax.f32 v2, v26  }
0x1ac: {  	v31 =	vld [tilespmem:$0x3C50];
	v2 =	vmax.f32 v2, v27  }
0x1ad: {  	v2 =	vmax.f32 v2, v3;
	v3 =	vld [tilespmem:$0x3CD0]  }
0x1ae: {  	v32 =	vld [tilespmem:$0x3D50];
	v2 =	vmax.f32 v2, v28  }
0x1af: {  	v33 =	vld [tilespmem:$0x3DD0];
	v2 =	vmax.f32 v2, v29  }
0x1b0: {  	v34 =	vld [tilespmem:$0x3E50];
	v2 =	vmax.f32 v2, v30  }
0x1b1: {  	v35 =	vld [tilespmem:$0x3ED0];
	v2 =	vmax.f32 v2, v31  }
0x1b2: {  	v2 =	vmax.f32 v2, v3;
	v3 =	vld [tilespmem:$0x3F50]  }
0x1b3: {  	v36 =	vld [tilespmem:$0x3FD0];
	v2 =	vmax.f32 v2, v32  }
0x1b4: {  	v37 =	vld [tilespmem:$0x4050];
	v2 =	vmax.f32 v2, v33  }
0x1b5: {  	v38 =	vld [tilespmem:$0x40D0];
	v2 =	vmax.f32 v2, v34  }
0x1b6: {  	v39 =	vld [tilespmem:$0x4150];
	v2 =	vmax.f32 v2, v35  }
0x1b7: {  	v2 =	vmax.f32 v2, v3;
	v3 =	vld [tilespmem:$0x41D0]  }
0x1b8: {  	v40 =	vld [tilespmem:$0x4250];
	v2 =	vmax.f32 v2, v36  }
0x1b9: {  	v41 =	vld [tilespmem:$0x42D0];
	v2 =	vmax.f32 v2, v37  }
0x1ba: {  	v42 =	vld [tilespmem:$0x4350];
	v2 =	vmax.f32 v2, v38  }
0x1bb: {  	v43 =	vld [tilespmem:$0x43D0];
	v2 =	vmax.f32 v2, v39  }
0x1bc: {  	v2 =	vmax.f32 v2, v3;
	v3 =	vld [tilespmem:$0x4450]  }
0x1bd: {  	v2 =	vmax.f32 v2, v40  }
0x1be: {  	v2 =	vmax.f32 v2, v41  }
0x1bf: {  	v2 =	vmax.f32 v2, v42  }
0x1c0: {  	v2 =	vmax.f32 v2, v43  }
0x1c1: {  	v2 =	vmax.f32 v2, v3  }
0x1c2: {  	[tilespmem:s0+$0x5550] =	vst v2  }
0x1c3: {  	v2 =	vld [tilespmem:$0x34E0]  }
0x1c4: {  	v3 =	vld [tilespmem:$0x3560]  }
0x1c5: {  	v44 =	vld [tilespmem:$0x35E0]  }
0x1c6: {  	v45 =	vld [tilespmem:$0x3660]  }
0x1c7: {  	v46 =	vld [tilespmem:$0x36E0]  }
0x1c8: {  	v47 =	vld [tilespmem:$0x3760]  }
0x1c9: {  	v2 =	vmax.f32 v2, v3;
	v3 =	vld [tilespmem:$0x37E0]  }
0x1ca: {  	v48 =	vld [tilespmem:$0x3860];
	v2 =	vmax.f32 v2, v44  }
0x1cb: {  	v49 =	vld [tilespmem:$0x38E0];
	v2 =	vmax.f32 v2, v45  }
0x1cc: {  	v50 =	vld [tilespmem:$0x3960];
	v2 =	vmax.f32 v2, v46  }
0x1cd: {  	v51 =	vld [tilespmem:$0x39E0];
	v2 =	vmax.f32 v2, v47  }
0x1ce: {  	v2 =	vmax.f32 v2, v3;
	v3 =	vld [tilespmem:$0x3A60]  }
0x1cf: {  	v52 =	vld [tilespmem:$0x3AE0];
	v2 =	vmax.f32 v2, v48  }
0x1d0: {  	v53 =	vld [tilespmem:$0x3B60];
	v2 =	vmax.f32 v2, v49  }
0x1d1: {  	v54 =	vld [tilespmem:$0x3BE0];
	v2 =	vmax.f32 v2, v50  }
0x1d2: {  	v55 =	vld [tilespmem:$0x3C60];
	v2 =	vmax.f32 v2, v51  }
0x1d3: {  	v2 =	vmax.f32 v2, v3;
	v3 =	vld [tilespmem:$0x3CE0]  }
0x1d4: {  	v56 =	vld [tilespmem:$0x3D60];
	v2 =	vmax.f32 v2, v52  }
0x1d5: {  	v57 =	vld [tilespmem:$0x3DE0];
	v2 =	vmax.f32 v2, v53  }
0x1d6: {  	v58 =	vld [tilespmem:$0x3E60];
	v2 =	vmax.f32 v2, v54  }
0x1d7: {  	v59 =	vld [tilespmem:$0x3EE0];
	v2 =	vmax.f32 v2, v55  }
0x1d8: {  	v2 =	vmax.f32 v2, v3;
	v3 =	vld [tilespmem:$0x3F60]  }
0x1d9: {  	v60 =	vld [tilespmem:$0x3FE0];
	v2 =	vmax.f32 v2, v56  }
0x1da: {  	v61 =	vld [tilespmem:$0x4060];
	v2 =	vmax.f32 v2, v57  }
0x1db: {  	v62 =	vld [tilespmem:$0x40E0];
	v2 =	vmax.f32 v2, v58  }
0x1dc: {  	v63 =	vld [tilespmem:$0x4160];
	v2 =	vmax.f32 v2, v59  }
0x1dd: {  	v2 =	vmax.f32 v2, v3;
	v3 =	vld [tilespmem:$0x41E0]  }
0x1de: {  	v9 =	vld [tilespmem:$0x4260];
	v2 =	vmax.f32 v2, v60  }
0x1df: {  	v10 =	vld [tilespmem:$0x42E0];
	v2 =	vmax.f32 v2, v61  }
0x1e0: {  	v11 =	vld [tilespmem:$0x4360];
	v2 =	vmax.f32 v2, v62  }
0x1e1: {  	v12 =	vld [tilespmem:$0x43E0];
	v2 =	vmax.f32 v2, v63  }
0x1e2: {  	v2 =	vmax.f32 v2, v3;
	v3 =	vld [tilespmem:$0x4460]  }
0x1e3: {  	v2 =	vmax.f32 v2, v9  }
0x1e4: {  	v2 =	vmax.f32 v2, v10  }
0x1e5: {  	v2 =	vmax.f32 v2, v11  }
0x1e6: {  	v2 =	vmax.f32 v2, v12  }
0x1e7: {  	v2 =	vmax.f32 v2, v3  }
0x1e8: {  	[tilespmem:s0+$0x5560] =	vst v2  }
0x1e9: {  	v2 =	vld [tilespmem:$0x34F0]  }
0x1ea: {  	v3 =	vld [tilespmem:$0x3570]  }
0x1eb: {  	v13 =	vld [tilespmem:$0x35F0]  }
0x1ec: {  	v14 =	vld [tilespmem:$0x3670]  }
0x1ed: {  	v15 =	vld [tilespmem:$0x36F0]  }
0x1ee: {  	v16 =	vld [tilespmem:$0x3770]  }
0x1ef: {  	v2 =	vmax.f32 v2, v3;
	v3 =	vld [tilespmem:$0x37F0]  }
0x1f0: {  	v17 =	vld [tilespmem:$0x3870];
	v2 =	vmax.f32 v2, v13  }
0x1f1: {  	v18 =	vld [tilespmem:$0x38F0];
	v2 =	vmax.f32 v2, v14  }
0x1f2: {  	v19 =	vld [tilespmem:$0x3970];
	v2 =	vmax.f32 v2, v15  }
0x1f3: {  	v20 =	vld [tilespmem:$0x39F0];
	v2 =	vmax.f32 v2, v16  }
0x1f4: {  	v2 =	vmax.f32 v2, v3;
	v3 =	vld [tilespmem:$0x3A70]  }
0x1f5: {  	v21 =	vld [tilespmem:$0x3AF0];
	v2 =	vmax.f32 v2, v17  }
0x1f6: {  	v22 =	vld [tilespmem:$0x3B70];
	v2 =	vmax.f32 v2, v18  }
0x1f7: {  	v23 =	vld [tilespmem:$0x3BF0];
	v2 =	vmax.f32 v2, v19  }
0x1f8: {  	v24 =	vld [tilespmem:$0x3C70];
	v2 =	vmax.f32 v2, v20  }
0x1f9: {  	v2 =	vmax.f32 v2, v3;
	v3 =	vld [tilespmem:$0x3CF0]  }
0x1fa: {  	v25 =	vld [tilespmem:$0x3D70];
	v2 =	vmax.f32 v2, v21  }
0x1fb: {  	v26 =	vld [tilespmem:$0x3DF0];
	v2 =	vmax.f32 v2, v22  }
0x1fc: {  	v27 =	vld [tilespmem:$0x3E70];
	v2 =	vmax.f32 v2, v23  }
0x1fd: {  	v28 =	vld [tilespmem:$0x3EF0];
	v2 =	vmax.f32 v2, v24  }
0x1fe: {  	v2 =	vmax.f32 v2, v3;
	v3 =	vld [tilespmem:$0x3F70]  }
0x1ff: {  	v29 =	vld [tilespmem:$0x3FF0];
	v2 =	vmax.f32 v2, v25  }
0x200: {  	v30 =	vld [tilespmem:$0x4070];
	v2 =	vmax.f32 v2, v26  }
0x201: {  	v31 =	vld [tilespmem:$0x40F0];
	v2 =	vmax.f32 v2, v27  }
0x202: {  	v32 =	vld [tilespmem:$0x4170];
	v2 =	vmax.f32 v2, v28  }
0x203: {  	v2 =	vmax.f32 v2, v3;
	v3 =	vld [tilespmem:$0x41F0]  }
0x204: {  	v33 =	vld [tilespmem:$0x4270];
	v2 =	vmax.f32 v2, v29  }
0x205: {  	v34 =	vld [tilespmem:$0x42F0];
	v2 =	vmax.f32 v2, v30  }
0x206: {  	v35 =	vld [tilespmem:$0x4370];
	v2 =	vmax.f32 v2, v31  }
0x207: {  	v36 =	vld [tilespmem:$0x43F0];
	v2 =	vmax.f32 v2, v32  }
0x208: {  	v2 =	vmax.f32 v2, v3;
	v3 =	vld [tilespmem:$0x4470]  }
0x209: {  	v2 =	vmax.f32 v2, v33  }
0x20a: {  	v2 =	vmax.f32 v2, v34  }
0x20b: {  	v2 =	vmax.f32 v2, v35  }
0x20c: {  	v2 =	vmax.f32 v2, v36  }
0x20d: {  	v2 =	vmax.f32 v2, v3  }
0x20e: {  	[tilespmem:s0+$0x5570] =	vst v2  }
0x20f: {  	_ =	swait.ge [sflag:s28], $0x1000  }
0x210: {  	[sflag:s28] =	ssyncset.done $0x0  }
0x211: {  	[sflag:s28] =	ssyncadd.s32 $0xFFFFF000  }
0x212: {  	v2 =	vld [tilespmem:$0x4500]  }
0x213: {  	v3 =	vld [tilespmem:$0x4580]  }
0x214: {  	v37 =	vld [tilespmem:$0x4600]  }
0x215: {  	v38 =	vld [tilespmem:$0x4680]  }
0x216: {  	v39 =	vld [tilespmem:$0x4700]  }
0x217: {  	v40 =	vld [tilespmem:$0x4780]  }
0x218: {  	v2 =	vmax.f32 v2, v3;
	v3 =	vld [tilespmem:$0x4800]  }
0x219: {  	v41 =	vld [tilespmem:$0x4880];
	v2 =	vmax.f32 v2, v37  }
0x21a: {  	v42 =	vld [tilespmem:$0x4900];
	v2 =	vmax.f32 v2, v38  }
0x21b: {  	v43 =	vld [tilespmem:$0x4980];
	v2 =	vmax.f32 v2, v39  }
0x21c: {  	v44 =	vld [tilespmem:$0x4A00];
	v2 =	vmax.f32 v2, v40  }
0x21d: {  	v2 =	vmax.f32 v2, v3;
	v3 =	vld [tilespmem:$0x4A80]  }
0x21e: {  	v45 =	vld [tilespmem:$0x4B00];
	v2 =	vmax.f32 v2, v41  }
0x21f: {  	v46 =	vld [tilespmem:$0x4B80];
	v2 =	vmax.f32 v2, v42  }
0x220: {  	v47 =	vld [tilespmem:$0x4C00];
	v2 =	vmax.f32 v2, v43  }
0x221: {  	v48 =	vld [tilespmem:$0x4C80];
	v2 =	vmax.f32 v2, v44  }
0x222: {  	v2 =	vmax.f32 v2, v3;
	v3 =	vld [tilespmem:$0x4D00]  }
0x223: {  	v49 =	vld [tilespmem:$0x4D80];
	v2 =	vmax.f32 v2, v45  }
0x224: {  	v50 =	vld [tilespmem:$0x4E00];
	v2 =	vmax.f32 v2, v46  }
0x225: {  	v51 =	vld [tilespmem:$0x4E80];
	v2 =	vmax.f32 v2, v47  }
0x226: {  	v52 =	vld [tilespmem:$0x4F00];
	v2 =	vmax.f32 v2, v48  }
0x227: {  	v2 =	vmax.f32 v2, v3;
	v3 =	vld [tilespmem:$0x4F80]  }
0x228: {  	v53 =	vld [tilespmem:$0x5000];
	v2 =	vmax.f32 v2, v49  }
0x229: {  	v54 =	vld [tilespmem:$0x5080];
	v2 =	vmax.f32 v2, v50  }
0x22a: {  	v55 =	vld [tilespmem:$0x5100];
	v2 =	vmax.f32 v2, v51  }
0x22b: {  	v56 =	vld [tilespmem:$0x5180];
	v2 =	vmax.f32 v2, v52  }
0x22c: {  	v2 =	vmax.f32 v2, v3;
	v3 =	vld [tilespmem:$0x5200]  }
0x22d: {  	v57 =	vld [tilespmem:$0x5280];
	v2 =	vmax.f32 v2, v53  }
0x22e: {  	v58 =	vld [tilespmem:$0x5300];
	v2 =	vmax.f32 v2, v54  }
0x22f: {  	v59 =	vld [tilespmem:$0x5380];
	v2 =	vmax.f32 v2, v55  }
0x230: {  	v60 =	vld [tilespmem:$0x5400];
	v2 =	vmax.f32 v2, v56  }
0x231: {  	v2 =	vmax.f32 v2, v3;
	v3 =	vld [tilespmem:$0x5480]  }
0x232: {  	v2 =	vmax.f32 v2, v57  }
0x233: {  	v2 =	vmax.f32 v2, v58  }
0x234: {  	v2 =	vmax.f32 v2, v59  }
0x235: {  	s29 =	sshll.u32 s1, $0x7;
	v2 =	vmax.f32 v2, v60  }
0x236: {  	s1 =	sand.u32 $0x3FFFFF80, s29;
	v2 =	vmax.f32 v2, v3  }
0x237: {  	[tilespmem:s1+$0x5500] =	vst v2  }
0x238: {  	v2 =	vld [tilespmem:$0x4510]  }
0x239: {  	v3 =	vld [tilespmem:$0x4590]  }
0x23a: {  	v61 =	vld [tilespmem:$0x4610]  }
0x23b: {  	v62 =	vld [tilespmem:$0x4690]  }
0x23c: {  	v63 =	vld [tilespmem:$0x4710]  }
0x23d: {  	v9 =	vld [tilespmem:$0x4790]  }
0x23e: {  	v2 =	vmax.f32 v2, v3;
	v3 =	vld [tilespmem:$0x4810]  }
0x23f: {  	v10 =	vld [tilespmem:$0x4890];
	v2 =	vmax.f32 v2, v61  }
0x240: {  	v11 =	vld [tilespmem:$0x4910];
	v2 =	vmax.f32 v2, v62  }
0x241: {  	v12 =	vld [tilespmem:$0x4990];
	v2 =	vmax.f32 v2, v63  }
0x242: {  	v13 =	vld [tilespmem:$0x4A10];
	v2 =	vmax.f32 v2, v9  }
0x243: {  	v2 =	vmax.f32 v2, v3;
	v3 =	vld [tilespmem:$0x4A90]  }
0x244: {  	v14 =	vld [tilespmem:$0x4B10];
	v2 =	vmax.f32 v2, v10  }
0x245: {  	v15 =	vld [tilespmem:$0x4B90];
	v2 =	vmax.f32 v2, v11  }
0x246: {  	v16 =	vld [tilespmem:$0x4C10];
	v2 =	vmax.f32 v2, v12  }
0x247: {  	v17 =	vld [tilespmem:$0x4C90];
	v2 =	vmax.f32 v2, v13  }
0x248: {  	v2 =	vmax.f32 v2, v3;
	v3 =	vld [tilespmem:$0x4D10]  }
0x249: {  	v18 =	vld [tilespmem:$0x4D90];
	v2 =	vmax.f32 v2, v14  }
0x24a: {  	v19 =	vld [tilespmem:$0x4E10];
	v2 =	vmax.f32 v2, v15  }
0x24b: {  	v20 =	vld [tilespmem:$0x4E90];
	v2 =	vmax.f32 v2, v16  }
0x24c: {  	v21 =	vld [tilespmem:$0x4F10];
	v2 =	vmax.f32 v2, v17  }
0x24d: {  	v2 =	vmax.f32 v2, v3;
	v3 =	vld [tilespmem:$0x4F90]  }
0x24e: {  	v22 =	vld [tilespmem:$0x5010];
	v2 =	vmax.f32 v2, v18  }
0x24f: {  	v23 =	vld [tilespmem:$0x5090];
	v2 =	vmax.f32 v2, v19  }
0x250: {  	v24 =	vld [tilespmem:$0x5110];
	v2 =	vmax.f32 v2, v20  }
0x251: {  	v25 =	vld [tilespmem:$0x5190];
	v2 =	vmax.f32 v2, v21  }
0x252: {  	v2 =	vmax.f32 v2, v3;
	v3 =	vld [tilespmem:$0x5210]  }
0x253: {  	v26 =	vld [tilespmem:$0x5290];
	v2 =	vmax.f32 v2, v22  }
0x254: {  	v27 =	vld [tilespmem:$0x5310];
	v2 =	vmax.f32 v2, v23  }
0x255: {  	v28 =	vld [tilespmem:$0x5390];
	v2 =	vmax.f32 v2, v24  }
0x256: {  	v29 =	vld [tilespmem:$0x5410];
	v2 =	vmax.f32 v2, v25  }
0x257: {  	v2 =	vmax.f32 v2, v3;
	v3 =	vld [tilespmem:$0x5490]  }
0x258: {  	v2 =	vmax.f32 v2, v26  }
0x259: {  	v2 =	vmax.f32 v2, v27  }
0x25a: {  	v2 =	vmax.f32 v2, v28  }
0x25b: {  	v2 =	vmax.f32 v2, v29  }
0x25c: {  	v2 =	vmax.f32 v2, v3  }
0x25d: {  	[tilespmem:s1+$0x5510] =	vst v2  }
0x25e: {  	v2 =	vld [tilespmem:$0x4520]  }
0x25f: {  	v3 =	vld [tilespmem:$0x45A0]  }
0x260: {  	v30 =	vld [tilespmem:$0x4620]  }
0x261: {  	v31 =	vld [tilespmem:$0x46A0]  }
0x262: {  	v32 =	vld [tilespmem:$0x4720]  }
0x263: {  	v33 =	vld [tilespmem:$0x47A0]  }
0x264: {  	v2 =	vmax.f32 v2, v3;
	v3 =	vld [tilespmem:$0x4820]  }
0x265: {  	v34 =	vld [tilespmem:$0x48A0];
	v2 =	vmax.f32 v2, v30  }
0x266: {  	v35 =	vld [tilespmem:$0x4920];
	v2 =	vmax.f32 v2, v31  }
0x267: {  	v36 =	vld [tilespmem:$0x49A0];
	v2 =	vmax.f32 v2, v32  }
0x268: {  	v37 =	vld [tilespmem:$0x4A20];
	v2 =	vmax.f32 v2, v33  }
0x269: {  	v2 =	vmax.f32 v2, v3;
	v3 =	vld [tilespmem:$0x4AA0]  }
0x26a: {  	v38 =	vld [tilespmem:$0x4B20];
	v2 =	vmax.f32 v2, v34  }
0x26b: {  	v39 =	vld [tilespmem:$0x4BA0];
	v2 =	vmax.f32 v2, v35  }
0x26c: {  	v40 =	vld [tilespmem:$0x4C20];
	v2 =	vmax.f32 v2, v36  }
0x26d: {  	v41 =	vld [tilespmem:$0x4CA0];
	v2 =	vmax.f32 v2, v37  }
0x26e: {  	v2 =	vmax.f32 v2, v3;
	v3 =	vld [tilespmem:$0x4D20]  }
0x26f: {  	v42 =	vld [tilespmem:$0x4DA0];
	v2 =	vmax.f32 v2, v38  }
0x270: {  	v43 =	vld [tilespmem:$0x4E20];
	v2 =	vmax.f32 v2, v39  }
0x271: {  	v44 =	vld [tilespmem:$0x4EA0];
	v2 =	vmax.f32 v2, v40  }
0x272: {  	v45 =	vld [tilespmem:$0x4F20];
	v2 =	vmax.f32 v2, v41  }
0x273: {  	v2 =	vmax.f32 v2, v3;
	v3 =	vld [tilespmem:$0x4FA0]  }
0x274: {  	v46 =	vld [tilespmem:$0x5020];
	v2 =	vmax.f32 v2, v42  }
0x275: {  	v47 =	vld [tilespmem:$0x50A0];
	v2 =	vmax.f32 v2, v43  }
0x276: {  	v48 =	vld [tilespmem:$0x5120];
	v2 =	vmax.f32 v2, v44  }
0x277: {  	v49 =	vld [tilespmem:$0x51A0];
	v2 =	vmax.f32 v2, v45  }
0x278: {  	v2 =	vmax.f32 v2, v3;
	v3 =	vld [tilespmem:$0x5220]  }
0x279: {  	v50 =	vld [tilespmem:$0x52A0];
	v2 =	vmax.f32 v2, v46  }
0x27a: {  	v51 =	vld [tilespmem:$0x5320];
	v2 =	vmax.f32 v2, v47  }
0x27b: {  	v52 =	vld [tilespmem:$0x53A0];
	v2 =	vmax.f32 v2, v48  }
0x27c: {  	v53 =	vld [tilespmem:$0x5420];
	v2 =	vmax.f32 v2, v49  }
0x27d: {  	v2 =	vmax.f32 v2, v3;
	v3 =	vld [tilespmem:$0x54A0]  }
0x27e: {  	v2 =	vmax.f32 v2, v50  }
0x27f: {  	v2 =	vmax.f32 v2, v51  }
0x280: {  	v2 =	vmax.f32 v2, v52  }
0x281: {  	v2 =	vmax.f32 v2, v53  }
0x282: {  	v2 =	vmax.f32 v2, v3  }
0x283: {  	[tilespmem:s1+$0x5520] =	vst v2  }
0x284: {  	v2 =	vld [tilespmem:$0x4530]  }
0x285: {  	v3 =	vld [tilespmem:$0x45B0]  }
0x286: {  	v54 =	vld [tilespmem:$0x4630]  }
0x287: {  	v55 =	vld [tilespmem:$0x46B0]  }
0x288: {  	v56 =	vld [tilespmem:$0x4730]  }
0x289: {  	v57 =	vld [tilespmem:$0x47B0]  }
0x28a: {  	v2 =	vmax.f32 v2, v3;
	v3 =	vld [tilespmem:$0x4830]  }
0x28b: {  	v58 =	vld [tilespmem:$0x48B0];
	v2 =	vmax.f32 v2, v54  }
0x28c: {  	v59 =	vld [tilespmem:$0x4930];
	v2 =	vmax.f32 v2, v55  }
0x28d: {  	v60 =	vld [tilespmem:$0x49B0];
	v2 =	vmax.f32 v2, v56  }
0x28e: {  	v61 =	vld [tilespmem:$0x4A30];
	v2 =	vmax.f32 v2, v57  }
0x28f: {  	v2 =	vmax.f32 v2, v3;
	v3 =	vld [tilespmem:$0x4AB0]  }
0x290: {  	v62 =	vld [tilespmem:$0x4B30];
	v2 =	vmax.f32 v2, v58  }
0x291: {  	v63 =	vld [tilespmem:$0x4BB0];
	v2 =	vmax.f32 v2, v59  }
0x292: {  	v9 =	vld [tilespmem:$0x4C30];
	v2 =	vmax.f32 v2, v60  }
0x293: {  	v10 =	vld [tilespmem:$0x4CB0];
	v2 =	vmax.f32 v2, v61  }
0x294: {  	v2 =	vmax.f32 v2, v3;
	v3 =	vld [tilespmem:$0x4D30]  }
0x295: {  	v11 =	vld [tilespmem:$0x4DB0];
	v2 =	vmax.f32 v2, v62  }
0x296: {  	v12 =	vld [tilespmem:$0x4E30];
	v2 =	vmax.f32 v2, v63  }
0x297: {  	v13 =	vld [tilespmem:$0x4EB0];
	v2 =	vmax.f32 v2, v9  }
0x298: {  	v14 =	vld [tilespmem:$0x4F30];
	v2 =	vmax.f32 v2, v10  }
0x299: {  	v2 =	vmax.f32 v2, v3;
	v3 =	vld [tilespmem:$0x4FB0]  }
0x29a: {  	v15 =	vld [tilespmem:$0x5030];
	v2 =	vmax.f32 v2, v11  }
0x29b: {  	v16 =	vld [tilespmem:$0x50B0];
	v2 =	vmax.f32 v2, v12  }
0x29c: {  	v17 =	vld [tilespmem:$0x5130];
	v2 =	vmax.f32 v2, v13  }
0x29d: {  	v18 =	vld [tilespmem:$0x51B0];
	v2 =	vmax.f32 v2, v14  }
0x29e: {  	v2 =	vmax.f32 v2, v3;
	v3 =	vld [tilespmem:$0x5230]  }
0x29f: {  	v19 =	vld [tilespmem:$0x52B0];
	v2 =	vmax.f32 v2, v15  }
0x2a0: {  	v20 =	vld [tilespmem:$0x5330];
	v2 =	vmax.f32 v2, v16  }
0x2a1: {  	v21 =	vld [tilespmem:$0x53B0];
	v2 =	vmax.f32 v2, v17  }
0x2a2: {  	v22 =	vld [tilespmem:$0x5430];
	v2 =	vmax.f32 v2, v18  }
0x2a3: {  	v2 =	vmax.f32 v2, v3;
	v3 =	vld [tilespmem:$0x54B0]  }
0x2a4: {  	v2 =	vmax.f32 v2, v19  }
0x2a5: {  	v2 =	vmax.f32 v2, v20  }
0x2a6: {  	v2 =	vmax.f32 v2, v21  }
0x2a7: {  	v2 =	vmax.f32 v2, v22  }
0x2a8: {  	v2 =	vmax.f32 v2, v3  }
0x2a9: {  	[tilespmem:s1+$0x5530] =	vst v2  }
0x2aa: {  	v2 =	vld [tilespmem:$0x4540]  }
0x2ab: {  	v3 =	vld [tilespmem:$0x45C0]  }
0x2ac: {  	v23 =	vld [tilespmem:$0x4640]  }
0x2ad: {  	v24 =	vld [tilespmem:$0x46C0]  }
0x2ae: {  	v25 =	vld [tilespmem:$0x4740]  }
0x2af: {  	v26 =	vld [tilespmem:$0x47C0]  }
0x2b0: {  	v2 =	vmax.f32 v2, v3;
	v3 =	vld [tilespmem:$0x4840]  }
0x2b1: {  	v27 =	vld [tilespmem:$0x48C0];
	v2 =	vmax.f32 v2, v23  }
0x2b2: {  	v28 =	vld [tilespmem:$0x4940];
	v2 =	vmax.f32 v2, v24  }
0x2b3: {  	v29 =	vld [tilespmem:$0x49C0];
	v2 =	vmax.f32 v2, v25  }
0x2b4: {  	v30 =	vld [tilespmem:$0x4A40];
	v2 =	vmax.f32 v2, v26  }
0x2b5: {  	v2 =	vmax.f32 v2, v3;
	v3 =	vld [tilespmem:$0x4AC0]  }
0x2b6: {  	v31 =	vld [tilespmem:$0x4B40];
	v2 =	vmax.f32 v2, v27  }
0x2b7: {  	v32 =	vld [tilespmem:$0x4BC0];
	v2 =	vmax.f32 v2, v28  }
0x2b8: {  	v33 =	vld [tilespmem:$0x4C40];
	v2 =	vmax.f32 v2, v29  }
0x2b9: {  	v34 =	vld [tilespmem:$0x4CC0];
	v2 =	vmax.f32 v2, v30  }
0x2ba: {  	v2 =	vmax.f32 v2, v3;
	v3 =	vld [tilespmem:$0x4D40]  }
0x2bb: {  	v35 =	vld [tilespmem:$0x4DC0];
	v2 =	vmax.f32 v2, v31  }
0x2bc: {  	v36 =	vld [tilespmem:$0x4E40];
	v2 =	vmax.f32 v2, v32  }
0x2bd: {  	v37 =	vld [tilespmem:$0x4EC0];
	v2 =	vmax.f32 v2, v33  }
0x2be: {  	v38 =	vld [tilespmem:$0x4F40];
	v2 =	vmax.f32 v2, v34  }
0x2bf: {  	v2 =	vmax.f32 v2, v3;
	v3 =	vld [tilespmem:$0x4FC0]  }
0x2c0: {  	v39 =	vld [tilespmem:$0x5040];
	v2 =	vmax.f32 v2, v35  }
0x2c1: {  	v40 =	vld [tilespmem:$0x50C0];
	v2 =	vmax.f32 v2, v36  }
0x2c2: {  	v41 =	vld [tilespmem:$0x5140];
	v2 =	vmax.f32 v2, v37  }
0x2c3: {  	v42 =	vld [tilespmem:$0x51C0];
	v2 =	vmax.f32 v2, v38  }
0x2c4: {  	v2 =	vmax.f32 v2, v3;
	v3 =	vld [tilespmem:$0x5240]  }
0x2c5: {  	v43 =	vld [tilespmem:$0x52C0];
	v2 =	vmax.f32 v2, v39  }
0x2c6: {  	v44 =	vld [tilespmem:$0x5340];
	v2 =	vmax.f32 v2, v40  }
0x2c7: {  	v45 =	vld [tilespmem:$0x53C0];
	v2 =	vmax.f32 v2, v41  }
0x2c8: {  	v46 =	vld [tilespmem:$0x5440];
	v2 =	vmax.f32 v2, v42  }
0x2c9: {  	v2 =	vmax.f32 v2, v3;
	v3 =	vld [tilespmem:$0x54C0]  }
0x2ca: {  	v2 =	vmax.f32 v2, v43  }
0x2cb: {  	v2 =	vmax.f32 v2, v44  }
0x2cc: {  	v2 =	vmax.f32 v2, v45  }
0x2cd: {  	v2 =	vmax.f32 v2, v46  }
0x2ce: {  	v2 =	vmax.f32 v2, v3  }
0x2cf: {  	[tilespmem:s1+$0x5540] =	vst v2  }
0x2d0: {  	v2 =	vld [tilespmem:$0x4550]  }
0x2d1: {  	v3 =	vld [tilespmem:$0x45D0]  }
0x2d2: {  	v47 =	vld [tilespmem:$0x4650]  }
0x2d3: {  	v48 =	vld [tilespmem:$0x46D0]  }
0x2d4: {  	v49 =	vld [tilespmem:$0x4750]  }
0x2d5: {  	v50 =	vld [tilespmem:$0x47D0]  }
0x2d6: {  	v2 =	vmax.f32 v2, v3;
	v3 =	vld [tilespmem:$0x4850]  }
0x2d7: {  	v51 =	vld [tilespmem:$0x48D0];
	v2 =	vmax.f32 v2, v47  }
0x2d8: {  	v52 =	vld [tilespmem:$0x4950];
	v2 =	vmax.f32 v2, v48  }
0x2d9: {  	v53 =	vld [tilespmem:$0x49D0];
	v2 =	vmax.f32 v2, v49  }
0x2da: {  	v54 =	vld [tilespmem:$0x4A50];
	v2 =	vmax.f32 v2, v50  }
0x2db: {  	v2 =	vmax.f32 v2, v3;
	v3 =	vld [tilespmem:$0x4AD0]  }
0x2dc: {  	v55 =	vld [tilespmem:$0x4B50];
	v2 =	vmax.f32 v2, v51  }
0x2dd: {  	v56 =	vld [tilespmem:$0x4BD0];
	v2 =	vmax.f32 v2, v52  }
0x2de: {  	v57 =	vld [tilespmem:$0x4C50];
	v2 =	vmax.f32 v2, v53  }
0x2df: {  	v58 =	vld [tilespmem:$0x4CD0];
	v2 =	vmax.f32 v2, v54  }
0x2e0: {  	v2 =	vmax.f32 v2, v3;
	v3 =	vld [tilespmem:$0x4D50]  }
0x2e1: {  	v59 =	vld [tilespmem:$0x4DD0];
	v2 =	vmax.f32 v2, v55  }
0x2e2: {  	v60 =	vld [tilespmem:$0x4E50];
	v2 =	vmax.f32 v2, v56  }
0x2e3: {  	v61 =	vld [tilespmem:$0x4ED0];
	v2 =	vmax.f32 v2, v57  }
0x2e4: {  	v62 =	vld [tilespmem:$0x4F50];
	v2 =	vmax.f32 v2, v58  }
0x2e5: {  	v2 =	vmax.f32 v2, v3;
	v3 =	vld [tilespmem:$0x4FD0]  }
0x2e6: {  	v63 =	vld [tilespmem:$0x5050];
	v2 =	vmax.f32 v2, v59  }
0x2e7: {  	v9 =	vld [tilespmem:$0x50D0];
	v2 =	vmax.f32 v2, v60  }
0x2e8: {  	v10 =	vld [tilespmem:$0x5150];
	v2 =	vmax.f32 v2, v61  }
0x2e9: {  	v11 =	vld [tilespmem:$0x51D0];
	v2 =	vmax.f32 v2, v62  }
0x2ea: {  	v2 =	vmax.f32 v2, v3;
	v3 =	vld [tilespmem:$0x5250]  }
0x2eb: {  	v12 =	vld [tilespmem:$0x52D0];
	v2 =	vmax.f32 v2, v63  }
0x2ec: {  	v13 =	vld [tilespmem:$0x5350];
	v2 =	vmax.f32 v2, v9  }
0x2ed: {  	v14 =	vld [tilespmem:$0x53D0];
	v2 =	vmax.f32 v2, v10  }
0x2ee: {  	v15 =	vld [tilespmem:$0x5450];
	v2 =	vmax.f32 v2, v11  }
0x2ef: {  	v2 =	vmax.f32 v2, v3;
	v3 =	vld [tilespmem:$0x54D0]  }
0x2f0: {  	v2 =	vmax.f32 v2, v12  }
0x2f1: {  	v2 =	vmax.f32 v2, v13  }
0x2f2: {  	v2 =	vmax.f32 v2, v14  }
0x2f3: {  	v2 =	vmax.f32 v2, v15  }
0x2f4: {  	v2 =	vmax.f32 v2, v3  }
0x2f5: {  	[tilespmem:s1+$0x5550] =	vst v2  }
0x2f6: {  	v2 =	vld [tilespmem:$0x4560]  }
0x2f7: {  	v3 =	vld [tilespmem:$0x45E0]  }
0x2f8: {  	v16 =	vld [tilespmem:$0x4660]  }
0x2f9: {  	v17 =	vld [tilespmem:$0x46E0]  }
0x2fa: {  	v18 =	vld [tilespmem:$0x4760]  }
0x2fb: {  	v19 =	vld [tilespmem:$0x47E0]  }
0x2fc: {  	v2 =	vmax.f32 v2, v3;
	v3 =	vld [tilespmem:$0x4860]  }
0x2fd: {  	v20 =	vld [tilespmem:$0x48E0];
	v2 =	vmax.f32 v2, v16  }
0x2fe: {  	v21 =	vld [tilespmem:$0x4960];
	v2 =	vmax.f32 v2, v17  }
0x2ff: {  	v22 =	vld [tilespmem:$0x49E0];
	v2 =	vmax.f32 v2, v18  }
0x300: {  	v23 =	vld [tilespmem:$0x4A60];
	v2 =	vmax.f32 v2, v19  }
0x301: {  	v2 =	vmax.f32 v2, v3;
	v3 =	vld [tilespmem:$0x4AE0]  }
0x302: {  	v24 =	vld [tilespmem:$0x4B60];
	v2 =	vmax.f32 v2, v20  }
0x303: {  	v25 =	vld [tilespmem:$0x4BE0];
	v2 =	vmax.f32 v2, v21  }
0x304: {  	v26 =	vld [tilespmem:$0x4C60];
	v2 =	vmax.f32 v2, v22  }
0x305: {  	v27 =	vld [tilespmem:$0x4CE0];
	v2 =	vmax.f32 v2, v23  }
0x306: {  	v2 =	vmax.f32 v2, v3;
	v3 =	vld [tilespmem:$0x4D60]  }
0x307: {  	v28 =	vld [tilespmem:$0x4DE0];
	v2 =	vmax.f32 v2, v24  }
0x308: {  	v29 =	vld [tilespmem:$0x4E60];
	v2 =	vmax.f32 v2, v25  }
0x309: {  	v30 =	vld [tilespmem:$0x4EE0];
	v2 =	vmax.f32 v2, v26  }
0x30a: {  	v31 =	vld [tilespmem:$0x4F60];
	v2 =	vmax.f32 v2, v27  }
0x30b: {  	v2 =	vmax.f32 v2, v3;
	v3 =	vld [tilespmem:$0x4FE0]  }
0x30c: {  	v32 =	vld [tilespmem:$0x5060];
	v2 =	vmax.f32 v2, v28  }
0x30d: {  	v33 =	vld [tilespmem:$0x50E0];
	v2 =	vmax.f32 v2, v29  }
0x30e: {  	v34 =	vld [tilespmem:$0x5160];
	v2 =	vmax.f32 v2, v30  }
0x30f: {  	v35 =	vld [tilespmem:$0x51E0];
	v2 =	vmax.f32 v2, v31  }
0x310: {  	v2 =	vmax.f32 v2, v3;
	v3 =	vld [tilespmem:$0x5260]  }
0x311: {  	v36 =	vld [tilespmem:$0x52E0];
	v2 =	vmax.f32 v2, v32  }
0x312: {  	v37 =	vld [tilespmem:$0x5360];
	v2 =	vmax.f32 v2, v33  }
0x313: {  	v38 =	vld [tilespmem:$0x53E0];
	v2 =	vmax.f32 v2, v34  }
0x314: {  	v39 =	vld [tilespmem:$0x5460];
	v2 =	vmax.f32 v2, v35  }
0x315: {  	v2 =	vmax.f32 v2, v3;
	v3 =	vld [tilespmem:$0x54E0]  }
0x316: {  	v2 =	vmax.f32 v2, v36  }
0x317: {  	v2 =	vmax.f32 v2, v37  }
0x318: {  	v2 =	vmax.f32 v2, v38  }
0x319: {  	v2 =	vmax.f32 v2, v39  }
0x31a: {  	v2 =	vmax.f32 v2, v3  }
0x31b: {  	[tilespmem:s1+$0x5560] =	vst v2  }
0x31c: {  	v2 =	vld [tilespmem:$0x4570]  }
0x31d: {  	v3 =	vld [tilespmem:$0x45F0]  }
0x31e: {  	v40 =	vld [tilespmem:$0x4670]  }
0x31f: {  	v41 =	vld [tilespmem:$0x46F0]  }
0x320: {  	v42 =	vld [tilespmem:$0x4770]  }
0x321: {  	v43 =	vld [tilespmem:$0x47F0]  }
0x322: {  	v2 =	vmax.f32 v2, v3;
	v3 =	vld [tilespmem:$0x4870]  }
0x323: {  	v44 =	vld [tilespmem:$0x48F0];
	v2 =	vmax.f32 v2, v40  }
0x324: {  	v45 =	vld [tilespmem:$0x4970];
	v2 =	vmax.f32 v2, v41  }
0x325: {  	v46 =	vld [tilespmem:$0x49F0];
	v2 =	vmax.f32 v2, v42  }
0x326: {  	v47 =	vld [tilespmem:$0x4A70];
	v2 =	vmax.f32 v2, v43  }
0x327: {  	v2 =	vmax.f32 v2, v3;
	v3 =	vld [tilespmem:$0x4AF0]  }
0x328: {  	v48 =	vld [tilespmem:$0x4B70];
	v2 =	vmax.f32 v2, v44  }
0x329: {  	v49 =	vld [tilespmem:$0x4BF0];
	v2 =	vmax.f32 v2, v45  }
0x32a: {  	v50 =	vld [tilespmem:$0x4C70];
	v2 =	vmax.f32 v2, v46  }
0x32b: {  	v51 =	vld [tilespmem:$0x4CF0];
	v2 =	vmax.f32 v2, v47  }
0x32c: {  	v2 =	vmax.f32 v2, v3;
	v3 =	vld [tilespmem:$0x4D70]  }
0x32d: {  	v52 =	vld [tilespmem:$0x4DF0];
	v2 =	vmax.f32 v2, v48  }
0x32e: {  	v53 =	vld [tilespmem:$0x4E70];
	v2 =	vmax.f32 v2, v49  }
0x32f: {  	v54 =	vld [tilespmem:$0x4EF0];
	v2 =	vmax.f32 v2, v50  }
0x330: {  	v55 =	vld [tilespmem:$0x4F70];
	v2 =	vmax.f32 v2, v51  }
0x331: {  	v2 =	vmax.f32 v2, v3;
	v3 =	vld [tilespmem:$0x4FF0]  }
0x332: {  	v56 =	vld [tilespmem:$0x5070];
	v2 =	vmax.f32 v2, v52  }
0x333: {  	v57 =	vld [tilespmem:$0x50F0];
	v2 =	vmax.f32 v2, v53  }
0x334: {  	v58 =	vld [tilespmem:$0x5170];
	v2 =	vmax.f32 v2, v54  }
0x335: {  	v59 =	vld [tilespmem:$0x51F0];
	v2 =	vmax.f32 v2, v55  }
0x336: {  	v2 =	vmax.f32 v2, v3;
	v3 =	vld [tilespmem:$0x5270]  }
0x337: {  	v60 =	vld [tilespmem:$0x52F0];
	v2 =	vmax.f32 v2, v56  }
0x338: {  	v61 =	vld [tilespmem:$0x5370];
	v2 =	vmax.f32 v2, v57  }
0x339: {  	v62 =	vld [tilespmem:$0x53F0];
	v2 =	vmax.f32 v2, v58  }
0x33a: {  	v63 =	vld [tilespmem:$0x5470];
	v2 =	vmax.f32 v2, v59  }
0x33b: {  	s31 =	sadd.s32 $0x1, s31;
	v2 =	vmax.f32 v2, v3;
	v3 =	vld [tilespmem:$0x54F0]  }
0x33c: {  	p0 =	sne.s32 s31, $0x80;
	v2 =	vmax.f32 v2, v60  }
.Ltmp2:
0x33d: {  	v2 =	vmax.f32 v2, v61;
	(pc) =	sbr.rel @p0 .LBB2_2-.Ltmp2, $4  }
0x33e: {  	v2 =	vmax.f32 v2, v62  }
0x33f: {  	v2 =	vmax.f32 v2, v63  }
0x340: {  	v2 =	vmax.f32 v2, v3  }
0x341: {  	[tilespmem:s1+$0x5570] =	vst v2  }
0x342: {  	s30 =	sadd.s32 $0x1, s30  }
0x343: {  	p0 =	sne.s32 s30, s13  }
.Ltmp3:
0x344: {  	s0 =	simm.s32 $0x5500;
	(pc) =	sbr.rel @p0 .LBB2_1-.Ltmp3, $4  }
0x345: {  	[hbm4b:s12+s2] =	stream.linear.scatter [tilespmem:s0], [sflag:$0x3], $0x8000, $0x38;
	[tilespmem:$0xD500] =	vst v63  }
0x346: {  	_ =	swait.ge [sflag:s14], $0x8000  }
0x347: {  	[sflag:s14] =	ssyncset.done $0x0  }
0x348: {  	[sflag:s14] =	ssyncadd.s32 $0xFFFF8000  }
0x349: {  	_ =	sfence.sel $0x180000  }
0x34a: {  	[bflag:$0x0] =	sbarrier.arrive $0xFFFF  }
0x34b: {  	_ =	strace $0x90000047  }
0x34c: {  	s0 =	stileid.u32;
	[bflag:$0x2] =	sbarrier.arrive $0xFFFF  }
0x34d: {  	p0 =	sne.s32 s0, $0x0;
	s0 =	rddreg [dreg:$0x2]  }
0x34e: {  	s0 =	sadd.s32 @!p0 $0x100000, s0  }
0x34f: {  	[sflag:s0] =	ssyncadd.tile.s32 @!p0 $0x1;
	_ =	shalt  }
.Lfunc_end2:
_tile_overlayer_lowered:
.L_overlay_start_2:
0x350: {  	(tag) =	ssettag $0x2  }
0x351: {  	s0 =	rddreg [dreg:$0x0];
	s2 =	stileid.u32  }
0x352: {  	s1 =	rddreg [dreg:$0x1];
	p0 =	sne.s32 s2, $0x0  }
0x353: {  	s3 =	rddreg [dreg:$0x2];
	[bflag:$0x3] =	sbarrier.arrive $0xFFFF;
	s2 =	simm.s32 @!p0 $0x1C03  }
0x354: {  	[timem:s3], [sflag:s2] =	dma.local @!p0 [hbm:s0], s1  }
0x355: {  	s0 =	simm.s32 @!p0 $0x3  }
0x356: {  	_ =	swait.ge @!p0 [sflag:s0], s1  }
0x357: {  	s1 =	ssub.s32 @!p0 $0x0, s1;
	[sflag:s0] =	ssyncset.done @!p0 $0x0  }
0x358: {  	[sflag:s0] =	ssyncadd.s32 @!p0 s1  }
0x359: {  	[bflag:$0x3] =	sbarrier.arrive $0xFFFF  }
0x35a: {  	_ =	shalt  }

</sc_bundles>
